<compile_context>
chip_gen: v7x
topology: tpu7x:2x2x1
jax: 0.10.2.dev20260603
libtpu: 0.0.44.dev20260713+nightly
codegen_flags: <defaults>
</compile_context>

<pallas_src>
import jax
import jax.numpy as jnp
from jax import lax
from jax.experimental import pallas as pl
from jax.experimental.pallas import tpu as pltpu
from jax.experimental.pallas import tpu_sc as plsc

_H = 512
_W = 512
_V = _H * _W
_NC, _NS = 2, 16
_NW = _NC * _NS
_RPW = _H // _NW
_IN_ROWS = _RPW + 2
_INP = _IN_ROWS * _W
_PAD = 2
_PC = _PAD + _W
_PR = _RPW + 1
_PLANE = _PR * _PC
_NPL = 9
_OUTB = _RPW * _W
_MAGIC = 0x5F3759DF


def _rsqrt_nr(s):
    i = lax.bitcast_convert_type(s, jnp.int32)
    i = _MAGIC - lax.shift_right_logical(i, 1)
    y = lax.bitcast_convert_type(i, jnp.float32)
    for _ in range(3):
        y = y * (1.5 - 0.5 * s * y * y)
    return y


def _cross(a, b):
    ax, ay, az = a
    bx, by, bz = b
    return (ay * bz - az * by, az * bx - ax * bz, ax * by - ay * bx)


def _body(xh, yh, zh, oxh, oyh, ozh, in_v, pln, out_v, sem):
    cid = lax.axis_index("c")
    sid = lax.axis_index("s")
    wid = sid * _NC + cid
    r0 = wid * _RPW
    zero16 = jnp.zeros((16,), jnp.float32)

    top = jnp.maximum(r0 - 1, 0) * _W
    bot = jnp.minimum(r0 + _RPW, _H - 1) * _W
    copies = []
    for c, href in enumerate((xh, yh, zh)):
        copies.append(pltpu.async_copy(
            href.at[pl.ds(r0 * _W, _RPW * _W)],
            in_v.at[pl.ds(c * _INP + _W, _RPW * _W)], sem))
        copies.append(pltpu.async_copy(
            href.at[pl.ds(top, _W)], in_v.at[pl.ds(c * _INP, _W)], sem))
        copies.append(pltpu.async_copy(
            href.at[pl.ds(bot, _W)],
            in_v.at[pl.ds(c * _INP + (_RPW + 1) * _W, _W)], sem))

    def _zpad(k, base):
        pln[pl.ds(base, 16)] = zero16
        pln[pl.ds(base + _PC - 16, 16)] = zero16
        return base + _PC

    lax.fori_loop(0, _NPL * _PR, _zpad, 0)

    _NZC = (_PC + 15) // 16

    def _zrow(row_base):
        def _zp(p, base):
            def _zc(ch, off):
                pln[pl.ds(off, 16)] = zero16
                return off + 16
            lax.fori_loop(0, _NZC, _zc, base)
            return base + _PLANE
        lax.fori_loop(0, _NPL, _zp, row_base)

    @pl.when(wid == 0)
    def _():
        _zrow(0)

    for h in copies:
        h.wait()

    def g(p, prw, pc):
        return pln[pl.ds(p * _PLANE + prw * _PC + pc, 16)]

    def _normals(pr, j0):
        def P(drow, dj):
            base = (pr + drow) * _W + j0 + dj
            return tuple(in_v[pl.ds(base + c * _INP, 16)] for c in range(3))

        p00 = P(0, 0)
        p01 = P(0, 1)
        p10 = P(1, 0)
        p11 = P(1, 1)
        a = tuple(p10[c] - p00[c] for c in range(3))
        b = tuple(p01[c] - p00[c] for c in range(3))
        e = tuple(p10[c] - p01[c] for c in range(3))
        f = tuple(p11[c] - p01[c] for c in range(3))
        return _cross(a, b), _cross(e, f)

    def _emit(n, io, j0):
        sq = n[0] * n[0] + n[1] * n[1] + n[2] * n[2]
        y = _rsqrt_nr(jnp.maximum(sq, 1e-24))
        for c in range(3):
            out_v[pl.ds(c * _OUTB + io * _W + j0, 16)] = n[c] * y

    def _fused_chunk(pr, j0, emit):
        n1, n2 = _normals(pr, j0)
        base = pr * _PC + _PAD + j0
        for c in range(3):
            pln[pl.ds((3 + c) * _PLANE + base, 16)] = n2[c]
            pln[pl.ds((6 + c) * _PLANE + base, 16)] = n1[c] + n2[c]
        if emit:
            n = []
            for c in range(3):
                t = n1[c]
                t = t + g(6 + c, pr - 1, _PAD + j0)
                t = t + g(6 + c, pr, _PAD - 1 + j0)
                t = t + g(3 + c, pr - 1, _PAD - 1 + j0)
                n.append(t)
            _emit(n, pr - 1, j0)

    def _tail_cell(pr):
        j0 = _W - 17
        n1, n2 = _normals(pr, j0)
        base = pr * _PC + _PAD + j0
        for c in range(3):
            pln[pl.ds(c * _PLANE + base, 16)] = n1[c]
            pln[pl.ds((3 + c) * _PLANE + base, 16)] = n2[c]
            pln[pl.ds((6 + c) * _PLANE + base, 16)] = n1[c] + n2[c]

    def _tail_emit(pr):
        j0 = _W - 16
        n = []
        for c in range(3):
            t = g(c, pr, _PAD + j0)
            t = t + g(6 + c, pr - 1, _PAD + j0)
            t = t + g(6 + c, pr, _PAD - 1 + j0)
            t = t + g(3 + c, pr - 1, _PAD - 1 + j0)
            n.append(t)
        _emit(n, pr - 1, j0)

    def _row(pr, emit):
        def _chunk(jc, c2):
            _fused_chunk(pr, jc * 32, emit)
            _fused_chunk(pr, jc * 32 + 16, emit)
            return c2
        lax.fori_loop(0, 15, _chunk, 0)
        _fused_chunk(pr, 480, emit)
        _tail_cell(pr)
        if emit:
            _tail_emit(pr)

    @pl.when(wid > 0)
    def _():
        _row(0, False)

    def _main_row(pr, carry):
        _row(pr, True)
        return carry

    lax.fori_loop(1, _PR - 1, _main_row, 0)

    @pl.when(wid < _NW - 1)
    def _():
        _row(_PR - 1, True)

    @pl.when(wid == _NW - 1)
    def _():
        def _chunk(jc, c2):
            j0 = jc * 16
            n = []
            for c in range(3):
                t = g(6 + c, _PR - 2, _PAD + j0)
                t = t + g(3 + c, _PR - 2, _PAD - 1 + j0)
                n.append(t)
            _emit(n, _RPW - 1, j0)
            return c2
        lax.fori_loop(0, _W // 16, _chunk, 0)

    outs = [pltpu.async_copy(out_v.at[pl.ds(c * _OUTB, _OUTB)],
                             oref.at[pl.ds(r0 * _W, _OUTB)], sem)
            for c, oref in enumerate((oxh, oyh, ozh))]
    for h in outs:
        h.wait()


def _vertex_normals_sc(xs, ys, zs, *, interpret=False):
    mesh = plsc.VectorSubcoreMesh(core_axis_name="c", subcore_axis_name="s",
                                  num_cores=_NC, num_subcores=_NS)
    f = pl.kernel(
        _body,
        out_type=(jax.ShapeDtypeStruct((_V,), jnp.float32),) * 3,
        mesh=mesh,
        scratch_types=[
            pltpu.VMEM((3 * _INP,), jnp.float32),
            pltpu.VMEM((_NPL * _PLANE + 16,), jnp.float32),
            pltpu.VMEM((3 * _OUTB,), jnp.float32),
            pltpu.SemaphoreType.DMA,
        ],
        compiler_params=pltpu.CompilerParams(needs_layout_passes=False,
                                             use_tc_tiling_on_sc=False),
        interpret=interpret,
    )
    return f(xs, ys, zs)


def kernel(vrt, faces, vert_tri_indices, vert_tri_weights):
    ox, oy, oz = _vertex_normals_sc(vrt[:, 0], vrt[:, 1], vrt[:, 2])
    return jnp.stack([ox, oy, oz], axis=-1)

# --- scband reference (transcript-rebuilt; emitter-appended) ---
"""Pipeline reference for scband-vertex-normals-60052232733239 (READ-ONLY COPY).

The authoritative reference and input builder live on the scoring server;
editing this copy changes nothing except your own understanding.
"""

import jax, jax.numpy as jnp
import numpy as np


def _make_grid_mesh(H, W):
    idx = np.arange(H * W, dtype=np.int64).reshape(H, W)
    v00 = idx[:-1, :-1].ravel(); v01 = idx[:-1, 1:].ravel()
    v10 = idx[1:, :-1].ravel(); v11 = idx[1:, 1:].ravel()
    tri1 = np.stack([v00, v10, v01], axis=1)
    tri2 = np.stack([v01, v10, v11], axis=1)
    return np.concatenate([tri1, tri2], axis=0)


def _vertex_tri_maps(faces, V):
    # vectorized equivalent of the python-loop vertex_tri_maps in the torch code:
    # for each vertex, the list of incident face ids (padded with 0) and weights
    # (1.0 for real entries, 0.0 for padding)
    F_ = faces.shape[0]
    flat_v = faces.reshape(-1)
    flat_f = np.repeat(np.arange(F_, dtype=np.int64), 3)
    order = np.argsort(flat_v, kind='stable')
    sv = flat_v[order]; sf = flat_f[order]
    counts = np.bincount(sv, minlength=V)
    C = int(counts.max())
    starts = np.zeros(V + 1, dtype=np.int64)
    starts[1:] = np.cumsum(counts)
    pos = np.arange(sv.shape[0], dtype=np.int64) - starts[sv]
    vti = np.zeros((V, C), dtype=np.int64)
    vtw = np.zeros((V, C), dtype=np.float32)
    vti[sv, pos] = sf
    vtw[sv, pos] = 1.0
    return vti, vtw[..., None]


def setup_inputs(seed: int = 0) -> dict:
    key = jax.random.key(seed)
    H = W = 512
    V = H * W  # 262144 vertices
    faces_np = _make_grid_mesh(H, W)  # [522242, 3]
    vti_np, vtw_np = _vertex_tri_maps(faces_np, V)  # [V, 6], [V, 6, 1]
    vrt = jax.random.normal(key, (V, 3), dtype=jnp.float32)
    return {
        'vrt': vrt,
        'faces': jnp.asarray(faces_np),
        'vert_tri_indices': jnp.asarray(vti_np),
        'vert_tri_weights': jnp.asarray(vtw_np),
    }


def reference(vrt, faces, vert_tri_indices, vert_tri_weights):
    # get_face_normals (normalized=False)
    v1 = jnp.take(vrt, faces[:, 1], axis=0) - jnp.take(vrt, faces[:, 0], axis=0)
    v2 = jnp.take(vrt, faces[:, 2], axis=0) - jnp.take(vrt, faces[:, 0], axis=0)
    face_normals = jnp.cross(v1, v2)  # [F, 3]
    # vertex_normals_fast: gather face normals per vertex, weighted sum, normalize
    r, c = vert_tri_indices.shape
    fn_group = jnp.take(face_normals, vert_tri_indices.reshape(-1), axis=0).reshape(r, c, 3)
    weighted_fn_group = fn_group * vert_tri_weights
    vertex_normals = weighted_fn_group.sum(axis=-2)  # [V, 3]
    norm = jnp.maximum(jnp.linalg.norm(vertex_normals, axis=-1, keepdims=True), 1e-12)
    return vertex_normals / norm

if __name__ == "__main__":
    import jax
    _d = setup_inputs()
    print(jax.jit(kernel)(*tuple(_d.values())))

</pallas_src>

<mosaic_0001>
#map = affine_map<(d0, d1) -> (0)>
module attributes {stable_mosaic.version = 14 : i64} {
  func.func @_body(%arg0: i32, %arg1: i32, %arg2: memref<262144xf32, #tpu.memory_space<hbm>>, %arg3: memref<262144xf32, #tpu.memory_space<hbm>>, %arg4: memref<262144xf32, #tpu.memory_space<hbm>>, %arg5: memref<262144xf32, #tpu.memory_space<hbm>>, %arg6: memref<262144xf32, #tpu.memory_space<hbm>>, %arg7: memref<262144xf32, #tpu.memory_space<hbm>>, %arg8: memref<27648xf32, #tpu.memory_space<vmem>>, %arg9: memref<78658xf32, #tpu.memory_space<vmem>>, %arg10: memref<24576xf32, #tpu.memory_space<vmem>>, %arg11: memref<!tpu.dma_semaphore, #tpu.memory_space<semaphore_mem>>) attributes {dimension_semantics = [#tpu.dimension_semantics<core_parallel>, #tpu.dimension_semantics<subcore_parallel>], iteration_bounds = array<i64: 2, 16>, scalar_prefetch = 0 : i64, scratch_operands = 4 : i64, tpu.core_type = #tpu.core_type<sc_vector_subcore>, window_params = [{transform_indices = #map}, {transform_indices = #map}, {transform_indices = #map}, {transform_indices = #map}, {transform_indices = #map}, {transform_indices = #map}]} {
    %mul3A = arith.constant 2 : i32
    %mul3A_0 = arith.muli %arg1, %mul3A : i32
    %add3A = arith.addi %mul3A_0, %arg0 : i32
    %mul3A_1 = arith.constant 16 : i32
    %mul3A_2 = arith.muli %add3A, %mul3A_1 : i32
    %broadcast_in_dim3A = arith.constant 0.000000e+00 : f32
    %broadcast_in_dim3A_3 = vector.broadcast %broadcast_in_dim3A : f32 to vector<16xf32>
    %sub3A = arith.constant 1 : i32
    %sub3A_4 = arith.subi %mul3A_2, %sub3A : i32
    %max3A = arith.constant 0 : i32
    %max3A_5 = arith.maxsi %sub3A_4, %max3A : i32
    %mul3A_6 = arith.constant 512 : i32
    %mul3A_7 = arith.muli %max3A_5, %mul3A_6 : i32
    %add3A_8 = arith.constant 16 : i32
    %add3A_9 = arith.addi %mul3A_2, %add3A_8 : i32
    %min3A = arith.constant 511 : i32
    %min3A_10 = arith.minsi %add3A_9, %min3A : i32
    %mul3A_11 = arith.constant 512 : i32
    %mul3A_12 = arith.muli %min3A_10, %mul3A_11 : i32
    %mul3A_13 = arith.constant 512 : i32
    %mul3A_14 = arith.muli %mul3A_2, %mul3A_13 : i32
    %dma_start3A = arith.constant 512 : i32
    %dma_start3A_15 = tpu.memref_slice %arg8[%dma_start3A] : memref<27648xf32, #tpu.memory_space<vmem>> -> memref<8192xf32, #tpu.memory_space<vmem>>
    %dma_start3A_16 = tpu.memref_slice %arg2[%mul3A_14] : memref<262144xf32, #tpu.memory_space<hbm>> -> memref<8192xf32, #tpu.memory_space<hbm>>
    %dma_start3A_17 = arith.constant 512 : i32
    %dma_start3A_18 = tpu.memref_slice %arg8[%dma_start3A_17] : memref<27648xf32, #tpu.memory_space<vmem>> -> memref<8192xf32, #tpu.memory_space<vmem>>
    %dma_start3A_19 = tpu.memref_slice %arg2[%mul3A_14] : memref<262144xf32, #tpu.memory_space<hbm>> -> memref<8192xf32, #tpu.memory_space<hbm>>
    tpu.enqueue_dma source(%dma_start3A_19 : memref<8192xf32, #tpu.memory_space<hbm>>) target(%dma_start3A_18 : memref<8192xf32, #tpu.memory_space<vmem>>) target_semaphore(%arg11 : memref<!tpu.dma_semaphore, #tpu.memory_space<semaphore_mem>>)
    %dma_start3A_20 = arith.constant 0 : i32
    %dma_start3A_21 = tpu.memref_slice %arg8[%dma_start3A_20] : memref<27648xf32, #tpu.memory_space<vmem>> -> memref<512xf32, #tpu.memory_space<vmem>>
    %dma_start3A_22 = tpu.memref_slice %arg2[%mul3A_7] : memref<262144xf32, #tpu.memory_space<hbm>> -> memref<512xf32, #tpu.memory_space<hbm>>
    %dma_start3A_23 = arith.constant 0 : i32
    %dma_start3A_24 = tpu.memref_slice %arg8[%dma_start3A_23] : memref<27648xf32, #tpu.memory_space<vmem>> -> memref<512xf32, #tpu.memory_space<vmem>>
    %dma_start3A_25 = tpu.memref_slice %arg2[%mul3A_7] : memref<262144xf32, #tpu.memory_space<hbm>> -> memref<512xf32, #tpu.memory_space<hbm>>
    tpu.enqueue_dma source(%dma_start3A_25 : memref<512xf32, #tpu.memory_space<hbm>>) target(%dma_start3A_24 : memref<512xf32, #tpu.memory_space<vmem>>) target_semaphore(%arg11 : memref<!tpu.dma_semaphore, #tpu.memory_space<semaphore_mem>>)
    %dma_start3A_26 = arith.constant 8704 : i32
    %dma_start3A_27 = tpu.memref_slice %arg8[%dma_start3A_26] : memref<27648xf32, #tpu.memory_space<vmem>> -> memref<512xf32, #tpu.memory_space<vmem>>
    %dma_start3A_28 = tpu.memref_slice %arg2[%mul3A_12] : memref<262144xf32, #tpu.memory_space<hbm>> -> memref<512xf32, #tpu.memory_space<hbm>>
    %dma_start3A_29 = arith.constant 8704 : i32
    %dma_start3A_30 = tpu.memref_slice %arg8[%dma_start3A_29] : memref<27648xf32, #tpu.memory_space<vmem>> -> memref<512xf32, #tpu.memory_space<vmem>>
    %dma_start3A_31 = tpu.memref_slice %arg2[%mul3A_12] : memref<262144xf32, #tpu.memory_space<hbm>> -> memref<512xf32, #tpu.memory_space<hbm>>
    tpu.enqueue_dma source(%dma_start3A_31 : memref<512xf32, #tpu.memory_space<hbm>>) target(%dma_start3A_30 : memref<512xf32, #tpu.memory_space<vmem>>) target_semaphore(%arg11 : memref<!tpu.dma_semaphore, #tpu.memory_space<semaphore_mem>>)
    %mul3A_32 = arith.constant 512 : i32
    %mul3A_33 = arith.muli %mul3A_2, %mul3A_32 : i32
    %dma_start3A_34 = arith.constant 9728 : i32
    %dma_start3A_35 = tpu.memref_slice %arg8[%dma_start3A_34] : memref<27648xf32, #tpu.memory_space<vmem>> -> memref<8192xf32, #tpu.memory_space<vmem>>
    %dma_start3A_36 = tpu.memref_slice %arg3[%mul3A_33] : memref<262144xf32, #tpu.memory_space<hbm>> -> memref<8192xf32, #tpu.memory_space<hbm>>
    %dma_start3A_37 = arith.constant 9728 : i32
    %dma_start3A_38 = tpu.memref_slice %arg8[%dma_start3A_37] : memref<27648xf32, #tpu.memory_space<vmem>> -> memref<8192xf32, #tpu.memory_space<vmem>>
    %dma_start3A_39 = tpu.memref_slice %arg3[%mul3A_33] : memref<262144xf32, #tpu.memory_space<hbm>> -> memref<8192xf32, #tpu.memory_space<hbm>>
    tpu.enqueue_dma source(%dma_start3A_39 : memref<8192xf32, #tpu.memory_space<hbm>>) target(%dma_start3A_38 : memref<8192xf32, #tpu.memory_space<vmem>>) target_semaphore(%arg11 : memref<!tpu.dma_semaphore, #tpu.memory_space<semaphore_mem>>)
    %dma_start3A_40 = arith.constant 9216 : i32
    %dma_start3A_41 = tpu.memref_slice %arg8[%dma_start3A_40] : memref<27648xf32, #tpu.memory_space<vmem>> -> memref<512xf32, #tpu.memory_space<vmem>>
    %dma_start3A_42 = tpu.memref_slice %arg3[%mul3A_7] : memref<262144xf32, #tpu.memory_space<hbm>> -> memref<512xf32, #tpu.memory_space<hbm>>
    %dma_start3A_43 = arith.constant 9216 : i32
    %dma_start3A_44 = tpu.memref_slice %arg8[%dma_start3A_43] : memref<27648xf32, #tpu.memory_space<vmem>> -> memref<512xf32, #tpu.memory_space<vmem>>
    %dma_start3A_45 = tpu.memref_slice %arg3[%mul3A_7] : memref<262144xf32, #tpu.memory_space<hbm>> -> memref<512xf32, #tpu.memory_space<hbm>>
    tpu.enqueue_dma source(%dma_start3A_45 : memref<512xf32, #tpu.memory_space<hbm>>) target(%dma_start3A_44 : memref<512xf32, #tpu.memory_space<vmem>>) target_semaphore(%arg11 : memref<!tpu.dma_semaphore, #tpu.memory_space<semaphore_mem>>)
    %dma_start3A_46 = arith.constant 17920 : i32
    %dma_start3A_47 = tpu.memref_slice %arg8[%dma_start3A_46] : memref<27648xf32, #tpu.memory_space<vmem>> -> memref<512xf32, #tpu.memory_space<vmem>>
    %dma_start3A_48 = tpu.memref_slice %arg3[%mul3A_12] : memref<262144xf32, #tpu.memory_space<hbm>> -> memref<512xf32, #tpu.memory_space<hbm>>
    %dma_start3A_49 = arith.constant 17920 : i32
    %dma_start3A_50 = tpu.memref_slice %arg8[%dma_start3A_49] : memref<27648xf32, #tpu.memory_space<vmem>> -> memref<512xf32, #tpu.memory_space<vmem>>
    %dma_start3A_51 = tpu.memref_slice %arg3[%mul3A_12] : memref<262144xf32, #tpu.memory_space<hbm>> -> memref<512xf32, #tpu.memory_space<hbm>>
    tpu.enqueue_dma source(%dma_start3A_51 : memref<512xf32, #tpu.memory_space<hbm>>) target(%dma_start3A_50 : memref<512xf32, #tpu.memory_space<vmem>>) target_semaphore(%arg11 : memref<!tpu.dma_semaphore, #tpu.memory_space<semaphore_mem>>)
    %mul3A_52 = arith.constant 512 : i32
    %mul3A_53 = arith.muli %mul3A_2, %mul3A_52 : i32
    %dma_start3A_54 = arith.constant 18944 : i32
    %dma_start3A_55 = tpu.memref_slice %arg8[%dma_start3A_54] : memref<27648xf32, #tpu.memory_space<vmem>> -> memref<8192xf32, #tpu.memory_space<vmem>>
    %dma_start3A_56 = tpu.memref_slice %arg4[%mul3A_53] : memref<262144xf32, #tpu.memory_space<hbm>> -> memref<8192xf32, #tpu.memory_space<hbm>>
    %dma_start3A_57 = arith.constant 18944 : i32
    %dma_start3A_58 = tpu.memref_slice %arg8[%dma_start3A_57] : memref<27648xf32, #tpu.memory_space<vmem>> -> memref<8192xf32, #tpu.memory_space<vmem>>
    %dma_start3A_59 = tpu.memref_slice %arg4[%mul3A_53] : memref<262144xf32, #tpu.memory_space<hbm>> -> memref<8192xf32, #tpu.memory_space<hbm>>
    tpu.enqueue_dma source(%dma_start3A_59 : memref<8192xf32, #tpu.memory_space<hbm>>) target(%dma_start3A_58 : memref<8192xf32, #tpu.memory_space<vmem>>) target_semaphore(%arg11 : memref<!tpu.dma_semaphore, #tpu.memory_space<semaphore_mem>>)
    %dma_start3A_60 = arith.constant 18432 : i32
    %dma_start3A_61 = tpu.memref_slice %arg8[%dma_start3A_60] : memref<27648xf32, #tpu.memory_space<vmem>> -> memref<512xf32, #tpu.memory_space<vmem>>
    %dma_start3A_62 = tpu.memref_slice %arg4[%mul3A_7] : memref<262144xf32, #tpu.memory_space<hbm>> -> memref<512xf32, #tpu.memory_space<hbm>>
    %dma_start3A_63 = arith.constant 18432 : i32
    %dma_start3A_64 = tpu.memref_slice %arg8[%dma_start3A_63] : memref<27648xf32, #tpu.memory_space<vmem>> -> memref<512xf32, #tpu.memory_space<vmem>>
    %dma_start3A_65 = tpu.memref_slice %arg4[%mul3A_7] : memref<262144xf32, #tpu.memory_space<hbm>> -> memref<512xf32, #tpu.memory_space<hbm>>
    tpu.enqueue_dma source(%dma_start3A_65 : memref<512xf32, #tpu.memory_space<hbm>>) target(%dma_start3A_64 : memref<512xf32, #tpu.memory_space<vmem>>) target_semaphore(%arg11 : memref<!tpu.dma_semaphore, #tpu.memory_space<semaphore_mem>>)
    %dma_start3A_66 = arith.constant 27136 : i32
    %dma_start3A_67 = tpu.memref_slice %arg8[%dma_start3A_66] : memref<27648xf32, #tpu.memory_space<vmem>> -> memref<512xf32, #tpu.memory_space<vmem>>
    %dma_start3A_68 = tpu.memref_slice %arg4[%mul3A_12] : memref<262144xf32, #tpu.memory_space<hbm>> -> memref<512xf32, #tpu.memory_space<hbm>>
    %dma_start3A_69 = arith.constant 27136 : i32
    %dma_start3A_70 = tpu.memref_slice %arg8[%dma_start3A_69] : memref<27648xf32, #tpu.memory_space<vmem>> -> memref<512xf32, #tpu.memory_space<vmem>>
    %dma_start3A_71 = tpu.memref_slice %arg4[%mul3A_12] : memref<262144xf32, #tpu.memory_space<hbm>> -> memref<512xf32, #tpu.memory_space<hbm>>
    tpu.enqueue_dma source(%dma_start3A_71 : memref<512xf32, #tpu.memory_space<hbm>>) target(%dma_start3A_70 : memref<512xf32, #tpu.memory_space<vmem>>) target_semaphore(%arg11 : memref<!tpu.dma_semaphore, #tpu.memory_space<semaphore_mem>>)
    %scan3A = arith.constant 0 : i32
    %scan3A_72 = arith.constant 0 : i32
    %scan3A_73 = arith.constant 153 : i32
    %scan3A_74 = arith.addi %scan3A_72, %scan3A_73 : i32
    %scan3A_75 = arith.constant 1 : i32
    %scan3A_76 = scf.for %scan3A_194 = %scan3A_72 to %scan3A_74 step %scan3A_75 iter_args(%scan3A_195 = %scan3A) -> (i32)  : i32 {
      %swap3A = arith.index_cast %scan3A_195 : i32 to index
      %swap3A_196 = tpu.vector_load %arg9[%swap3A] {strides = array<i32>} : memref<78658xf32, #tpu.memory_space<vmem>>, vector<16xf32>,
      tpu.vector_store %arg9[%swap3A], %broadcast_in_dim3A_3 {strides = array<i32>} : memref<78658xf32, #tpu.memory_space<vmem>>, vector<16xf32>,
      %add3A_197 = arith.constant 514 : i32
      %add3A_198 = arith.addi %scan3A_195, %add3A_197 : i32
      %sub3A_199 = arith.constant 16 : i32
      %sub3A_200 = arith.subi %add3A_198, %sub3A_199 : i32
      %swap3A_201 = arith.index_cast %sub3A_200 : i32 to index
      %swap3A_202 = tpu.vector_load %arg9[%swap3A_201] {strides = array<i32>} : memref<78658xf32, #tpu.memory_space<vmem>>, vector<16xf32>,
      tpu.vector_store %arg9[%swap3A_201], %broadcast_in_dim3A_3 {strides = array<i32>} : memref<78658xf32, #tpu.memory_space<vmem>>, vector<16xf32>,
      %add3A_203 = arith.constant 514 : i32
      %add3A_204 = arith.addi %scan3A_195, %add3A_203 : i32
      scf.yield %add3A_204 : i32
    }
    %scan3A_77 = arith.constant 153 : i32
    %eq3A = arith.constant 0 : i32
    %eq3A_78 = arith.cmpi eq, %add3A, %eq3A : i32
    %convert_element_type3A = arith.extui %eq3A_78 : i1 to i32
    %cond3A = arith.constant 0 : i32
    %cond3A_79 = arith.cmpi ne, %convert_element_type3A, %cond3A : i32
    scf.if %cond3A_79 {
      %scan3A_194 = arith.constant 0 : i32
      %scan3A_195 = arith.constant 0 : i32
      %scan3A_196 = arith.constant 9 : i32
      %scan3A_197 = arith.addi %scan3A_195, %scan3A_196 : i32
      %scan3A_198 = arith.constant 1 : i32
      %scan3A_199 = scf.for %scan3A_201 = %scan3A_195 to %scan3A_197 step %scan3A_198 iter_args(%scan3A_202 = %scan3A_194) -> (i32)  : i32 {
        %scan3A_203 = arith.constant 0 : i32
        %scan3A_204 = arith.constant 33 : i32
        %scan3A_205 = arith.addi %scan3A_203, %scan3A_204 : i32
        %scan3A_206 = arith.constant 1 : i32
        %scan3A_207 = scf.for %scan3A_211 = %scan3A_203 to %scan3A_205 step %scan3A_206 iter_args(%scan3A_212 = %scan3A_202) -> (i32)  : i32 {
          %swap3A = arith.index_cast %scan3A_212 : i32 to index
          %swap3A_213 = tpu.vector_load %arg9[%swap3A] {strides = array<i32>} : memref<78658xf32, #tpu.memory_space<vmem>>, vector<16xf32>,
          tpu.vector_store %arg9[%swap3A], %broadcast_in_dim3A_3 {strides = array<i32>} : memref<78658xf32, #tpu.memory_space<vmem>>, vector<16xf32>,
          %add3A_214 = arith.constant 16 : i32
          %add3A_215 = arith.addi %scan3A_212, %add3A_214 : i32
          scf.yield %add3A_215 : i32
        }
        %scan3A_208 = arith.constant 33 : i32
        %add3A_209 = arith.constant 8738 : i32
        %add3A_210 = arith.addi %scan3A_202, %add3A_209 : i32
        scf.yield %add3A_210 : i32
      }
      %scan3A_200 = arith.constant 9 : i32
    } else {
    }
    %dma_wait3A = arith.constant 512 : i32
    %dma_wait3A_80 = tpu.memref_slice %arg8[%dma_wait3A] : memref<27648xf32, #tpu.memory_space<vmem>> -> memref<8192xf32, #tpu.memory_space<vmem>>
    %dma_wait3A_81 = tpu.memref_slice %arg2[%mul3A_14] : memref<262144xf32, #tpu.memory_space<hbm>> -> memref<8192xf32, #tpu.memory_space<hbm>>
    %dma_wait3A_82 = arith.constant 512 : i32
    %dma_wait3A_83 = tpu.memref_slice %arg8[%dma_wait3A_82] : memref<27648xf32, #tpu.memory_space<vmem>> -> memref<8192xf32, #tpu.memory_space<vmem>>
    %dma_wait3A_84 = tpu.memref_slice %arg2[%mul3A_14] : memref<262144xf32, #tpu.memory_space<hbm>> -> memref<8192xf32, #tpu.memory_space<hbm>>
    tpu.wait_dma2 semaphore(%arg11 : memref<!tpu.dma_semaphore, #tpu.memory_space<semaphore_mem>>) src(%dma_wait3A_84 : memref<8192xf32, #tpu.memory_space<hbm>>) dst(%dma_wait3A_83 : memref<8192xf32, #tpu.memory_space<vmem>>)
    %dma_wait3A_85 = arith.constant 0 : i32
    %dma_wait3A_86 = tpu.memref_slice %arg8[%dma_wait3A_85] : memref<27648xf32, #tpu.memory_space<vmem>> -> memref<512xf32, #tpu.memory_space<vmem>>
    %dma_wait3A_87 = tpu.memref_slice %arg2[%mul3A_7] : memref<262144xf32, #tpu.memory_space<hbm>> -> memref<512xf32, #tpu.memory_space<hbm>>
    %dma_wait3A_88 = arith.constant 0 : i32
    %dma_wait3A_89 = tpu.memref_slice %arg8[%dma_wait3A_88] : memref<27648xf32, #tpu.memory_space<vmem>> -> memref<512xf32, #tpu.memory_space<vmem>>
    %dma_wait3A_90 = tpu.memref_slice %arg2[%mul3A_7] : memref<262144xf32, #tpu.memory_space<hbm>> -> memref<512xf32, #tpu.memory_space<hbm>>
    tpu.wait_dma2 semaphore(%arg11 : memref<!tpu.dma_semaphore, #tpu.memory_space<semaphore_mem>>) src(%dma_wait3A_90 : memref<512xf32, #tpu.memory_space<hbm>>) dst(%dma_wait3A_89 : memref<512xf32, #tpu.memory_space<vmem>>)
    %dma_wait3A_91 = arith.constant 8704 : i32
    %dma_wait3A_92 = tpu.memref_slice %arg8[%dma_wait3A_91] : memref<27648xf32, #tpu.memory_space<vmem>> -> memref<512xf32, #tpu.memory_space<vmem>>
    %dma_wait3A_93 = tpu.memref_slice %arg2[%mul3A_12] : memref<262144xf32, #tpu.memory_space<hbm>> -> memref<512xf32, #tpu.memory_space<hbm>>
    %dma_wait3A_94 = arith.constant 8704 : i32
    %dma_wait3A_95 = tpu.memref_slice %arg8[%dma_wait3A_94] : memref<27648xf32, #tpu.memory_space<vmem>> -> memref<512xf32, #tpu.memory_space<vmem>>
    %dma_wait3A_96 = tpu.memref_slice %arg2[%mul3A_12] : memref<262144xf32, #tpu.memory_space<hbm>> -> memref<512xf32, #tpu.memory_space<hbm>>
    tpu.wait_dma2 semaphore(%arg11 : memref<!tpu.dma_semaphore, #tpu.memory_space<semaphore_mem>>) src(%dma_wait3A_96 : memref<512xf32, #tpu.memory_space<hbm>>) dst(%dma_wait3A_95 : memref<512xf32, #tpu.memory_space<vmem>>)
    %dma_wait3A_97 = arith.constant 9728 : i32
    %dma_wait3A_98 = tpu.memref_slice %arg8[%dma_wait3A_97] : memref<27648xf32, #tpu.memory_space<vmem>> -> memref<8192xf32, #tpu.memory_space<vmem>>
    %dma_wait3A_99 = tpu.memref_slice %arg3[%mul3A_33] : memref<262144xf32, #tpu.memory_space<hbm>> -> memref<8192xf32, #tpu.memory_space<hbm>>
    %dma_wait3A_100 = arith.constant 9728 : i32
    %dma_wait3A_101 = tpu.memref_slice %arg8[%dma_wait3A_100] : memref<27648xf32, #tpu.memory_space<vmem>> -> memref<8192xf32, #tpu.memory_space<vmem>>
    %dma_wait3A_102 = tpu.memref_slice %arg3[%mul3A_33] : memref<262144xf32, #tpu.memory_space<hbm>> -> memref<8192xf32, #tpu.memory_space<hbm>>
    tpu.wait_dma2 semaphore(%arg11 : memref<!tpu.dma_semaphore, #tpu.memory_space<semaphore_mem>>) src(%dma_wait3A_102 : memref<8192xf32, #tpu.memory_space<hbm>>) dst(%dma_wait3A_101 : memref<8192xf32, #tpu.memory_space<vmem>>)
    %dma_wait3A_103 = arith.constant 9216 : i32
    %dma_wait3A_104 = tpu.memref_slice %arg8[%dma_wait3A_103] : memref<27648xf32, #tpu.memory_space<vmem>> -> memref<512xf32, #tpu.memory_space<vmem>>
    %dma_wait3A_105 = tpu.memref_slice %arg3[%mul3A_7] : memref<262144xf32, #tpu.memory_space<hbm>> -> memref<512xf32, #tpu.memory_space<hbm>>
    %dma_wait3A_106 = arith.constant 9216 : i32
    %dma_wait3A_107 = tpu.memref_slice %arg8[%dma_wait3A_106] : memref<27648xf32, #tpu.memory_space<vmem>> -> memref<512xf32, #tpu.memory_space<vmem>>
    %dma_wait3A_108 = tpu.memref_slice %arg3[%mul3A_7] : memref<262144xf32, #tpu.memory_space<hbm>> -> memref<512xf32, #tpu.memory_space<hbm>>
    tpu.wait_dma2 semaphore(%arg11 : memref<!tpu.dma_semaphore, #tpu.memory_space<semaphore_mem>>) src(%dma_wait3A_108 : memref<512xf32, #tpu.memory_space<hbm>>) dst(%dma_wait3A_107 : memref<512xf32, #tpu.memory_space<vmem>>)
    %dma_wait3A_109 = arith.constant 17920 : i32
    %dma_wait3A_110 = tpu.memref_slice %arg8[%dma_wait3A_109] : memref<27648xf32, #tpu.memory_space<vmem>> -> memref<512xf32, #tpu.memory_space<vmem>>
    %dma_wait3A_111 = tpu.memref_slice %arg3[%mul3A_12] : memref<262144xf32, #tpu.memory_space<hbm>> -> memref<512xf32, #tpu.memory_space<hbm>>
    %dma_wait3A_112 = arith.constant 17920 : i32
    %dma_wait3A_113 = tpu.memref_slice %arg8[%dma_wait3A_112] : memref<27648xf32, #tpu.memory_space<vmem>> -> memref<512xf32, #tpu.memory_space<vmem>>
    %dma_wait3A_114 = tpu.memref_slice %arg3[%mul3A_12] : memref<262144xf32, #tpu.memory_space<hbm>> -> memref<512xf32, #tpu.memory_space<hbm>>
    tpu.wait_dma2 semaphore(%arg11 : memref<!tpu.dma_semaphore, #tpu.memory_space<semaphore_mem>>) src(%dma_wait3A_114 : memref<512xf32, #tpu.memory_space<hbm>>) dst(%dma_wait3A_113 : memref<512xf32, #tpu.memory_space<vmem>>)
    %dma_wait3A_115 = arith.constant 18944 : i32
    %dma_wait3A_116 = tpu.memref_slice %arg8[%dma_wait3A_115] : memref<27648xf32, #tpu.memory_space<vmem>> -> memref<8192xf32, #tpu.memory_space<vmem>>
    %dma_wait3A_117 = tpu.memref_slice %arg4[%mul3A_53] : memref<262144xf32, #tpu.memory_space<hbm>> -> memref<8192xf32, #tpu.memory_space<hbm>>
    %dma_wait3A_118 = arith.constant 18944 : i32
    %dma_wait3A_119 = tpu.memref_slice %arg8[%dma_wait3A_118] : memref<27648xf32, #tpu.memory_space<vmem>> -> memref<8192xf32, #tpu.memory_space<vmem>>
    %dma_wait3A_120 = tpu.memref_slice %arg4[%mul3A_53] : memref<262144xf32, #tpu.memory_space<hbm>> -> memref<8192xf32, #tpu.memory_space<hbm>>
    tpu.wait_dma2 semaphore(%arg11 : memref<!tpu.dma_semaphore, #tpu.memory_space<semaphore_mem>>) src(%dma_wait3A_120 : memref<8192xf32, #tpu.memory_space<hbm>>) dst(%dma_wait3A_119 : memref<8192xf32, #tpu.memory_space<vmem>>)
    %dma_wait3A_121 = arith.constant 18432 : i32
    %dma_wait3A_122 = tpu.memref_slice %arg8[%dma_wait3A_121] : memref<27648xf32, #tpu.memory_space<vmem>> -> memref<512xf32, #tpu.memory_space<vmem>>
    %dma_wait3A_123 = tpu.memref_slice %arg4[%mul3A_7] : memref<262144xf32, #tpu.memory_space<hbm>> -> memref<512xf32, #tpu.memory_space<hbm>>
    %dma_wait3A_124 = arith.constant 18432 : i32
    %dma_wait3A_125 = tpu.memref_slice %arg8[%dma_wait3A_124] : memref<27648xf32, #tpu.memory_space<vmem>> -> memref<512xf32, #tpu.memory_space<vmem>>
    %dma_wait3A_126 = tpu.memref_slice %arg4[%mul3A_7] : memref<262144xf32, #tpu.memory_space<hbm>> -> memref<512xf32, #tpu.memory_space<hbm>>
    tpu.wait_dma2 semaphore(%arg11 : memref<!tpu.dma_semaphore, #tpu.memory_space<semaphore_mem>>) src(%dma_wait3A_126 : memref<512xf32, #tpu.memory_space<hbm>>) dst(%dma_wait3A_125 : memref<512xf32, #tpu.memory_space<vmem>>)
    %dma_wait3A_127 = arith.constant 27136 : i32
    %dma_wait3A_128 = tpu.memref_slice %arg8[%dma_wait3A_127] : memref<27648xf32, #tpu.memory_space<vmem>> -> memref<512xf32, #tpu.memory_space<vmem>>
    %dma_wait3A_129 = tpu.memref_slice %arg4[%mul3A_12] : memref<262144xf32, #tpu.memory_space<hbm>> -> memref<512xf32, #tpu.memory_space<hbm>>
    %dma_wait3A_130 = arith.constant 27136 : i32
    %dma_wait3A_131 = tpu.memref_slice %arg8[%dma_wait3A_130] : memref<27648xf32, #tpu.memory_space<vmem>> -> memref<512xf32, #tpu.memory_space<vmem>>
    %dma_wait3A_132 = tpu.memref_slice %arg4[%mul3A_12] : memref<262144xf32, #tpu.memory_space<hbm>> -> memref<512xf32, #tpu.memory_space<hbm>>
    tpu.wait_dma2 semaphore(%arg11 : memref<!tpu.dma_semaphore, #tpu.memory_space<semaphore_mem>>) src(%dma_wait3A_132 : memref<512xf32, #tpu.memory_space<hbm>>) dst(%dma_wait3A_131 : memref<512xf32, #tpu.memory_space<vmem>>)
    %gt3A = arith.constant 0 : i32
    %gt3A_133 = arith.cmpi sgt, %add3A, %gt3A : i32
    %convert_element_type3A_134 = arith.extui %gt3A_133 : i1 to i32
    %cond3A_135 = arith.constant 0 : i32
    %cond3A_136 = arith.cmpi ne, %convert_element_type3A_134, %cond3A_135 : i32
    scf.if %cond3A_136 {
      %scan3A_194 = arith.constant 0 : i32
      %scan3A_195 = arith.constant 0 : i32
      %scan3A_196 = arith.constant 15 : i32
      %scan3A_197 = arith.addi %scan3A_195, %scan3A_196 : i32
      %scan3A_198 = arith.constant 1 : i32
      scf.for %scan3A_342 = %scan3A_195 to %scan3A_197 step %scan3A_198  : i32 {
        %mul3A_343 = arith.constant 32 : i32
        %mul3A_344 = arith.muli %scan3A_342, %mul3A_343 : i32
        %add3A_345 = arith.constant 0 : i32
        %add3A_346 = arith.addi %add3A_345, %mul3A_344 : i32
        %add3A_347 = arith.constant 0 : i32
        %add3A_348 = arith.addi %add3A_346, %add3A_347 : i32
        %add3A_349 = arith.constant 0 : i32
        %add3A_350 = arith.addi %add3A_348, %add3A_349 : i32
        %get3A_351 = arith.index_cast %add3A_350 : i32 to index
        %get3A_352 = tpu.vector_load %arg8[%get3A_351] {strides = array<i32>} : memref<27648xf32, #tpu.memory_space<vmem>>, vector<16xf32>,
        %add3A_353 = arith.constant 9216 : i32
        %add3A_354 = arith.addi %add3A_348, %add3A_353 : i32
        %get3A_355 = arith.index_cast %add3A_354 : i32 to index
        %get3A_356 = tpu.vector_load %arg8[%get3A_355] {strides = array<i32>} : memref<27648xf32, #tpu.memory_space<vmem>>, vector<16xf32>,
        %add3A_357 = arith.constant 18432 : i32
        %add3A_358 = arith.addi %add3A_348, %add3A_357 : i32
        %get3A_359 = arith.index_cast %add3A_358 : i32 to index
        %get3A_360 = tpu.vector_load %arg8[%get3A_359] {strides = array<i32>} : memref<27648xf32, #tpu.memory_space<vmem>>, vector<16xf32>,
        %add3A_361 = arith.constant 0 : i32
        %add3A_362 = arith.addi %add3A_361, %mul3A_344 : i32
        %add3A_363 = arith.constant 1 : i32
        %add3A_364 = arith.addi %add3A_362, %add3A_363 : i32
        %add3A_365 = arith.constant 0 : i32
        %add3A_366 = arith.addi %add3A_364, %add3A_365 : i32
        %get3A_367 = arith.index_cast %add3A_366 : i32 to index
        %get3A_368 = tpu.vector_load %arg8[%get3A_367] {strides = array<i32>} : memref<27648xf32, #tpu.memory_space<vmem>>, vector<16xf32>,
        %add3A_369 = arith.constant 9216 : i32
        %add3A_370 = arith.addi %add3A_364, %add3A_369 : i32
        %get3A_371 = arith.index_cast %add3A_370 : i32 to index
        %get3A_372 = tpu.vector_load %arg8[%get3A_371] {strides = array<i32>} : memref<27648xf32, #tpu.memory_space<vmem>>, vector<16xf32>,
        %add3A_373 = arith.constant 18432 : i32
        %add3A_374 = arith.addi %add3A_364, %add3A_373 : i32
        %get3A_375 = arith.index_cast %add3A_374 : i32 to index
        %get3A_376 = tpu.vector_load %arg8[%get3A_375] {strides = array<i32>} : memref<27648xf32, #tpu.memory_space<vmem>>, vector<16xf32>,
        %add3A_377 = arith.constant 512 : i32
        %add3A_378 = arith.addi %add3A_377, %mul3A_344 : i32
        %add3A_379 = arith.constant 0 : i32
        %add3A_380 = arith.addi %add3A_378, %add3A_379 : i32
        %add3A_381 = arith.constant 0 : i32
        %add3A_382 = arith.addi %add3A_380, %add3A_381 : i32
        %get3A_383 = arith.index_cast %add3A_382 : i32 to index
        %get3A_384 = tpu.vector_load %arg8[%get3A_383] {strides = array<i32>} : memref<27648xf32, #tpu.memory_space<vmem>>, vector<16xf32>,
        %add3A_385 = arith.constant 9216 : i32
        %add3A_386 = arith.addi %add3A_380, %add3A_385 : i32
        %get3A_387 = arith.index_cast %add3A_386 : i32 to index
        %get3A_388 = tpu.vector_load %arg8[%get3A_387] {strides = array<i32>} : memref<27648xf32, #tpu.memory_space<vmem>>, vector<16xf32>,
        %add3A_389 = arith.constant 18432 : i32
        %add3A_390 = arith.addi %add3A_380, %add3A_389 : i32
        %get3A_391 = arith.index_cast %add3A_390 : i32 to index
        %get3A_392 = tpu.vector_load %arg8[%get3A_391] {strides = array<i32>} : memref<27648xf32, #tpu.memory_space<vmem>>, vector<16xf32>,
        %add3A_393 = arith.constant 512 : i32
        %add3A_394 = arith.addi %add3A_393, %mul3A_344 : i32
        %add3A_395 = arith.constant 1 : i32
        %add3A_396 = arith.addi %add3A_394, %add3A_395 : i32
        %add3A_397 = arith.constant 0 : i32
        %add3A_398 = arith.addi %add3A_396, %add3A_397 : i32
        %get3A_399 = arith.index_cast %add3A_398 : i32 to index
        %get3A_400 = tpu.vector_load %arg8[%get3A_399] {strides = array<i32>} : memref<27648xf32, #tpu.memory_space<vmem>>, vector<16xf32>,
        %add3A_401 = arith.constant 9216 : i32
        %add3A_402 = arith.addi %add3A_396, %add3A_401 : i32
        %get3A_403 = arith.index_cast %add3A_402 : i32 to index
        %get3A_404 = tpu.vector_load %arg8[%get3A_403] {strides = array<i32>} : memref<27648xf32, #tpu.memory_space<vmem>>, vector<16xf32>,
        %add3A_405 = arith.constant 18432 : i32
        %add3A_406 = arith.addi %add3A_396, %add3A_405 : i32
        %get3A_407 = arith.index_cast %add3A_406 : i32 to index
        %get3A_408 = tpu.vector_load %arg8[%get3A_407] {strides = array<i32>} : memref<27648xf32, #tpu.memory_space<vmem>>, vector<16xf32>,
        %sub3A_409 = arith.subf %get3A_384, %get3A_352 : vector<16xf32>
        %sub3A_410 = arith.subf %get3A_388, %get3A_356 : vector<16xf32>
        %sub3A_411 = arith.subf %get3A_392, %get3A_360 : vector<16xf32>
        %sub3A_412 = arith.subf %get3A_368, %get3A_352 : vector<16xf32>
        %sub3A_413 = arith.subf %get3A_372, %get3A_356 : vector<16xf32>
        %sub3A_414 = arith.subf %get3A_376, %get3A_360 : vector<16xf32>
        %sub3A_415 = arith.subf %get3A_384, %get3A_368 : vector<16xf32>
        %sub3A_416 = arith.subf %get3A_388, %get3A_372 : vector<16xf32>
        %sub3A_417 = arith.subf %get3A_392, %get3A_376 : vector<16xf32>
        %sub3A_418 = arith.subf %get3A_400, %get3A_368 : vector<16xf32>
        %sub3A_419 = arith.subf %get3A_404, %get3A_372 : vector<16xf32>
        %sub3A_420 = arith.subf %get3A_408, %get3A_376 : vector<16xf32>
        %mul3A_421 = arith.mulf %sub3A_410, %sub3A_414 : vector<16xf32>
        %mul3A_422 = arith.mulf %sub3A_411, %sub3A_413 : vector<16xf32>
        %sub3A_423 = arith.subf %mul3A_421, %mul3A_422 : vector<16xf32>
        %mul3A_424 = arith.mulf %sub3A_411, %sub3A_412 : vector<16xf32>
        %mul3A_425 = arith.mulf %sub3A_409, %sub3A_414 : vector<16xf32>
        %sub3A_426 = arith.subf %mul3A_424, %mul3A_425 : vector<16xf32>
        %mul3A_427 = arith.mulf %sub3A_409, %sub3A_413 : vector<16xf32>
        %mul3A_428 = arith.mulf %sub3A_410, %sub3A_412 : vector<16xf32>
        %sub3A_429 = arith.subf %mul3A_427, %mul3A_428 : vector<16xf32>
        %mul3A_430 = arith.mulf %sub3A_416, %sub3A_420 : vector<16xf32>
        %mul3A_431 = arith.mulf %sub3A_417, %sub3A_419 : vector<16xf32>
        %sub3A_432 = arith.subf %mul3A_430, %mul3A_431 : vector<16xf32>
        %mul3A_433 = arith.mulf %sub3A_417, %sub3A_418 : vector<16xf32>
        %mul3A_434 = arith.mulf %sub3A_415, %sub3A_420 : vector<16xf32>
        %sub3A_435 = arith.subf %mul3A_433, %mul3A_434 : vector<16xf32>
        %mul3A_436 = arith.mulf %sub3A_415, %sub3A_419 : vector<16xf32>
        %mul3A_437 = arith.mulf %sub3A_416, %sub3A_418 : vector<16xf32>
        %sub3A_438 = arith.subf %mul3A_436, %mul3A_437 : vector<16xf32>
        %add3A_439 = arith.constant 2 : i32
        %add3A_440 = arith.addi %add3A_439, %mul3A_344 : i32
        %add3A_441 = arith.constant 26214 : i32
        %add3A_442 = arith.addi %add3A_441, %add3A_440 : i32
        %swap3A_443 = arith.index_cast %add3A_442 : i32 to index
        %swap3A_444 = tpu.vector_load %arg9[%swap3A_443] {strides = array<i32>} : memref<78658xf32, #tpu.memory_space<vmem>>, vector<16xf32>,
        tpu.vector_store %arg9[%swap3A_443], %sub3A_432 {strides = array<i32>} : memref<78658xf32, #tpu.memory_space<vmem>>, vector<16xf32>,
        %add3A_445 = arith.addf %sub3A_423, %sub3A_432 : vector<16xf32>
        %add3A_446 = arith.constant 52428 : i32
        %add3A_447 = arith.addi %add3A_446, %add3A_440 : i32
        %swap3A_448 = arith.index_cast %add3A_447 : i32 to index
        %swap3A_449 = tpu.vector_load %arg9[%swap3A_448] {strides = array<i32>} : memref<78658xf32, #tpu.memory_space<vmem>>, vector<16xf32>,
        tpu.vector_store %arg9[%swap3A_448], %add3A_445 {strides = array<i32>} : memref<78658xf32, #tpu.memory_space<vmem>>, vector<16xf32>,
        %add3A_450 = arith.constant 34952 : i32
        %add3A_451 = arith.addi %add3A_450, %add3A_440 : i32
        %swap3A_452 = arith.index_cast %add3A_451 : i32 to index
        %swap3A_453 = tpu.vector_load %arg9[%swap3A_452] {strides = array<i32>} : memref<78658xf32, #tpu.memory_space<vmem>>, vector<16xf32>,
        tpu.vector_store %arg9[%swap3A_452], %sub3A_435 {strides = array<i32>} : memref<78658xf32, #tpu.memory_space<vmem>>, vector<16xf32>,
        %add3A_454 = arith.addf %sub3A_426, %sub3A_435 : vector<16xf32>
        %add3A_455 = arith.constant 61166 : i32
        %add3A_456 = arith.addi %add3A_455, %add3A_440 : i32
        %swap3A_457 = arith.index_cast %add3A_456 : i32 to index
        %swap3A_458 = tpu.vector_load %arg9[%swap3A_457] {strides = array<i32>} : memref<78658xf32, #tpu.memory_space<vmem>>, vector<16xf32>,
        tpu.vector_store %arg9[%swap3A_457], %add3A_454 {strides = array<i32>} : memref<78658xf32, #tpu.memory_space<vmem>>, vector<16xf32>,
        %add3A_459 = arith.constant 43690 : i32
        %add3A_460 = arith.addi %add3A_459, %add3A_440 : i32
        %swap3A_461 = arith.index_cast %add3A_460 : i32 to index
        %swap3A_462 = tpu.vector_load %arg9[%swap3A_461] {strides = array<i32>} : memref<78658xf32, #tpu.memory_space<vmem>>, vector<16xf32>,
        tpu.vector_store %arg9[%swap3A_461], %sub3A_438 {strides = array<i32>} : memref<78658xf32, #tpu.memory_space<vmem>>, vector<16xf32>,
        %add3A_463 = arith.addf %sub3A_429, %sub3A_438 : vector<16xf32>
        %add3A_464 = arith.constant 69904 : i32
        %add3A_465 = arith.addi %add3A_464, %add3A_440 : i32
        %swap3A_466 = arith.index_cast %add3A_465 : i32 to index
        %swap3A_467 = tpu.vector_load %arg9[%swap3A_466] {strides = array<i32>} : memref<78658xf32, #tpu.memory_space<vmem>>, vector<16xf32>,
        tpu.vector_store %arg9[%swap3A_466], %add3A_463 {strides = array<i32>} : memref<78658xf32, #tpu.memory_space<vmem>>, vector<16xf32>,
        %mul3A_468 = arith.constant 32 : i32
        %mul3A_469 = arith.muli %scan3A_342, %mul3A_468 : i32
        %add3A_470 = arith.constant 16 : i32
        %add3A_471 = arith.addi %mul3A_469, %add3A_470 : i32
        %add3A_472 = arith.constant 0 : i32
        %add3A_473 = arith.addi %add3A_472, %add3A_471 : i32
        %add3A_474 = arith.constant 0 : i32
        %add3A_475 = arith.addi %add3A_473, %add3A_474 : i32
        %add3A_476 = arith.constant 0 : i32
        %add3A_477 = arith.addi %add3A_475, %add3A_476 : i32
        %get3A_478 = arith.index_cast %add3A_477 : i32 to index
        %get3A_479 = tpu.vector_load %arg8[%get3A_478] {strides = array<i32>} : memref<27648xf32, #tpu.memory_space<vmem>>, vector<16xf32>,
        %add3A_480 = arith.constant 9216 : i32
        %add3A_481 = arith.addi %add3A_475, %add3A_480 : i32
        %get3A_482 = arith.index_cast %add3A_481 : i32 to index
        %get3A_483 = tpu.vector_load %arg8[%get3A_482] {strides = array<i32>} : memref<27648xf32, #tpu.memory_space<vmem>>, vector<16xf32>,
        %add3A_484 = arith.constant 18432 : i32
        %add3A_485 = arith.addi %add3A_475, %add3A_484 : i32
        %get3A_486 = arith.index_cast %add3A_485 : i32 to index
        %get3A_487 = tpu.vector_load %arg8[%get3A_486] {strides = array<i32>} : memref<27648xf32, #tpu.memory_space<vmem>>, vector<16xf32>,
        %add3A_488 = arith.constant 0 : i32
        %add3A_489 = arith.addi %add3A_488, %add3A_471 : i32
        %add3A_490 = arith.constant 1 : i32
        %add3A_491 = arith.addi %add3A_489, %add3A_490 : i32
        %add3A_492 = arith.constant 0 : i32
        %add3A_493 = arith.addi %add3A_491, %add3A_492 : i32
        %get3A_494 = arith.index_cast %add3A_493 : i32 to index
        %get3A_495 = tpu.vector_load %arg8[%get3A_494] {strides = array<i32>} : memref<27648xf32, #tpu.memory_space<vmem>>, vector<16xf32>,
        %add3A_496 = arith.constant 9216 : i32
        %add3A_497 = arith.addi %add3A_491, %add3A_496 : i32
        %get3A_498 = arith.index_cast %add3A_497 : i32 to index
        %get3A_499 = tpu.vector_load %arg8[%get3A_498] {strides = array<i32>} : memref<27648xf32, #tpu.memory_space<vmem>>, vector<16xf32>,
        %add3A_500 = arith.constant 18432 : i32
        %add3A_501 = arith.addi %add3A_491, %add3A_500 : i32
        %get3A_502 = arith.index_cast %add3A_501 : i32 to index
        %get3A_503 = tpu.vector_load %arg8[%get3A_502] {strides = array<i32>} : memref<27648xf32, #tpu.memory_space<vmem>>, vector<16xf32>,
        %add3A_504 = arith.constant 512 : i32
        %add3A_505 = arith.addi %add3A_504, %add3A_471 : i32
        %add3A_506 = arith.constant 0 : i32
        %add3A_507 = arith.addi %add3A_505, %add3A_506 : i32
        %add3A_508 = arith.constant 0 : i32
        %add3A_509 = arith.addi %add3A_507, %add3A_508 : i32
        %get3A_510 = arith.index_cast %add3A_509 : i32 to index
        %get3A_511 = tpu.vector_load %arg8[%get3A_510] {strides = array<i32>} : memref<27648xf32, #tpu.memory_space<vmem>>, vector<16xf32>,
        %add3A_512 = arith.constant 9216 : i32
        %add3A_513 = arith.addi %add3A_507, %add3A_512 : i32
        %get3A_514 = arith.index_cast %add3A_513 : i32 to index
        %get3A_515 = tpu.vector_load %arg8[%get3A_514] {strides = array<i32>} : memref<27648xf32, #tpu.memory_space<vmem>>, vector<16xf32>,
        %add3A_516 = arith.constant 18432 : i32
        %add3A_517 = arith.addi %add3A_507, %add3A_516 : i32
        %get3A_518 = arith.index_cast %add3A_517 : i32 to index
        %get3A_519 = tpu.vector_load %arg8[%get3A_518] {strides = array<i32>} : memref<27648xf32, #tpu.memory_space<vmem>>, vector<16xf32>,
        %add3A_520 = arith.constant 512 : i32
        %add3A_521 = arith.addi %add3A_520, %add3A_471 : i32
        %add3A_522 = arith.constant 1 : i32
        %add3A_523 = arith.addi %add3A_521, %add3A_522 : i32
        %add3A_524 = arith.constant 0 : i32
        %add3A_525 = arith.addi %add3A_523, %add3A_524 : i32
        %get3A_526 = arith.index_cast %add3A_525 : i32 to index
        %get3A_527 = tpu.vector_load %arg8[%get3A_526] {strides = array<i32>} : memref<27648xf32, #tpu.memory_space<vmem>>, vector<16xf32>,
        %add3A_528 = arith.constant 9216 : i32
        %add3A_529 = arith.addi %add3A_523, %add3A_528 : i32
        %get3A_530 = arith.index_cast %add3A_529 : i32 to index
        %get3A_531 = tpu.vector_load %arg8[%get3A_530] {strides = array<i32>} : memref<27648xf32, #tpu.memory_space<vmem>>, vector<16xf32>,
        %add3A_532 = arith.constant 18432 : i32
        %add3A_533 = arith.addi %add3A_523, %add3A_532 : i32
        %get3A_534 = arith.index_cast %add3A_533 : i32 to index
        %get3A_535 = tpu.vector_load %arg8[%get3A_534] {strides = array<i32>} : memref<27648xf32, #tpu.memory_space<vmem>>, vector<16xf32>,
        %sub3A_536 = arith.subf %get3A_511, %get3A_479 : vector<16xf32>
        %sub3A_537 = arith.subf %get3A_515, %get3A_483 : vector<16xf32>
        %sub3A_538 = arith.subf %get3A_519, %get3A_487 : vector<16xf32>
        %sub3A_539 = arith.subf %get3A_495, %get3A_479 : vector<16xf32>
        %sub3A_540 = arith.subf %get3A_499, %get3A_483 : vector<16xf32>
        %sub3A_541 = arith.subf %get3A_503, %get3A_487 : vector<16xf32>
        %sub3A_542 = arith.subf %get3A_511, %get3A_495 : vector<16xf32>
        %sub3A_543 = arith.subf %get3A_515, %get3A_499 : vector<16xf32>
        %sub3A_544 = arith.subf %get3A_519, %get3A_503 : vector<16xf32>
        %sub3A_545 = arith.subf %get3A_527, %get3A_495 : vector<16xf32>
        %sub3A_546 = arith.subf %get3A_531, %get3A_499 : vector<16xf32>
        %sub3A_547 = arith.subf %get3A_535, %get3A_503 : vector<16xf32>
        %mul3A_548 = arith.mulf %sub3A_537, %sub3A_541 : vector<16xf32>
        %mul3A_549 = arith.mulf %sub3A_538, %sub3A_540 : vector<16xf32>
        %sub3A_550 = arith.subf %mul3A_548, %mul3A_549 : vector<16xf32>
        %mul3A_551 = arith.mulf %sub3A_538, %sub3A_539 : vector<16xf32>
        %mul3A_552 = arith.mulf %sub3A_536, %sub3A_541 : vector<16xf32>
        %sub3A_553 = arith.subf %mul3A_551, %mul3A_552 : vector<16xf32>
        %mul3A_554 = arith.mulf %sub3A_536, %sub3A_540 : vector<16xf32>
        %mul3A_555 = arith.mulf %sub3A_537, %sub3A_539 : vector<16xf32>
        %sub3A_556 = arith.subf %mul3A_554, %mul3A_555 : vector<16xf32>
        %mul3A_557 = arith.mulf %sub3A_543, %sub3A_547 : vector<16xf32>
        %mul3A_558 = arith.mulf %sub3A_544, %sub3A_546 : vector<16xf32>
        %sub3A_559 = arith.subf %mul3A_557, %mul3A_558 : vector<16xf32>
        %mul3A_560 = arith.mulf %sub3A_544, %sub3A_545 : vector<16xf32>
        %mul3A_561 = arith.mulf %sub3A_542, %sub3A_547 : vector<16xf32>
        %sub3A_562 = arith.subf %mul3A_560, %mul3A_561 : vector<16xf32>
        %mul3A_563 = arith.mulf %sub3A_542, %sub3A_546 : vector<16xf32>
        %mul3A_564 = arith.mulf %sub3A_543, %sub3A_545 : vector<16xf32>
        %sub3A_565 = arith.subf %mul3A_563, %mul3A_564 : vector<16xf32>
        %add3A_566 = arith.constant 2 : i32
        %add3A_567 = arith.addi %add3A_566, %add3A_471 : i32
        %add3A_568 = arith.constant 26214 : i32
        %add3A_569 = arith.addi %add3A_568, %add3A_567 : i32
        %swap3A_570 = arith.index_cast %add3A_569 : i32 to index
        %swap3A_571 = tpu.vector_load %arg9[%swap3A_570] {strides = array<i32>} : memref<78658xf32, #tpu.memory_space<vmem>>, vector<16xf32>,
        tpu.vector_store %arg9[%swap3A_570], %sub3A_559 {strides = array<i32>} : memref<78658xf32, #tpu.memory_space<vmem>>, vector<16xf32>,
        %add3A_572 = arith.addf %sub3A_550, %sub3A_559 : vector<16xf32>
        %add3A_573 = arith.constant 52428 : i32
        %add3A_574 = arith.addi %add3A_573, %add3A_567 : i32
        %swap3A_575 = arith.index_cast %add3A_574 : i32 to index
        %swap3A_576 = tpu.vector_load %arg9[%swap3A_575] {strides = array<i32>} : memref<78658xf32, #tpu.memory_space<vmem>>, vector<16xf32>,
        tpu.vector_store %arg9[%swap3A_575], %add3A_572 {strides = array<i32>} : memref<78658xf32, #tpu.memory_space<vmem>>, vector<16xf32>,
        %add3A_577 = arith.constant 34952 : i32
        %add3A_578 = arith.addi %add3A_577, %add3A_567 : i32
        %swap3A_579 = arith.index_cast %add3A_578 : i32 to index
        %swap3A_580 = tpu.vector_load %arg9[%swap3A_579] {strides = array<i32>} : memref<78658xf32, #tpu.memory_space<vmem>>, vector<16xf32>,
        tpu.vector_store %arg9[%swap3A_579], %sub3A_562 {strides = array<i32>} : memref<78658xf32, #tpu.memory_space<vmem>>, vector<16xf32>,
        %add3A_581 = arith.addf %sub3A_553, %sub3A_562 : vector<16xf32>
        %add3A_582 = arith.constant 61166 : i32
        %add3A_583 = arith.addi %add3A_582, %add3A_567 : i32
        %swap3A_584 = arith.index_cast %add3A_583 : i32 to index
        %swap3A_585 = tpu.vector_load %arg9[%swap3A_584] {strides = array<i32>} : memref<78658xf32, #tpu.memory_space<vmem>>, vector<16xf32>,
        tpu.vector_store %arg9[%swap3A_584], %add3A_581 {strides = array<i32>} : memref<78658xf32, #tpu.memory_space<vmem>>, vector<16xf32>,
        %add3A_586 = arith.constant 43690 : i32
        %add3A_587 = arith.addi %add3A_586, %add3A_567 : i32
        %swap3A_588 = arith.index_cast %add3A_587 : i32 to index
        %swap3A_589 = tpu.vector_load %arg9[%swap3A_588] {strides = array<i32>} : memref<78658xf32, #tpu.memory_space<vmem>>, vector<16xf32>,
        tpu.vector_store %arg9[%swap3A_588], %sub3A_565 {strides = array<i32>} : memref<78658xf32, #tpu.memory_space<vmem>>, vector<16xf32>,
        %add3A_590 = arith.addf %sub3A_556, %sub3A_565 : vector<16xf32>
        %add3A_591 = arith.constant 69904 : i32
        %add3A_592 = arith.addi %add3A_591, %add3A_567 : i32
        %swap3A_593 = arith.index_cast %add3A_592 : i32 to index
        %swap3A_594 = tpu.vector_load %arg9[%swap3A_593] {strides = array<i32>} : memref<78658xf32, #tpu.memory_space<vmem>>, vector<16xf32>,
        tpu.vector_store %arg9[%swap3A_593], %add3A_590 {strides = array<i32>} : memref<78658xf32, #tpu.memory_space<vmem>>, vector<16xf32>,
      }
      %scan3A_199 = arith.constant 15 : i32
      %get3A = arith.constant 480 : index
      %get3A_200 = tpu.vector_load %arg8[%get3A] {strides = array<i32>} : memref<27648xf32, #tpu.memory_space<vmem>>, vector<16xf32>,
      %get3A_201 = arith.constant 9696 : index
      %get3A_202 = tpu.vector_load %arg8[%get3A_201] {strides = array<i32>} : memref<27648xf32, #tpu.memory_space<vmem>>, vector<16xf32>,
      %get3A_203 = arith.constant 18912 : index
      %get3A_204 = tpu.vector_load %arg8[%get3A_203] {strides = array<i32>} : memref<27648xf32, #tpu.memory_space<vmem>>, vector<16xf32>,
      %get3A_205 = arith.constant 481 : index
      %get3A_206 = tpu.vector_load %arg8[%get3A_205] {strides = array<i32>} : memref<27648xf32, #tpu.memory_space<vmem>>, vector<16xf32>,
      %get3A_207 = arith.constant 9697 : index
      %get3A_208 = tpu.vector_load %arg8[%get3A_207] {strides = array<i32>} : memref<27648xf32, #tpu.memory_space<vmem>>, vector<16xf32>,
      %get3A_209 = arith.constant 18913 : index
      %get3A_210 = tpu.vector_load %arg8[%get3A_209] {strides = array<i32>} : memref<27648xf32, #tpu.memory_space<vmem>>, vector<16xf32>,
      %get3A_211 = arith.constant 992 : index
      %get3A_212 = tpu.vector_load %arg8[%get3A_211] {strides = array<i32>} : memref<27648xf32, #tpu.memory_space<vmem>>, vector<16xf32>,
      %get3A_213 = arith.constant 10208 : index
      %get3A_214 = tpu.vector_load %arg8[%get3A_213] {strides = array<i32>} : memref<27648xf32, #tpu.memory_space<vmem>>, vector<16xf32>,
      %get3A_215 = arith.constant 19424 : index
      %get3A_216 = tpu.vector_load %arg8[%get3A_215] {strides = array<i32>} : memref<27648xf32, #tpu.memory_space<vmem>>, vector<16xf32>,
      %get3A_217 = arith.constant 993 : index
      %get3A_218 = tpu.vector_load %arg8[%get3A_217] {strides = array<i32>} : memref<27648xf32, #tpu.memory_space<vmem>>, vector<16xf32>,
      %get3A_219 = arith.constant 10209 : index
      %get3A_220 = tpu.vector_load %arg8[%get3A_219] {strides = array<i32>} : memref<27648xf32, #tpu.memory_space<vmem>>, vector<16xf32>,
      %get3A_221 = arith.constant 19425 : index
      %get3A_222 = tpu.vector_load %arg8[%get3A_221] {strides = array<i32>} : memref<27648xf32, #tpu.memory_space<vmem>>, vector<16xf32>,
      %sub3A_223 = arith.subf %get3A_212, %get3A_200 : vector<16xf32>
      %sub3A_224 = arith.subf %get3A_214, %get3A_202 : vector<16xf32>
      %sub3A_225 = arith.subf %get3A_216, %get3A_204 : vector<16xf32>
      %sub3A_226 = arith.subf %get3A_206, %get3A_200 : vector<16xf32>
      %sub3A_227 = arith.subf %get3A_208, %get3A_202 : vector<16xf32>
      %sub3A_228 = arith.subf %get3A_210, %get3A_204 : vector<16xf32>
      %sub3A_229 = arith.subf %get3A_212, %get3A_206 : vector<16xf32>
      %sub3A_230 = arith.subf %get3A_214, %get3A_208 : vector<16xf32>
      %sub3A_231 = arith.subf %get3A_216, %get3A_210 : vector<16xf32>
      %sub3A_232 = arith.subf %get3A_218, %get3A_206 : vector<16xf32>
      %sub3A_233 = arith.subf %get3A_220, %get3A_208 : vector<16xf32>
      %sub3A_234 = arith.subf %get3A_222, %get3A_210 : vector<16xf32>
      %mul3A_235 = arith.mulf %sub3A_224, %sub3A_228 : vector<16xf32>
      %mul3A_236 = arith.mulf %sub3A_225, %sub3A_227 : vector<16xf32>
      %sub3A_237 = arith.subf %mul3A_235, %mul3A_236 : vector<16xf32>
      %mul3A_238 = arith.mulf %sub3A_225, %sub3A_226 : vector<16xf32>
      %mul3A_239 = arith.mulf %sub3A_223, %sub3A_228 : vector<16xf32>
      %sub3A_240 = arith.subf %mul3A_238, %mul3A_239 : vector<16xf32>
      %mul3A_241 = arith.mulf %sub3A_223, %sub3A_227 : vector<16xf32>
      %mul3A_242 = arith.mulf %sub3A_224, %sub3A_226 : vector<16xf32>
      %sub3A_243 = arith.subf %mul3A_241, %mul3A_242 : vector<16xf32>
      %mul3A_244 = arith.mulf %sub3A_230, %sub3A_234 : vector<16xf32>
      %mul3A_245 = arith.mulf %sub3A_231, %sub3A_233 : vector<16xf32>
      %sub3A_246 = arith.subf %mul3A_244, %mul3A_245 : vector<16xf32>
      %mul3A_247 = arith.mulf %sub3A_231, %sub3A_232 : vector<16xf32>
      %mul3A_248 = arith.mulf %sub3A_229, %sub3A_234 : vector<16xf32>
      %sub3A_249 = arith.subf %mul3A_247, %mul3A_248 : vector<16xf32>
      %mul3A_250 = arith.mulf %sub3A_229, %sub3A_233 : vector<16xf32>
      %mul3A_251 = arith.mulf %sub3A_230, %sub3A_232 : vector<16xf32>
      %sub3A_252 = arith.subf %mul3A_250, %mul3A_251 : vector<16xf32>
      %swap3A = arith.constant 26696 : index
      %swap3A_253 = tpu.vector_load %arg9[%swap3A] {strides = array<i32>} : memref<78658xf32, #tpu.memory_space<vmem>>, vector<16xf32>,
      tpu.vector_store %arg9[%swap3A], %sub3A_246 {strides = array<i32>} : memref<78658xf32, #tpu.memory_space<vmem>>, vector<16xf32>,
      %add3A_254 = arith.addf %sub3A_237, %sub3A_246 : vector<16xf32>
      %swap3A_255 = arith.constant 52910 : index
      %swap3A_256 = tpu.vector_load %arg9[%swap3A_255] {strides = array<i32>} : memref<78658xf32, #tpu.memory_space<vmem>>, vector<16xf32>,
      tpu.vector_store %arg9[%swap3A_255], %add3A_254 {strides = array<i32>} : memref<78658xf32, #tpu.memory_space<vmem>>, vector<16xf32>,
      %swap3A_257 = arith.constant 35434 : index
      %swap3A_258 = tpu.vector_load %arg9[%swap3A_257] {strides = array<i32>} : memref<78658xf32, #tpu.memory_space<vmem>>, vector<16xf32>,
      tpu.vector_store %arg9[%swap3A_257], %sub3A_249 {strides = array<i32>} : memref<78658xf32, #tpu.memory_space<vmem>>, vector<16xf32>,
      %add3A_259 = arith.addf %sub3A_240, %sub3A_249 : vector<16xf32>
      %swap3A_260 = arith.constant 61648 : index
      %swap3A_261 = tpu.vector_load %arg9[%swap3A_260] {strides = array<i32>} : memref<78658xf32, #tpu.memory_space<vmem>>, vector<16xf32>,
      tpu.vector_store %arg9[%swap3A_260], %add3A_259 {strides = array<i32>} : memref<78658xf32, #tpu.memory_space<vmem>>, vector<16xf32>,
      %swap3A_262 = arith.constant 44172 : index
      %swap3A_263 = tpu.vector_load %arg9[%swap3A_262] {strides = array<i32>} : memref<78658xf32, #tpu.memory_space<vmem>>, vector<16xf32>,
      tpu.vector_store %arg9[%swap3A_262], %sub3A_252 {strides = array<i32>} : memref<78658xf32, #tpu.memory_space<vmem>>, vector<16xf32>,
      %add3A_264 = arith.addf %sub3A_243, %sub3A_252 : vector<16xf32>
      %swap3A_265 = arith.constant 70386 : index
      %swap3A_266 = tpu.vector_load %arg9[%swap3A_265] {strides = array<i32>} : memref<78658xf32, #tpu.memory_space<vmem>>, vector<16xf32>,
      tpu.vector_store %arg9[%swap3A_265], %add3A_264 {strides = array<i32>} : memref<78658xf32, #tpu.memory_space<vmem>>, vector<16xf32>,
      %get3A_267 = arith.constant 495 : index
      %get3A_268 = tpu.vector_load %arg8[%get3A_267] {strides = array<i32>} : memref<27648xf32, #tpu.memory_space<vmem>>, vector<16xf32>,
      %get3A_269 = arith.constant 9711 : index
      %get3A_270 = tpu.vector_load %arg8[%get3A_269] {strides = array<i32>} : memref<27648xf32, #tpu.memory_space<vmem>>, vector<16xf32>,
      %get3A_271 = arith.constant 18927 : index
      %get3A_272 = tpu.vector_load %arg8[%get3A_271] {strides = array<i32>} : memref<27648xf32, #tpu.memory_space<vmem>>, vector<16xf32>,
      %get3A_273 = arith.constant 496 : index
      %get3A_274 = tpu.vector_load %arg8[%get3A_273] {strides = array<i32>} : memref<27648xf32, #tpu.memory_space<vmem>>, vector<16xf32>,
      %get3A_275 = arith.constant 9712 : index
      %get3A_276 = tpu.vector_load %arg8[%get3A_275] {strides = array<i32>} : memref<27648xf32, #tpu.memory_space<vmem>>, vector<16xf32>,
      %get3A_277 = arith.constant 18928 : index
      %get3A_278 = tpu.vector_load %arg8[%get3A_277] {strides = array<i32>} : memref<27648xf32, #tpu.memory_space<vmem>>, vector<16xf32>,
      %get3A_279 = arith.constant 1007 : index
      %get3A_280 = tpu.vector_load %arg8[%get3A_279] {strides = array<i32>} : memref<27648xf32, #tpu.memory_space<vmem>>, vector<16xf32>,
      %get3A_281 = arith.constant 10223 : index
      %get3A_282 = tpu.vector_load %arg8[%get3A_281] {strides = array<i32>} : memref<27648xf32, #tpu.memory_space<vmem>>, vector<16xf32>,
      %get3A_283 = arith.constant 19439 : index
      %get3A_284 = tpu.vector_load %arg8[%get3A_283] {strides = array<i32>} : memref<27648xf32, #tpu.memory_space<vmem>>, vector<16xf32>,
      %get3A_285 = arith.constant 1008 : index
      %get3A_286 = tpu.vector_load %arg8[%get3A_285] {strides = array<i32>} : memref<27648xf32, #tpu.memory_space<vmem>>, vector<16xf32>,
      %get3A_287 = arith.constant 10224 : index
      %get3A_288 = tpu.vector_load %arg8[%get3A_287] {strides = array<i32>} : memref<27648xf32, #tpu.memory_space<vmem>>, vector<16xf32>,
      %get3A_289 = arith.constant 19440 : index
      %get3A_290 = tpu.vector_load %arg8[%get3A_289] {strides = array<i32>} : memref<27648xf32, #tpu.memory_space<vmem>>, vector<16xf32>,
      %sub3A_291 = arith.subf %get3A_280, %get3A_268 : vector<16xf32>
      %sub3A_292 = arith.subf %get3A_282, %get3A_270 : vector<16xf32>
      %sub3A_293 = arith.subf %get3A_284, %get3A_272 : vector<16xf32>
      %sub3A_294 = arith.subf %get3A_274, %get3A_268 : vector<16xf32>
      %sub3A_295 = arith.subf %get3A_276, %get3A_270 : vector<16xf32>
      %sub3A_296 = arith.subf %get3A_278, %get3A_272 : vector<16xf32>
      %sub3A_297 = arith.subf %get3A_280, %get3A_274 : vector<16xf32>
      %sub3A_298 = arith.subf %get3A_282, %get3A_276 : vector<16xf32>
      %sub3A_299 = arith.subf %get3A_284, %get3A_278 : vector<16xf32>
      %sub3A_300 = arith.subf %get3A_286, %get3A_274 : vector<16xf32>
      %sub3A_301 = arith.subf %get3A_288, %get3A_276 : vector<16xf32>
      %sub3A_302 = arith.subf %get3A_290, %get3A_278 : vector<16xf32>
      %mul3A_303 = arith.mulf %sub3A_292, %sub3A_296 : vector<16xf32>
      %mul3A_304 = arith.mulf %sub3A_293, %sub3A_295 : vector<16xf32>
      %sub3A_305 = arith.subf %mul3A_303, %mul3A_304 : vector<16xf32>
      %mul3A_306 = arith.mulf %sub3A_293, %sub3A_294 : vector<16xf32>
      %mul3A_307 = arith.mulf %sub3A_291, %sub3A_296 : vector<16xf32>
      %sub3A_308 = arith.subf %mul3A_306, %mul3A_307 : vector<16xf32>
      %mul3A_309 = arith.mulf %sub3A_291, %sub3A_295 : vector<16xf32>
      %mul3A_310 = arith.mulf %sub3A_292, %sub3A_294 : vector<16xf32>
      %sub3A_311 = arith.subf %mul3A_309, %mul3A_310 : vector<16xf32>
      %mul3A_312 = arith.mulf %sub3A_298, %sub3A_302 : vector<16xf32>
      %mul3A_313 = arith.mulf %sub3A_299, %sub3A_301 : vector<16xf32>
      %sub3A_314 = arith.subf %mul3A_312, %mul3A_313 : vector<16xf32>
      %mul3A_315 = arith.mulf %sub3A_299, %sub3A_300 : vector<16xf32>
      %mul3A_316 = arith.mulf %sub3A_297, %sub3A_302 : vector<16xf32>
      %sub3A_317 = arith.subf %mul3A_315, %mul3A_316 : vector<16xf32>
      %mul3A_318 = arith.mulf %sub3A_297, %sub3A_301 : vector<16xf32>
      %mul3A_319 = arith.mulf %sub3A_298, %sub3A_300 : vector<16xf32>
      %sub3A_320 = arith.subf %mul3A_318, %mul3A_319 : vector<16xf32>
      %swap3A_321 = arith.constant 497 : index
      %swap3A_322 = tpu.vector_load %arg9[%swap3A_321] {strides = array<i32>} : memref<78658xf32, #tpu.memory_space<vmem>>, vector<16xf32>,
      tpu.vector_store %arg9[%swap3A_321], %sub3A_305 {strides = array<i32>} : memref<78658xf32, #tpu.memory_space<vmem>>, vector<16xf32>,
      %swap3A_323 = arith.constant 26711 : index
      %swap3A_324 = tpu.vector_load %arg9[%swap3A_323] {strides = array<i32>} : memref<78658xf32, #tpu.memory_space<vmem>>, vector<16xf32>,
      tpu.vector_store %arg9[%swap3A_323], %sub3A_314 {strides = array<i32>} : memref<78658xf32, #tpu.memory_space<vmem>>, vector<16xf32>,
      %add3A_325 = arith.addf %sub3A_305, %sub3A_314 : vector<16xf32>
      %swap3A_326 = arith.constant 52925 : index
      %swap3A_327 = tpu.vector_load %arg9[%swap3A_326] {strides = array<i32>} : memref<78658xf32, #tpu.memory_space<vmem>>, vector<16xf32>,
      tpu.vector_store %arg9[%swap3A_326], %add3A_325 {strides = array<i32>} : memref<78658xf32, #tpu.memory_space<vmem>>, vector<16xf32>,
      %swap3A_328 = arith.constant 9235 : index
      %swap3A_329 = tpu.vector_load %arg9[%swap3A_328] {strides = array<i32>} : memref<78658xf32, #tpu.memory_space<vmem>>, vector<16xf32>,
      tpu.vector_store %arg9[%swap3A_328], %sub3A_308 {strides = array<i32>} : memref<78658xf32, #tpu.memory_space<vmem>>, vector<16xf32>,
      %swap3A_330 = arith.constant 35449 : index
      %swap3A_331 = tpu.vector_load %arg9[%swap3A_330] {strides = array<i32>} : memref<78658xf32, #tpu.memory_space<vmem>>, vector<16xf32>,
      tpu.vector_store %arg9[%swap3A_330], %sub3A_317 {strides = array<i32>} : memref<78658xf32, #tpu.memory_space<vmem>>, vector<16xf32>,
      %add3A_332 = arith.addf %sub3A_308, %sub3A_317 : vector<16xf32>
      %swap3A_333 = arith.constant 61663 : index
      %swap3A_334 = tpu.vector_load %arg9[%swap3A_333] {strides = array<i32>} : memref<78658xf32, #tpu.memory_space<vmem>>, vector<16xf32>,
      tpu.vector_store %arg9[%swap3A_333], %add3A_332 {strides = array<i32>} : memref<78658xf32, #tpu.memory_space<vmem>>, vector<16xf32>,
      %swap3A_335 = arith.constant 17973 : index
      %swap3A_336 = tpu.vector_load %arg9[%swap3A_335] {strides = array<i32>} : memref<78658xf32, #tpu.memory_space<vmem>>, vector<16xf32>,
      tpu.vector_store %arg9[%swap3A_335], %sub3A_311 {strides = array<i32>} : memref<78658xf32, #tpu.memory_space<vmem>>, vector<16xf32>,
      %swap3A_337 = arith.constant 44187 : index
      %swap3A_338 = tpu.vector_load %arg9[%swap3A_337] {strides = array<i32>} : memref<78658xf32, #tpu.memory_space<vmem>>, vector<16xf32>,
      tpu.vector_store %arg9[%swap3A_337], %sub3A_320 {strides = array<i32>} : memref<78658xf32, #tpu.memory_space<vmem>>, vector<16xf32>,
      %add3A_339 = arith.addf %sub3A_311, %sub3A_320 : vector<16xf32>
      %swap3A_340 = arith.constant 70401 : index
      %swap3A_341 = tpu.vector_load %arg9[%swap3A_340] {strides = array<i32>} : memref<78658xf32, #tpu.memory_space<vmem>>, vector<16xf32>,
      tpu.vector_store %arg9[%swap3A_340], %add3A_339 {strides = array<i32>} : memref<78658xf32, #tpu.memory_space<vmem>>, vector<16xf32>,
    } else {
    }
    %scan3A_137 = arith.constant 0 : i32
    %scan3A_138 = arith.constant 1 : i32
    %scan3A_139 = arith.constant 15 : i32
    %scan3A_140 = arith.addi %scan3A_138, %scan3A_139 : i32
    %scan3A_141 = arith.constant 1 : i32
    scf.for %scan3A_194 = %scan3A_138 to %scan3A_140 step %scan3A_141  : i32 {
      %scan3A_195 = arith.constant 0 : i32
      %scan3A_196 = arith.constant 0 : i32
      %scan3A_197 = arith.constant 15 : i32
      %scan3A_198 = arith.addi %scan3A_196, %scan3A_197 : i32
      %scan3A_199 = arith.constant 1 : i32
      scf.for %scan3A_849 = %scan3A_196 to %scan3A_198 step %scan3A_199  : i32 {
        %mul3A_850 = arith.constant 32 : i32
        %mul3A_851 = arith.muli %scan3A_849, %mul3A_850 : i32
        %add3A_852 = arith.constant 0 : i32
        %add3A_853 = arith.addi %scan3A_194, %add3A_852 : i32
        %mul3A_854 = arith.constant 512 : i32
        %mul3A_855 = arith.muli %add3A_853, %mul3A_854 : i32
        %add3A_856 = arith.addi %mul3A_855, %mul3A_851 : i32
        %add3A_857 = arith.constant 0 : i32
        %add3A_858 = arith.addi %add3A_856, %add3A_857 : i32
        %add3A_859 = arith.constant 0 : i32
        %add3A_860 = arith.addi %add3A_858, %add3A_859 : i32
        %get3A_861 = arith.index_cast %add3A_860 : i32 to index
        %get3A_862 = tpu.vector_load %arg8[%get3A_861] {strides = array<i32>} : memref<27648xf32, #tpu.memory_space<vmem>>, vector<16xf32>,
        %add3A_863 = arith.constant 9216 : i32
        %add3A_864 = arith.addi %add3A_858, %add3A_863 : i32
        %get3A_865 = arith.index_cast %add3A_864 : i32 to index
        %get3A_866 = tpu.vector_load %arg8[%get3A_865] {strides = array<i32>} : memref<27648xf32, #tpu.memory_space<vmem>>, vector<16xf32>,
        %add3A_867 = arith.constant 18432 : i32
        %add3A_868 = arith.addi %add3A_858, %add3A_867 : i32
        %get3A_869 = arith.index_cast %add3A_868 : i32 to index
        %get3A_870 = tpu.vector_load %arg8[%get3A_869] {strides = array<i32>} : memref<27648xf32, #tpu.memory_space<vmem>>, vector<16xf32>,
        %add3A_871 = arith.constant 0 : i32
        %add3A_872 = arith.addi %scan3A_194, %add3A_871 : i32
        %mul3A_873 = arith.constant 512 : i32
        %mul3A_874 = arith.muli %add3A_872, %mul3A_873 : i32
        %add3A_875 = arith.addi %mul3A_874, %mul3A_851 : i32
        %add3A_876 = arith.constant 1 : i32
        %add3A_877 = arith.addi %add3A_875, %add3A_876 : i32
        %add3A_878 = arith.constant 0 : i32
        %add3A_879 = arith.addi %add3A_877, %add3A_878 : i32
        %get3A_880 = arith.index_cast %add3A_879 : i32 to index
        %get3A_881 = tpu.vector_load %arg8[%get3A_880] {strides = array<i32>} : memref<27648xf32, #tpu.memory_space<vmem>>, vector<16xf32>,
        %add3A_882 = arith.constant 9216 : i32
        %add3A_883 = arith.addi %add3A_877, %add3A_882 : i32
        %get3A_884 = arith.index_cast %add3A_883 : i32 to index
        %get3A_885 = tpu.vector_load %arg8[%get3A_884] {strides = array<i32>} : memref<27648xf32, #tpu.memory_space<vmem>>, vector<16xf32>,
        %add3A_886 = arith.constant 18432 : i32
        %add3A_887 = arith.addi %add3A_877, %add3A_886 : i32
        %get3A_888 = arith.index_cast %add3A_887 : i32 to index
        %get3A_889 = tpu.vector_load %arg8[%get3A_888] {strides = array<i32>} : memref<27648xf32, #tpu.memory_space<vmem>>, vector<16xf32>,
        %add3A_890 = arith.constant 1 : i32
        %add3A_891 = arith.addi %scan3A_194, %add3A_890 : i32
        %mul3A_892 = arith.constant 512 : i32
        %mul3A_893 = arith.muli %add3A_891, %mul3A_892 : i32
        %add3A_894 = arith.addi %mul3A_893, %mul3A_851 : i32
        %add3A_895 = arith.constant 0 : i32
        %add3A_896 = arith.addi %add3A_894, %add3A_895 : i32
        %add3A_897 = arith.constant 0 : i32
        %add3A_898 = arith.addi %add3A_896, %add3A_897 : i32
        %get3A_899 = arith.index_cast %add3A_898 : i32 to index
        %get3A_900 = tpu.vector_load %arg8[%get3A_899] {strides = array<i32>} : memref<27648xf32, #tpu.memory_space<vmem>>, vector<16xf32>,
        %add3A_901 = arith.constant 9216 : i32
        %add3A_902 = arith.addi %add3A_896, %add3A_901 : i32
        %get3A_903 = arith.index_cast %add3A_902 : i32 to index
        %get3A_904 = tpu.vector_load %arg8[%get3A_903] {strides = array<i32>} : memref<27648xf32, #tpu.memory_space<vmem>>, vector<16xf32>,
        %add3A_905 = arith.constant 18432 : i32
        %add3A_906 = arith.addi %add3A_896, %add3A_905 : i32
        %get3A_907 = arith.index_cast %add3A_906 : i32 to index
        %get3A_908 = tpu.vector_load %arg8[%get3A_907] {strides = array<i32>} : memref<27648xf32, #tpu.memory_space<vmem>>, vector<16xf32>,
        %add3A_909 = arith.constant 1 : i32
        %add3A_910 = arith.addi %scan3A_194, %add3A_909 : i32
        %mul3A_911 = arith.constant 512 : i32
        %mul3A_912 = arith.muli %add3A_910, %mul3A_911 : i32
        %add3A_913 = arith.addi %mul3A_912, %mul3A_851 : i32
        %add3A_914 = arith.constant 1 : i32
        %add3A_915 = arith.addi %add3A_913, %add3A_914 : i32
        %add3A_916 = arith.constant 0 : i32
        %add3A_917 = arith.addi %add3A_915, %add3A_916 : i32
        %get3A_918 = arith.index_cast %add3A_917 : i32 to index
        %get3A_919 = tpu.vector_load %arg8[%get3A_918] {strides = array<i32>} : memref<27648xf32, #tpu.memory_space<vmem>>, vector<16xf32>,
        %add3A_920 = arith.constant 9216 : i32
        %add3A_921 = arith.addi %add3A_915, %add3A_920 : i32
        %get3A_922 = arith.index_cast %add3A_921 : i32 to index
        %get3A_923 = tpu.vector_load %arg8[%get3A_922] {strides = array<i32>} : memref<27648xf32, #tpu.memory_space<vmem>>, vector<16xf32>,
        %add3A_924 = arith.constant 18432 : i32
        %add3A_925 = arith.addi %add3A_915, %add3A_924 : i32
        %get3A_926 = arith.index_cast %add3A_925 : i32 to index
        %get3A_927 = tpu.vector_load %arg8[%get3A_926] {strides = array<i32>} : memref<27648xf32, #tpu.memory_space<vmem>>, vector<16xf32>,
        %sub3A_928 = arith.subf %get3A_900, %get3A_862 : vector<16xf32>
        %sub3A_929 = arith.subf %get3A_904, %get3A_866 : vector<16xf32>
        %sub3A_930 = arith.subf %get3A_908, %get3A_870 : vector<16xf32>
        %sub3A_931 = arith.subf %get3A_881, %get3A_862 : vector<16xf32>
        %sub3A_932 = arith.subf %get3A_885, %get3A_866 : vector<16xf32>
        %sub3A_933 = arith.subf %get3A_889, %get3A_870 : vector<16xf32>
        %sub3A_934 = arith.subf %get3A_900, %get3A_881 : vector<16xf32>
        %sub3A_935 = arith.subf %get3A_904, %get3A_885 : vector<16xf32>
        %sub3A_936 = arith.subf %get3A_908, %get3A_889 : vector<16xf32>
        %sub3A_937 = arith.subf %get3A_919, %get3A_881 : vector<16xf32>
        %sub3A_938 = arith.subf %get3A_923, %get3A_885 : vector<16xf32>
        %sub3A_939 = arith.subf %get3A_927, %get3A_889 : vector<16xf32>
        %mul3A_940 = arith.mulf %sub3A_929, %sub3A_933 : vector<16xf32>
        %mul3A_941 = arith.mulf %sub3A_930, %sub3A_932 : vector<16xf32>
        %sub3A_942 = arith.subf %mul3A_940, %mul3A_941 : vector<16xf32>
        %mul3A_943 = arith.mulf %sub3A_930, %sub3A_931 : vector<16xf32>
        %mul3A_944 = arith.mulf %sub3A_928, %sub3A_933 : vector<16xf32>
        %sub3A_945 = arith.subf %mul3A_943, %mul3A_944 : vector<16xf32>
        %mul3A_946 = arith.mulf %sub3A_928, %sub3A_932 : vector<16xf32>
        %mul3A_947 = arith.mulf %sub3A_929, %sub3A_931 : vector<16xf32>
        %sub3A_948 = arith.subf %mul3A_946, %mul3A_947 : vector<16xf32>
        %mul3A_949 = arith.mulf %sub3A_935, %sub3A_939 : vector<16xf32>
        %mul3A_950 = arith.mulf %sub3A_936, %sub3A_938 : vector<16xf32>
        %sub3A_951 = arith.subf %mul3A_949, %mul3A_950 : vector<16xf32>
        %mul3A_952 = arith.mulf %sub3A_936, %sub3A_937 : vector<16xf32>
        %mul3A_953 = arith.mulf %sub3A_934, %sub3A_939 : vector<16xf32>
        %sub3A_954 = arith.subf %mul3A_952, %mul3A_953 : vector<16xf32>
        %mul3A_955 = arith.mulf %sub3A_934, %sub3A_938 : vector<16xf32>
        %mul3A_956 = arith.mulf %sub3A_935, %sub3A_937 : vector<16xf32>
        %sub3A_957 = arith.subf %mul3A_955, %mul3A_956 : vector<16xf32>
        %mul3A_958 = arith.constant 514 : i32
        %mul3A_959 = arith.muli %scan3A_194, %mul3A_958 : i32
        %add3A_960 = arith.constant 2 : i32
        %add3A_961 = arith.addi %mul3A_959, %add3A_960 : i32
        %add3A_962 = arith.addi %add3A_961, %mul3A_851 : i32
        %add3A_963 = arith.constant 26214 : i32
        %add3A_964 = arith.addi %add3A_963, %add3A_962 : i32
        %swap3A_965 = arith.index_cast %add3A_964 : i32 to index
        %swap3A_966 = tpu.vector_load %arg9[%swap3A_965] {strides = array<i32>} : memref<78658xf32, #tpu.memory_space<vmem>>, vector<16xf32>,
        tpu.vector_store %arg9[%swap3A_965], %sub3A_951 {strides = array<i32>} : memref<78658xf32, #tpu.memory_space<vmem>>, vector<16xf32>,
        %add3A_967 = arith.addf %sub3A_942, %sub3A_951 : vector<16xf32>
        %add3A_968 = arith.constant 52428 : i32
        %add3A_969 = arith.addi %add3A_968, %add3A_962 : i32
        %swap3A_970 = arith.index_cast %add3A_969 : i32 to index
        %swap3A_971 = tpu.vector_load %arg9[%swap3A_970] {strides = array<i32>} : memref<78658xf32, #tpu.memory_space<vmem>>, vector<16xf32>,
        tpu.vector_store %arg9[%swap3A_970], %add3A_967 {strides = array<i32>} : memref<78658xf32, #tpu.memory_space<vmem>>, vector<16xf32>,
        %add3A_972 = arith.constant 34952 : i32
        %add3A_973 = arith.addi %add3A_972, %add3A_962 : i32
        %swap3A_974 = arith.index_cast %add3A_973 : i32 to index
        %swap3A_975 = tpu.vector_load %arg9[%swap3A_974] {strides = array<i32>} : memref<78658xf32, #tpu.memory_space<vmem>>, vector<16xf32>,
        tpu.vector_store %arg9[%swap3A_974], %sub3A_954 {strides = array<i32>} : memref<78658xf32, #tpu.memory_space<vmem>>, vector<16xf32>,
        %add3A_976 = arith.addf %sub3A_945, %sub3A_954 : vector<16xf32>
        %add3A_977 = arith.constant 61166 : i32
        %add3A_978 = arith.addi %add3A_977, %add3A_962 : i32
        %swap3A_979 = arith.index_cast %add3A_978 : i32 to index
        %swap3A_980 = tpu.vector_load %arg9[%swap3A_979] {strides = array<i32>} : memref<78658xf32, #tpu.memory_space<vmem>>, vector<16xf32>,
        tpu.vector_store %arg9[%swap3A_979], %add3A_976 {strides = array<i32>} : memref<78658xf32, #tpu.memory_space<vmem>>, vector<16xf32>,
        %add3A_981 = arith.constant 43690 : i32
        %add3A_982 = arith.addi %add3A_981, %add3A_962 : i32
        %swap3A_983 = arith.index_cast %add3A_982 : i32 to index
        %swap3A_984 = tpu.vector_load %arg9[%swap3A_983] {strides = array<i32>} : memref<78658xf32, #tpu.memory_space<vmem>>, vector<16xf32>,
        tpu.vector_store %arg9[%swap3A_983], %sub3A_957 {strides = array<i32>} : memref<78658xf32, #tpu.memory_space<vmem>>, vector<16xf32>,
        %add3A_985 = arith.addf %sub3A_948, %sub3A_957 : vector<16xf32>
        %add3A_986 = arith.constant 69904 : i32
        %add3A_987 = arith.addi %add3A_986, %add3A_962 : i32
        %swap3A_988 = arith.index_cast %add3A_987 : i32 to index
        %swap3A_989 = tpu.vector_load %arg9[%swap3A_988] {strides = array<i32>} : memref<78658xf32, #tpu.memory_space<vmem>>, vector<16xf32>,
        tpu.vector_store %arg9[%swap3A_988], %add3A_985 {strides = array<i32>} : memref<78658xf32, #tpu.memory_space<vmem>>, vector<16xf32>,
        %sub3A_990 = arith.constant 1 : i32
        %sub3A_991 = arith.subi %scan3A_194, %sub3A_990 : i32
        %add3A_992 = arith.constant 2 : i32
        %add3A_993 = arith.addi %add3A_992, %mul3A_851 : i32
        %mul3A_994 = arith.constant 514 : i32
        %mul3A_995 = arith.muli %sub3A_991, %mul3A_994 : i32
        %add3A_996 = arith.constant 52428 : i32
        %add3A_997 = arith.addi %add3A_996, %mul3A_995 : i32
        %add3A_998 = arith.addi %add3A_997, %add3A_993 : i32
        %get3A_999 = arith.index_cast %add3A_998 : i32 to index
        %get3A_1000 = tpu.vector_load %arg9[%get3A_999] {strides = array<i32>} : memref<78658xf32, #tpu.memory_space<vmem>>, vector<16xf32>,
        %add3A_1001 = arith.addf %sub3A_942, %get3A_1000 : vector<16xf32>
        %add3A_1002 = arith.constant 1 : i32
        %add3A_1003 = arith.addi %add3A_1002, %mul3A_851 : i32
        %mul3A_1004 = arith.constant 514 : i32
        %mul3A_1005 = arith.muli %scan3A_194, %mul3A_1004 : i32
        %add3A_1006 = arith.constant 52428 : i32
        %add3A_1007 = arith.addi %add3A_1006, %mul3A_1005 : i32
        %add3A_1008 = arith.addi %add3A_1007, %add3A_1003 : i32
        %get3A_1009 = arith.index_cast %add3A_1008 : i32 to index
        %get3A_1010 = tpu.vector_load %arg9[%get3A_1009] {strides = array<i32>} : memref<78658xf32, #tpu.memory_space<vmem>>, vector<16xf32>,
        %add3A_1011 = arith.addf %add3A_1001, %get3A_1010 : vector<16xf32>
        %sub3A_1012 = arith.constant 1 : i32
        %sub3A_1013 = arith.subi %scan3A_194, %sub3A_1012 : i32
        %add3A_1014 = arith.constant 1 : i32
        %add3A_1015 = arith.addi %add3A_1014, %mul3A_851 : i32
        %mul3A_1016 = arith.constant 514 : i32
        %mul3A_1017 = arith.muli %sub3A_1013, %mul3A_1016 : i32
        %add3A_1018 = arith.constant 26214 : i32
        %add3A_1019 = arith.addi %add3A_1018, %mul3A_1017 : i32
        %add3A_1020 = arith.addi %add3A_1019, %add3A_1015 : i32
        %get3A_1021 = arith.index_cast %add3A_1020 : i32 to index
        %get3A_1022 = tpu.vector_load %arg9[%get3A_1021] {strides = array<i32>} : memref<78658xf32, #tpu.memory_space<vmem>>, vector<16xf32>,
        %add3A_1023 = arith.addf %add3A_1011, %get3A_1022 : vector<16xf32>
        %sub3A_1024 = arith.constant 1 : i32
        %sub3A_1025 = arith.subi %scan3A_194, %sub3A_1024 : i32
        %add3A_1026 = arith.constant 2 : i32
        %add3A_1027 = arith.addi %add3A_1026, %mul3A_851 : i32
        %mul3A_1028 = arith.constant 514 : i32
        %mul3A_1029 = arith.muli %sub3A_1025, %mul3A_1028 : i32
        %add3A_1030 = arith.constant 61166 : i32
        %add3A_1031 = arith.addi %add3A_1030, %mul3A_1029 : i32
        %add3A_1032 = arith.addi %add3A_1031, %add3A_1027 : i32
        %get3A_1033 = arith.index_cast %add3A_1032 : i32 to index
        %get3A_1034 = tpu.vector_load %arg9[%get3A_1033] {strides = array<i32>} : memref<78658xf32, #tpu.memory_space<vmem>>, vector<16xf32>,
        %add3A_1035 = arith.addf %sub3A_945, %get3A_1034 : vector<16xf32>
        %add3A_1036 = arith.constant 1 : i32
        %add3A_1037 = arith.addi %add3A_1036, %mul3A_851 : i32
        %mul3A_1038 = arith.constant 514 : i32
        %mul3A_1039 = arith.muli %scan3A_194, %mul3A_1038 : i32
        %add3A_1040 = arith.constant 61166 : i32
        %add3A_1041 = arith.addi %add3A_1040, %mul3A_1039 : i32
        %add3A_1042 = arith.addi %add3A_1041, %add3A_1037 : i32
        %get3A_1043 = arith.index_cast %add3A_1042 : i32 to index
        %get3A_1044 = tpu.vector_load %arg9[%get3A_1043] {strides = array<i32>} : memref<78658xf32, #tpu.memory_space<vmem>>, vector<16xf32>,
        %add3A_1045 = arith.addf %add3A_1035, %get3A_1044 : vector<16xf32>
        %sub3A_1046 = arith.constant 1 : i32
        %sub3A_1047 = arith.subi %scan3A_194, %sub3A_1046 : i32
        %add3A_1048 = arith.constant 1 : i32
        %add3A_1049 = arith.addi %add3A_1048, %mul3A_851 : i32
        %mul3A_1050 = arith.constant 514 : i32
        %mul3A_1051 = arith.muli %sub3A_1047, %mul3A_1050 : i32
        %add3A_1052 = arith.constant 34952 : i32
        %add3A_1053 = arith.addi %add3A_1052, %mul3A_1051 : i32
        %add3A_1054 = arith.addi %add3A_1053, %add3A_1049 : i32
        %get3A_1055 = arith.index_cast %add3A_1054 : i32 to index
        %get3A_1056 = tpu.vector_load %arg9[%get3A_1055] {strides = array<i32>} : memref<78658xf32, #tpu.memory_space<vmem>>, vector<16xf32>,
        %add3A_1057 = arith.addf %add3A_1045, %get3A_1056 : vector<16xf32>
        %sub3A_1058 = arith.constant 1 : i32
        %sub3A_1059 = arith.subi %scan3A_194, %sub3A_1058 : i32
        %add3A_1060 = arith.constant 2 : i32
        %add3A_1061 = arith.addi %add3A_1060, %mul3A_851 : i32
        %mul3A_1062 = arith.constant 514 : i32
        %mul3A_1063 = arith.muli %sub3A_1059, %mul3A_1062 : i32
        %add3A_1064 = arith.constant 69904 : i32
        %add3A_1065 = arith.addi %add3A_1064, %mul3A_1063 : i32
        %add3A_1066 = arith.addi %add3A_1065, %add3A_1061 : i32
        %get3A_1067 = arith.index_cast %add3A_1066 : i32 to index
        %get3A_1068 = tpu.vector_load %arg9[%get3A_1067] {strides = array<i32>} : memref<78658xf32, #tpu.memory_space<vmem>>, vector<16xf32>,
        %add3A_1069 = arith.addf %sub3A_948, %get3A_1068 : vector<16xf32>
        %add3A_1070 = arith.constant 1 : i32
        %add3A_1071 = arith.addi %add3A_1070, %mul3A_851 : i32
        %mul3A_1072 = arith.constant 514 : i32
        %mul3A_1073 = arith.muli %scan3A_194, %mul3A_1072 : i32
        %add3A_1074 = arith.constant 69904 : i32
        %add3A_1075 = arith.addi %add3A_1074, %mul3A_1073 : i32
        %add3A_1076 = arith.addi %add3A_1075, %add3A_1071 : i32
        %get3A_1077 = arith.index_cast %add3A_1076 : i32 to index
        %get3A_1078 = tpu.vector_load %arg9[%get3A_1077] {strides = array<i32>} : memref<78658xf32, #tpu.memory_space<vmem>>, vector<16xf32>,
        %add3A_1079 = arith.addf %add3A_1069, %get3A_1078 : vector<16xf32>
        %sub3A_1080 = arith.constant 1 : i32
        %sub3A_1081 = arith.subi %scan3A_194, %sub3A_1080 : i32
        %add3A_1082 = arith.constant 1 : i32
        %add3A_1083 = arith.addi %add3A_1082, %mul3A_851 : i32
        %mul3A_1084 = arith.constant 514 : i32
        %mul3A_1085 = arith.muli %sub3A_1081, %mul3A_1084 : i32
        %add3A_1086 = arith.constant 43690 : i32
        %add3A_1087 = arith.addi %add3A_1086, %mul3A_1085 : i32
        %add3A_1088 = arith.addi %add3A_1087, %add3A_1083 : i32
        %get3A_1089 = arith.index_cast %add3A_1088 : i32 to index
        %get3A_1090 = tpu.vector_load %arg9[%get3A_1089] {strides = array<i32>} : memref<78658xf32, #tpu.memory_space<vmem>>, vector<16xf32>,
        %add3A_1091 = arith.addf %add3A_1079, %get3A_1090 : vector<16xf32>
        %sub3A_1092 = arith.constant 1 : i32
        %sub3A_1093 = arith.subi %scan3A_194, %sub3A_1092 : i32
        %mul3A_1094 = arith.mulf %add3A_1023, %add3A_1023 : vector<16xf32>
        %mul3A_1095 = arith.mulf %add3A_1057, %add3A_1057 : vector<16xf32>
        %add3A_1096 = arith.addf %mul3A_1094, %mul3A_1095 : vector<16xf32>
        %mul3A_1097 = arith.mulf %add3A_1091, %add3A_1091 : vector<16xf32>
        %add3A_1098 = arith.addf %add3A_1096, %mul3A_1097 : vector<16xf32>
        %max3A_1099 = arith.constant 1.000000e-24 : f32
        %max3A_1100 = vector.broadcast %max3A_1099 : f32 to vector<16xf32>
        %max3A_1101 = arith.maximumf %add3A_1098, %max3A_1100 : vector<16xf32>
        %bitcast_convert_type3A_1102 = tpu.bitcast %max3A_1101 : vector<16xf32> -> vector<16xi32>
        %shift_right_logical3A_1103 = arith.constant 1 : i32
        %shift_right_logical3A_1104 = vector.broadcast %shift_right_logical3A_1103 : i32 to vector<16xi32>
        %shift_right_logical3A_1105 = arith.shrui %bitcast_convert_type3A_1102, %shift_right_logical3A_1104 : vector<16xi32>
        %sub3A_1106 = arith.constant 1597463007 : i32
        %sub3A_1107 = vector.broadcast %sub3A_1106 : i32 to vector<16xi32>
        %sub3A_1108 = arith.subi %sub3A_1107, %shift_right_logical3A_1105 : vector<16xi32>
        %bitcast_convert_type3A_1109 = tpu.bitcast %sub3A_1108 : vector<16xi32> -> vector<16xf32>
        %mul3A_1110 = arith.constant 5.000000e-01 : f32
        %mul3A_1111 = vector.broadcast %mul3A_1110 : f32 to vector<16xf32>
        %mul3A_1112 = arith.mulf %mul3A_1111, %max3A_1101 : vector<16xf32>
        %mul3A_1113 = arith.mulf %mul3A_1112, %bitcast_convert_type3A_1109 : vector<16xf32>
        %mul3A_1114 = arith.mulf %mul3A_1113, %bitcast_convert_type3A_1109 : vector<16xf32>
        %sub3A_1115 = arith.constant 1.500000e+00 : f32
        %sub3A_1116 = vector.broadcast %sub3A_1115 : f32 to vector<16xf32>
        %sub3A_1117 = arith.subf %sub3A_1116, %mul3A_1114 : vector<16xf32>
        %mul3A_1118 = arith.mulf %bitcast_convert_type3A_1109, %sub3A_1117 : vector<16xf32>
        %mul3A_1119 = arith.constant 5.000000e-01 : f32
        %mul3A_1120 = vector.broadcast %mul3A_1119 : f32 to vector<16xf32>
        %mul3A_1121 = arith.mulf %mul3A_1120, %max3A_1101 : vector<16xf32>
        %mul3A_1122 = arith.mulf %mul3A_1121, %mul3A_1118 : vector<16xf32>
        %mul3A_1123 = arith.mulf %mul3A_1122, %mul3A_1118 : vector<16xf32>
        %sub3A_1124 = arith.constant 1.500000e+00 : f32
        %sub3A_1125 = vector.broadcast %sub3A_1124 : f32 to vector<16xf32>
        %sub3A_1126 = arith.subf %sub3A_1125, %mul3A_1123 : vector<16xf32>
        %mul3A_1127 = arith.mulf %mul3A_1118, %sub3A_1126 : vector<16xf32>
        %mul3A_1128 = arith.constant 5.000000e-01 : f32
        %mul3A_1129 = vector.broadcast %mul3A_1128 : f32 to vector<16xf32>
        %mul3A_1130 = arith.mulf %mul3A_1129, %max3A_1101 : vector<16xf32>
        %mul3A_1131 = arith.mulf %mul3A_1130, %mul3A_1127 : vector<16xf32>
        %mul3A_1132 = arith.mulf %mul3A_1131, %mul3A_1127 : vector<16xf32>
        %sub3A_1133 = arith.constant 1.500000e+00 : f32
        %sub3A_1134 = vector.broadcast %sub3A_1133 : f32 to vector<16xf32>
        %sub3A_1135 = arith.subf %sub3A_1134, %mul3A_1132 : vector<16xf32>
        %mul3A_1136 = arith.mulf %mul3A_1127, %sub3A_1135 : vector<16xf32>
        %mul3A_1137 = arith.mulf %add3A_1023, %mul3A_1136 : vector<16xf32>
        %mul3A_1138 = arith.constant 512 : i32
        %mul3A_1139 = arith.muli %sub3A_1093, %mul3A_1138 : i32
        %add3A_1140 = arith.constant 0 : i32
        %add3A_1141 = arith.addi %add3A_1140, %mul3A_1139 : i32
        %add3A_1142 = arith.addi %add3A_1141, %mul3A_851 : i32
        %swap3A_1143 = arith.index_cast %add3A_1142 : i32 to index
        %swap3A_1144 = tpu.vector_load %arg10[%swap3A_1143] {strides = array<i32>} : memref<24576xf32, #tpu.memory_space<vmem>>, vector<16xf32>,
        tpu.vector_store %arg10[%swap3A_1143], %mul3A_1137 {strides = array<i32>} : memref<24576xf32, #tpu.memory_space<vmem>>, vector<16xf32>,
        %mul3A_1145 = arith.mulf %add3A_1057, %mul3A_1136 : vector<16xf32>
        %mul3A_1146 = arith.constant 512 : i32
        %mul3A_1147 = arith.muli %sub3A_1093, %mul3A_1146 : i32
        %add3A_1148 = arith.constant 8192 : i32
        %add3A_1149 = arith.addi %add3A_1148, %mul3A_1147 : i32
        %add3A_1150 = arith.addi %add3A_1149, %mul3A_851 : i32
        %swap3A_1151 = arith.index_cast %add3A_1150 : i32 to index
        %swap3A_1152 = tpu.vector_load %arg10[%swap3A_1151] {strides = array<i32>} : memref<24576xf32, #tpu.memory_space<vmem>>, vector<16xf32>,
        tpu.vector_store %arg10[%swap3A_1151], %mul3A_1145 {strides = array<i32>} : memref<24576xf32, #tpu.memory_space<vmem>>, vector<16xf32>,
        %mul3A_1153 = arith.mulf %add3A_1091, %mul3A_1136 : vector<16xf32>
        %mul3A_1154 = arith.constant 512 : i32
        %mul3A_1155 = arith.muli %sub3A_1093, %mul3A_1154 : i32
        %add3A_1156 = arith.constant 16384 : i32
        %add3A_1157 = arith.addi %add3A_1156, %mul3A_1155 : i32
        %add3A_1158 = arith.addi %add3A_1157, %mul3A_851 : i32
        %swap3A_1159 = arith.index_cast %add3A_1158 : i32 to index
        %swap3A_1160 = tpu.vector_load %arg10[%swap3A_1159] {strides = array<i32>} : memref<24576xf32, #tpu.memory_space<vmem>>, vector<16xf32>,
        tpu.vector_store %arg10[%swap3A_1159], %mul3A_1153 {strides = array<i32>} : memref<24576xf32, #tpu.memory_space<vmem>>, vector<16xf32>,
        %mul3A_1161 = arith.constant 32 : i32
        %mul3A_1162 = arith.muli %scan3A_849, %mul3A_1161 : i32
        %add3A_1163 = arith.constant 16 : i32
        %add3A_1164 = arith.addi %mul3A_1162, %add3A_1163 : i32
        %add3A_1165 = arith.constant 0 : i32
        %add3A_1166 = arith.addi %scan3A_194, %add3A_1165 : i32
        %mul3A_1167 = arith.constant 512 : i32
        %mul3A_1168 = arith.muli %add3A_1166, %mul3A_1167 : i32
        %add3A_1169 = arith.addi %mul3A_1168, %add3A_1164 : i32
        %add3A_1170 = arith.constant 0 : i32
        %add3A_1171 = arith.addi %add3A_1169, %add3A_1170 : i32
        %add3A_1172 = arith.constant 0 : i32
        %add3A_1173 = arith.addi %add3A_1171, %add3A_1172 : i32
        %get3A_1174 = arith.index_cast %add3A_1173 : i32 to index
        %get3A_1175 = tpu.vector_load %arg8[%get3A_1174] {strides = array<i32>} : memref<27648xf32, #tpu.memory_space<vmem>>, vector<16xf32>,
        %add3A_1176 = arith.constant 9216 : i32
        %add3A_1177 = arith.addi %add3A_1171, %add3A_1176 : i32
        %get3A_1178 = arith.index_cast %add3A_1177 : i32 to index
        %get3A_1179 = tpu.vector_load %arg8[%get3A_1178] {strides = array<i32>} : memref<27648xf32, #tpu.memory_space<vmem>>, vector<16xf32>,
        %add3A_1180 = arith.constant 18432 : i32
        %add3A_1181 = arith.addi %add3A_1171, %add3A_1180 : i32
        %get3A_1182 = arith.index_cast %add3A_1181 : i32 to index
        %get3A_1183 = tpu.vector_load %arg8[%get3A_1182] {strides = array<i32>} : memref<27648xf32, #tpu.memory_space<vmem>>, vector<16xf32>,
        %add3A_1184 = arith.constant 0 : i32
        %add3A_1185 = arith.addi %scan3A_194, %add3A_1184 : i32
        %mul3A_1186 = arith.constant 512 : i32
        %mul3A_1187 = arith.muli %add3A_1185, %mul3A_1186 : i32
        %add3A_1188 = arith.addi %mul3A_1187, %add3A_1164 : i32
        %add3A_1189 = arith.constant 1 : i32
        %add3A_1190 = arith.addi %add3A_1188, %add3A_1189 : i32
        %add3A_1191 = arith.constant 0 : i32
        %add3A_1192 = arith.addi %add3A_1190, %add3A_1191 : i32
        %get3A_1193 = arith.index_cast %add3A_1192 : i32 to index
        %get3A_1194 = tpu.vector_load %arg8[%get3A_1193] {strides = array<i32>} : memref<27648xf32, #tpu.memory_space<vmem>>, vector<16xf32>,
        %add3A_1195 = arith.constant 9216 : i32
        %add3A_1196 = arith.addi %add3A_1190, %add3A_1195 : i32
        %get3A_1197 = arith.index_cast %add3A_1196 : i32 to index
        %get3A_1198 = tpu.vector_load %arg8[%get3A_1197] {strides = array<i32>} : memref<27648xf32, #tpu.memory_space<vmem>>, vector<16xf32>,
        %add3A_1199 = arith.constant 18432 : i32
        %add3A_1200 = arith.addi %add3A_1190, %add3A_1199 : i32
        %get3A_1201 = arith.index_cast %add3A_1200 : i32 to index
        %get3A_1202 = tpu.vector_load %arg8[%get3A_1201] {strides = array<i32>} : memref<27648xf32, #tpu.memory_space<vmem>>, vector<16xf32>,
        %add3A_1203 = arith.constant 1 : i32
        %add3A_1204 = arith.addi %scan3A_194, %add3A_1203 : i32
        %mul3A_1205 = arith.constant 512 : i32
        %mul3A_1206 = arith.muli %add3A_1204, %mul3A_1205 : i32
        %add3A_1207 = arith.addi %mul3A_1206, %add3A_1164 : i32
        %add3A_1208 = arith.constant 0 : i32
        %add3A_1209 = arith.addi %add3A_1207, %add3A_1208 : i32
        %add3A_1210 = arith.constant 0 : i32
        %add3A_1211 = arith.addi %add3A_1209, %add3A_1210 : i32
        %get3A_1212 = arith.index_cast %add3A_1211 : i32 to index
        %get3A_1213 = tpu.vector_load %arg8[%get3A_1212] {strides = array<i32>} : memref<27648xf32, #tpu.memory_space<vmem>>, vector<16xf32>,
        %add3A_1214 = arith.constant 9216 : i32
        %add3A_1215 = arith.addi %add3A_1209, %add3A_1214 : i32
        %get3A_1216 = arith.index_cast %add3A_1215 : i32 to index
        %get3A_1217 = tpu.vector_load %arg8[%get3A_1216] {strides = array<i32>} : memref<27648xf32, #tpu.memory_space<vmem>>, vector<16xf32>,
        %add3A_1218 = arith.constant 18432 : i32
        %add3A_1219 = arith.addi %add3A_1209, %add3A_1218 : i32
        %get3A_1220 = arith.index_cast %add3A_1219 : i32 to index
        %get3A_1221 = tpu.vector_load %arg8[%get3A_1220] {strides = array<i32>} : memref<27648xf32, #tpu.memory_space<vmem>>, vector<16xf32>,
        %add3A_1222 = arith.constant 1 : i32
        %add3A_1223 = arith.addi %scan3A_194, %add3A_1222 : i32
        %mul3A_1224 = arith.constant 512 : i32
        %mul3A_1225 = arith.muli %add3A_1223, %mul3A_1224 : i32
        %add3A_1226 = arith.addi %mul3A_1225, %add3A_1164 : i32
        %add3A_1227 = arith.constant 1 : i32
        %add3A_1228 = arith.addi %add3A_1226, %add3A_1227 : i32
        %add3A_1229 = arith.constant 0 : i32
        %add3A_1230 = arith.addi %add3A_1228, %add3A_1229 : i32
        %get3A_1231 = arith.index_cast %add3A_1230 : i32 to index
        %get3A_1232 = tpu.vector_load %arg8[%get3A_1231] {strides = array<i32>} : memref<27648xf32, #tpu.memory_space<vmem>>, vector<16xf32>,
        %add3A_1233 = arith.constant 9216 : i32
        %add3A_1234 = arith.addi %add3A_1228, %add3A_1233 : i32
        %get3A_1235 = arith.index_cast %add3A_1234 : i32 to index
        %get3A_1236 = tpu.vector_load %arg8[%get3A_1235] {strides = array<i32>} : memref<27648xf32, #tpu.memory_space<vmem>>, vector<16xf32>,
        %add3A_1237 = arith.constant 18432 : i32
        %add3A_1238 = arith.addi %add3A_1228, %add3A_1237 : i32
        %get3A_1239 = arith.index_cast %add3A_1238 : i32 to index
        %get3A_1240 = tpu.vector_load %arg8[%get3A_1239] {strides = array<i32>} : memref<27648xf32, #tpu.memory_space<vmem>>, vector<16xf32>,
        %sub3A_1241 = arith.subf %get3A_1213, %get3A_1175 : vector<16xf32>
        %sub3A_1242 = arith.subf %get3A_1217, %get3A_1179 : vector<16xf32>
        %sub3A_1243 = arith.subf %get3A_1221, %get3A_1183 : vector<16xf32>
        %sub3A_1244 = arith.subf %get3A_1194, %get3A_1175 : vector<16xf32>
        %sub3A_1245 = arith.subf %get3A_1198, %get3A_1179 : vector<16xf32>
        %sub3A_1246 = arith.subf %get3A_1202, %get3A_1183 : vector<16xf32>
        %sub3A_1247 = arith.subf %get3A_1213, %get3A_1194 : vector<16xf32>
        %sub3A_1248 = arith.subf %get3A_1217, %get3A_1198 : vector<16xf32>
        %sub3A_1249 = arith.subf %get3A_1221, %get3A_1202 : vector<16xf32>
        %sub3A_1250 = arith.subf %get3A_1232, %get3A_1194 : vector<16xf32>
        %sub3A_1251 = arith.subf %get3A_1236, %get3A_1198 : vector<16xf32>
        %sub3A_1252 = arith.subf %get3A_1240, %get3A_1202 : vector<16xf32>
        %mul3A_1253 = arith.mulf %sub3A_1242, %sub3A_1246 : vector<16xf32>
        %mul3A_1254 = arith.mulf %sub3A_1243, %sub3A_1245 : vector<16xf32>
        %sub3A_1255 = arith.subf %mul3A_1253, %mul3A_1254 : vector<16xf32>
        %mul3A_1256 = arith.mulf %sub3A_1243, %sub3A_1244 : vector<16xf32>
        %mul3A_1257 = arith.mulf %sub3A_1241, %sub3A_1246 : vector<16xf32>
        %sub3A_1258 = arith.subf %mul3A_1256, %mul3A_1257 : vector<16xf32>
        %mul3A_1259 = arith.mulf %sub3A_1241, %sub3A_1245 : vector<16xf32>
        %mul3A_1260 = arith.mulf %sub3A_1242, %sub3A_1244 : vector<16xf32>
        %sub3A_1261 = arith.subf %mul3A_1259, %mul3A_1260 : vector<16xf32>
        %mul3A_1262 = arith.mulf %sub3A_1248, %sub3A_1252 : vector<16xf32>
        %mul3A_1263 = arith.mulf %sub3A_1249, %sub3A_1251 : vector<16xf32>
        %sub3A_1264 = arith.subf %mul3A_1262, %mul3A_1263 : vector<16xf32>
        %mul3A_1265 = arith.mulf %sub3A_1249, %sub3A_1250 : vector<16xf32>
        %mul3A_1266 = arith.mulf %sub3A_1247, %sub3A_1252 : vector<16xf32>
        %sub3A_1267 = arith.subf %mul3A_1265, %mul3A_1266 : vector<16xf32>
        %mul3A_1268 = arith.mulf %sub3A_1247, %sub3A_1251 : vector<16xf32>
        %mul3A_1269 = arith.mulf %sub3A_1248, %sub3A_1250 : vector<16xf32>
        %sub3A_1270 = arith.subf %mul3A_1268, %mul3A_1269 : vector<16xf32>
        %mul3A_1271 = arith.constant 514 : i32
        %mul3A_1272 = arith.muli %scan3A_194, %mul3A_1271 : i32
        %add3A_1273 = arith.constant 2 : i32
        %add3A_1274 = arith.addi %mul3A_1272, %add3A_1273 : i32
        %add3A_1275 = arith.addi %add3A_1274, %add3A_1164 : i32
        %add3A_1276 = arith.constant 26214 : i32
        %add3A_1277 = arith.addi %add3A_1276, %add3A_1275 : i32
        %swap3A_1278 = arith.index_cast %add3A_1277 : i32 to index
        %swap3A_1279 = tpu.vector_load %arg9[%swap3A_1278] {strides = array<i32>} : memref<78658xf32, #tpu.memory_space<vmem>>, vector<16xf32>,
        tpu.vector_store %arg9[%swap3A_1278], %sub3A_1264 {strides = array<i32>} : memref<78658xf32, #tpu.memory_space<vmem>>, vector<16xf32>,
        %add3A_1280 = arith.addf %sub3A_1255, %sub3A_1264 : vector<16xf32>
        %add3A_1281 = arith.constant 52428 : i32
        %add3A_1282 = arith.addi %add3A_1281, %add3A_1275 : i32
        %swap3A_1283 = arith.index_cast %add3A_1282 : i32 to index
        %swap3A_1284 = tpu.vector_load %arg9[%swap3A_1283] {strides = array<i32>} : memref<78658xf32, #tpu.memory_space<vmem>>, vector<16xf32>,
        tpu.vector_store %arg9[%swap3A_1283], %add3A_1280 {strides = array<i32>} : memref<78658xf32, #tpu.memory_space<vmem>>, vector<16xf32>,
        %add3A_1285 = arith.constant 34952 : i32
        %add3A_1286 = arith.addi %add3A_1285, %add3A_1275 : i32
        %swap3A_1287 = arith.index_cast %add3A_1286 : i32 to index
        %swap3A_1288 = tpu.vector_load %arg9[%swap3A_1287] {strides = array<i32>} : memref<78658xf32, #tpu.memory_space<vmem>>, vector<16xf32>,
        tpu.vector_store %arg9[%swap3A_1287], %sub3A_1267 {strides = array<i32>} : memref<78658xf32, #tpu.memory_space<vmem>>, vector<16xf32>,
        %add3A_1289 = arith.addf %sub3A_1258, %sub3A_1267 : vector<16xf32>
        %add3A_1290 = arith.constant 61166 : i32
        %add3A_1291 = arith.addi %add3A_1290, %add3A_1275 : i32
        %swap3A_1292 = arith.index_cast %add3A_1291 : i32 to index
        %swap3A_1293 = tpu.vector_load %arg9[%swap3A_1292] {strides = array<i32>} : memref<78658xf32, #tpu.memory_space<vmem>>, vector<16xf32>,
        tpu.vector_store %arg9[%swap3A_1292], %add3A_1289 {strides = array<i32>} : memref<78658xf32, #tpu.memory_space<vmem>>, vector<16xf32>,
        %add3A_1294 = arith.constant 43690 : i32
        %add3A_1295 = arith.addi %add3A_1294, %add3A_1275 : i32
        %swap3A_1296 = arith.index_cast %add3A_1295 : i32 to index
        %swap3A_1297 = tpu.vector_load %arg9[%swap3A_1296] {strides = array<i32>} : memref<78658xf32, #tpu.memory_space<vmem>>, vector<16xf32>,
        tpu.vector_store %arg9[%swap3A_1296], %sub3A_1270 {strides = array<i32>} : memref<78658xf32, #tpu.memory_space<vmem>>, vector<16xf32>,
        %add3A_1298 = arith.addf %sub3A_1261, %sub3A_1270 : vector<16xf32>
        %add3A_1299 = arith.constant 69904 : i32
        %add3A_1300 = arith.addi %add3A_1299, %add3A_1275 : i32
        %swap3A_1301 = arith.index_cast %add3A_1300 : i32 to index
        %swap3A_1302 = tpu.vector_load %arg9[%swap3A_1301] {strides = array<i32>} : memref<78658xf32, #tpu.memory_space<vmem>>, vector<16xf32>,
        tpu.vector_store %arg9[%swap3A_1301], %add3A_1298 {strides = array<i32>} : memref<78658xf32, #tpu.memory_space<vmem>>, vector<16xf32>,
        %sub3A_1303 = arith.constant 1 : i32
        %sub3A_1304 = arith.subi %scan3A_194, %sub3A_1303 : i32
        %add3A_1305 = arith.constant 2 : i32
        %add3A_1306 = arith.addi %add3A_1305, %add3A_1164 : i32
        %mul3A_1307 = arith.constant 514 : i32
        %mul3A_1308 = arith.muli %sub3A_1304, %mul3A_1307 : i32
        %add3A_1309 = arith.constant 52428 : i32
        %add3A_1310 = arith.addi %add3A_1309, %mul3A_1308 : i32
        %add3A_1311 = arith.addi %add3A_1310, %add3A_1306 : i32
        %get3A_1312 = arith.index_cast %add3A_1311 : i32 to index
        %get3A_1313 = tpu.vector_load %arg9[%get3A_1312] {strides = array<i32>} : memref<78658xf32, #tpu.memory_space<vmem>>, vector<16xf32>,
        %add3A_1314 = arith.addf %sub3A_1255, %get3A_1313 : vector<16xf32>
        %add3A_1315 = arith.constant 1 : i32
        %add3A_1316 = arith.addi %add3A_1315, %add3A_1164 : i32
        %mul3A_1317 = arith.constant 514 : i32
        %mul3A_1318 = arith.muli %scan3A_194, %mul3A_1317 : i32
        %add3A_1319 = arith.constant 52428 : i32
        %add3A_1320 = arith.addi %add3A_1319, %mul3A_1318 : i32
        %add3A_1321 = arith.addi %add3A_1320, %add3A_1316 : i32
        %get3A_1322 = arith.index_cast %add3A_1321 : i32 to index
        %get3A_1323 = tpu.vector_load %arg9[%get3A_1322] {strides = array<i32>} : memref<78658xf32, #tpu.memory_space<vmem>>, vector<16xf32>,
        %add3A_1324 = arith.addf %add3A_1314, %get3A_1323 : vector<16xf32>
        %sub3A_1325 = arith.constant 1 : i32
        %sub3A_1326 = arith.subi %scan3A_194, %sub3A_1325 : i32
        %add3A_1327 = arith.constant 1 : i32
        %add3A_1328 = arith.addi %add3A_1327, %add3A_1164 : i32
        %mul3A_1329 = arith.constant 514 : i32
        %mul3A_1330 = arith.muli %sub3A_1326, %mul3A_1329 : i32
        %add3A_1331 = arith.constant 26214 : i32
        %add3A_1332 = arith.addi %add3A_1331, %mul3A_1330 : i32
        %add3A_1333 = arith.addi %add3A_1332, %add3A_1328 : i32
        %get3A_1334 = arith.index_cast %add3A_1333 : i32 to index
        %get3A_1335 = tpu.vector_load %arg9[%get3A_1334] {strides = array<i32>} : memref<78658xf32, #tpu.memory_space<vmem>>, vector<16xf32>,
        %add3A_1336 = arith.addf %add3A_1324, %get3A_1335 : vector<16xf32>
        %sub3A_1337 = arith.constant 1 : i32
        %sub3A_1338 = arith.subi %scan3A_194, %sub3A_1337 : i32
        %add3A_1339 = arith.constant 2 : i32
        %add3A_1340 = arith.addi %add3A_1339, %add3A_1164 : i32
        %mul3A_1341 = arith.constant 514 : i32
        %mul3A_1342 = arith.muli %sub3A_1338, %mul3A_1341 : i32
        %add3A_1343 = arith.constant 61166 : i32
        %add3A_1344 = arith.addi %add3A_1343, %mul3A_1342 : i32
        %add3A_1345 = arith.addi %add3A_1344, %add3A_1340 : i32
        %get3A_1346 = arith.index_cast %add3A_1345 : i32 to index
        %get3A_1347 = tpu.vector_load %arg9[%get3A_1346] {strides = array<i32>} : memref<78658xf32, #tpu.memory_space<vmem>>, vector<16xf32>,
        %add3A_1348 = arith.addf %sub3A_1258, %get3A_1347 : vector<16xf32>
        %add3A_1349 = arith.constant 1 : i32
        %add3A_1350 = arith.addi %add3A_1349, %add3A_1164 : i32
        %mul3A_1351 = arith.constant 514 : i32
        %mul3A_1352 = arith.muli %scan3A_194, %mul3A_1351 : i32
        %add3A_1353 = arith.constant 61166 : i32
        %add3A_1354 = arith.addi %add3A_1353, %mul3A_1352 : i32
        %add3A_1355 = arith.addi %add3A_1354, %add3A_1350 : i32
        %get3A_1356 = arith.index_cast %add3A_1355 : i32 to index
        %get3A_1357 = tpu.vector_load %arg9[%get3A_1356] {strides = array<i32>} : memref<78658xf32, #tpu.memory_space<vmem>>, vector<16xf32>,
        %add3A_1358 = arith.addf %add3A_1348, %get3A_1357 : vector<16xf32>
        %sub3A_1359 = arith.constant 1 : i32
        %sub3A_1360 = arith.subi %scan3A_194, %sub3A_1359 : i32
        %add3A_1361 = arith.constant 1 : i32
        %add3A_1362 = arith.addi %add3A_1361, %add3A_1164 : i32
        %mul3A_1363 = arith.constant 514 : i32
        %mul3A_1364 = arith.muli %sub3A_1360, %mul3A_1363 : i32
        %add3A_1365 = arith.constant 34952 : i32
        %add3A_1366 = arith.addi %add3A_1365, %mul3A_1364 : i32
        %add3A_1367 = arith.addi %add3A_1366, %add3A_1362 : i32
        %get3A_1368 = arith.index_cast %add3A_1367 : i32 to index
        %get3A_1369 = tpu.vector_load %arg9[%get3A_1368] {strides = array<i32>} : memref<78658xf32, #tpu.memory_space<vmem>>, vector<16xf32>,
        %add3A_1370 = arith.addf %add3A_1358, %get3A_1369 : vector<16xf32>
        %sub3A_1371 = arith.constant 1 : i32
        %sub3A_1372 = arith.subi %scan3A_194, %sub3A_1371 : i32
        %add3A_1373 = arith.constant 2 : i32
        %add3A_1374 = arith.addi %add3A_1373, %add3A_1164 : i32
        %mul3A_1375 = arith.constant 514 : i32
        %mul3A_1376 = arith.muli %sub3A_1372, %mul3A_1375 : i32
        %add3A_1377 = arith.constant 69904 : i32
        %add3A_1378 = arith.addi %add3A_1377, %mul3A_1376 : i32
        %add3A_1379 = arith.addi %add3A_1378, %add3A_1374 : i32
        %get3A_1380 = arith.index_cast %add3A_1379 : i32 to index
        %get3A_1381 = tpu.vector_load %arg9[%get3A_1380] {strides = array<i32>} : memref<78658xf32, #tpu.memory_space<vmem>>, vector<16xf32>,
        %add3A_1382 = arith.addf %sub3A_1261, %get3A_1381 : vector<16xf32>
        %add3A_1383 = arith.constant 1 : i32
        %add3A_1384 = arith.addi %add3A_1383, %add3A_1164 : i32
        %mul3A_1385 = arith.constant 514 : i32
        %mul3A_1386 = arith.muli %scan3A_194, %mul3A_1385 : i32
        %add3A_1387 = arith.constant 69904 : i32
        %add3A_1388 = arith.addi %add3A_1387, %mul3A_1386 : i32
        %add3A_1389 = arith.addi %add3A_1388, %add3A_1384 : i32
        %get3A_1390 = arith.index_cast %add3A_1389 : i32 to index
        %get3A_1391 = tpu.vector_load %arg9[%get3A_1390] {strides = array<i32>} : memref<78658xf32, #tpu.memory_space<vmem>>, vector<16xf32>,
        %add3A_1392 = arith.addf %add3A_1382, %get3A_1391 : vector<16xf32>
        %sub3A_1393 = arith.constant 1 : i32
        %sub3A_1394 = arith.subi %scan3A_194, %sub3A_1393 : i32
        %add3A_1395 = arith.constant 1 : i32
        %add3A_1396 = arith.addi %add3A_1395, %add3A_1164 : i32
        %mul3A_1397 = arith.constant 514 : i32
        %mul3A_1398 = arith.muli %sub3A_1394, %mul3A_1397 : i32
        %add3A_1399 = arith.constant 43690 : i32
        %add3A_1400 = arith.addi %add3A_1399, %mul3A_1398 : i32
        %add3A_1401 = arith.addi %add3A_1400, %add3A_1396 : i32
        %get3A_1402 = arith.index_cast %add3A_1401 : i32 to index
        %get3A_1403 = tpu.vector_load %arg9[%get3A_1402] {strides = array<i32>} : memref<78658xf32, #tpu.memory_space<vmem>>, vector<16xf32>,
        %add3A_1404 = arith.addf %add3A_1392, %get3A_1403 : vector<16xf32>
        %sub3A_1405 = arith.constant 1 : i32
        %sub3A_1406 = arith.subi %scan3A_194, %sub3A_1405 : i32
        %mul3A_1407 = arith.mulf %add3A_1336, %add3A_1336 : vector<16xf32>
        %mul3A_1408 = arith.mulf %add3A_1370, %add3A_1370 : vector<16xf32>
        %add3A_1409 = arith.addf %mul3A_1407, %mul3A_1408 : vector<16xf32>
        %mul3A_1410 = arith.mulf %add3A_1404, %add3A_1404 : vector<16xf32>
        %add3A_1411 = arith.addf %add3A_1409, %mul3A_1410 : vector<16xf32>
        %max3A_1412 = arith.constant 1.000000e-24 : f32
        %max3A_1413 = vector.broadcast %max3A_1412 : f32 to vector<16xf32>
        %max3A_1414 = arith.maximumf %add3A_1411, %max3A_1413 : vector<16xf32>
        %bitcast_convert_type3A_1415 = tpu.bitcast %max3A_1414 : vector<16xf32> -> vector<16xi32>
        %shift_right_logical3A_1416 = arith.constant 1 : i32
        %shift_right_logical3A_1417 = vector.broadcast %shift_right_logical3A_1416 : i32 to vector<16xi32>
        %shift_right_logical3A_1418 = arith.shrui %bitcast_convert_type3A_1415, %shift_right_logical3A_1417 : vector<16xi32>
        %sub3A_1419 = arith.constant 1597463007 : i32
        %sub3A_1420 = vector.broadcast %sub3A_1419 : i32 to vector<16xi32>
        %sub3A_1421 = arith.subi %sub3A_1420, %shift_right_logical3A_1418 : vector<16xi32>
        %bitcast_convert_type3A_1422 = tpu.bitcast %sub3A_1421 : vector<16xi32> -> vector<16xf32>
        %mul3A_1423 = arith.constant 5.000000e-01 : f32
        %mul3A_1424 = vector.broadcast %mul3A_1423 : f32 to vector<16xf32>
        %mul3A_1425 = arith.mulf %mul3A_1424, %max3A_1414 : vector<16xf32>
        %mul3A_1426 = arith.mulf %mul3A_1425, %bitcast_convert_type3A_1422 : vector<16xf32>
        %mul3A_1427 = arith.mulf %mul3A_1426, %bitcast_convert_type3A_1422 : vector<16xf32>
        %sub3A_1428 = arith.constant 1.500000e+00 : f32
        %sub3A_1429 = vector.broadcast %sub3A_1428 : f32 to vector<16xf32>
        %sub3A_1430 = arith.subf %sub3A_1429, %mul3A_1427 : vector<16xf32>
        %mul3A_1431 = arith.mulf %bitcast_convert_type3A_1422, %sub3A_1430 : vector<16xf32>
        %mul3A_1432 = arith.constant 5.000000e-01 : f32
        %mul3A_1433 = vector.broadcast %mul3A_1432 : f32 to vector<16xf32>
        %mul3A_1434 = arith.mulf %mul3A_1433, %max3A_1414 : vector<16xf32>
        %mul3A_1435 = arith.mulf %mul3A_1434, %mul3A_1431 : vector<16xf32>
        %mul3A_1436 = arith.mulf %mul3A_1435, %mul3A_1431 : vector<16xf32>
        %sub3A_1437 = arith.constant 1.500000e+00 : f32
        %sub3A_1438 = vector.broadcast %sub3A_1437 : f32 to vector<16xf32>
        %sub3A_1439 = arith.subf %sub3A_1438, %mul3A_1436 : vector<16xf32>
        %mul3A_1440 = arith.mulf %mul3A_1431, %sub3A_1439 : vector<16xf32>
        %mul3A_1441 = arith.constant 5.000000e-01 : f32
        %mul3A_1442 = vector.broadcast %mul3A_1441 : f32 to vector<16xf32>
        %mul3A_1443 = arith.mulf %mul3A_1442, %max3A_1414 : vector<16xf32>
        %mul3A_1444 = arith.mulf %mul3A_1443, %mul3A_1440 : vector<16xf32>
        %mul3A_1445 = arith.mulf %mul3A_1444, %mul3A_1440 : vector<16xf32>
        %sub3A_1446 = arith.constant 1.500000e+00 : f32
        %sub3A_1447 = vector.broadcast %sub3A_1446 : f32 to vector<16xf32>
        %sub3A_1448 = arith.subf %sub3A_1447, %mul3A_1445 : vector<16xf32>
        %mul3A_1449 = arith.mulf %mul3A_1440, %sub3A_1448 : vector<16xf32>
        %mul3A_1450 = arith.mulf %add3A_1336, %mul3A_1449 : vector<16xf32>
        %mul3A_1451 = arith.constant 512 : i32
        %mul3A_1452 = arith.muli %sub3A_1406, %mul3A_1451 : i32
        %add3A_1453 = arith.constant 0 : i32
        %add3A_1454 = arith.addi %add3A_1453, %mul3A_1452 : i32
        %add3A_1455 = arith.addi %add3A_1454, %add3A_1164 : i32
        %swap3A_1456 = arith.index_cast %add3A_1455 : i32 to index
        %swap3A_1457 = tpu.vector_load %arg10[%swap3A_1456] {strides = array<i32>} : memref<24576xf32, #tpu.memory_space<vmem>>, vector<16xf32>,
        tpu.vector_store %arg10[%swap3A_1456], %mul3A_1450 {strides = array<i32>} : memref<24576xf32, #tpu.memory_space<vmem>>, vector<16xf32>,
        %mul3A_1458 = arith.mulf %add3A_1370, %mul3A_1449 : vector<16xf32>
        %mul3A_1459 = arith.constant 512 : i32
        %mul3A_1460 = arith.muli %sub3A_1406, %mul3A_1459 : i32
        %add3A_1461 = arith.constant 8192 : i32
        %add3A_1462 = arith.addi %add3A_1461, %mul3A_1460 : i32
        %add3A_1463 = arith.addi %add3A_1462, %add3A_1164 : i32
        %swap3A_1464 = arith.index_cast %add3A_1463 : i32 to index
        %swap3A_1465 = tpu.vector_load %arg10[%swap3A_1464] {strides = array<i32>} : memref<24576xf32, #tpu.memory_space<vmem>>, vector<16xf32>,
        tpu.vector_store %arg10[%swap3A_1464], %mul3A_1458 {strides = array<i32>} : memref<24576xf32, #tpu.memory_space<vmem>>, vector<16xf32>,
        %mul3A_1466 = arith.mulf %add3A_1404, %mul3A_1449 : vector<16xf32>
        %mul3A_1467 = arith.constant 512 : i32
        %mul3A_1468 = arith.muli %sub3A_1406, %mul3A_1467 : i32
        %add3A_1469 = arith.constant 16384 : i32
        %add3A_1470 = arith.addi %add3A_1469, %mul3A_1468 : i32
        %add3A_1471 = arith.addi %add3A_1470, %add3A_1164 : i32
        %swap3A_1472 = arith.index_cast %add3A_1471 : i32 to index
        %swap3A_1473 = tpu.vector_load %arg10[%swap3A_1472] {strides = array<i32>} : memref<24576xf32, #tpu.memory_space<vmem>>, vector<16xf32>,
        tpu.vector_store %arg10[%swap3A_1472], %mul3A_1466 {strides = array<i32>} : memref<24576xf32, #tpu.memory_space<vmem>>, vector<16xf32>,
      }
      %scan3A_200 = arith.constant 15 : i32
      %add3A_201 = arith.constant 0 : i32
      %add3A_202 = arith.addi %scan3A_194, %add3A_201 : i32
      %mul3A_203 = arith.constant 512 : i32
      %mul3A_204 = arith.muli %add3A_202, %mul3A_203 : i32
      %add3A_205 = arith.constant 480 : i32
      %add3A_206 = arith.addi %mul3A_204, %add3A_205 : i32
      %add3A_207 = arith.constant 0 : i32
      %add3A_208 = arith.addi %add3A_206, %add3A_207 : i32
      %add3A_209 = arith.constant 0 : i32
      %add3A_210 = arith.addi %add3A_208, %add3A_209 : i32
      %get3A = arith.index_cast %add3A_210 : i32 to index
      %get3A_211 = tpu.vector_load %arg8[%get3A] {strides = array<i32>} : memref<27648xf32, #tpu.memory_space<vmem>>, vector<16xf32>,
      %add3A_212 = arith.constant 9216 : i32
      %add3A_213 = arith.addi %add3A_208, %add3A_212 : i32
      %get3A_214 = arith.index_cast %add3A_213 : i32 to index
      %get3A_215 = tpu.vector_load %arg8[%get3A_214] {strides = array<i32>} : memref<27648xf32, #tpu.memory_space<vmem>>, vector<16xf32>,
      %add3A_216 = arith.constant 18432 : i32
      %add3A_217 = arith.addi %add3A_208, %add3A_216 : i32
      %get3A_218 = arith.index_cast %add3A_217 : i32 to index
      %get3A_219 = tpu.vector_load %arg8[%get3A_218] {strides = array<i32>} : memref<27648xf32, #tpu.memory_space<vmem>>, vector<16xf32>,
      %add3A_220 = arith.constant 0 : i32
      %add3A_221 = arith.addi %scan3A_194, %add3A_220 : i32
      %mul3A_222 = arith.constant 512 : i32
      %mul3A_223 = arith.muli %add3A_221, %mul3A_222 : i32
      %add3A_224 = arith.constant 480 : i32
      %add3A_225 = arith.addi %mul3A_223, %add3A_224 : i32
      %add3A_226 = arith.constant 1 : i32
      %add3A_227 = arith.addi %add3A_225, %add3A_226 : i32
      %add3A_228 = arith.constant 0 : i32
      %add3A_229 = arith.addi %add3A_227, %add3A_228 : i32
      %get3A_230 = arith.index_cast %add3A_229 : i32 to index
      %get3A_231 = tpu.vector_load %arg8[%get3A_230] {strides = array<i32>} : memref<27648xf32, #tpu.memory_space<vmem>>, vector<16xf32>,
      %add3A_232 = arith.constant 9216 : i32
      %add3A_233 = arith.addi %add3A_227, %add3A_232 : i32
      %get3A_234 = arith.index_cast %add3A_233 : i32 to index
      %get3A_235 = tpu.vector_load %arg8[%get3A_234] {strides = array<i32>} : memref<27648xf32, #tpu.memory_space<vmem>>, vector<16xf32>,
      %add3A_236 = arith.constant 18432 : i32
      %add3A_237 = arith.addi %add3A_227, %add3A_236 : i32
      %get3A_238 = arith.index_cast %add3A_237 : i32 to index
      %get3A_239 = tpu.vector_load %arg8[%get3A_238] {strides = array<i32>} : memref<27648xf32, #tpu.memory_space<vmem>>, vector<16xf32>,
      %add3A_240 = arith.constant 1 : i32
      %add3A_241 = arith.addi %scan3A_194, %add3A_240 : i32
      %mul3A_242 = arith.constant 512 : i32
      %mul3A_243 = arith.muli %add3A_241, %mul3A_242 : i32
      %add3A_244 = arith.constant 480 : i32
      %add3A_245 = arith.addi %mul3A_243, %add3A_244 : i32
      %add3A_246 = arith.constant 0 : i32
      %add3A_247 = arith.addi %add3A_245, %add3A_246 : i32
      %add3A_248 = arith.constant 0 : i32
      %add3A_249 = arith.addi %add3A_247, %add3A_248 : i32
      %get3A_250 = arith.index_cast %add3A_249 : i32 to index
      %get3A_251 = tpu.vector_load %arg8[%get3A_250] {strides = array<i32>} : memref<27648xf32, #tpu.memory_space<vmem>>, vector<16xf32>,
      %add3A_252 = arith.constant 9216 : i32
      %add3A_253 = arith.addi %add3A_247, %add3A_252 : i32
      %get3A_254 = arith.index_cast %add3A_253 : i32 to index
      %get3A_255 = tpu.vector_load %arg8[%get3A_254] {strides = array<i32>} : memref<27648xf32, #tpu.memory_space<vmem>>, vector<16xf32>,
      %add3A_256 = arith.constant 18432 : i32
      %add3A_257 = arith.addi %add3A_247, %add3A_256 : i32
      %get3A_258 = arith.index_cast %add3A_257 : i32 to index
      %get3A_259 = tpu.vector_load %arg8[%get3A_258] {strides = array<i32>} : memref<27648xf32, #tpu.memory_space<vmem>>, vector<16xf32>,
      %add3A_260 = arith.constant 1 : i32
      %add3A_261 = arith.addi %scan3A_194, %add3A_260 : i32
      %mul3A_262 = arith.constant 512 : i32
      %mul3A_263 = arith.muli %add3A_261, %mul3A_262 : i32
      %add3A_264 = arith.constant 480 : i32
      %add3A_265 = arith.addi %mul3A_263, %add3A_264 : i32
      %add3A_266 = arith.constant 1 : i32
      %add3A_267 = arith.addi %add3A_265, %add3A_266 : i32
      %add3A_268 = arith.constant 0 : i32
      %add3A_269 = arith.addi %add3A_267, %add3A_268 : i32
      %get3A_270 = arith.index_cast %add3A_269 : i32 to index
      %get3A_271 = tpu.vector_load %arg8[%get3A_270] {strides = array<i32>} : memref<27648xf32, #tpu.memory_space<vmem>>, vector<16xf32>,
      %add3A_272 = arith.constant 9216 : i32
      %add3A_273 = arith.addi %add3A_267, %add3A_272 : i32
      %get3A_274 = arith.index_cast %add3A_273 : i32 to index
      %get3A_275 = tpu.vector_load %arg8[%get3A_274] {strides = array<i32>} : memref<27648xf32, #tpu.memory_space<vmem>>, vector<16xf32>,
      %add3A_276 = arith.constant 18432 : i32
      %add3A_277 = arith.addi %add3A_267, %add3A_276 : i32
      %get3A_278 = arith.index_cast %add3A_277 : i32 to index
      %get3A_279 = tpu.vector_load %arg8[%get3A_278] {strides = array<i32>} : memref<27648xf32, #tpu.memory_space<vmem>>, vector<16xf32>,
      %sub3A_280 = arith.subf %get3A_251, %get3A_211 : vector<16xf32>
      %sub3A_281 = arith.subf %get3A_255, %get3A_215 : vector<16xf32>
      %sub3A_282 = arith.subf %get3A_259, %get3A_219 : vector<16xf32>
      %sub3A_283 = arith.subf %get3A_231, %get3A_211 : vector<16xf32>
      %sub3A_284 = arith.subf %get3A_235, %get3A_215 : vector<16xf32>
      %sub3A_285 = arith.subf %get3A_239, %get3A_219 : vector<16xf32>
      %sub3A_286 = arith.subf %get3A_251, %get3A_231 : vector<16xf32>
      %sub3A_287 = arith.subf %get3A_255, %get3A_235 : vector<16xf32>
      %sub3A_288 = arith.subf %get3A_259, %get3A_239 : vector<16xf32>
      %sub3A_289 = arith.subf %get3A_271, %get3A_231 : vector<16xf32>
      %sub3A_290 = arith.subf %get3A_275, %get3A_235 : vector<16xf32>
      %sub3A_291 = arith.subf %get3A_279, %get3A_239 : vector<16xf32>
      %mul3A_292 = arith.mulf %sub3A_281, %sub3A_285 : vector<16xf32>
      %mul3A_293 = arith.mulf %sub3A_282, %sub3A_284 : vector<16xf32>
      %sub3A_294 = arith.subf %mul3A_292, %mul3A_293 : vector<16xf32>
      %mul3A_295 = arith.mulf %sub3A_282, %sub3A_283 : vector<16xf32>
      %mul3A_296 = arith.mulf %sub3A_280, %sub3A_285 : vector<16xf32>
      %sub3A_297 = arith.subf %mul3A_295, %mul3A_296 : vector<16xf32>
      %mul3A_298 = arith.mulf %sub3A_280, %sub3A_284 : vector<16xf32>
      %mul3A_299 = arith.mulf %sub3A_281, %sub3A_283 : vector<16xf32>
      %sub3A_300 = arith.subf %mul3A_298, %mul3A_299 : vector<16xf32>
      %mul3A_301 = arith.mulf %sub3A_287, %sub3A_291 : vector<16xf32>
      %mul3A_302 = arith.mulf %sub3A_288, %sub3A_290 : vector<16xf32>
      %sub3A_303 = arith.subf %mul3A_301, %mul3A_302 : vector<16xf32>
      %mul3A_304 = arith.mulf %sub3A_288, %sub3A_289 : vector<16xf32>
      %mul3A_305 = arith.mulf %sub3A_286, %sub3A_291 : vector<16xf32>
      %sub3A_306 = arith.subf %mul3A_304, %mul3A_305 : vector<16xf32>
      %mul3A_307 = arith.mulf %sub3A_286, %sub3A_290 : vector<16xf32>
      %mul3A_308 = arith.mulf %sub3A_287, %sub3A_289 : vector<16xf32>
      %sub3A_309 = arith.subf %mul3A_307, %mul3A_308 : vector<16xf32>
      %mul3A_310 = arith.constant 514 : i32
      %mul3A_311 = arith.muli %scan3A_194, %mul3A_310 : i32
      %add3A_312 = arith.constant 2 : i32
      %add3A_313 = arith.addi %mul3A_311, %add3A_312 : i32
      %add3A_314 = arith.constant 480 : i32
      %add3A_315 = arith.addi %add3A_313, %add3A_314 : i32
      %add3A_316 = arith.constant 26214 : i32
      %add3A_317 = arith.addi %add3A_316, %add3A_315 : i32
      %swap3A = arith.index_cast %add3A_317 : i32 to index
      %swap3A_318 = tpu.vector_load %arg9[%swap3A] {strides = array<i32>} : memref<78658xf32, #tpu.memory_space<vmem>>, vector<16xf32>,
      tpu.vector_store %arg9[%swap3A], %sub3A_303 {strides = array<i32>} : memref<78658xf32, #tpu.memory_space<vmem>>, vector<16xf32>,
      %add3A_319 = arith.addf %sub3A_294, %sub3A_303 : vector<16xf32>
      %add3A_320 = arith.constant 52428 : i32
      %add3A_321 = arith.addi %add3A_320, %add3A_315 : i32
      %swap3A_322 = arith.index_cast %add3A_321 : i32 to index
      %swap3A_323 = tpu.vector_load %arg9[%swap3A_322] {strides = array<i32>} : memref<78658xf32, #tpu.memory_space<vmem>>, vector<16xf32>,
      tpu.vector_store %arg9[%swap3A_322], %add3A_319 {strides = array<i32>} : memref<78658xf32, #tpu.memory_space<vmem>>, vector<16xf32>,
      %add3A_324 = arith.constant 34952 : i32
      %add3A_325 = arith.addi %add3A_324, %add3A_315 : i32
      %swap3A_326 = arith.index_cast %add3A_325 : i32 to index
      %swap3A_327 = tpu.vector_load %arg9[%swap3A_326] {strides = array<i32>} : memref<78658xf32, #tpu.memory_space<vmem>>, vector<16xf32>,
      tpu.vector_store %arg9[%swap3A_326], %sub3A_306 {strides = array<i32>} : memref<78658xf32, #tpu.memory_space<vmem>>, vector<16xf32>,
      %add3A_328 = arith.addf %sub3A_297, %sub3A_306 : vector<16xf32>
      %add3A_329 = arith.constant 61166 : i32
      %add3A_330 = arith.addi %add3A_329, %add3A_315 : i32
      %swap3A_331 = arith.index_cast %add3A_330 : i32 to index
      %swap3A_332 = tpu.vector_load %arg9[%swap3A_331] {strides = array<i32>} : memref<78658xf32, #tpu.memory_space<vmem>>, vector<16xf32>,
      tpu.vector_store %arg9[%swap3A_331], %add3A_328 {strides = array<i32>} : memref<78658xf32, #tpu.memory_space<vmem>>, vector<16xf32>,
      %add3A_333 = arith.constant 43690 : i32
      %add3A_334 = arith.addi %add3A_333, %add3A_315 : i32
      %swap3A_335 = arith.index_cast %add3A_334 : i32 to index
      %swap3A_336 = tpu.vector_load %arg9[%swap3A_335] {strides = array<i32>} : memref<78658xf32, #tpu.memory_space<vmem>>, vector<16xf32>,
      tpu.vector_store %arg9[%swap3A_335], %sub3A_309 {strides = array<i32>} : memref<78658xf32, #tpu.memory_space<vmem>>, vector<16xf32>,
      %add3A_337 = arith.addf %sub3A_300, %sub3A_309 : vector<16xf32>
      %add3A_338 = arith.constant 69904 : i32
      %add3A_339 = arith.addi %add3A_338, %add3A_315 : i32
      %swap3A_340 = arith.index_cast %add3A_339 : i32 to index
      %swap3A_341 = tpu.vector_load %arg9[%swap3A_340] {strides = array<i32>} : memref<78658xf32, #tpu.memory_space<vmem>>, vector<16xf32>,
      tpu.vector_store %arg9[%swap3A_340], %add3A_337 {strides = array<i32>} : memref<78658xf32, #tpu.memory_space<vmem>>, vector<16xf32>,
      %sub3A_342 = arith.constant 1 : i32
      %sub3A_343 = arith.subi %scan3A_194, %sub3A_342 : i32
      %mul3A_344 = arith.constant 514 : i32
      %mul3A_345 = arith.muli %sub3A_343, %mul3A_344 : i32
      %add3A_346 = arith.constant 52428 : i32
      %add3A_347 = arith.addi %add3A_346, %mul3A_345 : i32
      %add3A_348 = arith.constant 482 : i32
      %add3A_349 = arith.addi %add3A_347, %add3A_348 : i32
      %get3A_350 = arith.index_cast %add3A_349 : i32 to index
      %get3A_351 = tpu.vector_load %arg9[%get3A_350] {strides = array<i32>} : memref<78658xf32, #tpu.memory_space<vmem>>, vector<16xf32>,
      %add3A_352 = arith.addf %sub3A_294, %get3A_351 : vector<16xf32>
      %mul3A_353 = arith.constant 514 : i32
      %mul3A_354 = arith.muli %scan3A_194, %mul3A_353 : i32
      %add3A_355 = arith.constant 52428 : i32
      %add3A_356 = arith.addi %add3A_355, %mul3A_354 : i32
      %add3A_357 = arith.constant 481 : i32
      %add3A_358 = arith.addi %add3A_356, %add3A_357 : i32
      %get3A_359 = arith.index_cast %add3A_358 : i32 to index
      %get3A_360 = tpu.vector_load %arg9[%get3A_359] {strides = array<i32>} : memref<78658xf32, #tpu.memory_space<vmem>>, vector<16xf32>,
      %add3A_361 = arith.addf %add3A_352, %get3A_360 : vector<16xf32>
      %sub3A_362 = arith.constant 1 : i32
      %sub3A_363 = arith.subi %scan3A_194, %sub3A_362 : i32
      %mul3A_364 = arith.constant 514 : i32
      %mul3A_365 = arith.muli %sub3A_363, %mul3A_364 : i32
      %add3A_366 = arith.constant 26214 : i32
      %add3A_367 = arith.addi %add3A_366, %mul3A_365 : i32
      %add3A_368 = arith.constant 481 : i32
      %add3A_369 = arith.addi %add3A_367, %add3A_368 : i32
      %get3A_370 = arith.index_cast %add3A_369 : i32 to index
      %get3A_371 = tpu.vector_load %arg9[%get3A_370] {strides = array<i32>} : memref<78658xf32, #tpu.memory_space<vmem>>, vector<16xf32>,
      %add3A_372 = arith.addf %add3A_361, %get3A_371 : vector<16xf32>
      %sub3A_373 = arith.constant 1 : i32
      %sub3A_374 = arith.subi %scan3A_194, %sub3A_373 : i32
      %mul3A_375 = arith.constant 514 : i32
      %mul3A_376 = arith.muli %sub3A_374, %mul3A_375 : i32
      %add3A_377 = arith.constant 61166 : i32
      %add3A_378 = arith.addi %add3A_377, %mul3A_376 : i32
      %add3A_379 = arith.constant 482 : i32
      %add3A_380 = arith.addi %add3A_378, %add3A_379 : i32
      %get3A_381 = arith.index_cast %add3A_380 : i32 to index
      %get3A_382 = tpu.vector_load %arg9[%get3A_381] {strides = array<i32>} : memref<78658xf32, #tpu.memory_space<vmem>>, vector<16xf32>,
      %add3A_383 = arith.addf %sub3A_297, %get3A_382 : vector<16xf32>
      %mul3A_384 = arith.constant 514 : i32
      %mul3A_385 = arith.muli %scan3A_194, %mul3A_384 : i32
      %add3A_386 = arith.constant 61166 : i32
      %add3A_387 = arith.addi %add3A_386, %mul3A_385 : i32
      %add3A_388 = arith.constant 481 : i32
      %add3A_389 = arith.addi %add3A_387, %add3A_388 : i32
      %get3A_390 = arith.index_cast %add3A_389 : i32 to index
      %get3A_391 = tpu.vector_load %arg9[%get3A_390] {strides = array<i32>} : memref<78658xf32, #tpu.memory_space<vmem>>, vector<16xf32>,
      %add3A_392 = arith.addf %add3A_383, %get3A_391 : vector<16xf32>
      %sub3A_393 = arith.constant 1 : i32
      %sub3A_394 = arith.subi %scan3A_194, %sub3A_393 : i32
      %mul3A_395 = arith.constant 514 : i32
      %mul3A_396 = arith.muli %sub3A_394, %mul3A_395 : i32
      %add3A_397 = arith.constant 34952 : i32
      %add3A_398 = arith.addi %add3A_397, %mul3A_396 : i32
      %add3A_399 = arith.constant 481 : i32
      %add3A_400 = arith.addi %add3A_398, %add3A_399 : i32
      %get3A_401 = arith.index_cast %add3A_400 : i32 to index
      %get3A_402 = tpu.vector_load %arg9[%get3A_401] {strides = array<i32>} : memref<78658xf32, #tpu.memory_space<vmem>>, vector<16xf32>,
      %add3A_403 = arith.addf %add3A_392, %get3A_402 : vector<16xf32>
      %sub3A_404 = arith.constant 1 : i32
      %sub3A_405 = arith.subi %scan3A_194, %sub3A_404 : i32
      %mul3A_406 = arith.constant 514 : i32
      %mul3A_407 = arith.muli %sub3A_405, %mul3A_406 : i32
      %add3A_408 = arith.constant 69904 : i32
      %add3A_409 = arith.addi %add3A_408, %mul3A_407 : i32
      %add3A_410 = arith.constant 482 : i32
      %add3A_411 = arith.addi %add3A_409, %add3A_410 : i32
      %get3A_412 = arith.index_cast %add3A_411 : i32 to index
      %get3A_413 = tpu.vector_load %arg9[%get3A_412] {strides = array<i32>} : memref<78658xf32, #tpu.memory_space<vmem>>, vector<16xf32>,
      %add3A_414 = arith.addf %sub3A_300, %get3A_413 : vector<16xf32>
      %mul3A_415 = arith.constant 514 : i32
      %mul3A_416 = arith.muli %scan3A_194, %mul3A_415 : i32
      %add3A_417 = arith.constant 69904 : i32
      %add3A_418 = arith.addi %add3A_417, %mul3A_416 : i32
      %add3A_419 = arith.constant 481 : i32
      %add3A_420 = arith.addi %add3A_418, %add3A_419 : i32
      %get3A_421 = arith.index_cast %add3A_420 : i32 to index
      %get3A_422 = tpu.vector_load %arg9[%get3A_421] {strides = array<i32>} : memref<78658xf32, #tpu.memory_space<vmem>>, vector<16xf32>,
      %add3A_423 = arith.addf %add3A_414, %get3A_422 : vector<16xf32>
      %sub3A_424 = arith.constant 1 : i32
      %sub3A_425 = arith.subi %scan3A_194, %sub3A_424 : i32
      %mul3A_426 = arith.constant 514 : i32
      %mul3A_427 = arith.muli %sub3A_425, %mul3A_426 : i32
      %add3A_428 = arith.constant 43690 : i32
      %add3A_429 = arith.addi %add3A_428, %mul3A_427 : i32
      %add3A_430 = arith.constant 481 : i32
      %add3A_431 = arith.addi %add3A_429, %add3A_430 : i32
      %get3A_432 = arith.index_cast %add3A_431 : i32 to index
      %get3A_433 = tpu.vector_load %arg9[%get3A_432] {strides = array<i32>} : memref<78658xf32, #tpu.memory_space<vmem>>, vector<16xf32>,
      %add3A_434 = arith.addf %add3A_423, %get3A_433 : vector<16xf32>
      %sub3A_435 = arith.constant 1 : i32
      %sub3A_436 = arith.subi %scan3A_194, %sub3A_435 : i32
      %mul3A_437 = arith.mulf %add3A_372, %add3A_372 : vector<16xf32>
      %mul3A_438 = arith.mulf %add3A_403, %add3A_403 : vector<16xf32>
      %add3A_439 = arith.addf %mul3A_437, %mul3A_438 : vector<16xf32>
      %mul3A_440 = arith.mulf %add3A_434, %add3A_434 : vector<16xf32>
      %add3A_441 = arith.addf %add3A_439, %mul3A_440 : vector<16xf32>
      %max3A_442 = arith.constant 1.000000e-24 : f32
      %max3A_443 = vector.broadcast %max3A_442 : f32 to vector<16xf32>
      %max3A_444 = arith.maximumf %add3A_441, %max3A_443 : vector<16xf32>
      %bitcast_convert_type3A = tpu.bitcast %max3A_444 : vector<16xf32> -> vector<16xi32>
      %shift_right_logical3A = arith.constant 1 : i32
      %shift_right_logical3A_445 = vector.broadcast %shift_right_logical3A : i32 to vector<16xi32>
      %shift_right_logical3A_446 = arith.shrui %bitcast_convert_type3A, %shift_right_logical3A_445 : vector<16xi32>
      %sub3A_447 = arith.constant 1597463007 : i32
      %sub3A_448 = vector.broadcast %sub3A_447 : i32 to vector<16xi32>
      %sub3A_449 = arith.subi %sub3A_448, %shift_right_logical3A_446 : vector<16xi32>
      %bitcast_convert_type3A_450 = tpu.bitcast %sub3A_449 : vector<16xi32> -> vector<16xf32>
      %mul3A_451 = arith.constant 5.000000e-01 : f32
      %mul3A_452 = vector.broadcast %mul3A_451 : f32 to vector<16xf32>
      %mul3A_453 = arith.mulf %mul3A_452, %max3A_444 : vector<16xf32>
      %mul3A_454 = arith.mulf %mul3A_453, %bitcast_convert_type3A_450 : vector<16xf32>
      %mul3A_455 = arith.mulf %mul3A_454, %bitcast_convert_type3A_450 : vector<16xf32>
      %sub3A_456 = arith.constant 1.500000e+00 : f32
      %sub3A_457 = vector.broadcast %sub3A_456 : f32 to vector<16xf32>
      %sub3A_458 = arith.subf %sub3A_457, %mul3A_455 : vector<16xf32>
      %mul3A_459 = arith.mulf %bitcast_convert_type3A_450, %sub3A_458 : vector<16xf32>
      %mul3A_460 = arith.constant 5.000000e-01 : f32
      %mul3A_461 = vector.broadcast %mul3A_460 : f32 to vector<16xf32>
      %mul3A_462 = arith.mulf %mul3A_461, %max3A_444 : vector<16xf32>
      %mul3A_463 = arith.mulf %mul3A_462, %mul3A_459 : vector<16xf32>
      %mul3A_464 = arith.mulf %mul3A_463, %mul3A_459 : vector<16xf32>
      %sub3A_465 = arith.constant 1.500000e+00 : f32
      %sub3A_466 = vector.broadcast %sub3A_465 : f32 to vector<16xf32>
      %sub3A_467 = arith.subf %sub3A_466, %mul3A_464 : vector<16xf32>
      %mul3A_468 = arith.mulf %mul3A_459, %sub3A_467 : vector<16xf32>
      %mul3A_469 = arith.constant 5.000000e-01 : f32
      %mul3A_470 = vector.broadcast %mul3A_469 : f32 to vector<16xf32>
      %mul3A_471 = arith.mulf %mul3A_470, %max3A_444 : vector<16xf32>
      %mul3A_472 = arith.mulf %mul3A_471, %mul3A_468 : vector<16xf32>
      %mul3A_473 = arith.mulf %mul3A_472, %mul3A_468 : vector<16xf32>
      %sub3A_474 = arith.constant 1.500000e+00 : f32
      %sub3A_475 = vector.broadcast %sub3A_474 : f32 to vector<16xf32>
      %sub3A_476 = arith.subf %sub3A_475, %mul3A_473 : vector<16xf32>
      %mul3A_477 = arith.mulf %mul3A_468, %sub3A_476 : vector<16xf32>
      %mul3A_478 = arith.mulf %add3A_372, %mul3A_477 : vector<16xf32>
      %mul3A_479 = arith.constant 512 : i32
      %mul3A_480 = arith.muli %sub3A_436, %mul3A_479 : i32
      %add3A_481 = arith.constant 0 : i32
      %add3A_482 = arith.addi %add3A_481, %mul3A_480 : i32
      %add3A_483 = arith.constant 480 : i32
      %add3A_484 = arith.addi %add3A_482, %add3A_483 : i32
      %swap3A_485 = arith.index_cast %add3A_484 : i32 to index
      %swap3A_486 = tpu.vector_load %arg10[%swap3A_485] {strides = array<i32>} : memref<24576xf32, #tpu.memory_space<vmem>>, vector<16xf32>,
      tpu.vector_store %arg10[%swap3A_485], %mul3A_478 {strides = array<i32>} : memref<24576xf32, #tpu.memory_space<vmem>>, vector<16xf32>,
      %mul3A_487 = arith.mulf %add3A_403, %mul3A_477 : vector<16xf32>
      %mul3A_488 = arith.constant 512 : i32
      %mul3A_489 = arith.muli %sub3A_436, %mul3A_488 : i32
      %add3A_490 = arith.constant 8192 : i32
      %add3A_491 = arith.addi %add3A_490, %mul3A_489 : i32
      %add3A_492 = arith.constant 480 : i32
      %add3A_493 = arith.addi %add3A_491, %add3A_492 : i32
      %swap3A_494 = arith.index_cast %add3A_493 : i32 to index
      %swap3A_495 = tpu.vector_load %arg10[%swap3A_494] {strides = array<i32>} : memref<24576xf32, #tpu.memory_space<vmem>>, vector<16xf32>,
      tpu.vector_store %arg10[%swap3A_494], %mul3A_487 {strides = array<i32>} : memref<24576xf32, #tpu.memory_space<vmem>>, vector<16xf32>,
      %mul3A_496 = arith.mulf %add3A_434, %mul3A_477 : vector<16xf32>
      %mul3A_497 = arith.constant 512 : i32
      %mul3A_498 = arith.muli %sub3A_436, %mul3A_497 : i32
      %add3A_499 = arith.constant 16384 : i32
      %add3A_500 = arith.addi %add3A_499, %mul3A_498 : i32
      %add3A_501 = arith.constant 480 : i32
      %add3A_502 = arith.addi %add3A_500, %add3A_501 : i32
      %swap3A_503 = arith.index_cast %add3A_502 : i32 to index
      %swap3A_504 = tpu.vector_load %arg10[%swap3A_503] {strides = array<i32>} : memref<24576xf32, #tpu.memory_space<vmem>>, vector<16xf32>,
      tpu.vector_store %arg10[%swap3A_503], %mul3A_496 {strides = array<i32>} : memref<24576xf32, #tpu.memory_space<vmem>>, vector<16xf32>,
      %add3A_505 = arith.constant 0 : i32
      %add3A_506 = arith.addi %scan3A_194, %add3A_505 : i32
      %mul3A_507 = arith.constant 512 : i32
      %mul3A_508 = arith.muli %add3A_506, %mul3A_507 : i32
      %add3A_509 = arith.constant 495 : i32
      %add3A_510 = arith.addi %mul3A_508, %add3A_509 : i32
      %add3A_511 = arith.constant 0 : i32
      %add3A_512 = arith.addi %add3A_510, %add3A_511 : i32
      %add3A_513 = arith.constant 0 : i32
      %add3A_514 = arith.addi %add3A_512, %add3A_513 : i32
      %get3A_515 = arith.index_cast %add3A_514 : i32 to index
      %get3A_516 = tpu.vector_load %arg8[%get3A_515] {strides = array<i32>} : memref<27648xf32, #tpu.memory_space<vmem>>, vector<16xf32>,
      %add3A_517 = arith.constant 9216 : i32
      %add3A_518 = arith.addi %add3A_512, %add3A_517 : i32
      %get3A_519 = arith.index_cast %add3A_518 : i32 to index
      %get3A_520 = tpu.vector_load %arg8[%get3A_519] {strides = array<i32>} : memref<27648xf32, #tpu.memory_space<vmem>>, vector<16xf32>,
      %add3A_521 = arith.constant 18432 : i32
      %add3A_522 = arith.addi %add3A_512, %add3A_521 : i32
      %get3A_523 = arith.index_cast %add3A_522 : i32 to index
      %get3A_524 = tpu.vector_load %arg8[%get3A_523] {strides = array<i32>} : memref<27648xf32, #tpu.memory_space<vmem>>, vector<16xf32>,
      %add3A_525 = arith.constant 0 : i32
      %add3A_526 = arith.addi %scan3A_194, %add3A_525 : i32
      %mul3A_527 = arith.constant 512 : i32
      %mul3A_528 = arith.muli %add3A_526, %mul3A_527 : i32
      %add3A_529 = arith.constant 495 : i32
      %add3A_530 = arith.addi %mul3A_528, %add3A_529 : i32
      %add3A_531 = arith.constant 1 : i32
      %add3A_532 = arith.addi %add3A_530, %add3A_531 : i32
      %add3A_533 = arith.constant 0 : i32
      %add3A_534 = arith.addi %add3A_532, %add3A_533 : i32
      %get3A_535 = arith.index_cast %add3A_534 : i32 to index
      %get3A_536 = tpu.vector_load %arg8[%get3A_535] {strides = array<i32>} : memref<27648xf32, #tpu.memory_space<vmem>>, vector<16xf32>,
      %add3A_537 = arith.constant 9216 : i32
      %add3A_538 = arith.addi %add3A_532, %add3A_537 : i32
      %get3A_539 = arith.index_cast %add3A_538 : i32 to index
      %get3A_540 = tpu.vector_load %arg8[%get3A_539] {strides = array<i32>} : memref<27648xf32, #tpu.memory_space<vmem>>, vector<16xf32>,
      %add3A_541 = arith.constant 18432 : i32
      %add3A_542 = arith.addi %add3A_532, %add3A_541 : i32
      %get3A_543 = arith.index_cast %add3A_542 : i32 to index
      %get3A_544 = tpu.vector_load %arg8[%get3A_543] {strides = array<i32>} : memref<27648xf32, #tpu.memory_space<vmem>>, vector<16xf32>,
      %add3A_545 = arith.constant 1 : i32
      %add3A_546 = arith.addi %scan3A_194, %add3A_545 : i32
      %mul3A_547 = arith.constant 512 : i32
      %mul3A_548 = arith.muli %add3A_546, %mul3A_547 : i32
      %add3A_549 = arith.constant 495 : i32
      %add3A_550 = arith.addi %mul3A_548, %add3A_549 : i32
      %add3A_551 = arith.constant 0 : i32
      %add3A_552 = arith.addi %add3A_550, %add3A_551 : i32
      %add3A_553 = arith.constant 0 : i32
      %add3A_554 = arith.addi %add3A_552, %add3A_553 : i32
      %get3A_555 = arith.index_cast %add3A_554 : i32 to index
      %get3A_556 = tpu.vector_load %arg8[%get3A_555] {strides = array<i32>} : memref<27648xf32, #tpu.memory_space<vmem>>, vector<16xf32>,
      %add3A_557 = arith.constant 9216 : i32
      %add3A_558 = arith.addi %add3A_552, %add3A_557 : i32
      %get3A_559 = arith.index_cast %add3A_558 : i32 to index
      %get3A_560 = tpu.vector_load %arg8[%get3A_559] {strides = array<i32>} : memref<27648xf32, #tpu.memory_space<vmem>>, vector<16xf32>,
      %add3A_561 = arith.constant 18432 : i32
      %add3A_562 = arith.addi %add3A_552, %add3A_561 : i32
      %get3A_563 = arith.index_cast %add3A_562 : i32 to index
      %get3A_564 = tpu.vector_load %arg8[%get3A_563] {strides = array<i32>} : memref<27648xf32, #tpu.memory_space<vmem>>, vector<16xf32>,
      %add3A_565 = arith.constant 1 : i32
      %add3A_566 = arith.addi %scan3A_194, %add3A_565 : i32
      %mul3A_567 = arith.constant 512 : i32
      %mul3A_568 = arith.muli %add3A_566, %mul3A_567 : i32
      %add3A_569 = arith.constant 495 : i32
      %add3A_570 = arith.addi %mul3A_568, %add3A_569 : i32
      %add3A_571 = arith.constant 1 : i32
      %add3A_572 = arith.addi %add3A_570, %add3A_571 : i32
      %add3A_573 = arith.constant 0 : i32
      %add3A_574 = arith.addi %add3A_572, %add3A_573 : i32
      %get3A_575 = arith.index_cast %add3A_574 : i32 to index
      %get3A_576 = tpu.vector_load %arg8[%get3A_575] {strides = array<i32>} : memref<27648xf32, #tpu.memory_space<vmem>>, vector<16xf32>,
      %add3A_577 = arith.constant 9216 : i32
      %add3A_578 = arith.addi %add3A_572, %add3A_577 : i32
      %get3A_579 = arith.index_cast %add3A_578 : i32 to index
      %get3A_580 = tpu.vector_load %arg8[%get3A_579] {strides = array<i32>} : memref<27648xf32, #tpu.memory_space<vmem>>, vector<16xf32>,
      %add3A_581 = arith.constant 18432 : i32
      %add3A_582 = arith.addi %add3A_572, %add3A_581 : i32
      %get3A_583 = arith.index_cast %add3A_582 : i32 to index
      %get3A_584 = tpu.vector_load %arg8[%get3A_583] {strides = array<i32>} : memref<27648xf32, #tpu.memory_space<vmem>>, vector<16xf32>,
      %sub3A_585 = arith.subf %get3A_556, %get3A_516 : vector<16xf32>
      %sub3A_586 = arith.subf %get3A_560, %get3A_520 : vector<16xf32>
      %sub3A_587 = arith.subf %get3A_564, %get3A_524 : vector<16xf32>
      %sub3A_588 = arith.subf %get3A_536, %get3A_516 : vector<16xf32>
      %sub3A_589 = arith.subf %get3A_540, %get3A_520 : vector<16xf32>
      %sub3A_590 = arith.subf %get3A_544, %get3A_524 : vector<16xf32>
      %sub3A_591 = arith.subf %get3A_556, %get3A_536 : vector<16xf32>
      %sub3A_592 = arith.subf %get3A_560, %get3A_540 : vector<16xf32>
      %sub3A_593 = arith.subf %get3A_564, %get3A_544 : vector<16xf32>
      %sub3A_594 = arith.subf %get3A_576, %get3A_536 : vector<16xf32>
      %sub3A_595 = arith.subf %get3A_580, %get3A_540 : vector<16xf32>
      %sub3A_596 = arith.subf %get3A_584, %get3A_544 : vector<16xf32>
      %mul3A_597 = arith.mulf %sub3A_586, %sub3A_590 : vector<16xf32>
      %mul3A_598 = arith.mulf %sub3A_587, %sub3A_589 : vector<16xf32>
      %sub3A_599 = arith.subf %mul3A_597, %mul3A_598 : vector<16xf32>
      %mul3A_600 = arith.mulf %sub3A_587, %sub3A_588 : vector<16xf32>
      %mul3A_601 = arith.mulf %sub3A_585, %sub3A_590 : vector<16xf32>
      %sub3A_602 = arith.subf %mul3A_600, %mul3A_601 : vector<16xf32>
      %mul3A_603 = arith.mulf %sub3A_585, %sub3A_589 : vector<16xf32>
      %mul3A_604 = arith.mulf %sub3A_586, %sub3A_588 : vector<16xf32>
      %sub3A_605 = arith.subf %mul3A_603, %mul3A_604 : vector<16xf32>
      %mul3A_606 = arith.mulf %sub3A_592, %sub3A_596 : vector<16xf32>
      %mul3A_607 = arith.mulf %sub3A_593, %sub3A_595 : vector<16xf32>
      %sub3A_608 = arith.subf %mul3A_606, %mul3A_607 : vector<16xf32>
      %mul3A_609 = arith.mulf %sub3A_593, %sub3A_594 : vector<16xf32>
      %mul3A_610 = arith.mulf %sub3A_591, %sub3A_596 : vector<16xf32>
      %sub3A_611 = arith.subf %mul3A_609, %mul3A_610 : vector<16xf32>
      %mul3A_612 = arith.mulf %sub3A_591, %sub3A_595 : vector<16xf32>
      %mul3A_613 = arith.mulf %sub3A_592, %sub3A_594 : vector<16xf32>
      %sub3A_614 = arith.subf %mul3A_612, %mul3A_613 : vector<16xf32>
      %mul3A_615 = arith.constant 514 : i32
      %mul3A_616 = arith.muli %scan3A_194, %mul3A_615 : i32
      %add3A_617 = arith.constant 2 : i32
      %add3A_618 = arith.addi %mul3A_616, %add3A_617 : i32
      %add3A_619 = arith.constant 495 : i32
      %add3A_620 = arith.addi %add3A_618, %add3A_619 : i32
      %add3A_621 = arith.constant 0 : i32
      %add3A_622 = arith.addi %add3A_621, %add3A_620 : i32
      %swap3A_623 = arith.index_cast %add3A_622 : i32 to index
      %swap3A_624 = tpu.vector_load %arg9[%swap3A_623] {strides = array<i32>} : memref<78658xf32, #tpu.memory_space<vmem>>, vector<16xf32>,
      tpu.vector_store %arg9[%swap3A_623], %sub3A_599 {strides = array<i32>} : memref<78658xf32, #tpu.memory_space<vmem>>, vector<16xf32>,
      %add3A_625 = arith.constant 26214 : i32
      %add3A_626 = arith.addi %add3A_625, %add3A_620 : i32
      %swap3A_627 = arith.index_cast %add3A_626 : i32 to index
      %swap3A_628 = tpu.vector_load %arg9[%swap3A_627] {strides = array<i32>} : memref<78658xf32, #tpu.memory_space<vmem>>, vector<16xf32>,
      tpu.vector_store %arg9[%swap3A_627], %sub3A_608 {strides = array<i32>} : memref<78658xf32, #tpu.memory_space<vmem>>, vector<16xf32>,
      %add3A_629 = arith.addf %sub3A_599, %sub3A_608 : vector<16xf32>
      %add3A_630 = arith.constant 52428 : i32
      %add3A_631 = arith.addi %add3A_630, %add3A_620 : i32
      %swap3A_632 = arith.index_cast %add3A_631 : i32 to index
      %swap3A_633 = tpu.vector_load %arg9[%swap3A_632] {strides = array<i32>} : memref<78658xf32, #tpu.memory_space<vmem>>, vector<16xf32>,
      tpu.vector_store %arg9[%swap3A_632], %add3A_629 {strides = array<i32>} : memref<78658xf32, #tpu.memory_space<vmem>>, vector<16xf32>,
      %add3A_634 = arith.constant 8738 : i32
      %add3A_635 = arith.addi %add3A_634, %add3A_620 : i32
      %swap3A_636 = arith.index_cast %add3A_635 : i32 to index
      %swap3A_637 = tpu.vector_load %arg9[%swap3A_636] {strides = array<i32>} : memref<78658xf32, #tpu.memory_space<vmem>>, vector<16xf32>,
      tpu.vector_store %arg9[%swap3A_636], %sub3A_602 {strides = array<i32>} : memref<78658xf32, #tpu.memory_space<vmem>>, vector<16xf32>,
      %add3A_638 = arith.constant 34952 : i32
      %add3A_639 = arith.addi %add3A_638, %add3A_620 : i32
      %swap3A_640 = arith.index_cast %add3A_639 : i32 to index
      %swap3A_641 = tpu.vector_load %arg9[%swap3A_640] {strides = array<i32>} : memref<78658xf32, #tpu.memory_space<vmem>>, vector<16xf32>,
      tpu.vector_store %arg9[%swap3A_640], %sub3A_611 {strides = array<i32>} : memref<78658xf32, #tpu.memory_space<vmem>>, vector<16xf32>,
      %add3A_642 = arith.addf %sub3A_602, %sub3A_611 : vector<16xf32>
      %add3A_643 = arith.constant 61166 : i32
      %add3A_644 = arith.addi %add3A_643, %add3A_620 : i32
      %swap3A_645 = arith.index_cast %add3A_644 : i32 to index
      %swap3A_646 = tpu.vector_load %arg9[%swap3A_645] {strides = array<i32>} : memref<78658xf32, #tpu.memory_space<vmem>>, vector<16xf32>,
      tpu.vector_store %arg9[%swap3A_645], %add3A_642 {strides = array<i32>} : memref<78658xf32, #tpu.memory_space<vmem>>, vector<16xf32>,
      %add3A_647 = arith.constant 17476 : i32
      %add3A_648 = arith.addi %add3A_647, %add3A_620 : i32
      %swap3A_649 = arith.index_cast %add3A_648 : i32 to index
      %swap3A_650 = tpu.vector_load %arg9[%swap3A_649] {strides = array<i32>} : memref<78658xf32, #tpu.memory_space<vmem>>, vector<16xf32>,
      tpu.vector_store %arg9[%swap3A_649], %sub3A_605 {strides = array<i32>} : memref<78658xf32, #tpu.memory_space<vmem>>, vector<16xf32>,
      %add3A_651 = arith.constant 43690 : i32
      %add3A_652 = arith.addi %add3A_651, %add3A_620 : i32
      %swap3A_653 = arith.index_cast %add3A_652 : i32 to index
      %swap3A_654 = tpu.vector_load %arg9[%swap3A_653] {strides = array<i32>} : memref<78658xf32, #tpu.memory_space<vmem>>, vector<16xf32>,
      tpu.vector_store %arg9[%swap3A_653], %sub3A_614 {strides = array<i32>} : memref<78658xf32, #tpu.memory_space<vmem>>, vector<16xf32>,
      %add3A_655 = arith.addf %sub3A_605, %sub3A_614 : vector<16xf32>
      %add3A_656 = arith.constant 69904 : i32
      %add3A_657 = arith.addi %add3A_656, %add3A_620 : i32
      %swap3A_658 = arith.index_cast %add3A_657 : i32 to index
      %swap3A_659 = tpu.vector_load %arg9[%swap3A_658] {strides = array<i32>} : memref<78658xf32, #tpu.memory_space<vmem>>, vector<16xf32>,
      tpu.vector_store %arg9[%swap3A_658], %add3A_655 {strides = array<i32>} : memref<78658xf32, #tpu.memory_space<vmem>>, vector<16xf32>,
      %mul3A_660 = arith.constant 514 : i32
      %mul3A_661 = arith.muli %scan3A_194, %mul3A_660 : i32
      %add3A_662 = arith.constant 0 : i32
      %add3A_663 = arith.addi %add3A_662, %mul3A_661 : i32
      %add3A_664 = arith.constant 498 : i32
      %add3A_665 = arith.addi %add3A_663, %add3A_664 : i32
      %get3A_666 = arith.index_cast %add3A_665 : i32 to index
      %get3A_667 = tpu.vector_load %arg9[%get3A_666] {strides = array<i32>} : memref<78658xf32, #tpu.memory_space<vmem>>, vector<16xf32>,
      %sub3A_668 = arith.constant 1 : i32
      %sub3A_669 = arith.subi %scan3A_194, %sub3A_668 : i32
      %mul3A_670 = arith.constant 514 : i32
      %mul3A_671 = arith.muli %sub3A_669, %mul3A_670 : i32
      %add3A_672 = arith.constant 52428 : i32
      %add3A_673 = arith.addi %add3A_672, %mul3A_671 : i32
      %add3A_674 = arith.constant 498 : i32
      %add3A_675 = arith.addi %add3A_673, %add3A_674 : i32
      %get3A_676 = arith.index_cast %add3A_675 : i32 to index
      %get3A_677 = tpu.vector_load %arg9[%get3A_676] {strides = array<i32>} : memref<78658xf32, #tpu.memory_space<vmem>>, vector<16xf32>,
      %add3A_678 = arith.addf %get3A_667, %get3A_677 : vector<16xf32>
      %mul3A_679 = arith.constant 514 : i32
      %mul3A_680 = arith.muli %scan3A_194, %mul3A_679 : i32
      %add3A_681 = arith.constant 52428 : i32
      %add3A_682 = arith.addi %add3A_681, %mul3A_680 : i32
      %add3A_683 = arith.constant 497 : i32
      %add3A_684 = arith.addi %add3A_682, %add3A_683 : i32
      %get3A_685 = arith.index_cast %add3A_684 : i32 to index
      %get3A_686 = tpu.vector_load %arg9[%get3A_685] {strides = array<i32>} : memref<78658xf32, #tpu.memory_space<vmem>>, vector<16xf32>,
      %add3A_687 = arith.addf %add3A_678, %get3A_686 : vector<16xf32>
      %sub3A_688 = arith.constant 1 : i32
      %sub3A_689 = arith.subi %scan3A_194, %sub3A_688 : i32
      %mul3A_690 = arith.constant 514 : i32
      %mul3A_691 = arith.muli %sub3A_689, %mul3A_690 : i32
      %add3A_692 = arith.constant 26214 : i32
      %add3A_693 = arith.addi %add3A_692, %mul3A_691 : i32
      %add3A_694 = arith.constant 497 : i32
      %add3A_695 = arith.addi %add3A_693, %add3A_694 : i32
      %get3A_696 = arith.index_cast %add3A_695 : i32 to index
      %get3A_697 = tpu.vector_load %arg9[%get3A_696] {strides = array<i32>} : memref<78658xf32, #tpu.memory_space<vmem>>, vector<16xf32>,
      %add3A_698 = arith.addf %add3A_687, %get3A_697 : vector<16xf32>
      %mul3A_699 = arith.constant 514 : i32
      %mul3A_700 = arith.muli %scan3A_194, %mul3A_699 : i32
      %add3A_701 = arith.constant 8738 : i32
      %add3A_702 = arith.addi %add3A_701, %mul3A_700 : i32
      %add3A_703 = arith.constant 498 : i32
      %add3A_704 = arith.addi %add3A_702, %add3A_703 : i32
      %get3A_705 = arith.index_cast %add3A_704 : i32 to index
      %get3A_706 = tpu.vector_load %arg9[%get3A_705] {strides = array<i32>} : memref<78658xf32, #tpu.memory_space<vmem>>, vector<16xf32>,
      %sub3A_707 = arith.constant 1 : i32
      %sub3A_708 = arith.subi %scan3A_194, %sub3A_707 : i32
      %mul3A_709 = arith.constant 514 : i32
      %mul3A_710 = arith.muli %sub3A_708, %mul3A_709 : i32
      %add3A_711 = arith.constant 61166 : i32
      %add3A_712 = arith.addi %add3A_711, %mul3A_710 : i32
      %add3A_713 = arith.constant 498 : i32
      %add3A_714 = arith.addi %add3A_712, %add3A_713 : i32
      %get3A_715 = arith.index_cast %add3A_714 : i32 to index
      %get3A_716 = tpu.vector_load %arg9[%get3A_715] {strides = array<i32>} : memref<78658xf32, #tpu.memory_space<vmem>>, vector<16xf32>,
      %add3A_717 = arith.addf %get3A_706, %get3A_716 : vector<16xf32>
      %mul3A_718 = arith.constant 514 : i32
      %mul3A_719 = arith.muli %scan3A_194, %mul3A_718 : i32
      %add3A_720 = arith.constant 61166 : i32
      %add3A_721 = arith.addi %add3A_720, %mul3A_719 : i32
      %add3A_722 = arith.constant 497 : i32
      %add3A_723 = arith.addi %add3A_721, %add3A_722 : i32
      %get3A_724 = arith.index_cast %add3A_723 : i32 to index
      %get3A_725 = tpu.vector_load %arg9[%get3A_724] {strides = array<i32>} : memref<78658xf32, #tpu.memory_space<vmem>>, vector<16xf32>,
      %add3A_726 = arith.addf %add3A_717, %get3A_725 : vector<16xf32>
      %sub3A_727 = arith.constant 1 : i32
      %sub3A_728 = arith.subi %scan3A_194, %sub3A_727 : i32
      %mul3A_729 = arith.constant 514 : i32
      %mul3A_730 = arith.muli %sub3A_728, %mul3A_729 : i32
      %add3A_731 = arith.constant 34952 : i32
      %add3A_732 = arith.addi %add3A_731, %mul3A_730 : i32
      %add3A_733 = arith.constant 497 : i32
      %add3A_734 = arith.addi %add3A_732, %add3A_733 : i32
      %get3A_735 = arith.index_cast %add3A_734 : i32 to index
      %get3A_736 = tpu.vector_load %arg9[%get3A_735] {strides = array<i32>} : memref<78658xf32, #tpu.memory_space<vmem>>, vector<16xf32>,
      %add3A_737 = arith.addf %add3A_726, %get3A_736 : vector<16xf32>
      %mul3A_738 = arith.constant 514 : i32
      %mul3A_739 = arith.muli %scan3A_194, %mul3A_738 : i32
      %add3A_740 = arith.constant 17476 : i32
      %add3A_741 = arith.addi %add3A_740, %mul3A_739 : i32
      %add3A_742 = arith.constant 498 : i32
      %add3A_743 = arith.addi %add3A_741, %add3A_742 : i32
      %get3A_744 = arith.index_cast %add3A_743 : i32 to index
      %get3A_745 = tpu.vector_load %arg9[%get3A_744] {strides = array<i32>} : memref<78658xf32, #tpu.memory_space<vmem>>, vector<16xf32>,
      %sub3A_746 = arith.constant 1 : i32
      %sub3A_747 = arith.subi %scan3A_194, %sub3A_746 : i32
      %mul3A_748 = arith.constant 514 : i32
      %mul3A_749 = arith.muli %sub3A_747, %mul3A_748 : i32
      %add3A_750 = arith.constant 69904 : i32
      %add3A_751 = arith.addi %add3A_750, %mul3A_749 : i32
      %add3A_752 = arith.constant 498 : i32
      %add3A_753 = arith.addi %add3A_751, %add3A_752 : i32
      %get3A_754 = arith.index_cast %add3A_753 : i32 to index
      %get3A_755 = tpu.vector_load %arg9[%get3A_754] {strides = array<i32>} : memref<78658xf32, #tpu.memory_space<vmem>>, vector<16xf32>,
      %add3A_756 = arith.addf %get3A_745, %get3A_755 : vector<16xf32>
      %mul3A_757 = arith.constant 514 : i32
      %mul3A_758 = arith.muli %scan3A_194, %mul3A_757 : i32
      %add3A_759 = arith.constant 69904 : i32
      %add3A_760 = arith.addi %add3A_759, %mul3A_758 : i32
      %add3A_761 = arith.constant 497 : i32
      %add3A_762 = arith.addi %add3A_760, %add3A_761 : i32
      %get3A_763 = arith.index_cast %add3A_762 : i32 to index
      %get3A_764 = tpu.vector_load %arg9[%get3A_763] {strides = array<i32>} : memref<78658xf32, #tpu.memory_space<vmem>>, vector<16xf32>,
      %add3A_765 = arith.addf %add3A_756, %get3A_764 : vector<16xf32>
      %sub3A_766 = arith.constant 1 : i32
      %sub3A_767 = arith.subi %scan3A_194, %sub3A_766 : i32
      %mul3A_768 = arith.constant 514 : i32
      %mul3A_769 = arith.muli %sub3A_767, %mul3A_768 : i32
      %add3A_770 = arith.constant 43690 : i32
      %add3A_771 = arith.addi %add3A_770, %mul3A_769 : i32
      %add3A_772 = arith.constant 497 : i32
      %add3A_773 = arith.addi %add3A_771, %add3A_772 : i32
      %get3A_774 = arith.index_cast %add3A_773 : i32 to index
      %get3A_775 = tpu.vector_load %arg9[%get3A_774] {strides = array<i32>} : memref<78658xf32, #tpu.memory_space<vmem>>, vector<16xf32>,
      %add3A_776 = arith.addf %add3A_765, %get3A_775 : vector<16xf32>
      %sub3A_777 = arith.constant 1 : i32
      %sub3A_778 = arith.subi %scan3A_194, %sub3A_777 : i32
      %mul3A_779 = arith.mulf %add3A_698, %add3A_698 : vector<16xf32>
      %mul3A_780 = arith.mulf %add3A_737, %add3A_737 : vector<16xf32>
      %add3A_781 = arith.addf %mul3A_779, %mul3A_780 : vector<16xf32>
      %mul3A_782 = arith.mulf %add3A_776, %add3A_776 : vector<16xf32>
      %add3A_783 = arith.addf %add3A_781, %mul3A_782 : vector<16xf32>
      %max3A_784 = arith.constant 1.000000e-24 : f32
      %max3A_785 = vector.broadcast %max3A_784 : f32 to vector<16xf32>
      %max3A_786 = arith.maximumf %add3A_783, %max3A_785 : vector<16xf32>
      %bitcast_convert_type3A_787 = tpu.bitcast %max3A_786 : vector<16xf32> -> vector<16xi32>
      %shift_right_logical3A_788 = arith.constant 1 : i32
      %shift_right_logical3A_789 = vector.broadcast %shift_right_logical3A_788 : i32 to vector<16xi32>
      %shift_right_logical3A_790 = arith.shrui %bitcast_convert_type3A_787, %shift_right_logical3A_789 : vector<16xi32>
      %sub3A_791 = arith.constant 1597463007 : i32
      %sub3A_792 = vector.broadcast %sub3A_791 : i32 to vector<16xi32>
      %sub3A_793 = arith.subi %sub3A_792, %shift_right_logical3A_790 : vector<16xi32>
      %bitcast_convert_type3A_794 = tpu.bitcast %sub3A_793 : vector<16xi32> -> vector<16xf32>
      %mul3A_795 = arith.constant 5.000000e-01 : f32
      %mul3A_796 = vector.broadcast %mul3A_795 : f32 to vector<16xf32>
      %mul3A_797 = arith.mulf %mul3A_796, %max3A_786 : vector<16xf32>
      %mul3A_798 = arith.mulf %mul3A_797, %bitcast_convert_type3A_794 : vector<16xf32>
      %mul3A_799 = arith.mulf %mul3A_798, %bitcast_convert_type3A_794 : vector<16xf32>
      %sub3A_800 = arith.constant 1.500000e+00 : f32
      %sub3A_801 = vector.broadcast %sub3A_800 : f32 to vector<16xf32>
      %sub3A_802 = arith.subf %sub3A_801, %mul3A_799 : vector<16xf32>
      %mul3A_803 = arith.mulf %bitcast_convert_type3A_794, %sub3A_802 : vector<16xf32>
      %mul3A_804 = arith.constant 5.000000e-01 : f32
      %mul3A_805 = vector.broadcast %mul3A_804 : f32 to vector<16xf32>
      %mul3A_806 = arith.mulf %mul3A_805, %max3A_786 : vector<16xf32>
      %mul3A_807 = arith.mulf %mul3A_806, %mul3A_803 : vector<16xf32>
      %mul3A_808 = arith.mulf %mul3A_807, %mul3A_803 : vector<16xf32>
      %sub3A_809 = arith.constant 1.500000e+00 : f32
      %sub3A_810 = vector.broadcast %sub3A_809 : f32 to vector<16xf32>
      %sub3A_811 = arith.subf %sub3A_810, %mul3A_808 : vector<16xf32>
      %mul3A_812 = arith.mulf %mul3A_803, %sub3A_811 : vector<16xf32>
      %mul3A_813 = arith.constant 5.000000e-01 : f32
      %mul3A_814 = vector.broadcast %mul3A_813 : f32 to vector<16xf32>
      %mul3A_815 = arith.mulf %mul3A_814, %max3A_786 : vector<16xf32>
      %mul3A_816 = arith.mulf %mul3A_815, %mul3A_812 : vector<16xf32>
      %mul3A_817 = arith.mulf %mul3A_816, %mul3A_812 : vector<16xf32>
      %sub3A_818 = arith.constant 1.500000e+00 : f32
      %sub3A_819 = vector.broadcast %sub3A_818 : f32 to vector<16xf32>
      %sub3A_820 = arith.subf %sub3A_819, %mul3A_817 : vector<16xf32>
      %mul3A_821 = arith.mulf %mul3A_812, %sub3A_820 : vector<16xf32>
      %mul3A_822 = arith.mulf %add3A_698, %mul3A_821 : vector<16xf32>
      %mul3A_823 = arith.constant 512 : i32
      %mul3A_824 = arith.muli %sub3A_778, %mul3A_823 : i32
      %add3A_825 = arith.constant 0 : i32
      %add3A_826 = arith.addi %add3A_825, %mul3A_824 : i32
      %add3A_827 = arith.constant 496 : i32
      %add3A_828 = arith.addi %add3A_826, %add3A_827 : i32
      %swap3A_829 = arith.index_cast %add3A_828 : i32 to index
      %swap3A_830 = tpu.vector_load %arg10[%swap3A_829] {strides = array<i32>} : memref<24576xf32, #tpu.memory_space<vmem>>, vector<16xf32>,
      tpu.vector_store %arg10[%swap3A_829], %mul3A_822 {strides = array<i32>} : memref<24576xf32, #tpu.memory_space<vmem>>, vector<16xf32>,
      %mul3A_831 = arith.mulf %add3A_737, %mul3A_821 : vector<16xf32>
      %mul3A_832 = arith.constant 512 : i32
      %mul3A_833 = arith.muli %sub3A_778, %mul3A_832 : i32
      %add3A_834 = arith.constant 8192 : i32
      %add3A_835 = arith.addi %add3A_834, %mul3A_833 : i32
      %add3A_836 = arith.constant 496 : i32
      %add3A_837 = arith.addi %add3A_835, %add3A_836 : i32
      %swap3A_838 = arith.index_cast %add3A_837 : i32 to index
      %swap3A_839 = tpu.vector_load %arg10[%swap3A_838] {strides = array<i32>} : memref<24576xf32, #tpu.memory_space<vmem>>, vector<16xf32>,
      tpu.vector_store %arg10[%swap3A_838], %mul3A_831 {strides = array<i32>} : memref<24576xf32, #tpu.memory_space<vmem>>, vector<16xf32>,
      %mul3A_840 = arith.mulf %add3A_776, %mul3A_821 : vector<16xf32>
      %mul3A_841 = arith.constant 512 : i32
      %mul3A_842 = arith.muli %sub3A_778, %mul3A_841 : i32
      %add3A_843 = arith.constant 16384 : i32
      %add3A_844 = arith.addi %add3A_843, %mul3A_842 : i32
      %add3A_845 = arith.constant 496 : i32
      %add3A_846 = arith.addi %add3A_844, %add3A_845 : i32
      %swap3A_847 = arith.index_cast %add3A_846 : i32 to index
      %swap3A_848 = tpu.vector_load %arg10[%swap3A_847] {strides = array<i32>} : memref<24576xf32, #tpu.memory_space<vmem>>, vector<16xf32>,
      tpu.vector_store %arg10[%swap3A_847], %mul3A_840 {strides = array<i32>} : memref<24576xf32, #tpu.memory_space<vmem>>, vector<16xf32>,
    }
    %scan3A_142 = arith.constant 15 : i32
    %lt3A = arith.constant 31 : i32
    %lt3A_143 = arith.cmpi slt, %add3A, %lt3A : i32
    %convert_element_type3A_144 = arith.extui %lt3A_143 : i1 to i32
    %cond3A_145 = arith.constant 0 : i32
    %cond3A_146 = arith.cmpi ne, %convert_element_type3A_144, %cond3A_145 : i32
    scf.if %cond3A_146 {
      %scan3A_194 = arith.constant 0 : i32
      %scan3A_195 = arith.constant 0 : i32
      %scan3A_196 = arith.constant 15 : i32
      %scan3A_197 = arith.addi %scan3A_195, %scan3A_196 : i32
      %scan3A_198 = arith.constant 1 : i32
      scf.for %scan3A_504 = %scan3A_195 to %scan3A_197 step %scan3A_198  : i32 {
        %mul3A_505 = arith.constant 32 : i32
        %mul3A_506 = arith.muli %scan3A_504, %mul3A_505 : i32
        %add3A_507 = arith.constant 8192 : i32
        %add3A_508 = arith.addi %add3A_507, %mul3A_506 : i32
        %add3A_509 = arith.constant 0 : i32
        %add3A_510 = arith.addi %add3A_508, %add3A_509 : i32
        %add3A_511 = arith.constant 0 : i32
        %add3A_512 = arith.addi %add3A_510, %add3A_511 : i32
        %get3A_513 = arith.index_cast %add3A_512 : i32 to index
        %get3A_514 = tpu.vector_load %arg8[%get3A_513] {strides = array<i32>} : memref<27648xf32, #tpu.memory_space<vmem>>, vector<16xf32>,
        %add3A_515 = arith.constant 9216 : i32
        %add3A_516 = arith.addi %add3A_510, %add3A_515 : i32
        %get3A_517 = arith.index_cast %add3A_516 : i32 to index
        %get3A_518 = tpu.vector_load %arg8[%get3A_517] {strides = array<i32>} : memref<27648xf32, #tpu.memory_space<vmem>>, vector<16xf32>,
        %add3A_519 = arith.constant 18432 : i32
        %add3A_520 = arith.addi %add3A_510, %add3A_519 : i32
        %get3A_521 = arith.index_cast %add3A_520 : i32 to index
        %get3A_522 = tpu.vector_load %arg8[%get3A_521] {strides = array<i32>} : memref<27648xf32, #tpu.memory_space<vmem>>, vector<16xf32>,
        %add3A_523 = arith.constant 8192 : i32
        %add3A_524 = arith.addi %add3A_523, %mul3A_506 : i32
        %add3A_525 = arith.constant 1 : i32
        %add3A_526 = arith.addi %add3A_524, %add3A_525 : i32
        %add3A_527 = arith.constant 0 : i32
        %add3A_528 = arith.addi %add3A_526, %add3A_527 : i32
        %get3A_529 = arith.index_cast %add3A_528 : i32 to index
        %get3A_530 = tpu.vector_load %arg8[%get3A_529] {strides = array<i32>} : memref<27648xf32, #tpu.memory_space<vmem>>, vector<16xf32>,
        %add3A_531 = arith.constant 9216 : i32
        %add3A_532 = arith.addi %add3A_526, %add3A_531 : i32
        %get3A_533 = arith.index_cast %add3A_532 : i32 to index
        %get3A_534 = tpu.vector_load %arg8[%get3A_533] {strides = array<i32>} : memref<27648xf32, #tpu.memory_space<vmem>>, vector<16xf32>,
        %add3A_535 = arith.constant 18432 : i32
        %add3A_536 = arith.addi %add3A_526, %add3A_535 : i32
        %get3A_537 = arith.index_cast %add3A_536 : i32 to index
        %get3A_538 = tpu.vector_load %arg8[%get3A_537] {strides = array<i32>} : memref<27648xf32, #tpu.memory_space<vmem>>, vector<16xf32>,
        %add3A_539 = arith.constant 8704 : i32
        %add3A_540 = arith.addi %add3A_539, %mul3A_506 : i32
        %add3A_541 = arith.constant 0 : i32
        %add3A_542 = arith.addi %add3A_540, %add3A_541 : i32
        %add3A_543 = arith.constant 0 : i32
        %add3A_544 = arith.addi %add3A_542, %add3A_543 : i32
        %get3A_545 = arith.index_cast %add3A_544 : i32 to index
        %get3A_546 = tpu.vector_load %arg8[%get3A_545] {strides = array<i32>} : memref<27648xf32, #tpu.memory_space<vmem>>, vector<16xf32>,
        %add3A_547 = arith.constant 9216 : i32
        %add3A_548 = arith.addi %add3A_542, %add3A_547 : i32
        %get3A_549 = arith.index_cast %add3A_548 : i32 to index
        %get3A_550 = tpu.vector_load %arg8[%get3A_549] {strides = array<i32>} : memref<27648xf32, #tpu.memory_space<vmem>>, vector<16xf32>,
        %add3A_551 = arith.constant 18432 : i32
        %add3A_552 = arith.addi %add3A_542, %add3A_551 : i32
        %get3A_553 = arith.index_cast %add3A_552 : i32 to index
        %get3A_554 = tpu.vector_load %arg8[%get3A_553] {strides = array<i32>} : memref<27648xf32, #tpu.memory_space<vmem>>, vector<16xf32>,
        %add3A_555 = arith.constant 8704 : i32
        %add3A_556 = arith.addi %add3A_555, %mul3A_506 : i32
        %add3A_557 = arith.constant 1 : i32
        %add3A_558 = arith.addi %add3A_556, %add3A_557 : i32
        %add3A_559 = arith.constant 0 : i32
        %add3A_560 = arith.addi %add3A_558, %add3A_559 : i32
        %get3A_561 = arith.index_cast %add3A_560 : i32 to index
        %get3A_562 = tpu.vector_load %arg8[%get3A_561] {strides = array<i32>} : memref<27648xf32, #tpu.memory_space<vmem>>, vector<16xf32>,
        %add3A_563 = arith.constant 9216 : i32
        %add3A_564 = arith.addi %add3A_558, %add3A_563 : i32
        %get3A_565 = arith.index_cast %add3A_564 : i32 to index
        %get3A_566 = tpu.vector_load %arg8[%get3A_565] {strides = array<i32>} : memref<27648xf32, #tpu.memory_space<vmem>>, vector<16xf32>,
        %add3A_567 = arith.constant 18432 : i32
        %add3A_568 = arith.addi %add3A_558, %add3A_567 : i32
        %get3A_569 = arith.index_cast %add3A_568 : i32 to index
        %get3A_570 = tpu.vector_load %arg8[%get3A_569] {strides = array<i32>} : memref<27648xf32, #tpu.memory_space<vmem>>, vector<16xf32>,
        %sub3A_571 = arith.subf %get3A_546, %get3A_514 : vector<16xf32>
        %sub3A_572 = arith.subf %get3A_550, %get3A_518 : vector<16xf32>
        %sub3A_573 = arith.subf %get3A_554, %get3A_522 : vector<16xf32>
        %sub3A_574 = arith.subf %get3A_530, %get3A_514 : vector<16xf32>
        %sub3A_575 = arith.subf %get3A_534, %get3A_518 : vector<16xf32>
        %sub3A_576 = arith.subf %get3A_538, %get3A_522 : vector<16xf32>
        %sub3A_577 = arith.subf %get3A_546, %get3A_530 : vector<16xf32>
        %sub3A_578 = arith.subf %get3A_550, %get3A_534 : vector<16xf32>
        %sub3A_579 = arith.subf %get3A_554, %get3A_538 : vector<16xf32>
        %sub3A_580 = arith.subf %get3A_562, %get3A_530 : vector<16xf32>
        %sub3A_581 = arith.subf %get3A_566, %get3A_534 : vector<16xf32>
        %sub3A_582 = arith.subf %get3A_570, %get3A_538 : vector<16xf32>
        %mul3A_583 = arith.mulf %sub3A_572, %sub3A_576 : vector<16xf32>
        %mul3A_584 = arith.mulf %sub3A_573, %sub3A_575 : vector<16xf32>
        %sub3A_585 = arith.subf %mul3A_583, %mul3A_584 : vector<16xf32>
        %mul3A_586 = arith.mulf %sub3A_573, %sub3A_574 : vector<16xf32>
        %mul3A_587 = arith.mulf %sub3A_571, %sub3A_576 : vector<16xf32>
        %sub3A_588 = arith.subf %mul3A_586, %mul3A_587 : vector<16xf32>
        %mul3A_589 = arith.mulf %sub3A_571, %sub3A_575 : vector<16xf32>
        %mul3A_590 = arith.mulf %sub3A_572, %sub3A_574 : vector<16xf32>
        %sub3A_591 = arith.subf %mul3A_589, %mul3A_590 : vector<16xf32>
        %mul3A_592 = arith.mulf %sub3A_578, %sub3A_582 : vector<16xf32>
        %mul3A_593 = arith.mulf %sub3A_579, %sub3A_581 : vector<16xf32>
        %sub3A_594 = arith.subf %mul3A_592, %mul3A_593 : vector<16xf32>
        %mul3A_595 = arith.mulf %sub3A_579, %sub3A_580 : vector<16xf32>
        %mul3A_596 = arith.mulf %sub3A_577, %sub3A_582 : vector<16xf32>
        %sub3A_597 = arith.subf %mul3A_595, %mul3A_596 : vector<16xf32>
        %mul3A_598 = arith.mulf %sub3A_577, %sub3A_581 : vector<16xf32>
        %mul3A_599 = arith.mulf %sub3A_578, %sub3A_580 : vector<16xf32>
        %sub3A_600 = arith.subf %mul3A_598, %mul3A_599 : vector<16xf32>
        %add3A_601 = arith.constant 8226 : i32
        %add3A_602 = arith.addi %add3A_601, %mul3A_506 : i32
        %add3A_603 = arith.constant 26214 : i32
        %add3A_604 = arith.addi %add3A_603, %add3A_602 : i32
        %swap3A_605 = arith.index_cast %add3A_604 : i32 to index
        %swap3A_606 = tpu.vector_load %arg9[%swap3A_605] {strides = array<i32>} : memref<78658xf32, #tpu.memory_space<vmem>>, vector<16xf32>,
        tpu.vector_store %arg9[%swap3A_605], %sub3A_594 {strides = array<i32>} : memref<78658xf32, #tpu.memory_space<vmem>>, vector<16xf32>,
        %add3A_607 = arith.addf %sub3A_585, %sub3A_594 : vector<16xf32>
        %add3A_608 = arith.constant 52428 : i32
        %add3A_609 = arith.addi %add3A_608, %add3A_602 : i32
        %swap3A_610 = arith.index_cast %add3A_609 : i32 to index
        %swap3A_611 = tpu.vector_load %arg9[%swap3A_610] {strides = array<i32>} : memref<78658xf32, #tpu.memory_space<vmem>>, vector<16xf32>,
        tpu.vector_store %arg9[%swap3A_610], %add3A_607 {strides = array<i32>} : memref<78658xf32, #tpu.memory_space<vmem>>, vector<16xf32>,
        %add3A_612 = arith.constant 34952 : i32
        %add3A_613 = arith.addi %add3A_612, %add3A_602 : i32
        %swap3A_614 = arith.index_cast %add3A_613 : i32 to index
        %swap3A_615 = tpu.vector_load %arg9[%swap3A_614] {strides = array<i32>} : memref<78658xf32, #tpu.memory_space<vmem>>, vector<16xf32>,
        tpu.vector_store %arg9[%swap3A_614], %sub3A_597 {strides = array<i32>} : memref<78658xf32, #tpu.memory_space<vmem>>, vector<16xf32>,
        %add3A_616 = arith.addf %sub3A_588, %sub3A_597 : vector<16xf32>
        %add3A_617 = arith.constant 61166 : i32
        %add3A_618 = arith.addi %add3A_617, %add3A_602 : i32
        %swap3A_619 = arith.index_cast %add3A_618 : i32 to index
        %swap3A_620 = tpu.vector_load %arg9[%swap3A_619] {strides = array<i32>} : memref<78658xf32, #tpu.memory_space<vmem>>, vector<16xf32>,
        tpu.vector_store %arg9[%swap3A_619], %add3A_616 {strides = array<i32>} : memref<78658xf32, #tpu.memory_space<vmem>>, vector<16xf32>,
        %add3A_621 = arith.constant 43690 : i32
        %add3A_622 = arith.addi %add3A_621, %add3A_602 : i32
        %swap3A_623 = arith.index_cast %add3A_622 : i32 to index
        %swap3A_624 = tpu.vector_load %arg9[%swap3A_623] {strides = array<i32>} : memref<78658xf32, #tpu.memory_space<vmem>>, vector<16xf32>,
        tpu.vector_store %arg9[%swap3A_623], %sub3A_600 {strides = array<i32>} : memref<78658xf32, #tpu.memory_space<vmem>>, vector<16xf32>,
        %add3A_625 = arith.addf %sub3A_591, %sub3A_600 : vector<16xf32>
        %add3A_626 = arith.constant 69904 : i32
        %add3A_627 = arith.addi %add3A_626, %add3A_602 : i32
        %swap3A_628 = arith.index_cast %add3A_627 : i32 to index
        %swap3A_629 = tpu.vector_load %arg9[%swap3A_628] {strides = array<i32>} : memref<78658xf32, #tpu.memory_space<vmem>>, vector<16xf32>,
        tpu.vector_store %arg9[%swap3A_628], %add3A_625 {strides = array<i32>} : memref<78658xf32, #tpu.memory_space<vmem>>, vector<16xf32>,
        %add3A_630 = arith.constant 2 : i32
        %add3A_631 = arith.addi %add3A_630, %mul3A_506 : i32
        %add3A_632 = arith.constant 60138 : i32
        %add3A_633 = arith.addi %add3A_632, %add3A_631 : i32
        %get3A_634 = arith.index_cast %add3A_633 : i32 to index
        %get3A_635 = tpu.vector_load %arg9[%get3A_634] {strides = array<i32>} : memref<78658xf32, #tpu.memory_space<vmem>>, vector<16xf32>,
        %add3A_636 = arith.addf %sub3A_585, %get3A_635 : vector<16xf32>
        %add3A_637 = arith.constant 1 : i32
        %add3A_638 = arith.addi %add3A_637, %mul3A_506 : i32
        %add3A_639 = arith.constant 60652 : i32
        %add3A_640 = arith.addi %add3A_639, %add3A_638 : i32
        %get3A_641 = arith.index_cast %add3A_640 : i32 to index
        %get3A_642 = tpu.vector_load %arg9[%get3A_641] {strides = array<i32>} : memref<78658xf32, #tpu.memory_space<vmem>>, vector<16xf32>,
        %add3A_643 = arith.addf %add3A_636, %get3A_642 : vector<16xf32>
        %add3A_644 = arith.constant 1 : i32
        %add3A_645 = arith.addi %add3A_644, %mul3A_506 : i32
        %add3A_646 = arith.constant 33924 : i32
        %add3A_647 = arith.addi %add3A_646, %add3A_645 : i32
        %get3A_648 = arith.index_cast %add3A_647 : i32 to index
        %get3A_649 = tpu.vector_load %arg9[%get3A_648] {strides = array<i32>} : memref<78658xf32, #tpu.memory_space<vmem>>, vector<16xf32>,
        %add3A_650 = arith.addf %add3A_643, %get3A_649 : vector<16xf32>
        %add3A_651 = arith.constant 2 : i32
        %add3A_652 = arith.addi %add3A_651, %mul3A_506 : i32
        %add3A_653 = arith.constant 68876 : i32
        %add3A_654 = arith.addi %add3A_653, %add3A_652 : i32
        %get3A_655 = arith.index_cast %add3A_654 : i32 to index
        %get3A_656 = tpu.vector_load %arg9[%get3A_655] {strides = array<i32>} : memref<78658xf32, #tpu.memory_space<vmem>>, vector<16xf32>,
        %add3A_657 = arith.addf %sub3A_588, %get3A_656 : vector<16xf32>
        %add3A_658 = arith.constant 1 : i32
        %add3A_659 = arith.addi %add3A_658, %mul3A_506 : i32
        %add3A_660 = arith.constant 69390 : i32
        %add3A_661 = arith.addi %add3A_660, %add3A_659 : i32
        %get3A_662 = arith.index_cast %add3A_661 : i32 to index
        %get3A_663 = tpu.vector_load %arg9[%get3A_662] {strides = array<i32>} : memref<78658xf32, #tpu.memory_space<vmem>>, vector<16xf32>,
        %add3A_664 = arith.addf %add3A_657, %get3A_663 : vector<16xf32>
        %add3A_665 = arith.constant 1 : i32
        %add3A_666 = arith.addi %add3A_665, %mul3A_506 : i32
        %add3A_667 = arith.constant 42662 : i32
        %add3A_668 = arith.addi %add3A_667, %add3A_666 : i32
        %get3A_669 = arith.index_cast %add3A_668 : i32 to index
        %get3A_670 = tpu.vector_load %arg9[%get3A_669] {strides = array<i32>} : memref<78658xf32, #tpu.memory_space<vmem>>, vector<16xf32>,
        %add3A_671 = arith.addf %add3A_664, %get3A_670 : vector<16xf32>
        %add3A_672 = arith.constant 2 : i32
        %add3A_673 = arith.addi %add3A_672, %mul3A_506 : i32
        %add3A_674 = arith.constant 77614 : i32
        %add3A_675 = arith.addi %add3A_674, %add3A_673 : i32
        %get3A_676 = arith.index_cast %add3A_675 : i32 to index
        %get3A_677 = tpu.vector_load %arg9[%get3A_676] {strides = array<i32>} : memref<78658xf32, #tpu.memory_space<vmem>>, vector<16xf32>,
        %add3A_678 = arith.addf %sub3A_591, %get3A_677 : vector<16xf32>
        %add3A_679 = arith.constant 1 : i32
        %add3A_680 = arith.addi %add3A_679, %mul3A_506 : i32
        %add3A_681 = arith.constant 78128 : i32
        %add3A_682 = arith.addi %add3A_681, %add3A_680 : i32
        %get3A_683 = arith.index_cast %add3A_682 : i32 to index
        %get3A_684 = tpu.vector_load %arg9[%get3A_683] {strides = array<i32>} : memref<78658xf32, #tpu.memory_space<vmem>>, vector<16xf32>,
        %add3A_685 = arith.addf %add3A_678, %get3A_684 : vector<16xf32>
        %add3A_686 = arith.constant 1 : i32
        %add3A_687 = arith.addi %add3A_686, %mul3A_506 : i32
        %add3A_688 = arith.constant 51400 : i32
        %add3A_689 = arith.addi %add3A_688, %add3A_687 : i32
        %get3A_690 = arith.index_cast %add3A_689 : i32 to index
        %get3A_691 = tpu.vector_load %arg9[%get3A_690] {strides = array<i32>} : memref<78658xf32, #tpu.memory_space<vmem>>, vector<16xf32>,
        %add3A_692 = arith.addf %add3A_685, %get3A_691 : vector<16xf32>
        %mul3A_693 = arith.mulf %add3A_650, %add3A_650 : vector<16xf32>
        %mul3A_694 = arith.mulf %add3A_671, %add3A_671 : vector<16xf32>
        %add3A_695 = arith.addf %mul3A_693, %mul3A_694 : vector<16xf32>
        %mul3A_696 = arith.mulf %add3A_692, %add3A_692 : vector<16xf32>
        %add3A_697 = arith.addf %add3A_695, %mul3A_696 : vector<16xf32>
        %max3A_698 = arith.constant 1.000000e-24 : f32
        %max3A_699 = vector.broadcast %max3A_698 : f32 to vector<16xf32>
        %max3A_700 = arith.maximumf %add3A_697, %max3A_699 : vector<16xf32>
        %bitcast_convert_type3A_701 = tpu.bitcast %max3A_700 : vector<16xf32> -> vector<16xi32>
        %shift_right_logical3A_702 = arith.constant 1 : i32
        %shift_right_logical3A_703 = vector.broadcast %shift_right_logical3A_702 : i32 to vector<16xi32>
        %shift_right_logical3A_704 = arith.shrui %bitcast_convert_type3A_701, %shift_right_logical3A_703 : vector<16xi32>
        %sub3A_705 = arith.constant 1597463007 : i32
        %sub3A_706 = vector.broadcast %sub3A_705 : i32 to vector<16xi32>
        %sub3A_707 = arith.subi %sub3A_706, %shift_right_logical3A_704 : vector<16xi32>
        %bitcast_convert_type3A_708 = tpu.bitcast %sub3A_707 : vector<16xi32> -> vector<16xf32>
        %mul3A_709 = arith.constant 5.000000e-01 : f32
        %mul3A_710 = vector.broadcast %mul3A_709 : f32 to vector<16xf32>
        %mul3A_711 = arith.mulf %mul3A_710, %max3A_700 : vector<16xf32>
        %mul3A_712 = arith.mulf %mul3A_711, %bitcast_convert_type3A_708 : vector<16xf32>
        %mul3A_713 = arith.mulf %mul3A_712, %bitcast_convert_type3A_708 : vector<16xf32>
        %sub3A_714 = arith.constant 1.500000e+00 : f32
        %sub3A_715 = vector.broadcast %sub3A_714 : f32 to vector<16xf32>
        %sub3A_716 = arith.subf %sub3A_715, %mul3A_713 : vector<16xf32>
        %mul3A_717 = arith.mulf %bitcast_convert_type3A_708, %sub3A_716 : vector<16xf32>
        %mul3A_718 = arith.constant 5.000000e-01 : f32
        %mul3A_719 = vector.broadcast %mul3A_718 : f32 to vector<16xf32>
        %mul3A_720 = arith.mulf %mul3A_719, %max3A_700 : vector<16xf32>
        %mul3A_721 = arith.mulf %mul3A_720, %mul3A_717 : vector<16xf32>
        %mul3A_722 = arith.mulf %mul3A_721, %mul3A_717 : vector<16xf32>
        %sub3A_723 = arith.constant 1.500000e+00 : f32
        %sub3A_724 = vector.broadcast %sub3A_723 : f32 to vector<16xf32>
        %sub3A_725 = arith.subf %sub3A_724, %mul3A_722 : vector<16xf32>
        %mul3A_726 = arith.mulf %mul3A_717, %sub3A_725 : vector<16xf32>
        %mul3A_727 = arith.constant 5.000000e-01 : f32
        %mul3A_728 = vector.broadcast %mul3A_727 : f32 to vector<16xf32>
        %mul3A_729 = arith.mulf %mul3A_728, %max3A_700 : vector<16xf32>
        %mul3A_730 = arith.mulf %mul3A_729, %mul3A_726 : vector<16xf32>
        %mul3A_731 = arith.mulf %mul3A_730, %mul3A_726 : vector<16xf32>
        %sub3A_732 = arith.constant 1.500000e+00 : f32
        %sub3A_733 = vector.broadcast %sub3A_732 : f32 to vector<16xf32>
        %sub3A_734 = arith.subf %sub3A_733, %mul3A_731 : vector<16xf32>
        %mul3A_735 = arith.mulf %mul3A_726, %sub3A_734 : vector<16xf32>
        %mul3A_736 = arith.mulf %add3A_650, %mul3A_735 : vector<16xf32>
        %add3A_737 = arith.constant 7680 : i32
        %add3A_738 = arith.addi %add3A_737, %mul3A_506 : i32
        %swap3A_739 = arith.index_cast %add3A_738 : i32 to index
        %swap3A_740 = tpu.vector_load %arg10[%swap3A_739] {strides = array<i32>} : memref<24576xf32, #tpu.memory_space<vmem>>, vector<16xf32>,
        tpu.vector_store %arg10[%swap3A_739], %mul3A_736 {strides = array<i32>} : memref<24576xf32, #tpu.memory_space<vmem>>, vector<16xf32>,
        %mul3A_741 = arith.mulf %add3A_671, %mul3A_735 : vector<16xf32>
        %add3A_742 = arith.constant 15872 : i32
        %add3A_743 = arith.addi %add3A_742, %mul3A_506 : i32
        %swap3A_744 = arith.index_cast %add3A_743 : i32 to index
        %swap3A_745 = tpu.vector_load %arg10[%swap3A_744] {strides = array<i32>} : memref<24576xf32, #tpu.memory_space<vmem>>, vector<16xf32>,
        tpu.vector_store %arg10[%swap3A_744], %mul3A_741 {strides = array<i32>} : memref<24576xf32, #tpu.memory_space<vmem>>, vector<16xf32>,
        %mul3A_746 = arith.mulf %add3A_692, %mul3A_735 : vector<16xf32>
        %add3A_747 = arith.constant 24064 : i32
        %add3A_748 = arith.addi %add3A_747, %mul3A_506 : i32
        %swap3A_749 = arith.index_cast %add3A_748 : i32 to index
        %swap3A_750 = tpu.vector_load %arg10[%swap3A_749] {strides = array<i32>} : memref<24576xf32, #tpu.memory_space<vmem>>, vector<16xf32>,
        tpu.vector_store %arg10[%swap3A_749], %mul3A_746 {strides = array<i32>} : memref<24576xf32, #tpu.memory_space<vmem>>, vector<16xf32>,
        %mul3A_751 = arith.constant 32 : i32
        %mul3A_752 = arith.muli %scan3A_504, %mul3A_751 : i32
        %add3A_753 = arith.constant 16 : i32
        %add3A_754 = arith.addi %mul3A_752, %add3A_753 : i32
        %add3A_755 = arith.constant 8192 : i32
        %add3A_756 = arith.addi %add3A_755, %add3A_754 : i32
        %add3A_757 = arith.constant 0 : i32
        %add3A_758 = arith.addi %add3A_756, %add3A_757 : i32
        %add3A_759 = arith.constant 0 : i32
        %add3A_760 = arith.addi %add3A_758, %add3A_759 : i32
        %get3A_761 = arith.index_cast %add3A_760 : i32 to index
        %get3A_762 = tpu.vector_load %arg8[%get3A_761] {strides = array<i32>} : memref<27648xf32, #tpu.memory_space<vmem>>, vector<16xf32>,
        %add3A_763 = arith.constant 9216 : i32
        %add3A_764 = arith.addi %add3A_758, %add3A_763 : i32
        %get3A_765 = arith.index_cast %add3A_764 : i32 to index
        %get3A_766 = tpu.vector_load %arg8[%get3A_765] {strides = array<i32>} : memref<27648xf32, #tpu.memory_space<vmem>>, vector<16xf32>,
        %add3A_767 = arith.constant 18432 : i32
        %add3A_768 = arith.addi %add3A_758, %add3A_767 : i32
        %get3A_769 = arith.index_cast %add3A_768 : i32 to index
        %get3A_770 = tpu.vector_load %arg8[%get3A_769] {strides = array<i32>} : memref<27648xf32, #tpu.memory_space<vmem>>, vector<16xf32>,
        %add3A_771 = arith.constant 8192 : i32
        %add3A_772 = arith.addi %add3A_771, %add3A_754 : i32
        %add3A_773 = arith.constant 1 : i32
        %add3A_774 = arith.addi %add3A_772, %add3A_773 : i32
        %add3A_775 = arith.constant 0 : i32
        %add3A_776 = arith.addi %add3A_774, %add3A_775 : i32
        %get3A_777 = arith.index_cast %add3A_776 : i32 to index
        %get3A_778 = tpu.vector_load %arg8[%get3A_777] {strides = array<i32>} : memref<27648xf32, #tpu.memory_space<vmem>>, vector<16xf32>,
        %add3A_779 = arith.constant 9216 : i32
        %add3A_780 = arith.addi %add3A_774, %add3A_779 : i32
        %get3A_781 = arith.index_cast %add3A_780 : i32 to index
        %get3A_782 = tpu.vector_load %arg8[%get3A_781] {strides = array<i32>} : memref<27648xf32, #tpu.memory_space<vmem>>, vector<16xf32>,
        %add3A_783 = arith.constant 18432 : i32
        %add3A_784 = arith.addi %add3A_774, %add3A_783 : i32
        %get3A_785 = arith.index_cast %add3A_784 : i32 to index
        %get3A_786 = tpu.vector_load %arg8[%get3A_785] {strides = array<i32>} : memref<27648xf32, #tpu.memory_space<vmem>>, vector<16xf32>,
        %add3A_787 = arith.constant 8704 : i32
        %add3A_788 = arith.addi %add3A_787, %add3A_754 : i32
        %add3A_789 = arith.constant 0 : i32
        %add3A_790 = arith.addi %add3A_788, %add3A_789 : i32
        %add3A_791 = arith.constant 0 : i32
        %add3A_792 = arith.addi %add3A_790, %add3A_791 : i32
        %get3A_793 = arith.index_cast %add3A_792 : i32 to index
        %get3A_794 = tpu.vector_load %arg8[%get3A_793] {strides = array<i32>} : memref<27648xf32, #tpu.memory_space<vmem>>, vector<16xf32>,
        %add3A_795 = arith.constant 9216 : i32
        %add3A_796 = arith.addi %add3A_790, %add3A_795 : i32
        %get3A_797 = arith.index_cast %add3A_796 : i32 to index
        %get3A_798 = tpu.vector_load %arg8[%get3A_797] {strides = array<i32>} : memref<27648xf32, #tpu.memory_space<vmem>>, vector<16xf32>,
        %add3A_799 = arith.constant 18432 : i32
        %add3A_800 = arith.addi %add3A_790, %add3A_799 : i32
        %get3A_801 = arith.index_cast %add3A_800 : i32 to index
        %get3A_802 = tpu.vector_load %arg8[%get3A_801] {strides = array<i32>} : memref<27648xf32, #tpu.memory_space<vmem>>, vector<16xf32>,
        %add3A_803 = arith.constant 8704 : i32
        %add3A_804 = arith.addi %add3A_803, %add3A_754 : i32
        %add3A_805 = arith.constant 1 : i32
        %add3A_806 = arith.addi %add3A_804, %add3A_805 : i32
        %add3A_807 = arith.constant 0 : i32
        %add3A_808 = arith.addi %add3A_806, %add3A_807 : i32
        %get3A_809 = arith.index_cast %add3A_808 : i32 to index
        %get3A_810 = tpu.vector_load %arg8[%get3A_809] {strides = array<i32>} : memref<27648xf32, #tpu.memory_space<vmem>>, vector<16xf32>,
        %add3A_811 = arith.constant 9216 : i32
        %add3A_812 = arith.addi %add3A_806, %add3A_811 : i32
        %get3A_813 = arith.index_cast %add3A_812 : i32 to index
        %get3A_814 = tpu.vector_load %arg8[%get3A_813] {strides = array<i32>} : memref<27648xf32, #tpu.memory_space<vmem>>, vector<16xf32>,
        %add3A_815 = arith.constant 18432 : i32
        %add3A_816 = arith.addi %add3A_806, %add3A_815 : i32
        %get3A_817 = arith.index_cast %add3A_816 : i32 to index
        %get3A_818 = tpu.vector_load %arg8[%get3A_817] {strides = array<i32>} : memref<27648xf32, #tpu.memory_space<vmem>>, vector<16xf32>,
        %sub3A_819 = arith.subf %get3A_794, %get3A_762 : vector<16xf32>
        %sub3A_820 = arith.subf %get3A_798, %get3A_766 : vector<16xf32>
        %sub3A_821 = arith.subf %get3A_802, %get3A_770 : vector<16xf32>
        %sub3A_822 = arith.subf %get3A_778, %get3A_762 : vector<16xf32>
        %sub3A_823 = arith.subf %get3A_782, %get3A_766 : vector<16xf32>
        %sub3A_824 = arith.subf %get3A_786, %get3A_770 : vector<16xf32>
        %sub3A_825 = arith.subf %get3A_794, %get3A_778 : vector<16xf32>
        %sub3A_826 = arith.subf %get3A_798, %get3A_782 : vector<16xf32>
        %sub3A_827 = arith.subf %get3A_802, %get3A_786 : vector<16xf32>
        %sub3A_828 = arith.subf %get3A_810, %get3A_778 : vector<16xf32>
        %sub3A_829 = arith.subf %get3A_814, %get3A_782 : vector<16xf32>
        %sub3A_830 = arith.subf %get3A_818, %get3A_786 : vector<16xf32>
        %mul3A_831 = arith.mulf %sub3A_820, %sub3A_824 : vector<16xf32>
        %mul3A_832 = arith.mulf %sub3A_821, %sub3A_823 : vector<16xf32>
        %sub3A_833 = arith.subf %mul3A_831, %mul3A_832 : vector<16xf32>
        %mul3A_834 = arith.mulf %sub3A_821, %sub3A_822 : vector<16xf32>
        %mul3A_835 = arith.mulf %sub3A_819, %sub3A_824 : vector<16xf32>
        %sub3A_836 = arith.subf %mul3A_834, %mul3A_835 : vector<16xf32>
        %mul3A_837 = arith.mulf %sub3A_819, %sub3A_823 : vector<16xf32>
        %mul3A_838 = arith.mulf %sub3A_820, %sub3A_822 : vector<16xf32>
        %sub3A_839 = arith.subf %mul3A_837, %mul3A_838 : vector<16xf32>
        %mul3A_840 = arith.mulf %sub3A_826, %sub3A_830 : vector<16xf32>
        %mul3A_841 = arith.mulf %sub3A_827, %sub3A_829 : vector<16xf32>
        %sub3A_842 = arith.subf %mul3A_840, %mul3A_841 : vector<16xf32>
        %mul3A_843 = arith.mulf %sub3A_827, %sub3A_828 : vector<16xf32>
        %mul3A_844 = arith.mulf %sub3A_825, %sub3A_830 : vector<16xf32>
        %sub3A_845 = arith.subf %mul3A_843, %mul3A_844 : vector<16xf32>
        %mul3A_846 = arith.mulf %sub3A_825, %sub3A_829 : vector<16xf32>
        %mul3A_847 = arith.mulf %sub3A_826, %sub3A_828 : vector<16xf32>
        %sub3A_848 = arith.subf %mul3A_846, %mul3A_847 : vector<16xf32>
        %add3A_849 = arith.constant 8226 : i32
        %add3A_850 = arith.addi %add3A_849, %add3A_754 : i32
        %add3A_851 = arith.constant 26214 : i32
        %add3A_852 = arith.addi %add3A_851, %add3A_850 : i32
        %swap3A_853 = arith.index_cast %add3A_852 : i32 to index
        %swap3A_854 = tpu.vector_load %arg9[%swap3A_853] {strides = array<i32>} : memref<78658xf32, #tpu.memory_space<vmem>>, vector<16xf32>,
        tpu.vector_store %arg9[%swap3A_853], %sub3A_842 {strides = array<i32>} : memref<78658xf32, #tpu.memory_space<vmem>>, vector<16xf32>,
        %add3A_855 = arith.addf %sub3A_833, %sub3A_842 : vector<16xf32>
        %add3A_856 = arith.constant 52428 : i32
        %add3A_857 = arith.addi %add3A_856, %add3A_850 : i32
        %swap3A_858 = arith.index_cast %add3A_857 : i32 to index
        %swap3A_859 = tpu.vector_load %arg9[%swap3A_858] {strides = array<i32>} : memref<78658xf32, #tpu.memory_space<vmem>>, vector<16xf32>,
        tpu.vector_store %arg9[%swap3A_858], %add3A_855 {strides = array<i32>} : memref<78658xf32, #tpu.memory_space<vmem>>, vector<16xf32>,
        %add3A_860 = arith.constant 34952 : i32
        %add3A_861 = arith.addi %add3A_860, %add3A_850 : i32
        %swap3A_862 = arith.index_cast %add3A_861 : i32 to index
        %swap3A_863 = tpu.vector_load %arg9[%swap3A_862] {strides = array<i32>} : memref<78658xf32, #tpu.memory_space<vmem>>, vector<16xf32>,
        tpu.vector_store %arg9[%swap3A_862], %sub3A_845 {strides = array<i32>} : memref<78658xf32, #tpu.memory_space<vmem>>, vector<16xf32>,
        %add3A_864 = arith.addf %sub3A_836, %sub3A_845 : vector<16xf32>
        %add3A_865 = arith.constant 61166 : i32
        %add3A_866 = arith.addi %add3A_865, %add3A_850 : i32
        %swap3A_867 = arith.index_cast %add3A_866 : i32 to index
        %swap3A_868 = tpu.vector_load %arg9[%swap3A_867] {strides = array<i32>} : memref<78658xf32, #tpu.memory_space<vmem>>, vector<16xf32>,
        tpu.vector_store %arg9[%swap3A_867], %add3A_864 {strides = array<i32>} : memref<78658xf32, #tpu.memory_space<vmem>>, vector<16xf32>,
        %add3A_869 = arith.constant 43690 : i32
        %add3A_870 = arith.addi %add3A_869, %add3A_850 : i32
        %swap3A_871 = arith.index_cast %add3A_870 : i32 to index
        %swap3A_872 = tpu.vector_load %arg9[%swap3A_871] {strides = array<i32>} : memref<78658xf32, #tpu.memory_space<vmem>>, vector<16xf32>,
        tpu.vector_store %arg9[%swap3A_871], %sub3A_848 {strides = array<i32>} : memref<78658xf32, #tpu.memory_space<vmem>>, vector<16xf32>,
        %add3A_873 = arith.addf %sub3A_839, %sub3A_848 : vector<16xf32>
        %add3A_874 = arith.constant 69904 : i32
        %add3A_875 = arith.addi %add3A_874, %add3A_850 : i32
        %swap3A_876 = arith.index_cast %add3A_875 : i32 to index
        %swap3A_877 = tpu.vector_load %arg9[%swap3A_876] {strides = array<i32>} : memref<78658xf32, #tpu.memory_space<vmem>>, vector<16xf32>,
        tpu.vector_store %arg9[%swap3A_876], %add3A_873 {strides = array<i32>} : memref<78658xf32, #tpu.memory_space<vmem>>, vector<16xf32>,
        %add3A_878 = arith.constant 2 : i32
        %add3A_879 = arith.addi %add3A_878, %add3A_754 : i32
        %add3A_880 = arith.constant 60138 : i32
        %add3A_881 = arith.addi %add3A_880, %add3A_879 : i32
        %get3A_882 = arith.index_cast %add3A_881 : i32 to index
        %get3A_883 = tpu.vector_load %arg9[%get3A_882] {strides = array<i32>} : memref<78658xf32, #tpu.memory_space<vmem>>, vector<16xf32>,
        %add3A_884 = arith.addf %sub3A_833, %get3A_883 : vector<16xf32>
        %add3A_885 = arith.constant 1 : i32
        %add3A_886 = arith.addi %add3A_885, %add3A_754 : i32
        %add3A_887 = arith.constant 60652 : i32
        %add3A_888 = arith.addi %add3A_887, %add3A_886 : i32
        %get3A_889 = arith.index_cast %add3A_888 : i32 to index
        %get3A_890 = tpu.vector_load %arg9[%get3A_889] {strides = array<i32>} : memref<78658xf32, #tpu.memory_space<vmem>>, vector<16xf32>,
        %add3A_891 = arith.addf %add3A_884, %get3A_890 : vector<16xf32>
        %add3A_892 = arith.constant 1 : i32
        %add3A_893 = arith.addi %add3A_892, %add3A_754 : i32
        %add3A_894 = arith.constant 33924 : i32
        %add3A_895 = arith.addi %add3A_894, %add3A_893 : i32
        %get3A_896 = arith.index_cast %add3A_895 : i32 to index
        %get3A_897 = tpu.vector_load %arg9[%get3A_896] {strides = array<i32>} : memref<78658xf32, #tpu.memory_space<vmem>>, vector<16xf32>,
        %add3A_898 = arith.addf %add3A_891, %get3A_897 : vector<16xf32>
        %add3A_899 = arith.constant 2 : i32
        %add3A_900 = arith.addi %add3A_899, %add3A_754 : i32
        %add3A_901 = arith.constant 68876 : i32
        %add3A_902 = arith.addi %add3A_901, %add3A_900 : i32
        %get3A_903 = arith.index_cast %add3A_902 : i32 to index
        %get3A_904 = tpu.vector_load %arg9[%get3A_903] {strides = array<i32>} : memref<78658xf32, #tpu.memory_space<vmem>>, vector<16xf32>,
        %add3A_905 = arith.addf %sub3A_836, %get3A_904 : vector<16xf32>
        %add3A_906 = arith.constant 1 : i32
        %add3A_907 = arith.addi %add3A_906, %add3A_754 : i32
        %add3A_908 = arith.constant 69390 : i32
        %add3A_909 = arith.addi %add3A_908, %add3A_907 : i32
        %get3A_910 = arith.index_cast %add3A_909 : i32 to index
        %get3A_911 = tpu.vector_load %arg9[%get3A_910] {strides = array<i32>} : memref<78658xf32, #tpu.memory_space<vmem>>, vector<16xf32>,
        %add3A_912 = arith.addf %add3A_905, %get3A_911 : vector<16xf32>
        %add3A_913 = arith.constant 1 : i32
        %add3A_914 = arith.addi %add3A_913, %add3A_754 : i32
        %add3A_915 = arith.constant 42662 : i32
        %add3A_916 = arith.addi %add3A_915, %add3A_914 : i32
        %get3A_917 = arith.index_cast %add3A_916 : i32 to index
        %get3A_918 = tpu.vector_load %arg9[%get3A_917] {strides = array<i32>} : memref<78658xf32, #tpu.memory_space<vmem>>, vector<16xf32>,
        %add3A_919 = arith.addf %add3A_912, %get3A_918 : vector<16xf32>
        %add3A_920 = arith.constant 2 : i32
        %add3A_921 = arith.addi %add3A_920, %add3A_754 : i32
        %add3A_922 = arith.constant 77614 : i32
        %add3A_923 = arith.addi %add3A_922, %add3A_921 : i32
        %get3A_924 = arith.index_cast %add3A_923 : i32 to index
        %get3A_925 = tpu.vector_load %arg9[%get3A_924] {strides = array<i32>} : memref<78658xf32, #tpu.memory_space<vmem>>, vector<16xf32>,
        %add3A_926 = arith.addf %sub3A_839, %get3A_925 : vector<16xf32>
        %add3A_927 = arith.constant 1 : i32
        %add3A_928 = arith.addi %add3A_927, %add3A_754 : i32
        %add3A_929 = arith.constant 78128 : i32
        %add3A_930 = arith.addi %add3A_929, %add3A_928 : i32
        %get3A_931 = arith.index_cast %add3A_930 : i32 to index
        %get3A_932 = tpu.vector_load %arg9[%get3A_931] {strides = array<i32>} : memref<78658xf32, #tpu.memory_space<vmem>>, vector<16xf32>,
        %add3A_933 = arith.addf %add3A_926, %get3A_932 : vector<16xf32>
        %add3A_934 = arith.constant 1 : i32
        %add3A_935 = arith.addi %add3A_934, %add3A_754 : i32
        %add3A_936 = arith.constant 51400 : i32
        %add3A_937 = arith.addi %add3A_936, %add3A_935 : i32
        %get3A_938 = arith.index_cast %add3A_937 : i32 to index
        %get3A_939 = tpu.vector_load %arg9[%get3A_938] {strides = array<i32>} : memref<78658xf32, #tpu.memory_space<vmem>>, vector<16xf32>,
        %add3A_940 = arith.addf %add3A_933, %get3A_939 : vector<16xf32>
        %mul3A_941 = arith.mulf %add3A_898, %add3A_898 : vector<16xf32>
        %mul3A_942 = arith.mulf %add3A_919, %add3A_919 : vector<16xf32>
        %add3A_943 = arith.addf %mul3A_941, %mul3A_942 : vector<16xf32>
        %mul3A_944 = arith.mulf %add3A_940, %add3A_940 : vector<16xf32>
        %add3A_945 = arith.addf %add3A_943, %mul3A_944 : vector<16xf32>
        %max3A_946 = arith.constant 1.000000e-24 : f32
        %max3A_947 = vector.broadcast %max3A_946 : f32 to vector<16xf32>
        %max3A_948 = arith.maximumf %add3A_945, %max3A_947 : vector<16xf32>
        %bitcast_convert_type3A_949 = tpu.bitcast %max3A_948 : vector<16xf32> -> vector<16xi32>
        %shift_right_logical3A_950 = arith.constant 1 : i32
        %shift_right_logical3A_951 = vector.broadcast %shift_right_logical3A_950 : i32 to vector<16xi32>
        %shift_right_logical3A_952 = arith.shrui %bitcast_convert_type3A_949, %shift_right_logical3A_951 : vector<16xi32>
        %sub3A_953 = arith.constant 1597463007 : i32
        %sub3A_954 = vector.broadcast %sub3A_953 : i32 to vector<16xi32>
        %sub3A_955 = arith.subi %sub3A_954, %shift_right_logical3A_952 : vector<16xi32>
        %bitcast_convert_type3A_956 = tpu.bitcast %sub3A_955 : vector<16xi32> -> vector<16xf32>
        %mul3A_957 = arith.constant 5.000000e-01 : f32
        %mul3A_958 = vector.broadcast %mul3A_957 : f32 to vector<16xf32>
        %mul3A_959 = arith.mulf %mul3A_958, %max3A_948 : vector<16xf32>
        %mul3A_960 = arith.mulf %mul3A_959, %bitcast_convert_type3A_956 : vector<16xf32>
        %mul3A_961 = arith.mulf %mul3A_960, %bitcast_convert_type3A_956 : vector<16xf32>
        %sub3A_962 = arith.constant 1.500000e+00 : f32
        %sub3A_963 = vector.broadcast %sub3A_962 : f32 to vector<16xf32>
        %sub3A_964 = arith.subf %sub3A_963, %mul3A_961 : vector<16xf32>
        %mul3A_965 = arith.mulf %bitcast_convert_type3A_956, %sub3A_964 : vector<16xf32>
        %mul3A_966 = arith.constant 5.000000e-01 : f32
        %mul3A_967 = vector.broadcast %mul3A_966 : f32 to vector<16xf32>
        %mul3A_968 = arith.mulf %mul3A_967, %max3A_948 : vector<16xf32>
        %mul3A_969 = arith.mulf %mul3A_968, %mul3A_965 : vector<16xf32>
        %mul3A_970 = arith.mulf %mul3A_969, %mul3A_965 : vector<16xf32>
        %sub3A_971 = arith.constant 1.500000e+00 : f32
        %sub3A_972 = vector.broadcast %sub3A_971 : f32 to vector<16xf32>
        %sub3A_973 = arith.subf %sub3A_972, %mul3A_970 : vector<16xf32>
        %mul3A_974 = arith.mulf %mul3A_965, %sub3A_973 : vector<16xf32>
        %mul3A_975 = arith.constant 5.000000e-01 : f32
        %mul3A_976 = vector.broadcast %mul3A_975 : f32 to vector<16xf32>
        %mul3A_977 = arith.mulf %mul3A_976, %max3A_948 : vector<16xf32>
        %mul3A_978 = arith.mulf %mul3A_977, %mul3A_974 : vector<16xf32>
        %mul3A_979 = arith.mulf %mul3A_978, %mul3A_974 : vector<16xf32>
        %sub3A_980 = arith.constant 1.500000e+00 : f32
        %sub3A_981 = vector.broadcast %sub3A_980 : f32 to vector<16xf32>
        %sub3A_982 = arith.subf %sub3A_981, %mul3A_979 : vector<16xf32>
        %mul3A_983 = arith.mulf %mul3A_974, %sub3A_982 : vector<16xf32>
        %mul3A_984 = arith.mulf %add3A_898, %mul3A_983 : vector<16xf32>
        %add3A_985 = arith.constant 7680 : i32
        %add3A_986 = arith.addi %add3A_985, %add3A_754 : i32
        %swap3A_987 = arith.index_cast %add3A_986 : i32 to index
        %swap3A_988 = tpu.vector_load %arg10[%swap3A_987] {strides = array<i32>} : memref<24576xf32, #tpu.memory_space<vmem>>, vector<16xf32>,
        tpu.vector_store %arg10[%swap3A_987], %mul3A_984 {strides = array<i32>} : memref<24576xf32, #tpu.memory_space<vmem>>, vector<16xf32>,
        %mul3A_989 = arith.mulf %add3A_919, %mul3A_983 : vector<16xf32>
        %add3A_990 = arith.constant 15872 : i32
        %add3A_991 = arith.addi %add3A_990, %add3A_754 : i32
        %swap3A_992 = arith.index_cast %add3A_991 : i32 to index
        %swap3A_993 = tpu.vector_load %arg10[%swap3A_992] {strides = array<i32>} : memref<24576xf32, #tpu.memory_space<vmem>>, vector<16xf32>,
        tpu.vector_store %arg10[%swap3A_992], %mul3A_989 {strides = array<i32>} : memref<24576xf32, #tpu.memory_space<vmem>>, vector<16xf32>,
        %mul3A_994 = arith.mulf %add3A_940, %mul3A_983 : vector<16xf32>
        %add3A_995 = arith.constant 24064 : i32
        %add3A_996 = arith.addi %add3A_995, %add3A_754 : i32
        %swap3A_997 = arith.index_cast %add3A_996 : i32 to index
        %swap3A_998 = tpu.vector_load %arg10[%swap3A_997] {strides = array<i32>} : memref<24576xf32, #tpu.memory_space<vmem>>, vector<16xf32>,
        tpu.vector_store %arg10[%swap3A_997], %mul3A_994 {strides = array<i32>} : memref<24576xf32, #tpu.memory_space<vmem>>, vector<16xf32>,
      }
      %scan3A_199 = arith.constant 15 : i32
      %get3A = arith.constant 8672 : index
      %get3A_200 = tpu.vector_load %arg8[%get3A] {strides = array<i32>} : memref<27648xf32, #tpu.memory_space<vmem>>, vector<16xf32>,
      %get3A_201 = arith.constant 17888 : index
      %get3A_202 = tpu.vector_load %arg8[%get3A_201] {strides = array<i32>} : memref<27648xf32, #tpu.memory_space<vmem>>, vector<16xf32>,
      %get3A_203 = arith.constant 27104 : index
      %get3A_204 = tpu.vector_load %arg8[%get3A_203] {strides = array<i32>} : memref<27648xf32, #tpu.memory_space<vmem>>, vector<16xf32>,
      %get3A_205 = arith.constant 8673 : index
      %get3A_206 = tpu.vector_load %arg8[%get3A_205] {strides = array<i32>} : memref<27648xf32, #tpu.memory_space<vmem>>, vector<16xf32>,
      %get3A_207 = arith.constant 17889 : index
      %get3A_208 = tpu.vector_load %arg8[%get3A_207] {strides = array<i32>} : memref<27648xf32, #tpu.memory_space<vmem>>, vector<16xf32>,
      %get3A_209 = arith.constant 27105 : index
      %get3A_210 = tpu.vector_load %arg8[%get3A_209] {strides = array<i32>} : memref<27648xf32, #tpu.memory_space<vmem>>, vector<16xf32>,
      %get3A_211 = arith.constant 9184 : index
      %get3A_212 = tpu.vector_load %arg8[%get3A_211] {strides = array<i32>} : memref<27648xf32, #tpu.memory_space<vmem>>, vector<16xf32>,
      %get3A_213 = arith.constant 18400 : index
      %get3A_214 = tpu.vector_load %arg8[%get3A_213] {strides = array<i32>} : memref<27648xf32, #tpu.memory_space<vmem>>, vector<16xf32>,
      %get3A_215 = arith.constant 27616 : index
      %get3A_216 = tpu.vector_load %arg8[%get3A_215] {strides = array<i32>} : memref<27648xf32, #tpu.memory_space<vmem>>, vector<16xf32>,
      %get3A_217 = arith.constant 9185 : index
      %get3A_218 = tpu.vector_load %arg8[%get3A_217] {strides = array<i32>} : memref<27648xf32, #tpu.memory_space<vmem>>, vector<16xf32>,
      %get3A_219 = arith.constant 18401 : index
      %get3A_220 = tpu.vector_load %arg8[%get3A_219] {strides = array<i32>} : memref<27648xf32, #tpu.memory_space<vmem>>, vector<16xf32>,
      %get3A_221 = arith.constant 27617 : index
      %get3A_222 = tpu.vector_load %arg8[%get3A_221] {strides = array<i32>} : memref<27648xf32, #tpu.memory_space<vmem>>, vector<16xf32>,
      %sub3A_223 = arith.subf %get3A_212, %get3A_200 : vector<16xf32>
      %sub3A_224 = arith.subf %get3A_214, %get3A_202 : vector<16xf32>
      %sub3A_225 = arith.subf %get3A_216, %get3A_204 : vector<16xf32>
      %sub3A_226 = arith.subf %get3A_206, %get3A_200 : vector<16xf32>
      %sub3A_227 = arith.subf %get3A_208, %get3A_202 : vector<16xf32>
      %sub3A_228 = arith.subf %get3A_210, %get3A_204 : vector<16xf32>
      %sub3A_229 = arith.subf %get3A_212, %get3A_206 : vector<16xf32>
      %sub3A_230 = arith.subf %get3A_214, %get3A_208 : vector<16xf32>
      %sub3A_231 = arith.subf %get3A_216, %get3A_210 : vector<16xf32>
      %sub3A_232 = arith.subf %get3A_218, %get3A_206 : vector<16xf32>
      %sub3A_233 = arith.subf %get3A_220, %get3A_208 : vector<16xf32>
      %sub3A_234 = arith.subf %get3A_222, %get3A_210 : vector<16xf32>
      %mul3A_235 = arith.mulf %sub3A_224, %sub3A_228 : vector<16xf32>
      %mul3A_236 = arith.mulf %sub3A_225, %sub3A_227 : vector<16xf32>
      %sub3A_237 = arith.subf %mul3A_235, %mul3A_236 : vector<16xf32>
      %mul3A_238 = arith.mulf %sub3A_225, %sub3A_226 : vector<16xf32>
      %mul3A_239 = arith.mulf %sub3A_223, %sub3A_228 : vector<16xf32>
      %sub3A_240 = arith.subf %mul3A_238, %mul3A_239 : vector<16xf32>
      %mul3A_241 = arith.mulf %sub3A_223, %sub3A_227 : vector<16xf32>
      %mul3A_242 = arith.mulf %sub3A_224, %sub3A_226 : vector<16xf32>
      %sub3A_243 = arith.subf %mul3A_241, %mul3A_242 : vector<16xf32>
      %mul3A_244 = arith.mulf %sub3A_230, %sub3A_234 : vector<16xf32>
      %mul3A_245 = arith.mulf %sub3A_231, %sub3A_233 : vector<16xf32>
      %sub3A_246 = arith.subf %mul3A_244, %mul3A_245 : vector<16xf32>
      %mul3A_247 = arith.mulf %sub3A_231, %sub3A_232 : vector<16xf32>
      %mul3A_248 = arith.mulf %sub3A_229, %sub3A_234 : vector<16xf32>
      %sub3A_249 = arith.subf %mul3A_247, %mul3A_248 : vector<16xf32>
      %mul3A_250 = arith.mulf %sub3A_229, %sub3A_233 : vector<16xf32>
      %mul3A_251 = arith.mulf %sub3A_230, %sub3A_232 : vector<16xf32>
      %sub3A_252 = arith.subf %mul3A_250, %mul3A_251 : vector<16xf32>
      %swap3A = arith.constant 34920 : index
      %swap3A_253 = tpu.vector_load %arg9[%swap3A] {strides = array<i32>} : memref<78658xf32, #tpu.memory_space<vmem>>, vector<16xf32>,
      tpu.vector_store %arg9[%swap3A], %sub3A_246 {strides = array<i32>} : memref<78658xf32, #tpu.memory_space<vmem>>, vector<16xf32>,
      %add3A_254 = arith.addf %sub3A_237, %sub3A_246 : vector<16xf32>
      %swap3A_255 = arith.constant 61134 : index
      %swap3A_256 = tpu.vector_load %arg9[%swap3A_255] {strides = array<i32>} : memref<78658xf32, #tpu.memory_space<vmem>>, vector<16xf32>,
      tpu.vector_store %arg9[%swap3A_255], %add3A_254 {strides = array<i32>} : memref<78658xf32, #tpu.memory_space<vmem>>, vector<16xf32>,
      %swap3A_257 = arith.constant 43658 : index
      %swap3A_258 = tpu.vector_load %arg9[%swap3A_257] {strides = array<i32>} : memref<78658xf32, #tpu.memory_space<vmem>>, vector<16xf32>,
      tpu.vector_store %arg9[%swap3A_257], %sub3A_249 {strides = array<i32>} : memref<78658xf32, #tpu.memory_space<vmem>>, vector<16xf32>,
      %add3A_259 = arith.addf %sub3A_240, %sub3A_249 : vector<16xf32>
      %swap3A_260 = arith.constant 69872 : index
      %swap3A_261 = tpu.vector_load %arg9[%swap3A_260] {strides = array<i32>} : memref<78658xf32, #tpu.memory_space<vmem>>, vector<16xf32>,
      tpu.vector_store %arg9[%swap3A_260], %add3A_259 {strides = array<i32>} : memref<78658xf32, #tpu.memory_space<vmem>>, vector<16xf32>,
      %swap3A_262 = arith.constant 52396 : index
      %swap3A_263 = tpu.vector_load %arg9[%swap3A_262] {strides = array<i32>} : memref<78658xf32, #tpu.memory_space<vmem>>, vector<16xf32>,
      tpu.vector_store %arg9[%swap3A_262], %sub3A_252 {strides = array<i32>} : memref<78658xf32, #tpu.memory_space<vmem>>, vector<16xf32>,
      %add3A_264 = arith.addf %sub3A_243, %sub3A_252 : vector<16xf32>
      %swap3A_265 = arith.constant 78610 : index
      %swap3A_266 = tpu.vector_load %arg9[%swap3A_265] {strides = array<i32>} : memref<78658xf32, #tpu.memory_space<vmem>>, vector<16xf32>,
      tpu.vector_store %arg9[%swap3A_265], %add3A_264 {strides = array<i32>} : memref<78658xf32, #tpu.memory_space<vmem>>, vector<16xf32>,
      %get3A_267 = arith.constant 60620 : index
      %get3A_268 = tpu.vector_load %arg9[%get3A_267] {strides = array<i32>} : memref<78658xf32, #tpu.memory_space<vmem>>, vector<16xf32>,
      %add3A_269 = arith.addf %sub3A_237, %get3A_268 : vector<16xf32>
      %get3A_270 = arith.constant 61133 : index
      %get3A_271 = tpu.vector_load %arg9[%get3A_270] {strides = array<i32>} : memref<78658xf32, #tpu.memory_space<vmem>>, vector<16xf32>,
      %add3A_272 = arith.addf %add3A_269, %get3A_271 : vector<16xf32>
      %get3A_273 = arith.constant 34405 : index
      %get3A_274 = tpu.vector_load %arg9[%get3A_273] {strides = array<i32>} : memref<78658xf32, #tpu.memory_space<vmem>>, vector<16xf32>,
      %add3A_275 = arith.addf %add3A_272, %get3A_274 : vector<16xf32>
      %get3A_276 = arith.constant 69358 : index
      %get3A_277 = tpu.vector_load %arg9[%get3A_276] {strides = array<i32>} : memref<78658xf32, #tpu.memory_space<vmem>>, vector<16xf32>,
      %add3A_278 = arith.addf %sub3A_240, %get3A_277 : vector<16xf32>
      %get3A_279 = arith.constant 69871 : index
      %get3A_280 = tpu.vector_load %arg9[%get3A_279] {strides = array<i32>} : memref<78658xf32, #tpu.memory_space<vmem>>, vector<16xf32>,
      %add3A_281 = arith.addf %add3A_278, %get3A_280 : vector<16xf32>
      %get3A_282 = arith.constant 43143 : index
      %get3A_283 = tpu.vector_load %arg9[%get3A_282] {strides = array<i32>} : memref<78658xf32, #tpu.memory_space<vmem>>, vector<16xf32>,
      %add3A_284 = arith.addf %add3A_281, %get3A_283 : vector<16xf32>
      %get3A_285 = arith.constant 78096 : index
      %get3A_286 = tpu.vector_load %arg9[%get3A_285] {strides = array<i32>} : memref<78658xf32, #tpu.memory_space<vmem>>, vector<16xf32>,
      %add3A_287 = arith.addf %sub3A_243, %get3A_286 : vector<16xf32>
      %get3A_288 = arith.constant 78609 : index
      %get3A_289 = tpu.vector_load %arg9[%get3A_288] {strides = array<i32>} : memref<78658xf32, #tpu.memory_space<vmem>>, vector<16xf32>,
      %add3A_290 = arith.addf %add3A_287, %get3A_289 : vector<16xf32>
      %get3A_291 = arith.constant 51881 : index
      %get3A_292 = tpu.vector_load %arg9[%get3A_291] {strides = array<i32>} : memref<78658xf32, #tpu.memory_space<vmem>>, vector<16xf32>,
      %add3A_293 = arith.addf %add3A_290, %get3A_292 : vector<16xf32>
      %mul3A_294 = arith.mulf %add3A_275, %add3A_275 : vector<16xf32>
      %mul3A_295 = arith.mulf %add3A_284, %add3A_284 : vector<16xf32>
      %add3A_296 = arith.addf %mul3A_294, %mul3A_295 : vector<16xf32>
      %mul3A_297 = arith.mulf %add3A_293, %add3A_293 : vector<16xf32>
      %add3A_298 = arith.addf %add3A_296, %mul3A_297 : vector<16xf32>
      %max3A_299 = arith.constant 1.000000e-24 : f32
      %max3A_300 = vector.broadcast %max3A_299 : f32 to vector<16xf32>
      %max3A_301 = arith.maximumf %add3A_298, %max3A_300 : vector<16xf32>
      %bitcast_convert_type3A = tpu.bitcast %max3A_301 : vector<16xf32> -> vector<16xi32>
      %shift_right_logical3A = arith.constant 1 : i32
      %shift_right_logical3A_302 = vector.broadcast %shift_right_logical3A : i32 to vector<16xi32>
      %shift_right_logical3A_303 = arith.shrui %bitcast_convert_type3A, %shift_right_logical3A_302 : vector<16xi32>
      %sub3A_304 = arith.constant 1597463007 : i32
      %sub3A_305 = vector.broadcast %sub3A_304 : i32 to vector<16xi32>
      %sub3A_306 = arith.subi %sub3A_305, %shift_right_logical3A_303 : vector<16xi32>
      %bitcast_convert_type3A_307 = tpu.bitcast %sub3A_306 : vector<16xi32> -> vector<16xf32>
      %mul3A_308 = arith.constant 5.000000e-01 : f32
      %mul3A_309 = vector.broadcast %mul3A_308 : f32 to vector<16xf32>
      %mul3A_310 = arith.mulf %mul3A_309, %max3A_301 : vector<16xf32>
      %mul3A_311 = arith.mulf %mul3A_310, %bitcast_convert_type3A_307 : vector<16xf32>
      %mul3A_312 = arith.mulf %mul3A_311, %bitcast_convert_type3A_307 : vector<16xf32>
      %sub3A_313 = arith.constant 1.500000e+00 : f32
      %sub3A_314 = vector.broadcast %sub3A_313 : f32 to vector<16xf32>
      %sub3A_315 = arith.subf %sub3A_314, %mul3A_312 : vector<16xf32>
      %mul3A_316 = arith.mulf %bitcast_convert_type3A_307, %sub3A_315 : vector<16xf32>
      %mul3A_317 = arith.constant 5.000000e-01 : f32
      %mul3A_318 = vector.broadcast %mul3A_317 : f32 to vector<16xf32>
      %mul3A_319 = arith.mulf %mul3A_318, %max3A_301 : vector<16xf32>
      %mul3A_320 = arith.mulf %mul3A_319, %mul3A_316 : vector<16xf32>
      %mul3A_321 = arith.mulf %mul3A_320, %mul3A_316 : vector<16xf32>
      %sub3A_322 = arith.constant 1.500000e+00 : f32
      %sub3A_323 = vector.broadcast %sub3A_322 : f32 to vector<16xf32>
      %sub3A_324 = arith.subf %sub3A_323, %mul3A_321 : vector<16xf32>
      %mul3A_325 = arith.mulf %mul3A_316, %sub3A_324 : vector<16xf32>
      %mul3A_326 = arith.constant 5.000000e-01 : f32
      %mul3A_327 = vector.broadcast %mul3A_326 : f32 to vector<16xf32>
      %mul3A_328 = arith.mulf %mul3A_327, %max3A_301 : vector<16xf32>
      %mul3A_329 = arith.mulf %mul3A_328, %mul3A_325 : vector<16xf32>
      %mul3A_330 = arith.mulf %mul3A_329, %mul3A_325 : vector<16xf32>
      %sub3A_331 = arith.constant 1.500000e+00 : f32
      %sub3A_332 = vector.broadcast %sub3A_331 : f32 to vector<16xf32>
      %sub3A_333 = arith.subf %sub3A_332, %mul3A_330 : vector<16xf32>
      %mul3A_334 = arith.mulf %mul3A_325, %sub3A_333 : vector<16xf32>
      %mul3A_335 = arith.mulf %add3A_275, %mul3A_334 : vector<16xf32>
      %swap3A_336 = arith.constant 8160 : index
      %swap3A_337 = tpu.vector_load %arg10[%swap3A_336] {strides = array<i32>} : memref<24576xf32, #tpu.memory_space<vmem>>, vector<16xf32>,
      tpu.vector_store %arg10[%swap3A_336], %mul3A_335 {strides = array<i32>} : memref<24576xf32, #tpu.memory_space<vmem>>, vector<16xf32>,
      %mul3A_338 = arith.mulf %add3A_284, %mul3A_334 : vector<16xf32>
      %swap3A_339 = arith.constant 16352 : index
      %swap3A_340 = tpu.vector_load %arg10[%swap3A_339] {strides = array<i32>} : memref<24576xf32, #tpu.memory_space<vmem>>, vector<16xf32>,
      tpu.vector_store %arg10[%swap3A_339], %mul3A_338 {strides = array<i32>} : memref<24576xf32, #tpu.memory_space<vmem>>, vector<16xf32>,
      %mul3A_341 = arith.mulf %add3A_293, %mul3A_334 : vector<16xf32>
      %swap3A_342 = arith.constant 24544 : index
      %swap3A_343 = tpu.vector_load %arg10[%swap3A_342] {strides = array<i32>} : memref<24576xf32, #tpu.memory_space<vmem>>, vector<16xf32>,
      tpu.vector_store %arg10[%swap3A_342], %mul3A_341 {strides = array<i32>} : memref<24576xf32, #tpu.memory_space<vmem>>, vector<16xf32>,
      %get3A_344 = arith.constant 8687 : index
      %get3A_345 = tpu.vector_load %arg8[%get3A_344] {strides = array<i32>} : memref<27648xf32, #tpu.memory_space<vmem>>, vector<16xf32>,
      %get3A_346 = arith.constant 17903 : index
      %get3A_347 = tpu.vector_load %arg8[%get3A_346] {strides = array<i32>} : memref<27648xf32, #tpu.memory_space<vmem>>, vector<16xf32>,
      %get3A_348 = arith.constant 27119 : index
      %get3A_349 = tpu.vector_load %arg8[%get3A_348] {strides = array<i32>} : memref<27648xf32, #tpu.memory_space<vmem>>, vector<16xf32>,
      %get3A_350 = arith.constant 8688 : index
      %get3A_351 = tpu.vector_load %arg8[%get3A_350] {strides = array<i32>} : memref<27648xf32, #tpu.memory_space<vmem>>, vector<16xf32>,
      %get3A_352 = arith.constant 17904 : index
      %get3A_353 = tpu.vector_load %arg8[%get3A_352] {strides = array<i32>} : memref<27648xf32, #tpu.memory_space<vmem>>, vector<16xf32>,
      %get3A_354 = arith.constant 27120 : index
      %get3A_355 = tpu.vector_load %arg8[%get3A_354] {strides = array<i32>} : memref<27648xf32, #tpu.memory_space<vmem>>, vector<16xf32>,
      %get3A_356 = arith.constant 9199 : index
      %get3A_357 = tpu.vector_load %arg8[%get3A_356] {strides = array<i32>} : memref<27648xf32, #tpu.memory_space<vmem>>, vector<16xf32>,
      %get3A_358 = arith.constant 18415 : index
      %get3A_359 = tpu.vector_load %arg8[%get3A_358] {strides = array<i32>} : memref<27648xf32, #tpu.memory_space<vmem>>, vector<16xf32>,
      %get3A_360 = arith.constant 27631 : index
      %get3A_361 = tpu.vector_load %arg8[%get3A_360] {strides = array<i32>} : memref<27648xf32, #tpu.memory_space<vmem>>, vector<16xf32>,
      %get3A_362 = arith.constant 9200 : index
      %get3A_363 = tpu.vector_load %arg8[%get3A_362] {strides = array<i32>} : memref<27648xf32, #tpu.memory_space<vmem>>, vector<16xf32>,
      %get3A_364 = arith.constant 18416 : index
      %get3A_365 = tpu.vector_load %arg8[%get3A_364] {strides = array<i32>} : memref<27648xf32, #tpu.memory_space<vmem>>, vector<16xf32>,
      %get3A_366 = arith.constant 27632 : index
      %get3A_367 = tpu.vector_load %arg8[%get3A_366] {strides = array<i32>} : memref<27648xf32, #tpu.memory_space<vmem>>, vector<16xf32>,
      %sub3A_368 = arith.subf %get3A_357, %get3A_345 : vector<16xf32>
      %sub3A_369 = arith.subf %get3A_359, %get3A_347 : vector<16xf32>
      %sub3A_370 = arith.subf %get3A_361, %get3A_349 : vector<16xf32>
      %sub3A_371 = arith.subf %get3A_351, %get3A_345 : vector<16xf32>
      %sub3A_372 = arith.subf %get3A_353, %get3A_347 : vector<16xf32>
      %sub3A_373 = arith.subf %get3A_355, %get3A_349 : vector<16xf32>
      %sub3A_374 = arith.subf %get3A_357, %get3A_351 : vector<16xf32>
      %sub3A_375 = arith.subf %get3A_359, %get3A_353 : vector<16xf32>
      %sub3A_376 = arith.subf %get3A_361, %get3A_355 : vector<16xf32>
      %sub3A_377 = arith.subf %get3A_363, %get3A_351 : vector<16xf32>
      %sub3A_378 = arith.subf %get3A_365, %get3A_353 : vector<16xf32>
      %sub3A_379 = arith.subf %get3A_367, %get3A_355 : vector<16xf32>
      %mul3A_380 = arith.mulf %sub3A_369, %sub3A_373 : vector<16xf32>
      %mul3A_381 = arith.mulf %sub3A_370, %sub3A_372 : vector<16xf32>
      %sub3A_382 = arith.subf %mul3A_380, %mul3A_381 : vector<16xf32>
      %mul3A_383 = arith.mulf %sub3A_370, %sub3A_371 : vector<16xf32>
      %mul3A_384 = arith.mulf %sub3A_368, %sub3A_373 : vector<16xf32>
      %sub3A_385 = arith.subf %mul3A_383, %mul3A_384 : vector<16xf32>
      %mul3A_386 = arith.mulf %sub3A_368, %sub3A_372 : vector<16xf32>
      %mul3A_387 = arith.mulf %sub3A_369, %sub3A_371 : vector<16xf32>
      %sub3A_388 = arith.subf %mul3A_386, %mul3A_387 : vector<16xf32>
      %mul3A_389 = arith.mulf %sub3A_375, %sub3A_379 : vector<16xf32>
      %mul3A_390 = arith.mulf %sub3A_376, %sub3A_378 : vector<16xf32>
      %sub3A_391 = arith.subf %mul3A_389, %mul3A_390 : vector<16xf32>
      %mul3A_392 = arith.mulf %sub3A_376, %sub3A_377 : vector<16xf32>
      %mul3A_393 = arith.mulf %sub3A_374, %sub3A_379 : vector<16xf32>
      %sub3A_394 = arith.subf %mul3A_392, %mul3A_393 : vector<16xf32>
      %mul3A_395 = arith.mulf %sub3A_374, %sub3A_378 : vector<16xf32>
      %mul3A_396 = arith.mulf %sub3A_375, %sub3A_377 : vector<16xf32>
      %sub3A_397 = arith.subf %mul3A_395, %mul3A_396 : vector<16xf32>
      %swap3A_398 = arith.constant 8721 : index
      %swap3A_399 = tpu.vector_load %arg9[%swap3A_398] {strides = array<i32>} : memref<78658xf32, #tpu.memory_space<vmem>>, vector<16xf32>,
      tpu.vector_store %arg9[%swap3A_398], %sub3A_382 {strides = array<i32>} : memref<78658xf32, #tpu.memory_space<vmem>>, vector<16xf32>,
      %swap3A_400 = arith.constant 34935 : index
      %swap3A_401 = tpu.vector_load %arg9[%swap3A_400] {strides = array<i32>} : memref<78658xf32, #tpu.memory_space<vmem>>, vector<16xf32>,
      tpu.vector_store %arg9[%swap3A_400], %sub3A_391 {strides = array<i32>} : memref<78658xf32, #tpu.memory_space<vmem>>, vector<16xf32>,
      %add3A_402 = arith.addf %sub3A_382, %sub3A_391 : vector<16xf32>
      %swap3A_403 = arith.constant 61149 : index
      %swap3A_404 = tpu.vector_load %arg9[%swap3A_403] {strides = array<i32>} : memref<78658xf32, #tpu.memory_space<vmem>>, vector<16xf32>,
      tpu.vector_store %arg9[%swap3A_403], %add3A_402 {strides = array<i32>} : memref<78658xf32, #tpu.memory_space<vmem>>, vector<16xf32>,
      %swap3A_405 = arith.constant 17459 : index
      %swap3A_406 = tpu.vector_load %arg9[%swap3A_405] {strides = array<i32>} : memref<78658xf32, #tpu.memory_space<vmem>>, vector<16xf32>,
      tpu.vector_store %arg9[%swap3A_405], %sub3A_385 {strides = array<i32>} : memref<78658xf32, #tpu.memory_space<vmem>>, vector<16xf32>,
      %swap3A_407 = arith.constant 43673 : index
      %swap3A_408 = tpu.vector_load %arg9[%swap3A_407] {strides = array<i32>} : memref<78658xf32, #tpu.memory_space<vmem>>, vector<16xf32>,
      tpu.vector_store %arg9[%swap3A_407], %sub3A_394 {strides = array<i32>} : memref<78658xf32, #tpu.memory_space<vmem>>, vector<16xf32>,
      %add3A_409 = arith.addf %sub3A_385, %sub3A_394 : vector<16xf32>
      %swap3A_410 = arith.constant 69887 : index
      %swap3A_411 = tpu.vector_load %arg9[%swap3A_410] {strides = array<i32>} : memref<78658xf32, #tpu.memory_space<vmem>>, vector<16xf32>,
      tpu.vector_store %arg9[%swap3A_410], %add3A_409 {strides = array<i32>} : memref<78658xf32, #tpu.memory_space<vmem>>, vector<16xf32>,
      %swap3A_412 = arith.constant 26197 : index
      %swap3A_413 = tpu.vector_load %arg9[%swap3A_412] {strides = array<i32>} : memref<78658xf32, #tpu.memory_space<vmem>>, vector<16xf32>,
      tpu.vector_store %arg9[%swap3A_412], %sub3A_388 {strides = array<i32>} : memref<78658xf32, #tpu.memory_space<vmem>>, vector<16xf32>,
      %swap3A_414 = arith.constant 52411 : index
      %swap3A_415 = tpu.vector_load %arg9[%swap3A_414] {strides = array<i32>} : memref<78658xf32, #tpu.memory_space<vmem>>, vector<16xf32>,
      tpu.vector_store %arg9[%swap3A_414], %sub3A_397 {strides = array<i32>} : memref<78658xf32, #tpu.memory_space<vmem>>, vector<16xf32>,
      %add3A_416 = arith.addf %sub3A_388, %sub3A_397 : vector<16xf32>
      %swap3A_417 = arith.constant 78625 : index
      %swap3A_418 = tpu.vector_load %arg9[%swap3A_417] {strides = array<i32>} : memref<78658xf32, #tpu.memory_space<vmem>>, vector<16xf32>,
      tpu.vector_store %arg9[%swap3A_417], %add3A_416 {strides = array<i32>} : memref<78658xf32, #tpu.memory_space<vmem>>, vector<16xf32>,
      %get3A_419 = arith.constant 8722 : index
      %get3A_420 = tpu.vector_load %arg9[%get3A_419] {strides = array<i32>} : memref<78658xf32, #tpu.memory_space<vmem>>, vector<16xf32>,
      %get3A_421 = arith.constant 60636 : index
      %get3A_422 = tpu.vector_load %arg9[%get3A_421] {strides = array<i32>} : memref<78658xf32, #tpu.memory_space<vmem>>, vector<16xf32>,
      %add3A_423 = arith.addf %get3A_420, %get3A_422 : vector<16xf32>
      %get3A_424 = arith.constant 61149 : index
      %get3A_425 = tpu.vector_load %arg9[%get3A_424] {strides = array<i32>} : memref<78658xf32, #tpu.memory_space<vmem>>, vector<16xf32>,
      %add3A_426 = arith.addf %add3A_423, %get3A_425 : vector<16xf32>
      %get3A_427 = arith.constant 34421 : index
      %get3A_428 = tpu.vector_load %arg9[%get3A_427] {strides = array<i32>} : memref<78658xf32, #tpu.memory_space<vmem>>, vector<16xf32>,
      %add3A_429 = arith.addf %add3A_426, %get3A_428 : vector<16xf32>
      %get3A_430 = arith.constant 17460 : index
      %get3A_431 = tpu.vector_load %arg9[%get3A_430] {strides = array<i32>} : memref<78658xf32, #tpu.memory_space<vmem>>, vector<16xf32>,
      %get3A_432 = arith.constant 69374 : index
      %get3A_433 = tpu.vector_load %arg9[%get3A_432] {strides = array<i32>} : memref<78658xf32, #tpu.memory_space<vmem>>, vector<16xf32>,
      %add3A_434 = arith.addf %get3A_431, %get3A_433 : vector<16xf32>
      %get3A_435 = arith.constant 69887 : index
      %get3A_436 = tpu.vector_load %arg9[%get3A_435] {strides = array<i32>} : memref<78658xf32, #tpu.memory_space<vmem>>, vector<16xf32>,
      %add3A_437 = arith.addf %add3A_434, %get3A_436 : vector<16xf32>
      %get3A_438 = arith.constant 43159 : index
      %get3A_439 = tpu.vector_load %arg9[%get3A_438] {strides = array<i32>} : memref<78658xf32, #tpu.memory_space<vmem>>, vector<16xf32>,
      %add3A_440 = arith.addf %add3A_437, %get3A_439 : vector<16xf32>
      %get3A_441 = arith.constant 26198 : index
      %get3A_442 = tpu.vector_load %arg9[%get3A_441] {strides = array<i32>} : memref<78658xf32, #tpu.memory_space<vmem>>, vector<16xf32>,
      %get3A_443 = arith.constant 78112 : index
      %get3A_444 = tpu.vector_load %arg9[%get3A_443] {strides = array<i32>} : memref<78658xf32, #tpu.memory_space<vmem>>, vector<16xf32>,
      %add3A_445 = arith.addf %get3A_442, %get3A_444 : vector<16xf32>
      %get3A_446 = arith.constant 78625 : index
      %get3A_447 = tpu.vector_load %arg9[%get3A_446] {strides = array<i32>} : memref<78658xf32, #tpu.memory_space<vmem>>, vector<16xf32>,
      %add3A_448 = arith.addf %add3A_445, %get3A_447 : vector<16xf32>
      %get3A_449 = arith.constant 51897 : index
      %get3A_450 = tpu.vector_load %arg9[%get3A_449] {strides = array<i32>} : memref<78658xf32, #tpu.memory_space<vmem>>, vector<16xf32>,
      %add3A_451 = arith.addf %add3A_448, %get3A_450 : vector<16xf32>
      %mul3A_452 = arith.mulf %add3A_429, %add3A_429 : vector<16xf32>
      %mul3A_453 = arith.mulf %add3A_440, %add3A_440 : vector<16xf32>
      %add3A_454 = arith.addf %mul3A_452, %mul3A_453 : vector<16xf32>
      %mul3A_455 = arith.mulf %add3A_451, %add3A_451 : vector<16xf32>
      %add3A_456 = arith.addf %add3A_454, %mul3A_455 : vector<16xf32>
      %max3A_457 = arith.constant 1.000000e-24 : f32
      %max3A_458 = vector.broadcast %max3A_457 : f32 to vector<16xf32>
      %max3A_459 = arith.maximumf %add3A_456, %max3A_458 : vector<16xf32>
      %bitcast_convert_type3A_460 = tpu.bitcast %max3A_459 : vector<16xf32> -> vector<16xi32>
      %shift_right_logical3A_461 = arith.constant 1 : i32
      %shift_right_logical3A_462 = vector.broadcast %shift_right_logical3A_461 : i32 to vector<16xi32>
      %shift_right_logical3A_463 = arith.shrui %bitcast_convert_type3A_460, %shift_right_logical3A_462 : vector<16xi32>
      %sub3A_464 = arith.constant 1597463007 : i32
      %sub3A_465 = vector.broadcast %sub3A_464 : i32 to vector<16xi32>
      %sub3A_466 = arith.subi %sub3A_465, %shift_right_logical3A_463 : vector<16xi32>
      %bitcast_convert_type3A_467 = tpu.bitcast %sub3A_466 : vector<16xi32> -> vector<16xf32>
      %mul3A_468 = arith.constant 5.000000e-01 : f32
      %mul3A_469 = vector.broadcast %mul3A_468 : f32 to vector<16xf32>
      %mul3A_470 = arith.mulf %mul3A_469, %max3A_459 : vector<16xf32>
      %mul3A_471 = arith.mulf %mul3A_470, %bitcast_convert_type3A_467 : vector<16xf32>
      %mul3A_472 = arith.mulf %mul3A_471, %bitcast_convert_type3A_467 : vector<16xf32>
      %sub3A_473 = arith.constant 1.500000e+00 : f32
      %sub3A_474 = vector.broadcast %sub3A_473 : f32 to vector<16xf32>
      %sub3A_475 = arith.subf %sub3A_474, %mul3A_472 : vector<16xf32>
      %mul3A_476 = arith.mulf %bitcast_convert_type3A_467, %sub3A_475 : vector<16xf32>
      %mul3A_477 = arith.constant 5.000000e-01 : f32
      %mul3A_478 = vector.broadcast %mul3A_477 : f32 to vector<16xf32>
      %mul3A_479 = arith.mulf %mul3A_478, %max3A_459 : vector<16xf32>
      %mul3A_480 = arith.mulf %mul3A_479, %mul3A_476 : vector<16xf32>
      %mul3A_481 = arith.mulf %mul3A_480, %mul3A_476 : vector<16xf32>
      %sub3A_482 = arith.constant 1.500000e+00 : f32
      %sub3A_483 = vector.broadcast %sub3A_482 : f32 to vector<16xf32>
      %sub3A_484 = arith.subf %sub3A_483, %mul3A_481 : vector<16xf32>
      %mul3A_485 = arith.mulf %mul3A_476, %sub3A_484 : vector<16xf32>
      %mul3A_486 = arith.constant 5.000000e-01 : f32
      %mul3A_487 = vector.broadcast %mul3A_486 : f32 to vector<16xf32>
      %mul3A_488 = arith.mulf %mul3A_487, %max3A_459 : vector<16xf32>
      %mul3A_489 = arith.mulf %mul3A_488, %mul3A_485 : vector<16xf32>
      %mul3A_490 = arith.mulf %mul3A_489, %mul3A_485 : vector<16xf32>
      %sub3A_491 = arith.constant 1.500000e+00 : f32
      %sub3A_492 = vector.broadcast %sub3A_491 : f32 to vector<16xf32>
      %sub3A_493 = arith.subf %sub3A_492, %mul3A_490 : vector<16xf32>
      %mul3A_494 = arith.mulf %mul3A_485, %sub3A_493 : vector<16xf32>
      %mul3A_495 = arith.mulf %add3A_429, %mul3A_494 : vector<16xf32>
      %swap3A_496 = arith.constant 8176 : index
      %swap3A_497 = tpu.vector_load %arg10[%swap3A_496] {strides = array<i32>} : memref<24576xf32, #tpu.memory_space<vmem>>, vector<16xf32>,
      tpu.vector_store %arg10[%swap3A_496], %mul3A_495 {strides = array<i32>} : memref<24576xf32, #tpu.memory_space<vmem>>, vector<16xf32>,
      %mul3A_498 = arith.mulf %add3A_440, %mul3A_494 : vector<16xf32>
      %swap3A_499 = arith.constant 16368 : index
      %swap3A_500 = tpu.vector_load %arg10[%swap3A_499] {strides = array<i32>} : memref<24576xf32, #tpu.memory_space<vmem>>, vector<16xf32>,
      tpu.vector_store %arg10[%swap3A_499], %mul3A_498 {strides = array<i32>} : memref<24576xf32, #tpu.memory_space<vmem>>, vector<16xf32>,
      %mul3A_501 = arith.mulf %add3A_451, %mul3A_494 : vector<16xf32>
      %swap3A_502 = arith.constant 24560 : index
      %swap3A_503 = tpu.vector_load %arg10[%swap3A_502] {strides = array<i32>} : memref<24576xf32, #tpu.memory_space<vmem>>, vector<16xf32>,
      tpu.vector_store %arg10[%swap3A_502], %mul3A_501 {strides = array<i32>} : memref<24576xf32, #tpu.memory_space<vmem>>, vector<16xf32>,
    } else {
    }
    %eq3A_147 = arith.constant 31 : i32
    %eq3A_148 = arith.cmpi eq, %add3A, %eq3A_147 : i32
    %convert_element_type3A_149 = arith.extui %eq3A_148 : i1 to i32
    %cond3A_150 = arith.constant 0 : i32
    %cond3A_151 = arith.cmpi ne, %convert_element_type3A_149, %cond3A_150 : i32
    scf.if %cond3A_151 {
      %scan3A_194 = arith.constant 0 : i32
      %scan3A_195 = arith.constant 0 : i32
      %scan3A_196 = arith.constant 32 : i32
      %scan3A_197 = arith.addi %scan3A_195, %scan3A_196 : i32
      %scan3A_198 = arith.constant 1 : i32
      scf.for %scan3A_200 = %scan3A_195 to %scan3A_197 step %scan3A_198  : i32 {
        %mul3A_201 = arith.constant 16 : i32
        %mul3A_202 = arith.muli %scan3A_200, %mul3A_201 : i32
        %add3A_203 = arith.constant 2 : i32
        %add3A_204 = arith.addi %add3A_203, %mul3A_202 : i32
        %add3A_205 = arith.constant 60138 : i32
        %add3A_206 = arith.addi %add3A_205, %add3A_204 : i32
        %get3A = arith.index_cast %add3A_206 : i32 to index
        %get3A_207 = tpu.vector_load %arg9[%get3A] {strides = array<i32>} : memref<78658xf32, #tpu.memory_space<vmem>>, vector<16xf32>,
        %add3A_208 = arith.constant 1 : i32
        %add3A_209 = arith.addi %add3A_208, %mul3A_202 : i32
        %add3A_210 = arith.constant 33924 : i32
        %add3A_211 = arith.addi %add3A_210, %add3A_209 : i32
        %get3A_212 = arith.index_cast %add3A_211 : i32 to index
        %get3A_213 = tpu.vector_load %arg9[%get3A_212] {strides = array<i32>} : memref<78658xf32, #tpu.memory_space<vmem>>, vector<16xf32>,
        %add3A_214 = arith.addf %get3A_207, %get3A_213 : vector<16xf32>
        %add3A_215 = arith.constant 2 : i32
        %add3A_216 = arith.addi %add3A_215, %mul3A_202 : i32
        %add3A_217 = arith.constant 68876 : i32
        %add3A_218 = arith.addi %add3A_217, %add3A_216 : i32
        %get3A_219 = arith.index_cast %add3A_218 : i32 to index
        %get3A_220 = tpu.vector_load %arg9[%get3A_219] {strides = array<i32>} : memref<78658xf32, #tpu.memory_space<vmem>>, vector<16xf32>,
        %add3A_221 = arith.constant 1 : i32
        %add3A_222 = arith.addi %add3A_221, %mul3A_202 : i32
        %add3A_223 = arith.constant 42662 : i32
        %add3A_224 = arith.addi %add3A_223, %add3A_222 : i32
        %get3A_225 = arith.index_cast %add3A_224 : i32 to index
        %get3A_226 = tpu.vector_load %arg9[%get3A_225] {strides = array<i32>} : memref<78658xf32, #tpu.memory_space<vmem>>, vector<16xf32>,
        %add3A_227 = arith.addf %get3A_220, %get3A_226 : vector<16xf32>
        %add3A_228 = arith.constant 2 : i32
        %add3A_229 = arith.addi %add3A_228, %mul3A_202 : i32
        %add3A_230 = arith.constant 77614 : i32
        %add3A_231 = arith.addi %add3A_230, %add3A_229 : i32
        %get3A_232 = arith.index_cast %add3A_231 : i32 to index
        %get3A_233 = tpu.vector_load %arg9[%get3A_232] {strides = array<i32>} : memref<78658xf32, #tpu.memory_space<vmem>>, vector<16xf32>,
        %add3A_234 = arith.constant 1 : i32
        %add3A_235 = arith.addi %add3A_234, %mul3A_202 : i32
        %add3A_236 = arith.constant 51400 : i32
        %add3A_237 = arith.addi %add3A_236, %add3A_235 : i32
        %get3A_238 = arith.index_cast %add3A_237 : i32 to index
        %get3A_239 = tpu.vector_load %arg9[%get3A_238] {strides = array<i32>} : memref<78658xf32, #tpu.memory_space<vmem>>, vector<16xf32>,
        %add3A_240 = arith.addf %get3A_233, %get3A_239 : vector<16xf32>
        %mul3A_241 = arith.mulf %add3A_214, %add3A_214 : vector<16xf32>
        %mul3A_242 = arith.mulf %add3A_227, %add3A_227 : vector<16xf32>
        %add3A_243 = arith.addf %mul3A_241, %mul3A_242 : vector<16xf32>
        %mul3A_244 = arith.mulf %add3A_240, %add3A_240 : vector<16xf32>
        %add3A_245 = arith.addf %add3A_243, %mul3A_244 : vector<16xf32>
        %max3A_246 = arith.constant 1.000000e-24 : f32
        %max3A_247 = vector.broadcast %max3A_246 : f32 to vector<16xf32>
        %max3A_248 = arith.maximumf %add3A_245, %max3A_247 : vector<16xf32>
        %bitcast_convert_type3A = tpu.bitcast %max3A_248 : vector<16xf32> -> vector<16xi32>
        %shift_right_logical3A = arith.constant 1 : i32
        %shift_right_logical3A_249 = vector.broadcast %shift_right_logical3A : i32 to vector<16xi32>
        %shift_right_logical3A_250 = arith.shrui %bitcast_convert_type3A, %shift_right_logical3A_249 : vector<16xi32>
        %sub3A_251 = arith.constant 1597463007 : i32
        %sub3A_252 = vector.broadcast %sub3A_251 : i32 to vector<16xi32>
        %sub3A_253 = arith.subi %sub3A_252, %shift_right_logical3A_250 : vector<16xi32>
        %bitcast_convert_type3A_254 = tpu.bitcast %sub3A_253 : vector<16xi32> -> vector<16xf32>
        %mul3A_255 = arith.constant 5.000000e-01 : f32
        %mul3A_256 = vector.broadcast %mul3A_255 : f32 to vector<16xf32>
        %mul3A_257 = arith.mulf %mul3A_256, %max3A_248 : vector<16xf32>
        %mul3A_258 = arith.mulf %mul3A_257, %bitcast_convert_type3A_254 : vector<16xf32>
        %mul3A_259 = arith.mulf %mul3A_258, %bitcast_convert_type3A_254 : vector<16xf32>
        %sub3A_260 = arith.constant 1.500000e+00 : f32
        %sub3A_261 = vector.broadcast %sub3A_260 : f32 to vector<16xf32>
        %sub3A_262 = arith.subf %sub3A_261, %mul3A_259 : vector<16xf32>
        %mul3A_263 = arith.mulf %bitcast_convert_type3A_254, %sub3A_262 : vector<16xf32>
        %mul3A_264 = arith.constant 5.000000e-01 : f32
        %mul3A_265 = vector.broadcast %mul3A_264 : f32 to vector<16xf32>
        %mul3A_266 = arith.mulf %mul3A_265, %max3A_248 : vector<16xf32>
        %mul3A_267 = arith.mulf %mul3A_266, %mul3A_263 : vector<16xf32>
        %mul3A_268 = arith.mulf %mul3A_267, %mul3A_263 : vector<16xf32>
        %sub3A_269 = arith.constant 1.500000e+00 : f32
        %sub3A_270 = vector.broadcast %sub3A_269 : f32 to vector<16xf32>
        %sub3A_271 = arith.subf %sub3A_270, %mul3A_268 : vector<16xf32>
        %mul3A_272 = arith.mulf %mul3A_263, %sub3A_271 : vector<16xf32>
        %mul3A_273 = arith.constant 5.000000e-01 : f32
        %mul3A_274 = vector.broadcast %mul3A_273 : f32 to vector<16xf32>
        %mul3A_275 = arith.mulf %mul3A_274, %max3A_248 : vector<16xf32>
        %mul3A_276 = arith.mulf %mul3A_275, %mul3A_272 : vector<16xf32>
        %mul3A_277 = arith.mulf %mul3A_276, %mul3A_272 : vector<16xf32>
        %sub3A_278 = arith.constant 1.500000e+00 : f32
        %sub3A_279 = vector.broadcast %sub3A_278 : f32 to vector<16xf32>
        %sub3A_280 = arith.subf %sub3A_279, %mul3A_277 : vector<16xf32>
        %mul3A_281 = arith.mulf %mul3A_272, %sub3A_280 : vector<16xf32>
        %mul3A_282 = arith.mulf %add3A_214, %mul3A_281 : vector<16xf32>
        %add3A_283 = arith.constant 7680 : i32
        %add3A_284 = arith.addi %add3A_283, %mul3A_202 : i32
        %swap3A = arith.index_cast %add3A_284 : i32 to index
        %swap3A_285 = tpu.vector_load %arg10[%swap3A] {strides = array<i32>} : memref<24576xf32, #tpu.memory_space<vmem>>, vector<16xf32>,
        tpu.vector_store %arg10[%swap3A], %mul3A_282 {strides = array<i32>} : memref<24576xf32, #tpu.memory_space<vmem>>, vector<16xf32>,
        %mul3A_286 = arith.mulf %add3A_227, %mul3A_281 : vector<16xf32>
        %add3A_287 = arith.constant 15872 : i32
        %add3A_288 = arith.addi %add3A_287, %mul3A_202 : i32
        %swap3A_289 = arith.index_cast %add3A_288 : i32 to index
        %swap3A_290 = tpu.vector_load %arg10[%swap3A_289] {strides = array<i32>} : memref<24576xf32, #tpu.memory_space<vmem>>, vector<16xf32>,
        tpu.vector_store %arg10[%swap3A_289], %mul3A_286 {strides = array<i32>} : memref<24576xf32, #tpu.memory_space<vmem>>, vector<16xf32>,
        %mul3A_291 = arith.mulf %add3A_240, %mul3A_281 : vector<16xf32>
        %add3A_292 = arith.constant 24064 : i32
        %add3A_293 = arith.addi %add3A_292, %mul3A_202 : i32
        %swap3A_294 = arith.index_cast %add3A_293 : i32 to index
        %swap3A_295 = tpu.vector_load %arg10[%swap3A_294] {strides = array<i32>} : memref<24576xf32, #tpu.memory_space<vmem>>, vector<16xf32>,
        tpu.vector_store %arg10[%swap3A_294], %mul3A_291 {strides = array<i32>} : memref<24576xf32, #tpu.memory_space<vmem>>, vector<16xf32>,
      }
      %scan3A_199 = arith.constant 32 : i32
    } else {
    }
    %mul3A_152 = arith.constant 512 : i32
    %mul3A_153 = arith.muli %mul3A_2, %mul3A_152 : i32
    %dma_start3A_154 = arith.constant 0 : i32
    %dma_start3A_155 = tpu.memref_slice %arg10[%dma_start3A_154] : memref<24576xf32, #tpu.memory_space<vmem>> -> memref<8192xf32, #tpu.memory_space<vmem>>
    %dma_start3A_156 = tpu.memref_slice %arg5[%mul3A_153] : memref<262144xf32, #tpu.memory_space<hbm>> -> memref<8192xf32, #tpu.memory_space<hbm>>
    %dma_start3A_157 = tpu.memref_slice %arg5[%mul3A_153] : memref<262144xf32, #tpu.memory_space<hbm>> -> memref<8192xf32, #tpu.memory_space<hbm>>
    %dma_start3A_158 = arith.constant 0 : i32
    %dma_start3A_159 = tpu.memref_slice %arg10[%dma_start3A_158] : memref<24576xf32, #tpu.memory_space<vmem>> -> memref<8192xf32, #tpu.memory_space<vmem>>
    tpu.enqueue_dma source(%dma_start3A_159 : memref<8192xf32, #tpu.memory_space<vmem>>) target(%dma_start3A_157 : memref<8192xf32, #tpu.memory_space<hbm>>) target_semaphore(%arg11 : memref<!tpu.dma_semaphore, #tpu.memory_space<semaphore_mem>>)
    %mul3A_160 = arith.constant 512 : i32
    %mul3A_161 = arith.muli %mul3A_2, %mul3A_160 : i32
    %dma_start3A_162 = arith.constant 8192 : i32
    %dma_start3A_163 = tpu.memref_slice %arg10[%dma_start3A_162] : memref<24576xf32, #tpu.memory_space<vmem>> -> memref<8192xf32, #tpu.memory_space<vmem>>
    %dma_start3A_164 = tpu.memref_slice %arg6[%mul3A_161] : memref<262144xf32, #tpu.memory_space<hbm>> -> memref<8192xf32, #tpu.memory_space<hbm>>
    %dma_start3A_165 = tpu.memref_slice %arg6[%mul3A_161] : memref<262144xf32, #tpu.memory_space<hbm>> -> memref<8192xf32, #tpu.memory_space<hbm>>
    %dma_start3A_166 = arith.constant 8192 : i32
    %dma_start3A_167 = tpu.memref_slice %arg10[%dma_start3A_166] : memref<24576xf32, #tpu.memory_space<vmem>> -> memref<8192xf32, #tpu.memory_space<vmem>>
    tpu.enqueue_dma source(%dma_start3A_167 : memref<8192xf32, #tpu.memory_space<vmem>>) target(%dma_start3A_165 : memref<8192xf32, #tpu.memory_space<hbm>>) target_semaphore(%arg11 : memref<!tpu.dma_semaphore, #tpu.memory_space<semaphore_mem>>)
    %mul3A_168 = arith.constant 512 : i32
    %mul3A_169 = arith.muli %mul3A_2, %mul3A_168 : i32
    %dma_start3A_170 = arith.constant 16384 : i32
    %dma_start3A_171 = tpu.memref_slice %arg10[%dma_start3A_170] : memref<24576xf32, #tpu.memory_space<vmem>> -> memref<8192xf32, #tpu.memory_space<vmem>>
    %dma_start3A_172 = tpu.memref_slice %arg7[%mul3A_169] : memref<262144xf32, #tpu.memory_space<hbm>> -> memref<8192xf32, #tpu.memory_space<hbm>>
    %dma_start3A_173 = tpu.memref_slice %arg7[%mul3A_169] : memref<262144xf32, #tpu.memory_space<hbm>> -> memref<8192xf32, #tpu.memory_space<hbm>>
    %dma_start3A_174 = arith.constant 16384 : i32
    %dma_start3A_175 = tpu.memref_slice %arg10[%dma_start3A_174] : memref<24576xf32, #tpu.memory_space<vmem>> -> memref<8192xf32, #tpu.memory_space<vmem>>
    tpu.enqueue_dma source(%dma_start3A_175 : memref<8192xf32, #tpu.memory_space<vmem>>) target(%dma_start3A_173 : memref<8192xf32, #tpu.memory_space<hbm>>) target_semaphore(%arg11 : memref<!tpu.dma_semaphore, #tpu.memory_space<semaphore_mem>>)
    %dma_wait3A_176 = arith.constant 0 : i32
    %dma_wait3A_177 = tpu.memref_slice %arg10[%dma_wait3A_176] : memref<24576xf32, #tpu.memory_space<vmem>> -> memref<8192xf32, #tpu.memory_space<vmem>>
    %dma_wait3A_178 = tpu.memref_slice %arg5[%mul3A_153] : memref<262144xf32, #tpu.memory_space<hbm>> -> memref<8192xf32, #tpu.memory_space<hbm>>
    %dma_wait3A_179 = tpu.memref_slice %arg5[%mul3A_153] : memref<262144xf32, #tpu.memory_space<hbm>> -> memref<8192xf32, #tpu.memory_space<hbm>>
    %dma_wait3A_180 = arith.constant 0 : i32
    %dma_wait3A_181 = tpu.memref_slice %arg10[%dma_wait3A_180] : memref<24576xf32, #tpu.memory_space<vmem>> -> memref<8192xf32, #tpu.memory_space<vmem>>
    tpu.wait_dma2 semaphore(%arg11 : memref<!tpu.dma_semaphore, #tpu.memory_space<semaphore_mem>>) src(%dma_wait3A_181 : memref<8192xf32, #tpu.memory_space<vmem>>) dst(%dma_wait3A_179 : memref<8192xf32, #tpu.memory_space<hbm>>)
    %dma_wait3A_182 = arith.constant 8192 : i32
    %dma_wait3A_183 = tpu.memref_slice %arg10[%dma_wait3A_182] : memref<24576xf32, #tpu.memory_space<vmem>> -> memref<8192xf32, #tpu.memory_space<vmem>>
    %dma_wait3A_184 = tpu.memref_slice %arg6[%mul3A_161] : memref<262144xf32, #tpu.memory_space<hbm>> -> memref<8192xf32, #tpu.memory_space<hbm>>
    %dma_wait3A_185 = tpu.memref_slice %arg6[%mul3A_161] : memref<262144xf32, #tpu.memory_space<hbm>> -> memref<8192xf32, #tpu.memory_space<hbm>>
    %dma_wait3A_186 = arith.constant 8192 : i32
    %dma_wait3A_187 = tpu.memref_slice %arg10[%dma_wait3A_186] : memref<24576xf32, #tpu.memory_space<vmem>> -> memref<8192xf32, #tpu.memory_space<vmem>>
    tpu.wait_dma2 semaphore(%arg11 : memref<!tpu.dma_semaphore, #tpu.memory_space<semaphore_mem>>) src(%dma_wait3A_187 : memref<8192xf32, #tpu.memory_space<vmem>>) dst(%dma_wait3A_185 : memref<8192xf32, #tpu.memory_space<hbm>>)
    %dma_wait3A_188 = arith.constant 16384 : i32
    %dma_wait3A_189 = tpu.memref_slice %arg10[%dma_wait3A_188] : memref<24576xf32, #tpu.memory_space<vmem>> -> memref<8192xf32, #tpu.memory_space<vmem>>
    %dma_wait3A_190 = tpu.memref_slice %arg7[%mul3A_169] : memref<262144xf32, #tpu.memory_space<hbm>> -> memref<8192xf32, #tpu.memory_space<hbm>>
    %dma_wait3A_191 = tpu.memref_slice %arg7[%mul3A_169] : memref<262144xf32, #tpu.memory_space<hbm>> -> memref<8192xf32, #tpu.memory_space<hbm>>
    %dma_wait3A_192 = arith.constant 16384 : i32
    %dma_wait3A_193 = tpu.memref_slice %arg10[%dma_wait3A_192] : memref<24576xf32, #tpu.memory_space<vmem>> -> memref<8192xf32, #tpu.memory_space<vmem>>
    tpu.wait_dma2 semaphore(%arg11 : memref<!tpu.dma_semaphore, #tpu.memory_space<semaphore_mem>>) src(%dma_wait3A_193 : memref<8192xf32, #tpu.memory_space<vmem>>) dst(%dma_wait3A_191 : memref<8192xf32, #tpu.memory_space<hbm>>)
    return
  }
}

</mosaic_0001>

<sc_bundles>
// kernel: kernel.3.cloned.1.call-start
scs
__scs_entry_jumppad:
0x0: {  	(pc) =	sbr.rel $0x88, $3  }
0x1: {  	(tag) =	ssettag $0x0;
	lr =	simm.s32 $0x1  }
0x2: {  	[smem:$0x3FA0] =	sst lr;
	_ =	strace $0xD0000000  }
0x3: {  	_ = 	snop  }
0x4: {  	_ = 	snop  }
0x5: {  	_ = 	snop  }
0x6: {  	_ = 	snop  }
0x7: {  	_ = 	snop  }
__scs_overlays_trampoline_lowered:
0x8: {  	[smem:$0x3FAF] =	sst s0  }
0x9: {  	[smem:$0x3FB0] =	sst s1  }
0xa: {  	[smem:$0x3FB1] =	sst s2  }
0xb: {  	[smem:$0x3FB2] =	sst s3  }
0xc: {  	[smem:$0x3FB3] =	sst s4  }
0xd: {  	[smem:$0x3FB4] =	sst s5  }
0xe: {  	[smem:$0x3FB5] =	sst s6  }
0xf: {  	[smem:$0x3FB6] =	sst s7  }
0x10: {  	[smem:$0x3FB7] =	sst s8  }
0x11: {  	[smem:$0x3FB8] =	sst s9;
	s0 =	simm.s32 @!p0 $0x0  }
0x12: {  	s1 =	sld [smem:$0x3F9E];
	s0 =	simm.s32 @p0 $0x1  }
0x13: {  	[smem:$0x3FB9] =	sst s0;
	s0 =	simm.s32 @!p1 $0x0  }
0x14: {  	s2 =	sld [smem:$0x3F9D];
	s0 =	simm.s32 @p1 $0x1  }
0x15: {  	[smem:$0x3FBA] =	sst s0;
	s0 =	simm.s32 @!p2 $0x0  }
0x16: {  	s3 =	sld [smem:$0x3FDB];
	s0 =	simm.s32 @p2 $0x1  }
0x17: {  	s4 =	simm.s32 $0x1BF5;
	[smem:$0x3FBC] =	sst s0  }
0x18: {  	s0 =	sld [smem:$0x3F9F];
	_ =	swait.ge [sflag:s4], $0x0  }
0x19: {  	s7 =	sld [smem:$0x3FA0]  }
0x1a: {  	s8 =	sadd.s32 $0xFFFFE003, lr  }
0x1b: {  	s9 =	sadd.s32 $0xFFFFFEF7, lr;
	s5 =	simm.s32 $0xFFFFFFFF;
	p2 =	slt.u32 s8, $0xFFFFF086  }
0x1c: {  	p1 =	slt.u32 s9, $0xF7A;
	s5 =	simm.s32 @!p2 $0x0  }
0x1d: {  	s5 =	simm.s32 @p1 $0x1;
	p0 =	seq.s32 s7, s2  }
0x1e: {  	s7 =	smul.u32 @!p0 $0xF7A, s2;
	p2 =	seq.s32 @!p0 s5, $0x0  }
0x1f: {  	s9 =	smul.u32 $0xF7A, s1;
	s8 =	simm.s32 @!p0 $0x1BF5;
	p2 =	por !p2, p0  }
0x20: {  	[sflag:s8] =	ssyncset.s32 @!p0 $0xFFFFF086;
	s6 =	sadd.s32 @!p0 s3, s7;
	s7 =	simm.s32 @!p0 $0x108  }
0x21: {  	s3 =	sadd.s32 s3, s9;
	s6 =	sadd.s32 @!p0 $0x88, s6;
	s7 =	simm.s32 @p2 $0x1082  }
0x22: {  	[simem:s7], [sflag:s8] =	dma.local @!p0 [hbm:s6], $0xF7A  }
0x23: {  	s9 =	sor.u32 $0xD0000000, s2;
	s6 =	simm.s32 $0x108;
	_ =	swait.ge @!p0 [sflag:s8], $0x0  }
0x24: {  	s3 =	sadd.s32 $0x88, s3;
	s6 =	simm.s32 @!p1 $0x1082;
	[sflag:s4] =	ssyncset.s32 $0xFFFFF086  }
0x25: {  	[simem:s6], [sflag:s4] =	dma.local [hbm:s3], $0xF7A  }
0x26: {  	[smem:$0x3FA0] =	sst s1;
	(tag) =	ssettag s2;
	_ =	strace s9  }
0x27: {  	s1 =	sld [smem:$0x3FB0]  }
0x28: {  	s2 =	sld [smem:$0x3FB1]  }
0x29: {  	s4 =	sld [smem:$0x3FB3]  }
0x2a: {  	p0 =	seq.s32 s5, $0x0;
	s5 =	sld [smem:$0x3FB4]  }
0x2b: {  	s6 =	sld [smem:$0x3FB5]  }
0x2c: {  	s7 =	sld [smem:$0x3FB6]  }
0x2d: {  	s3 =	simm.s32 $0x108;
	s8 =	sld [smem:$0x3FB7]  }
0x2e: {  	s3 =	simm.s32 @!p0 $0x1082;
	s9 =	sld [smem:$0x3FB8]  }
0x2f: {  	lr =	sadd.s32 s0, s3;
	s0 =	sld [smem:$0x3FAF]  }
0x30: {  	s3 =	sld [smem:$0x3FB2]  }
0x31: {  	[smem:$0x3FBB] =	sst s10  }
0x32: {  	s10 =	sld [smem:$0x3FB9];
	_ =	sdelay $0x3  }
0x33: {  	p0 =	seq.s32 s10, $0x1;
	s10 =	sld [smem:$0x3FBB];
	_ =	sdelay $0x3  }
0x34: {  	[smem:$0x3FBB] =	sst s10  }
0x35: {  	s10 =	sld [smem:$0x3FBA];
	_ =	sdelay $0x3  }
0x36: {  	p1 =	seq.s32 s10, $0x1;
	s10 =	sld [smem:$0x3FBB];
	_ =	sdelay $0x3  }
0x37: {  	[smem:$0x3FBB] =	sst s10  }
0x38: {  	s10 =	sld [smem:$0x3FBC]  }
0x39: {  	_ = 	snop;
	(pc) =	sbr.ind lr, $3  }
0x3a: {  	_ = 	snop  }
0x3b: {  	_ = 	snop  }
0x3c: {  	p2 =	seq.s32 s10, $0x1;
	s10 =	sld [smem:$0x3FBB]  }
0x3d: {  	_ =	shalt  }
0x3e: {  	_ =	shalt  }
0x3f: {  	_ =	shalt  }
0x40: {  	_ =	shalt  }
0x41: {  	_ =	shalt  }
0x42: {  	_ =	shalt  }
0x43: {  	_ =	shalt  }
0x44: {  	_ =	shalt  }
0x45: {  	_ =	shalt  }
0x46: {  	_ =	shalt  }
0x47: {  	_ =	shalt  }
0x48: {  	_ =	shalt  }
0x49: {  	_ =	shalt  }
0x4a: {  	_ =	shalt  }
0x4b: {  	_ =	shalt  }
0x4c: {  	_ =	shalt  }
0x4d: {  	_ =	shalt  }
0x4e: {  	_ =	shalt  }
0x4f: {  	_ =	shalt  }
0x50: {  	_ =	shalt  }
0x51: {  	_ =	shalt  }
0x52: {  	_ =	shalt  }
0x53: {  	_ =	shalt  }
0x54: {  	_ =	shalt  }
0x55: {  	_ =	shalt  }
0x56: {  	_ =	shalt  }
0x57: {  	_ =	shalt  }
0x58: {  	_ =	shalt  }
0x59: {  	_ =	shalt  }
0x5a: {  	_ =	shalt  }
0x5b: {  	_ =	shalt  }
0x5c: {  	_ =	shalt  }
0x5d: {  	_ =	shalt  }
0x5e: {  	_ =	shalt  }
0x5f: {  	_ =	shalt  }
0x60: {  	_ =	shalt  }
0x61: {  	_ =	shalt  }
0x62: {  	_ =	shalt  }
0x63: {  	_ =	shalt  }
0x64: {  	_ =	shalt  }
0x65: {  	_ =	shalt  }
0x66: {  	_ =	shalt  }
0x67: {  	_ =	shalt  }
0x68: {  	_ =	shalt  }
0x69: {  	_ =	shalt  }
0x6a: {  	_ =	shalt  }
0x6b: {  	_ =	shalt  }
0x6c: {  	_ =	shalt  }
0x6d: {  	_ =	shalt  }
0x6e: {  	_ =	shalt  }
0x6f: {  	_ =	shalt  }
0x70: {  	_ =	shalt  }
0x71: {  	_ =	shalt  }
0x72: {  	_ =	shalt  }
0x73: {  	_ =	shalt  }
0x74: {  	_ =	shalt  }
0x75: {  	_ =	shalt  }
0x76: {  	_ =	shalt  }
0x77: {  	_ =	shalt  }
0x78: {  	_ =	shalt  }
0x79: {  	_ =	shalt  }
0x7a: {  	_ =	shalt  }
0x7b: {  	_ =	shalt  }
0x7c: {  	_ =	shalt  }
0x7d: {  	_ =	shalt  }
0x7e: {  	_ =	shalt  }
0x7f: {  	_ =	shalt  }
0x80: {  	_ =	shalt  }
0x81: {  	_ =	shalt  }
0x82: {  	_ =	shalt  }
0x83: {  	_ =	shalt  }
0x84: {  	_ =	shalt  }
0x85: {  	_ =	shalt  }
0x86: {  	_ =	shalt  }
0x87: {  	_ =	shalt  }
.Lfunc_end0:
.L_simem_size_0:
called_computation_lowered:
.L_overlay_start_0:
0x88: {  	s2 =	sld [smem:$0x3FD9]  }
0x89: {  	s3 =	sld [smem:$0x3FFE];
	_ =	sdelay $0x1  }
0x8a: {  	s1 =	srdreg.scid  }
0x8b: {  	s0 =	sand.u32 $0x1, s1  }
0x8c: {  	s17 =	sshll.u32 s0, $0xA;
	s2 =	sadd.s32 s3, s2  }
0x8d: {  	s2 =	sadd.s32 s2, s17  }
0x8e: {  	[smem:$0x3FC7] =	sst s2  }
0x8f: {  	_ = 	snop  }
0x90: {  	s2 =	sld [smem:$0x3FD0];
	(tm) =	ssettm $0x1  }
0x91: {  	s18 =	sld [smem:$0x3FFB];
	_ =	sdelay $0x3  }
0x92: {  	_ =	strace s18  }
0x93: {  	s3 =	sld [smem:$0x3FFC];
	_ =	sdelay $0x3  }
0x94: {  	_ =	strace s3  }
0x95: {  	s3 =	sld [smem:$0x3FFD];
	_ =	sdelay $0x3  }
0x96: {  	_ =	strace s3  }
0x97: {  	_ =	strace $0x8FFFFFFF  }
0x98: {  	s19 =	sld [smem:$0x3FDB];
	_ =	sdelay $0x1  }
0x99: {  	s4 =	simm.s32 $_scs_section_size  }
0x9a: {  	s5 =	simm.s32 $_size__tile_overlayer_lowered;
	s6 =	simm.s32 $_tile_overlayer_lowered  }
0x9b: {  	s22 =	simm.s32 $0x1BFF;
	s21 =	sshll.u32 s6, $0x1;
	s3 =	sadd.s32 s4, s19  }
0x9c: {  	s7 =	simm.s32 $0x0;
	s20 =	sshll.u32 s5, $0x1;
	s5 =	sadd.s32 s21, s3  }
0x9d: {  	[timem:s7], [sflag:s22] =	dma.local [hbm:s5], s20  }
0x9e: {  	_ =	swait.ge [sflag:s22], s20  }
0x9f: {  	s4 =	ssub.s32 $0x0, s20;
	[sflag:s22] =	ssyncset.done $0x0  }
0xa0: {  	[sflag:s22] =	ssyncadd.s32 s4;
	_ =	sdelay $0x1  }
0xa1: {  	s23 =	simm.s32 $0x1B8B  }
0xa2: {  	_ =	swait.ge [sflag:s23], $0x1  }
0xa3: {  	[sflag:s23] =	ssyncset.done $0x0  }
0xa4: {  	s25 =	simm.s32 $0x1B8E;
	s24 =	sld [smem:$0x3FFE];
	[sflag:s23] =	ssyncadd.s32 $0xFFFFFFFF  }
0xa5: {  	s26 =	simm.s32 $execute0_lowered;
	[smem:$0x3FD2] =	sst s25  }
0xa6: {  	s5 =	sshll.u32 s26, $0x1;
	_ =	strace $0x80000046;
	[dreg:$0x1] =	wrdreg $0xFFFFFFFF  }
0xa7: {  	s28 =	simm.s32 $_size_execute0_lowered;
	s3 =	sadd.s32 s3, s5;
	[dreg:$0x0] =	wrdreg $0x0  }
0xa8: {  	s5 =	sshll.u32 s28, $0x1;
	[dreg:$0x2] =	wrdreg s3  }
0xa9: {  	[dreg:$0x3] =	wrdreg s5  }
0xaa: {  	[dreg:$0x4] =	wrdreg $0xC0  }
0xab: {  	_ =	task [dreg:s7], $0x5FFFF  }
0xac: {  	[dreg:$0x1] =	wrdreg $0xFFFFFFFF  }
0xad: {  	[dreg:$0x0] =	wrdreg $0x60  }
0xae: {  	[dreg:$0x2] =	wrdreg s24  }
0xaf: {  	[dreg:$0x3] =	wrdreg s2  }
0xb0: {  	[dreg:$0x4] =	wrdreg $0x9  }
0xb1: {  	_ =	task.clear_ibuf [dreg:s7], $0x5FFFF;
	_ =	strace $0x90000046  }
0xb2: {  	s29 =	simm.s32 $0x9;
	_ =	strace $0x80000048  }
0xb3: {  	_ =	swait.ge [sflag:s29], $0x1  }
0xb4: {  	[sflag:s29] =	ssyncadd.s32 $0xFFFFFFFF  }
0xb5: {  	_ =	strace $0x90000048  }
0xb6: {  	_ =	sfence  }
0xb7: {  	s30 =	sld [smem:$0x0];
	_ =	sdelay $0x2  }
0xb8: {  	s31 =	sshll.u32 s1, $0xD;
	s1 =	sshrl.u32 s1, $0x2  }
0xb9: {  	s3 =	sand.u32 $0x4000, s31;
	s1 =	sadd.s32 s1, s30  }
0xba: {  	s0 =	sor.u32 s3, s0;
	s1 =	sshll.u32 s1, $0x11  }
0xbb: {  	s0 =	sor.u32 s1, s0  }
0xbc: {  	s0 =	sadd.s32 $0x8F2B, s0  }
0xbd: {  	[sflag:s0] =	ssyncadd.remote.s32 $0x1  }
0xbe: {  	_ =	sfence.sel $0xFFFF  }
0xbf: {  	[dreg:$0x0] =	wrdreg $0xFFFFFFFF;
	(pc) =	sbr.abs _section_cstart, $3  }
0xc0: {  	[dreg:$0x1] =	wrdreg $0xFFFFFFFF  }
0xc1: {  	_ =	task.clear_ibuf [dreg:s7], $0x2FFFF;
	_ =	strace $0x9FFFFFFF  }
0xc2: {  	(tm) =	ssettm $0x7FFFFFFF  }
0xc3: {  	_ =	shalt  }
tec
execute0_lowered:
.L_overlay_start_1:
0x0: {  	(tag) =	ssettag $0x1  }
0x1: {  	s0 =	rddreg [dreg:$0x0]  }
0x2: {  	s1 =	rddreg [dreg:$0x1]  }
0x3: {  	s3 =	srdreg.scid;
	s4 =	stileid.u32  }
0x4: {  	s2 =	simm.s32 $0x0;
	s24 =	simm.s32 $0x1;
	s26 =	simm.s32 $0x1BF48  }
0x5: {  	s28 =	simm.s32 $0x1DF48;
	s29 =	simm.s32 $0x0;
	s3 =	sand.u32 $0x1, s3  }
0x6: {  	s4 =	sshll.u32 s4, $0x1;
	[smem:$0x7FF] =	sst s2;
	s5 =	sadd.s32 $0x8A00, s0  }
0x7: {  	s8 =	sadd.s32 $0xA00, s0;
	s16 =	sor.u32 s3, s4;
	_ =	strace $0x80000047  }
0x8: {  	s3 =	ssub.s32 $0x2, s3;
	s4 =	sshll.u32 s16, $0x4;
	s9 =	sshll.u32 s16, $0xA  }
0x9: {  	s7 =	sshrl.u32 s3, $0x1;
	p0 =	sne.s32 s16, $0x0;
	p1 =	seq.s32 s16, $0x0  }
0xa: {  	p2 =	seq.s32 s16, $0x1F;
	s6 =	smax.u32 s4, $0x1;
	s0 =	sadd.s32 s9, s0  }
0xb: {  	s4 =	smin.u32 s4, $0x1EF;
	s15 =	ssub.s32 s3, s7;
	s3 =	sadd.s32 s5, s9  }
0xc: {  	s6 =	sshll.u32 s6, $0x6;
	s31 =	sshll.u32 s4, $0x6;
	s12 =	sadd.s32 $0x10A00, s0  }
.Ltmp0:
0xd: {  	s13 =	sadd.s32 $0x18A00, s0;
	s14 =	sadd.s32 $0x20A00, s0;
	(pc) =	sbr.rel .LBB2_1-.Ltmp0, $4  }
0xe: {  	s15 =	smax.u32 s15, $0x1;
	s6 =	sadd.s32 $0x1FFFFFC0, s6;
	s11 =	sadd.s32 $0x400, s31  }
0xf: {  	s10 =	sand.u32 $0x1FFFFFC0, s6;
	s6 =	sadd.s32 s8, s9;
	s9 =	sadd.s32 s1, s9  }
0x10: {  	s4 =	sadd.s32 s5, s10;
	s5 =	sadd.s32 s5, s11;
	s7 =	sadd.s32 s8, s10  }
0x11: {  	v0 =	vimm.f32 $0.0e+00;
	s8 =	sadd.s32 s8, s11;
	s10 =	sadd.s32 s1, s10;
	s11 =	sadd.s32 s1, s11  }
.LBB2_21:
0x12: {  	v19 =	vadd.f32 v21, v19;
	v44 =	vadd.f32 v24, v22;
	_ =	sdelay $0x1  }
0x13: {  	v16 =	vadd.f32 v18, v16;
	v45 =	vmul.f32 v19, v19;
	v22 =	vmul.f32 v44, v44;
	_ =	sdelay $0x1  }
0x14: {  	v46 =	vmul.f32 v16, v16;
	v18 =	vadd.f32 v22, v45  }
0x15: {  	v47 =	vmax.f32 v26, $1.000000020e-24  }
0x16: {  	v26 =	vmul.f32 $5.000000000e-01, v47;
	v24 =	vshrl.u32 v47, $0x1;
	v18 =	vadd.f32 v46, v18  }
0x17: {  	v48 =	vsub.s32 $0x5F3759DF, v24  }
0x18: {  	v24 =	vmul.f32 v48, v26;
	v18 =	vmax.f32 v18, $1.000000020e-24  }
0x19: {  	v25 =	vsub.f32 $1.500000000e+00, v25;
	v27 =	vmul.f32 $5.000000000e-01, v18;
	v18 =	vshrl.u32 v18, $0x1  }
0x1a: {  	v24 =	vmul.f32 v48, v24;
	v18 =	vsub.s32 $0x5F3759DF, v18  }
0x1b: {  	v17 =	vmul.f32 v17, v25;
	v49 =	vmul.f32 v18, v27  }
0x1c: {  	v24 =	vsub.f32 $1.500000000e+00, v24  }
0x1d: {  	v28 =	vmul.f32 v17, v13;
	v25 =	vmul.f32 v18, v49  }
0x1e: {  	v14 =	vmul.f32 v23, v14;
	v22 =	vmul.f32 v48, v24  }
0x1f: {  	v50 =	vmul.f32 v28, v17;
	v51 =	vsub.f32 $1.500000000e+00, v25  }
0x20: {  	v15 =	vmul.f32 v14, v15;
	v52 =	vmul.f32 v22, v26  }
0x21: {  	v23 =	vsub.f32 $1.500000000e+00, v50;
	v18 =	vmul.f32 v18, v51  }
0x22: {  	v15 =	vmul.f32 v15, v14;
	v53 =	vmul.f32 v52, v22  }
0x23: {  	v17 =	vmul.f32 v23, v17;
	v54 =	vmul.f32 v18, v27  }
0x24: {  	v1 =	vmul.f32 v20, v1;
	v24 =	vsub.f32 $1.500000000e+00, v53  }
0x25: {  	v15 =	vsub.f32 $1.500000000e+00, v15;
	v55 =	vmul.f32 v17, v13;
	v23 =	vmul.f32 v54, v18  }
0x26: {  	v2 =	vmul.f32 v20, v2;
	v22 =	vmul.f32 v24, v22  }
0x27: {  	v14 =	vmul.f32 v15, v14;
	v13 =	vmul.f32 v55, v17;
	v56 =	vsub.f32 $1.500000000e+00, v23  }
0x28: {  	v8 =	vmul.f32 v20, v8;
	v57 =	vmul.f32 v22, v26  }
0x29: {  	[tilespmem:s1+$0x1FD48] =	vst v1;
	v1 =	vmul.f32 v14, v6;
	v58 =	vsub.f32 $1.500000000e+00, v13;
	v59 =	vmul.f32 v56, v18  }
0x2a: {  	[tilespmem:s1+$0x1BD48] =	vst v2;
	v2 =	vmul.f32 v14, v4;
	v60 =	vmul.f32 v57, v22  }
0x2b: {  	[tilespmem:s1+$0x1DD48] =	vst v8;
	v6 =	vmul.f32 v58, v17;
	v61 =	vmul.f32 v59, v27  }
0x2c: {  	v3 =	vmul.f32 v14, v3;
	[tilespmem:s0+$0x1FD48] =	vst v1;
	v1 =	vsub.f32 $1.500000000e+00, v60  }
0x2d: {  	[tilespmem:s0+$0x1BD48] =	vst v2;
	v2 =	vmul.f32 v6, v9;
	v62 =	vmul.f32 v61, v59  }
0x2e: {  	[tilespmem:s0+$0x1DD48] =	vst v3;
	v3 =	vmul.f32 v6, v7;
	v1 =	vmul.f32 v1, v22  }
0x2f: {  	v5 =	vmul.f32 v6, v5;
	[tilespmem:s16+$0x1FD48] =	vst v2;
	v2 =	vsub.f32 $1.500000000e+00, v62  }
0x30: {  	[tilespmem:s16+$0x1BD48] =	vst v3;
	v3 =	vmul.f32 v1, v10  }
0x31: {  	[tilespmem:s16+$0x1DD48] =	vst v5;
	v63 =	vmul.f32 v1, v12;
	v2 =	vmul.f32 v2, v59  }
0x32: {  	v1 =	vmul.f32 v1, v11;
	[tilespmem:s17+$0x1FD48] =	vst v3  }
0x33: {  	[tilespmem:s17+$0x1BD48] =	vst v63;
	v3 =	vmul.f32 v2, v16  }
0x34: {  	[tilespmem:s17+$0x1DD48] =	vst v1;
	v1 =	vmul.f32 v2, v19  }
0x35: {  	v2 =	vmul.f32 v2, v44;
	[tilespmem:s18+$0x1FD48] =	vst v3  }
0x36: {  	[tilespmem:s18+$0x1BD48] =	vst v1  }
0x37: {  	[tilespmem:s18+$0x1DD48] =	vst v2  }
.LBB2_22:
0x38: {  	s0 =	simm.s32 $0x19F48  }
0x39: {  	[hbm4b:s12+s2] =	stream.linear.scatter [tilespmem:s0], [sflag:$0x1], $0x2000, $0x38;
	[tilespmem:$0x1FF48] =	vst v63  }
0x3a: {  	_ = 	snop  }
0x3b: {  	[hbm4b:s13+s2] =	stream.linear.scatter [tilespmem:s26], [sflag:$0x1], $0x2000, $0x38;
	[tilespmem:$0x1FF48] =	vst v63  }
0x3c: {  	_ = 	snop  }
0x3d: {  	[hbm4b:s14+s2] =	stream.linear.scatter [tilespmem:s28], [sflag:$0x1], $0x2000, $0x38;
	[tilespmem:$0x1FF48] =	vst v63  }
0x3e: {  	_ =	swait.ge [sflag:s24], $0x2000  }
0x3f: {  	[sflag:s24] =	ssyncset.done $0x0  }
0x40: {  	s29 =	sadd.s32 $0x1, s29;
	[sflag:s24] =	ssyncadd.s32 $0xFFFFE000  }
0x41: {  	p3 =	sne.s32 s29, s15;
	_ =	swait.ge [sflag:s24], $0x2000  }
.Ltmp1:
0x42: {  	[sflag:s24] =	ssyncset.done $0x0;
	(pc) =	sbr.rel @!p3 .LBB2_23-.Ltmp1, $4  }
0x43: {  	[sflag:s24] =	ssyncadd.s32 $0xFFFFE000  }
0x44: {  	_ =	swait.ge [sflag:s24], $0x2000  }
0x45: {  	[sflag:s24] =	ssyncset.done $0x0  }
0x46: {  	[sflag:s24] =	ssyncadd.s32 $0xFFFFE000  }
.LBB2_1:
0x47: {  	s0 =	simm.s32 $0x200  }
0x48: {  	[tilespmem:s0], [sflag:$0x1] =	stream.linear.gather [hbm4b:s3+s2], $0x2000, $0x38;
	[tilespmem:$0x1FF48] =	vst v63  }
0x49: {  	_ = 	snop  }
0x4a: {  	[tilespmem:s2], [sflag:$0x1] =	stream.linear.gather [hbm4b:s4+s2], $0x200, $0x38;
	[tilespmem:$0x1FF48] =	vst v63  }
0x4b: {  	s20 =	simm.s32 $0x2200  }
0x4c: {  	[tilespmem:s20], [sflag:$0x1] =	stream.linear.gather [hbm4b:s5+s2], $0x200, $0x38;
	[tilespmem:$0x1FF48] =	vst v63  }
0x4d: {  	s21 =	simm.s32 $0x2600  }
0x4e: {  	[tilespmem:s21], [sflag:$0x1] =	stream.linear.gather [hbm4b:s6+s2], $0x2000, $0x38;
	[tilespmem:$0x1FF48] =	vst v63  }
0x4f: {  	s22 =	simm.s32 $0x2400  }
0x50: {  	[tilespmem:s22], [sflag:$0x1] =	stream.linear.gather [hbm4b:s7+s2], $0x200, $0x38;
	[tilespmem:$0x1FF48] =	vst v63  }
0x51: {  	s23 =	simm.s32 $0x4600  }
0x52: {  	[tilespmem:s23], [sflag:$0x1] =	stream.linear.gather [hbm4b:s8+s2], $0x200, $0x38;
	[tilespmem:$0x1FF48] =	vst v63  }
0x53: {  	s25 =	simm.s32 $0x4A00  }
0x54: {  	[tilespmem:s25], [sflag:$0x1] =	stream.linear.gather [hbm4b:s9+s2], $0x2000, $0x38;
	[tilespmem:$0x1FF48] =	vst v63  }
0x55: {  	s30 =	simm.s32 $0x4800  }
0x56: {  	[tilespmem:s30], [sflag:$0x1] =	stream.linear.gather [hbm4b:s10+s2], $0x200, $0x38;
	[tilespmem:$0x1FF48] =	vst v63  }
0x57: {  	s31 =	simm.s32 $0x6A00;
	s1 =	simm.s32 $0x0;
	s0 =	simm.s32 $0x808  }
0x58: {  	[tilespmem:s31], [sflag:$0x1] =	stream.linear.gather [hbm4b:s11+s2], $0x200, $0x38;
	[tilespmem:$0x1FF48] =	vst v63  }
.LBB2_2:
0x59: {  	p3 =	sne.s32 s0, $0x4C4C0;
	[tilespmem:s1+$0x6C00] =	vst v0;
	s16 =	smov.u32 s0;
	s0 =	sadd.s32 $0x808, s0  }
.Ltmp2:
0x5a: {  	[tilespmem:s1+$0x6DF2] =	vst v0;
	(pc) =	sbr.rel @p3 .LBB2_2-.Ltmp2, $2  }
0x5b: {  	_ =	sdelay $0x2  }
0x5c: {  	s1 =	sshra.s32 s16, $0x2  }
.Ltmp3:
0x5d: {  	(pc) =	sbr.rel @p0 .LBB2_7-.Ltmp3, $3  }
0x5e: {  	_ =	sdelay $0x1  }
0x5f: {  	[tilespmem:s1+$0x6C00] =	vst v0  }
0x60: {  	[tilespmem:s1+$0x6DF2] =	vst v0  }
0x61: {  	s0 =	simm.s32 $0x0;
	s1 =	simm.s32 $0x8888  }
.LBB2_5:
0x62: {  	p3 =	sne.s32 s1, $0x44440;
	[tilespmem:s0+$0x6E00] =	vst v0  }
0x63: {  	[tilespmem:s0+$0x6C00] =	vst v0  }
0x64: {  	[tilespmem:s0+$0x6C10] =	vst v0  }
0x65: {  	[tilespmem:s0+$0x6C20] =	vst v0  }
0x66: {  	[tilespmem:s0+$0x6C30] =	vst v0  }
0x67: {  	[tilespmem:s0+$0x6C40] =	vst v0  }
0x68: {  	[tilespmem:s0+$0x6C50] =	vst v0  }
0x69: {  	[tilespmem:s0+$0x6C60] =	vst v0  }
0x6a: {  	[tilespmem:s0+$0x6C70] =	vst v0  }
0x6b: {  	[tilespmem:s0+$0x6C80] =	vst v0  }
0x6c: {  	[tilespmem:s0+$0x6C90] =	vst v0  }
0x6d: {  	[tilespmem:s0+$0x6CA0] =	vst v0  }
0x6e: {  	[tilespmem:s0+$0x6CB0] =	vst v0  }
0x6f: {  	[tilespmem:s0+$0x6CC0] =	vst v0  }
0x70: {  	[tilespmem:s0+$0x6CD0] =	vst v0  }
0x71: {  	[tilespmem:s0+$0x6CE0] =	vst v0  }
0x72: {  	[tilespmem:s0+$0x6CF0] =	vst v0  }
0x73: {  	[tilespmem:s0+$0x6D00] =	vst v0  }
0x74: {  	[tilespmem:s0+$0x6D10] =	vst v0  }
0x75: {  	[tilespmem:s0+$0x6D20] =	vst v0  }
0x76: {  	[tilespmem:s0+$0x6D30] =	vst v0  }
0x77: {  	[tilespmem:s0+$0x6D40] =	vst v0  }
0x78: {  	[tilespmem:s0+$0x6D50] =	vst v0  }
0x79: {  	[tilespmem:s0+$0x6D60] =	vst v0  }
0x7a: {  	[tilespmem:s0+$0x6D70] =	vst v0  }
0x7b: {  	[tilespmem:s0+$0x6D80] =	vst v0  }
0x7c: {  	[tilespmem:s0+$0x6D90] =	vst v0  }
0x7d: {  	[tilespmem:s0+$0x6DA0] =	vst v0  }
.Ltmp4:
0x7e: {  	[tilespmem:s0+$0x6DB0] =	vst v0;
	(pc) =	sbr.rel @p3 .LBB2_5-.Ltmp4, $4  }
0x7f: {  	[tilespmem:s0+$0x6DC0] =	vst v0  }
0x80: {  	[tilespmem:s0+$0x6DD0] =	vst v0  }
0x81: {  	[tilespmem:s0+$0x6DE0] =	vst v0  }
0x82: {  	[tilespmem:s0+$0x6DF0] =	vst v0;
	s0 =	sshra.s32 s1, $0x2;
	s1 =	sadd.s32 $0x8888, s1  }
0x83: {  	[tilespmem:s0+$0x6E00] =	vst v0  }
0x84: {  	[tilespmem:s0+$0x6C00] =	vst v0  }
0x85: {  	[tilespmem:s0+$0x6C10] =	vst v0  }
0x86: {  	[tilespmem:s0+$0x6C20] =	vst v0  }
0x87: {  	[tilespmem:s0+$0x6C30] =	vst v0  }
0x88: {  	[tilespmem:s0+$0x6C40] =	vst v0  }
0x89: {  	[tilespmem:s0+$0x6C50] =	vst v0  }
0x8a: {  	[tilespmem:s0+$0x6C60] =	vst v0  }
0x8b: {  	[tilespmem:s0+$0x6C70] =	vst v0  }
0x8c: {  	[tilespmem:s0+$0x6C80] =	vst v0  }
0x8d: {  	[tilespmem:s0+$0x6C90] =	vst v0  }
0x8e: {  	[tilespmem:s0+$0x6CA0] =	vst v0  }
0x8f: {  	[tilespmem:s0+$0x6CB0] =	vst v0  }
0x90: {  	[tilespmem:s0+$0x6CC0] =	vst v0  }
0x91: {  	[tilespmem:s0+$0x6CD0] =	vst v0  }
0x92: {  	[tilespmem:s0+$0x6CE0] =	vst v0  }
0x93: {  	[tilespmem:s0+$0x6CF0] =	vst v0  }
0x94: {  	[tilespmem:s0+$0x6D00] =	vst v0  }
0x95: {  	[tilespmem:s0+$0x6D10] =	vst v0  }
0x96: {  	[tilespmem:s0+$0x6D20] =	vst v0  }
0x97: {  	[tilespmem:s0+$0x6D30] =	vst v0  }
0x98: {  	[tilespmem:s0+$0x6D40] =	vst v0  }
0x99: {  	[tilespmem:s0+$0x6D50] =	vst v0  }
0x9a: {  	[tilespmem:s0+$0x6D60] =	vst v0  }
0x9b: {  	[tilespmem:s0+$0x6D70] =	vst v0  }
0x9c: {  	[tilespmem:s0+$0x6D80] =	vst v0  }
0x9d: {  	[tilespmem:s0+$0x6D90] =	vst v0  }
0x9e: {  	[tilespmem:s0+$0x6DA0] =	vst v0  }
0x9f: {  	[tilespmem:s0+$0x6DB0] =	vst v0  }
0xa0: {  	[tilespmem:s0+$0x6DC0] =	vst v0  }
0xa1: {  	[tilespmem:s0+$0x6DD0] =	vst v0  }
0xa2: {  	[tilespmem:s0+$0x6DE0] =	vst v0  }
0xa3: {  	[tilespmem:s0+$0x6DF0] =	vst v0  }
.LBB2_7:
0xa4: {  	_ =	swait.ge [sflag:s24], $0x2000  }
0xa5: {  	[sflag:s24] =	ssyncset.done $0x0  }
0xa6: {  	[sflag:s24] =	ssyncadd.s32 $0xFFFFE000  }
0xa7: {  	_ =	swait.ge [sflag:s24], $0x200  }
0xa8: {  	[sflag:s24] =	ssyncset.done $0x0  }
0xa9: {  	[sflag:s24] =	ssyncadd.s32 $0xFFFFFE00  }
0xaa: {  	_ =	swait.ge [sflag:s24], $0x200  }
0xab: {  	[sflag:s24] =	ssyncset.done $0x0  }
0xac: {  	[sflag:s24] =	ssyncadd.s32 $0xFFFFFE00  }
0xad: {  	_ =	swait.ge [sflag:s24], $0x2000  }
0xae: {  	[sflag:s24] =	ssyncset.done $0x0  }
0xaf: {  	[sflag:s24] =	ssyncadd.s32 $0xFFFFE000  }
0xb0: {  	_ =	swait.ge [sflag:s24], $0x200  }
0xb1: {  	[sflag:s24] =	ssyncset.done $0x0  }
0xb2: {  	[sflag:s24] =	ssyncadd.s32 $0xFFFFFE00  }
0xb3: {  	_ =	swait.ge [sflag:s24], $0x200  }
0xb4: {  	[sflag:s24] =	ssyncset.done $0x0  }
0xb5: {  	[sflag:s24] =	ssyncadd.s32 $0xFFFFFE00  }
0xb6: {  	_ =	swait.ge [sflag:s24], $0x2000  }
0xb7: {  	[sflag:s24] =	ssyncset.done $0x0  }
0xb8: {  	[sflag:s24] =	ssyncadd.s32 $0xFFFFE000  }
0xb9: {  	_ =	swait.ge [sflag:s24], $0x200  }
.Ltmp5:
0xba: {  	[sflag:s24] =	ssyncset.done $0x0;
	(pc) =	sbr.rel @p1 .LBB2_11-.Ltmp5, $4  }
0xbb: {  	[sflag:s24] =	ssyncadd.s32 $0xFFFFFE00  }
0xbc: {  	_ =	swait.ge [sflag:s24], $0x200  }
0xbd: {  	[sflag:s24] =	ssyncset.done $0x0  }
0xbe: {  	s30 =	simm.s32 $0x0;
	[sflag:s24] =	ssyncadd.s32 $0xFFFFFE00  }
0xbf: {  	s1 =	simm.s32 $0x0  }
0xc0: {  	v1 =	vld [tilespmem:s1+$0x4A11]  }
0xc1: {  	v2 =	vld [tilespmem:s1+$0x211]  }
0xc2: {  	v3 =	vld [tilespmem:s1+$0x2611]  }
0xc3: {  	v5 =	vld [tilespmem:s1+$0x210]  }
0xc4: {  	v6 =	vld [tilespmem:s1+$0x4811]  }
0xc5: {  	v8 =	vld [tilespmem:s1+$0x4A00]  }
0xc6: {  	v7 =	vld [tilespmem:s1+$0x201]  }
0xc7: {  	v9 =	vld [tilespmem:s1+$0x2600]  }
0xc8: {  	v10 =	vld [tilespmem:s1+$0x4810]  }
0xc9: {  	v12 =	vld [tilespmem:s1+$0x11]  }
0xca: {  	v13 =	vld [tilespmem:s1+$0x2610]  }
0xcb: {  	v14 =	vld [tilespmem:s1+$0x2411]  }
0xcc: {  	v15 =	vld [tilespmem:s1+$0x200]  }
0xcd: {  	v11 =	vld [tilespmem:s1+$0x4A10]  }
0xce: {  	v16 =	vld [tilespmem:s1+$0x4A01]  }
0xcf: {  	v17 =	vld [tilespmem:s1+$0x4800]  }
0xd0: {  	v18 =	vld [tilespmem:s1+$0x2400]  }
0xd1: {  	v19 =	vld [tilespmem:s1+$0x1]  }
0xd2: {  	v20 =	vld [tilespmem:s1+$0x4801]  }
0xd3: {  	v21 =	vld [tilespmem:s1+$0x0];
	v28 =	vsub.f32 v1, v6  }
0xd4: {  	v22 =	vld [tilespmem:s1+$0x2401];
	v29 =	vsub.f32 v5, v12;
	v31 =	vsub.f32 v13, v14  }
0xd5: {  	v23 =	vld [tilespmem:s1+$0x10];
	v32 =	vsub.f32 v2, v12;
	v33 =	vsub.f32 v11, v10  }
0xd6: {  	v24 =	vld [tilespmem:s1+$0x2410];
	v34 =	vsub.f32 v11, v6;
	v35 =	vsub.f32 v3, v14  }
0xd7: {  	s0 =	simm.s32 $0x20;
	v25 =	vld [tilespmem:s1+$0x2601];
	v36 =	vsub.f32 v9, v18;
	v38 =	vsub.f32 v15, v19  }
0xd8: {  	v26 =	vld [tilespmem:s0+$0x4A11];
	v39 =	vsub.f32 v7, v19;
	v16 =	vsub.f32 v16, v20  }
0xd9: {  	v27 =	vld [tilespmem:s0+$0x211];
	v41 =	vsub.f32 v8, v17;
	v42 =	vsub.f32 v9, v22  }
0xda: {  	v30 =	vld [tilespmem:s0+$0x2611];
	v12 =	vsub.f32 v12, v23;
	v23 =	vsub.f32 v5, v23  }
0xdb: {  	v4 =	vld [tilespmem:s0+$0x210];
	v14 =	vsub.f32 v14, v24;
	v24 =	vsub.f32 v13, v24  }
0xdc: {  	v2 =	vld [tilespmem:s0+$0x4811];
	v19 =	vsub.f32 v19, v21;
	v59 =	vsub.f32 v15, v21;
	v37 =	vmul.f32 v32, v31  }
0xdd: {  	v1 =	vld [tilespmem:s0+$0x4A00];
	v6 =	vsub.f32 v6, v10;
	v40 =	vmul.f32 v35, v29;
	v31 =	vmul.f32 v28, v31  }
0xde: {  	v11 =	vld [tilespmem:s0+$0x201];
	v18 =	vsub.f32 v22, v18;
	v35 =	vmul.f32 v35, v34;
	v10 =	vmul.f32 v23, v14  }
0xdf: {  	v7 =	vld [tilespmem:s0+$0x2600];
	v8 =	vsub.f32 v8, v20;
	v21 =	vmul.f32 v24, v12;
	v14 =	vmul.f32 v33, v14  }
0xe0: {  	v9 =	vld [tilespmem:s0+$0x11];
	v24 =	vmul.f32 v24, v6;
	v28 =	vmul.f32 v28, v29;
	v37 =	vsub.f32 v40, v37  }
0xe1: {  	v3 =	vld [tilespmem:s0+$0x4810];
	v22 =	vsub.f32 v25, v22;
	v43 =	vmul.f32 v16, v38;
	v25 =	vmul.f32 v36, v19  }
0xe2: {  	v5 =	vld [tilespmem:s0+$0x2610];
	v17 =	vsub.f32 v20, v17;
	v29 =	vmul.f32 v59, v18;
	v16 =	vmul.f32 v16, v42;
	[tilespmem:s1+$0x116BC] =	vst v37  }
0xe3: {  	v6 =	vmul.f32 v23, v6;
	v31 =	vsub.f32 v31, v35;
	v10 =	vsub.f32 v10, v21;
	v13 =	vld [tilespmem:s0+$0x2411]  }
0xe4: {  	v18 =	vmul.f32 v41, v18;
	v12 =	vmul.f32 v33, v12;
	v24 =	vsub.f32 v24, v14;
	v15 =	vld [tilespmem:s0+$0x200]  }
0xe5: {  	v32 =	vmul.f32 v32, v34;
	v62 =	vsub.f32 v4, v9;
	v10 =	vadd.f32 v37, v10;
	v60 =	vld [tilespmem:s0+$0x4A10];
	[tilespmem:s1+$0xD278] =	vst v31  }
0xe6: {  	v20 =	vadd.f32 v31, v24;
	v24 =	vsub.f32 v26, v2;
	v26 =	vmul.f32 v36, v17;
	v21 =	vld [tilespmem:s0+$0x4A01]  }
0xe7: {  	v36 =	vsub.f32 v32, v28;
	v31 =	vsub.f32 v12, v6;
	v14 =	vld [tilespmem:s0+$0x4800];
	[tilespmem:s1+$0x17D22] =	vst v10;
	v10 =	vmul.f32 v22, v8  }
0xe8: {  	v19 =	vmul.f32 v41, v19;
	v61 =	vsub.f32 v26, v18;
	v23 =	vld [tilespmem:s0+$0x2400];
	[tilespmem:s1+$0x138DE] =	vst v20;
	v20 =	vsub.f32 v29, v25  }
0xe9: {  	v29 =	vmul.f32 v39, v42;
	v16 =	vsub.f32 v16, v10;
	v10 =	vmul.f32 v59, v17  }
0xea: {  	v17 =	vmul.f32 v22, v38;
	v22 =	vmul.f32 v39, v8;
	v8 =	vsub.f32 v27, v9  }
0xeb: {  	v25 =	vld [tilespmem:s0+$0x1];
	[tilespmem:s1+$0xD268] =	vst v16;
	v18 =	vsub.f32 v5, v13;
	v63 =	vsub.f32 v19, v10  }
0xec: {  	v10 =	vsub.f32 v60, v3;
	v33 =	vsub.f32 v17, v29;
	v19 =	vld [tilespmem:s0+$0x4801]  }
0xed: {  	v12 =	vsub.f32 v60, v2;
	v30 =	vsub.f32 v30, v13;
	v26 =	vld [tilespmem:s0+$0x0]  }
0xee: {  	v6 =	vmul.f32 v24, v62;
	v34 =	vsub.f32 v22, v43;
	v32 =	vadd.f32 v16, v61;
	v27 =	vld [tilespmem:s0+$0x2401]  }
0xef: {  	v29 =	vld [tilespmem:s0+$0x10];
	v17 =	vmul.f32 v24, v18;
	[tilespmem:s1+$0x116AC] =	vst v33;
	v22 =	vmul.f32 v8, v18;
	v18 =	vsub.f32 v7, v23  }
0xf0: {  	s16 =	simm.s32 $0x100;
	v24 =	vmul.f32 v30, v62;
	v35 =	vadd.f32 v34, v63;
	v28 =	vld [tilespmem:s0+$0x2410];
	v16 =	vsub.f32 v15, v25;
	[tilespmem:s1+$0xF49A] =	vst v36  }
.LBB2_9:
0xf1: {  	s17 =	sshra.s32 s16, $0x2;
	p3 =	sne.s32 s16, $0x700;
	s16 =	sadd.s32 $0x80, s16;
	v37 =	vld [tilespmem:s0+$0x2601];
	v38 =	vsub.f32 v11, v25;
	[tilespmem:s1+$0xF48A] =	vst v34;
	v11 =	vadd.f32 v36, v31  }
0xf2: {  	v21 =	vsub.f32 v21, v19;
	v20 =	vadd.f32 v33, v20;
	v31 =	vld [tilespmem:s17+$0x4A11];
	[tilespmem:s1+$0x15AF0] =	vst v35  }
0xf3: {  	v34 =	vsub.f32 v1, v14;
	v30 =	vmul.f32 v30, v12;
	v33 =	vld [tilespmem:s17+$0x211];
	v35 =	vsub.f32 v7, v27;
	[tilespmem:s1+$0x138CE] =	vst v32  }
0xf4: {  	v7 =	vsub.f32 v25, v26;
	v23 =	vsub.f32 v27, v23;
	v36 =	vmul.f32 v21, v16;
	v32 =	vld [tilespmem:s17+$0x2611];
	[tilespmem:s1+$0x15B00] =	vst v11  }
0xf5: {  	v26 =	vsub.f32 v15, v26;
	v39 =	vsub.f32 v9, v29;
	v25 =	vld [tilespmem:s17+$0x210];
	[tilespmem:s1+$0x17D12] =	vst v20;
	s1 =	smov.u32 s0;
	s0 =	smov.u32 s17  }
0xf6: {  	v4 =	vsub.f32 v4, v29;
	v20 =	vmul.f32 v18, v7;
	v9 =	vsub.f32 v13, v28;
	v15 =	vld [tilespmem:s0+$0x4811]  }
0xf7: {  	v29 =	vsub.f32 v1, v19;
	v13 =	vmul.f32 v26, v23;
	v27 =	vsub.f32 v37, v27;
	v1 =	vld [tilespmem:s0+$0x4A00]  }
0xf8: {  	v40 =	vsub.f32 v2, v3;
	v37 =	vmul.f32 v34, v7;
	v41 =	vmul.f32 v4, v9;
	v11 =	vld [tilespmem:s0+$0x201]  }
0xf9: {  	v28 =	vsub.f32 v5, v28;
	v43 =	vmul.f32 v10, v9;
	v42 =	vmul.f32 v27, v29;
	v7 =	vld [tilespmem:s0+$0x2600]  }
0xfa: {  	v14 =	vsub.f32 v19, v14;
	v22 =	vsub.f32 v24, v22;
	v19 =	vmul.f32 v4, v40;
	v3 =	vld [tilespmem:s0+$0x4810];
	v4 =	vmovc v25  }
0xfb: {  	v23 =	vmul.f32 v34, v23;
	v25 =	vmul.f32 v28, v39;
	v9 =	vld [tilespmem:s0+$0x11];
	v24 =	vsub.f32 v31, v15;
	v2 =	vmovc v15  }
0xfc: {  	v18 =	vmul.f32 v18, v14;
	v20 =	vsub.f32 v13, v20;
	v28 =	vmul.f32 v28, v40;
	v5 =	vld [tilespmem:s0+$0x2610];
	[tilespmem:s1+$0x116BC] =	vst v22  }
0xfd: {  	v17 =	vsub.f32 v17, v30;
	v34 =	vmul.f32 v38, v35;
	v25 =	vsub.f32 v41, v25;
	v13 =	vld [tilespmem:s0+$0x2411]  }
0xfe: {  	v26 =	vmul.f32 v26, v14;
	v30 =	vmul.f32 v21, v35;
	v14 =	vsub.f32 v28, v43;
	v15 =	vld [tilespmem:s0+$0x200]  }
0xff: {  	v35 =	vsub.f32 v18, v23;
	v18 =	vmul.f32 v38, v29;
	v22 =	vadd.f32 v22, v25;
	v28 =	vld [tilespmem:s0+$0x4A10];
	[tilespmem:s1+$0xD278] =	vst v17  }
0x100: {  	v17 =	vadd.f32 v17, v14;
	v21 =	vld [tilespmem:s0+$0x4A01];
	v38 =	vsub.f32 v4, v9  }
0x101: {  	v10 =	vmul.f32 v10, v39;
	v29 =	vmul.f32 v8, v12;
	v40 =	vsub.f32 v30, v42;
	v14 =	vld [tilespmem:s0+$0x4800];
	[tilespmem:s1+$0x17D22] =	vst v22  }
0x102: {  	v37 =	vsub.f32 v37, v26;
	v16 =	vmul.f32 v27, v16;
	v23 =	vld [tilespmem:s0+$0x2400];
	v22 =	vsub.f32 v5, v13;
	[tilespmem:s1+$0x138DE] =	vst v17  }
0x103: {  	v31 =	vsub.f32 v10, v19;
	v8 =	vsub.f32 v33, v9;
	v39 =	vmul.f32 v24, v38;
	v25 =	vld [tilespmem:s0+$0x1];
	[tilespmem:s1+$0xD268] =	vst v40  }
.Ltmp6:
0x104: {  	v19 =	vld [tilespmem:s0+$0x4801];
	v10 =	vsub.f32 v28, v3;
	v12 =	vsub.f32 v28, v2;
	v17 =	vmul.f32 v24, v22;
	(pc) =	sbr.rel @p3 .LBB2_9-.Ltmp6, $4  }
0x105: {  	v33 =	vsub.f32 v16, v34;
	v30 =	vsub.f32 v32, v13;
	v22 =	vmul.f32 v8, v22;
	v26 =	vld [tilespmem:s0+$0x0]  }
0x106: {  	v34 =	vsub.f32 v18, v36;
	v36 =	vsub.f32 v29, v6;
	v6 =	vmov v39;
	v27 =	vld [tilespmem:s0+$0x2401]  }
0x107: {  	v32 =	vadd.f32 v40, v35;
	v24 =	vmul.f32 v30, v38;
	v18 =	vsub.f32 v7, v23;
	v29 =	vld [tilespmem:s0+$0x10];
	[tilespmem:s1+$0x116AC] =	vst v33  }
0x108: {  	v35 =	vadd.f32 v34, v37;
	v16 =	vsub.f32 v15, v25;
	v28 =	vld [tilespmem:s0+$0x2410];
	[tilespmem:s1+$0xF49A] =	vst v36  }
0x109: {  	v11 =	vsub.f32 v11, v25  }
0x10a: {  	v31 =	vadd.f32 v36, v31;
	v21 =	vsub.f32 v21, v19  }
0x10b: {  	v20 =	vadd.f32 v33, v20;
	v50 =	vsub.f32 v1, v14  }
0x10c: {  	v1 =	vsub.f32 v1, v19;
	v2 =	vsub.f32 v2, v3  }
0x10d: {  	v49 =	vld [tilespmem:s0+$0x2601];
	v52 =	vmul.f32 v30, v12;
	v58 =	vsub.f32 v19, v14;
	v59 =	vsub.f32 v24, v22  }
0x10e: {  	v8 =	vmul.f32 v8, v12;
	v51 =	vsub.f32 v25, v26;
	v15 =	vsub.f32 v15, v26  }
0x10f: {  	v7 =	vsub.f32 v7, v27;
	v23 =	vsub.f32 v27, v23;
	v53 =	vmul.f32 v21, v16  }
0x110: {  	[tilespmem:s1+$0xF48A] =	vst v34;
	v9 =	vsub.f32 v9, v29;
	v4 =	vsub.f32 v4, v29;
	v55 =	vmul.f32 v50, v51  }
0x111: {  	[tilespmem:s1+$0x138CE] =	vst v32;
	v62 =	vmul.f32 v15, v58;
	v13 =	vsub.f32 v13, v28;
	v5 =	vsub.f32 v5, v28  }
0x112: {  	[tilespmem:s1+$0x15AF0] =	vst v35;
	v61 =	vmul.f32 v11, v7;
	v7 =	vmul.f32 v21, v7;
	v54 =	vsub.f32 v49, v27  }
0x113: {  	[tilespmem:s1+$0x15B00] =	vst v31;
	v17 =	vsub.f32 v17, v52;
	v3 =	vmul.f32 v4, v13;
	v57 =	vmul.f32 v5, v9  }
0x114: {  	[tilespmem:s1+$0x17D12] =	vst v20;
	v6 =	vsub.f32 v8, v6;
	v13 =	vmul.f32 v10, v13;
	v56 =	vmul.f32 v54, v1  }
0x115: {  	[tilespmem:s0+$0x116BC] =	vst v59;
	v5 =	vmul.f32 v5, v2;
	v2 =	vmul.f32 v4, v2;
	v3 =	vsub.f32 v3, v57  }
0x116: {  	[tilespmem:s0+$0xD278] =	vst v17;
	v4 =	vsub.f32 v55, v62;
	v63 =	vmul.f32 v54, v16;
	v7 =	vsub.f32 v7, v56  }
0x117: {  	[tilespmem:s0+$0xF49A] =	vst v6;
	v9 =	vmul.f32 v10, v9;
	v1 =	vmul.f32 v11, v1;
	v3 =	vadd.f32 v59, v3  }
0x118: {  	v60 =	vmul.f32 v50, v23;
	v5 =	vsub.f32 v5, v13;
	v16 =	vsub.f32 v63, v61;
	[tilespmem:s0+$0xD268] =	vst v7  }
0x119: {  	v2 =	vsub.f32 v9, v2;
	v1 =	vsub.f32 v1, v53;
	[tilespmem:s0+$0x17D22] =	vst v3;
	v3 =	vmul.f32 v18, v58  }
0x11a: {  	v5 =	vadd.f32 v17, v5;
	v17 =	vmul.f32 v18, v51;
	[tilespmem:s0+$0x116AC] =	vst v16;
	v18 =	vmul.f32 v15, v23  }
0x11b: {  	v4 =	vadd.f32 v1, v4;
	[tilespmem:s0+$0xF48A] =	vst v1;
	v3 =	vsub.f32 v3, v60  }
0x11c: {  	v1 =	vadd.f32 v6, v2;
	[tilespmem:s0+$0x138DE] =	vst v5;
	v8 =	vsub.f32 v18, v17  }
0x11d: {  	[tilespmem:s0+$0x15AF0] =	vst v4;
	v3 =	vadd.f32 v7, v3  }
0x11e: {  	[tilespmem:s0+$0x15B00] =	vst v1;
	v2 =	vadd.f32 v16, v8  }
0x11f: {  	[tilespmem:s0+$0x138CE] =	vst v3  }
0x120: {  	[tilespmem:s0+$0x17D12] =	vst v2  }
0x121: {  	v1 =	vld [tilespmem:$0x1E0]  }
0x122: {  	v2 =	vld [tilespmem:$0x25E0]  }
0x123: {  	v3 =	vld [tilespmem:$0x49E0]  }
0x124: {  	v4 =	vld [tilespmem:$0x1E1]  }
0x125: {  	v20 =	vld [tilespmem:$0x3E0]  }
0x126: {  	v21 =	vld [tilespmem:$0x27E0]  }
0x127: {  	v22 =	vld [tilespmem:$0x4BE0]  }
0x128: {  	v23 =	vld [tilespmem:$0x25E1]  }
0x129: {  	v24 =	vld [tilespmem:$0x49E1]  }
0x12a: {  	v25 =	vld [tilespmem:$0x27E1]  }
0x12b: {  	v27 =	vld [tilespmem:$0x4BE1]  }
0x12c: {  	v30 =	vld [tilespmem:$0x3E1]  }
0x12d: {  	v31 =	vld [tilespmem:$0x1EF]  }
0x12e: {  	v34 =	vld [tilespmem:$0x25EF]  }
0x12f: {  	v36 =	vld [tilespmem:$0x49EF]  }
0x130: {  	v40 =	vld [tilespmem:$0x3EF];
	v26 =	vsub.f32 v20, v1  }
0x131: {  	v41 =	vld [tilespmem:$0x27EF];
	v28 =	vsub.f32 v21, v2;
	v29 =	vsub.f32 v22, v3  }
0x132: {  	v42 =	vld [tilespmem:$0x4BEF];
	v1 =	vsub.f32 v4, v1;
	v2 =	vsub.f32 v23, v2  }
0x133: {  	v37 =	vld [tilespmem:$0x25F0];
	v3 =	vsub.f32 v24, v3;
	v5 =	vsub.f32 v20, v4  }
0x134: {  	v44 =	vld [tilespmem:$0x49F0];
	v6 =	vsub.f32 v21, v23;
	v7 =	vsub.f32 v22, v24  }
0x135: {  	v8 =	vsub.f32 v25, v23;
	v9 =	vsub.f32 v27, v24  }
0x136: {  	v47 =	vld [tilespmem:$0x4BF0];
	v4 =	vsub.f32 v30, v4;
	v49 =	vsub.f32 v40, v31  }
0x137: {  	v48 =	vld [tilespmem:$0x1F0];
	v50 =	vsub.f32 v41, v34;
	v51 =	vsub.f32 v42, v36  }
0x138: {  	v18 =	vsub.f32 v37, v34;
	v32 =	vmul.f32 v28, v3;
	v33 =	vmul.f32 v29, v2  }
0x139: {  	v14 =	vsub.f32 v44, v36;
	v35 =	vmul.f32 v29, v1;
	v3 =	vmul.f32 v26, v3  }
0x13a: {  	v17 =	vsub.f32 v41, v37;
	v2 =	vmul.f32 v26, v2;
	v1 =	vmul.f32 v28, v1  }
0x13b: {  	v53 =	vsub.f32 v47, v44;
	v38 =	vmul.f32 v9, v6;
	v39 =	vmul.f32 v8, v7  }
0x13c: {  	v54 =	vsub.f32 v48, v31;
	v7 =	vmul.f32 v4, v7;
	v9 =	vmul.f32 v9, v5  }
0x13d: {  	v45 =	vld [tilespmem:$0x27F0];
	v57 =	vsub.f32 v40, v48;
	v5 =	vmul.f32 v8, v5;
	v4 =	vmul.f32 v4, v6  }
0x13e: {  	v6 =	vsub.f32 v42, v44;
	v55 =	vmul.f32 v50, v14;
	v43 =	vsub.f32 v38, v39  }
0x13f: {  	v56 =	vmul.f32 v51, v18;
	v10 =	vsub.f32 v32, v33;
	v7 =	vsub.f32 v7, v9  }
0x140: {  	v52 =	vld [tilespmem:$0x3F0];
	v1 =	vsub.f32 v2, v1;
	v2 =	vsub.f32 v5, v4;
	[tilespmem:$0xD448] =	vst v43  }
0x141: {  	v3 =	vsub.f32 v35, v3;
	v9 =	vsub.f32 v55, v56;
	[tilespmem:$0xF66A] =	vst v7  }
0x142: {  	v58 =	vmul.f32 v53, v17;
	v4 =	vsub.f32 v45, v37;
	v46 =	vadd.f32 v43, v10;
	[tilespmem:$0x1188C] =	vst v2  }
0x143: {  	v63 =	vmul.f32 v49, v18;
	v5 =	vmul.f32 v50, v54;
	v3 =	vadd.f32 v7, v3;
	[tilespmem:$0x6DF1] =	vst v9  }
0x144: {  	v60 =	vmul.f32 v49, v14;
	v1 =	vadd.f32 v2, v1;
	v59 =	vmul.f32 v4, v6;
	[tilespmem:$0x13AAE] =	vst v46  }
0x145: {  	v2 =	vmul.f32 v51, v54;
	v5 =	vsub.f32 v63, v5;
	[tilespmem:$0x15CD0] =	vst v3;
	v3 =	vsub.f32 v52, v48  }
0x146: {  	v11 =	vsub.f32 v58, v59;
	[tilespmem:$0x17EF2] =	vst v1  }
0x147: {  	v61 =	vmul.f32 v53, v57;
	v2 =	vsub.f32 v2, v60;
	[tilespmem:$0xB235] =	vst v5;
	v1 =	vmul.f32 v3, v6  }
0x148: {  	v4 =	vmul.f32 v4, v57;
	v62 =	vadd.f32 v11, v9;
	[tilespmem:$0xD457] =	vst v11;
	v3 =	vmul.f32 v3, v17  }
0x149: {  	[tilespmem:$0x9013] =	vst v2;
	v1 =	vsub.f32 v1, v61  }
0x14a: {  	[tilespmem:$0x13ABD] =	vst v62;
	v3 =	vsub.f32 v4, v3  }
0x14b: {  	v2 =	vadd.f32 v1, v2;
	[tilespmem:$0xF679] =	vst v1  }
0x14c: {  	v1 =	vadd.f32 v3, v5;
	[tilespmem:$0x1189B] =	vst v3  }
0x14d: {  	[tilespmem:$0x15CDF] =	vst v2  }
0x14e: {  	[tilespmem:$0x17F01] =	vst v1  }
.LBB2_11:
0x14f: {  	s31 =	simm.s32 $0x1;
	s0 =	simm.s32 $0x6C00;
	s1 =	simm.s32 $0x204  }
0x150: {  	s16 =	simm.s32 $0x2;
	s17 =	simm.s32 $0x19F48;
	s18 =	simm.s32 $0x214  }
.LBB2_12:
0x151: {  	s19 =	sshll.u32 s1, $0x2;
	s20 =	sshll.u32 s16, $0x3;
	s21 =	sshll.u32 s18, $0x2  }
0x152: {  	s19 =	sand.u32 $0xFFFFFFE0, s19;
	s20 =	sand.u32 $0x18, s20;
	s21 =	sand.u32 $0xFFFFFFE0, s21  }
0x153: {  	s22 =	sshll.u32 s31, $0xB;
	v1 =	vmov s30;
	s19 =	sor.u32 s20, s19;
	s20 =	sor.u32 s20, s21  }
0x154: {  	s21 =	smul.u32 $0x202, s31;
	s19 =	sshrl.u32 s19, $0x2;
	s20 =	sshrl.u32 s20, $0x2  }
0x155: {  	v2 =	vmov s0;
	s22 =	sadd.s32 $0xFFFFF800, s22;
	s23 =	sadd.s32 $0x6C00, s19;
	s25 =	sadd.s32 $0x6C00, s20  }
0x156: {  	v4 =	vmov s17;
	s20 =	sadd.s32 $0xFFFFFDFE, s21;
	s19 =	sshra.s32 s22, $0x2;
	s22 =	simm.s32 $0x0;
	v3 =	vmov s23;
	v5 =	vmov s25  }
.LBB2_13:
0x157: {  	s23 =	sshra.s32 s22, $0x2  }
0x158: {  	v6 =	vld.idx.msk [tilespmem:v1+s23+$0x200 ss:$0x1], $0xffff  }
0x159: {  	v7 =	vld.idx.msk [tilespmem:v1+s23+$0x2600 ss:$0x1], $0xffff  }
0x15a: {  	v8 =	vld.idx.msk [tilespmem:v1+s23+$0x4A00 ss:$0x1], $0xffff  }
0x15b: {  	v9 =	vld.idx.msk [tilespmem:v1+s23+$0x201 ss:$0x1], $0xffff  }
0x15c: {  	v10 =	vld.idx.msk [tilespmem:v1+s23+$0x2601 ss:$0x1], $0xffff  }
0x15d: {  	v11 =	vld.idx.msk [tilespmem:v1+s23+$0x400 ss:$0x1], $0xffff  }
0x15e: {  	v12 =	vld.idx.msk [tilespmem:v1+s23+$0x2800 ss:$0x1], $0xffff  }
0x15f: {  	v13 =	vld.idx.msk [tilespmem:v1+s23+$0x4C00 ss:$0x1], $0xffff  }
0x160: {  	v14 =	vld.idx.msk [tilespmem:v1+s23+$0x4A01 ss:$0x1], $0xffff;
	_ =	sdelay $0x1  }
0x161: {  	v15 =	vld.idx.msk [tilespmem:v1+s23+$0x2801 ss:$0x1], $0xffff  }
0x162: {  	v16 =	vld.idx.msk [tilespmem:v1+s23+$0x4C01 ss:$0x1], $0xffff;
	v17 =	vsub.f32 v11, v6;
	v18 =	vsub.f32 v12, v7  }
0x163: {  	v19 =	vld.idx.msk [tilespmem:v1+s23+$0x401 ss:$0x1], $0xffff;
	v20 =	vsub.f32 v13, v8;
	v6 =	vsub.f32 v9, v6  }
0x164: {  	v7 =	vsub.f32 v10, v7;
	v8 =	vsub.f32 v14, v8  }
0x165: {  	v11 =	vsub.f32 v11, v9;
	v12 =	vsub.f32 v12, v10  }
0x166: {  	v13 =	vsub.f32 v13, v14;
	v10 =	vsub.f32 v15, v10  }
0x167: {  	v14 =	vsub.f32 v16, v14;
	v60 =	vmul.f32 v18, v8;
	v61 =	vmul.f32 v20, v7  }
0x168: {  	v9 =	vsub.f32 v19, v9;
	v62 =	vmul.f32 v20, v6;
	v8 =	vmul.f32 v17, v8  }
0x169: {  	v63 =	vmul.f32 v14, v12;
	v21 =	vmul.f32 v10, v13  }
0x16a: {  	v13 =	vmul.f32 v9, v13;
	v14 =	vmul.f32 v14, v11  }
0x16b: {  	v7 =	vmul.f32 v17, v7;
	v15 =	vsub.f32 v60, v61;
	v20 =	vsub.f32 v63, v21  }
0x16c: {  	v6 =	vmul.f32 v18, v6;
	v10 =	vmul.f32 v10, v11;
	v8 =	vsub.f32 v62, v8  }
0x16d: {  	v9 =	vmul.f32 v9, v12;
	v13 =	vsub.f32 v13, v14;
	v21 =	vadd.f32 v20, v15  }
0x16e: {  	v6 =	vsub.f32 v7, v6;
	[tilespmem:v2+s23+$0x686A ss:$0x1] =	vst.idx.msk $0xffff, v20  }
0x16f: {  	v7 =	vsub.f32 v10, v9;
	v22 =	vadd.f32 v13, v8;
	[tilespmem:v2+s23+$0xCED0 ss:$0x1] =	vst.idx.msk $0xffff, v21  }
0x170: {  	[tilespmem:v3+s23+$0x8888 ss:$0x1] =	vst.idx.msk $0xffff, v13  }
0x171: {  	v23 =	vadd.f32 v7, v6;
	[tilespmem:v2+s23+$0xF0F2 ss:$0x1] =	vst.idx.msk $0xffff, v22  }
0x172: {  	[tilespmem:v2+s23+$0xACAE ss:$0x1] =	vst.idx.msk $0xffff, v7  }
0x173: {  	[tilespmem:v3+s23+$0x11110 ss:$0x1] =	vst.idx.msk $0xffff, v23  }
0x174: {  	v7 =	vld.idx.msk [tilespmem:v2+s23+$0xCCCE ss:$0x1], $0xffff  }
0x175: {  	v9 =	vld.idx.msk [tilespmem:v2+s23+$0xCECF ss:$0x1], $0xffff  }
0x176: {  	v24 =	vld.idx.msk [tilespmem:v2+s23+$0x6667 ss:$0x1], $0xffff  }
0x177: {  	v11 =	vld.idx.msk [tilespmem:v2+s23+$0xEEF0 ss:$0x1], $0xffff  }
0x178: {  	v13 =	vld.idx.msk [tilespmem:v2+s23+$0x11112 ss:$0x1], $0xffff  }
0x179: {  	v25 =	vld.idx.msk [tilespmem:v2+s23+$0xF0F1 ss:$0x1], $0xffff  }
0x17a: {  	v27 =	vld.idx.msk [tilespmem:v2+s23+$0x11313 ss:$0x1], $0xffff  }
0x17b: {  	v26 =	vld.idx.msk [tilespmem:v2+s23+$0x8889 ss:$0x1], $0xffff  }
0x17c: {  	v7 =	vadd.f32 v7, v15;
	v8 =	vadd.f32 v11, v8  }
0x17d: {  	v28 =	vld.idx.msk [tilespmem:v2+s23+$0xAAAB ss:$0x1], $0xffff;
	v6 =	vadd.f32 v13, v6  }
0x17e: {  	v7 =	vadd.f32 v9, v7;
	v8 =	vadd.f32 v25, v8  }
0x17f: {  	v6 =	vadd.f32 v27, v6  }
0x180: {  	v7 =	vadd.f32 v24, v7;
	v8 =	vadd.f32 v26, v8;
	_ =	sdelay $0x1  }
0x181: {  	v6 =	vadd.f32 v28, v6;
	v29 =	vmul.f32 v7, v7;
	v30 =	vmul.f32 v8, v8;
	_ =	sdelay $0x1  }
0x182: {  	v31 =	vmul.f32 v6, v6;
	v9 =	vadd.f32 v30, v29;
	_ =	sdelay $0x1  }
0x183: {  	v9 =	vadd.f32 v31, v9;
	_ =	sdelay $0x1  }
0x184: {  	v9 =	vmax.f32 v9, $1.000000020e-24  }
0x185: {  	v32 =	vshrl.u32 v9, $0x1;
	v9 =	vmul.f32 $5.000000000e-01, v9  }
0x186: {  	v10 =	vsub.s32 $0x5F3759DF, v32  }
0x187: {  	v33 =	vmul.f32 v10, v9;
	_ =	sdelay $0x1  }
0x188: {  	v11 =	vmul.f32 v10, v33;
	_ =	sdelay $0x1  }
0x189: {  	v11 =	vsub.f32 $1.500000000e+00, v11;
	_ =	sdelay $0x1  }
0x18a: {  	v10 =	vmul.f32 v10, v11;
	_ =	sdelay $0x1  }
0x18b: {  	v11 =	vmul.f32 v10, v9;
	_ =	sdelay $0x1  }
0x18c: {  	v11 =	vmul.f32 v11, v10;
	_ =	sdelay $0x1  }
0x18d: {  	v11 =	vsub.f32 $1.500000000e+00, v11;
	_ =	sdelay $0x1  }
0x18e: {  	v10 =	vmul.f32 v11, v10;
	_ =	sdelay $0x1  }
0x18f: {  	v9 =	vmul.f32 v10, v9;
	_ =	sdelay $0x1  }
0x190: {  	v9 =	vmul.f32 v9, v10;
	_ =	sdelay $0x1  }
0x191: {  	v9 =	vsub.f32 $1.500000000e+00, v9;
	_ =	sdelay $0x1  }
0x192: {  	v9 =	vmul.f32 v9, v10;
	_ =	sdelay $0x1  }
0x193: {  	v7 =	vmul.f32 v9, v7  }
0x194: {  	v8 =	vmul.f32 v9, v8  }
0x195: {  	v6 =	vmul.f32 v9, v6;
	[tilespmem:v4+s23+$0x0 ss:$0x1] =	vst.idx.msk $0xffff, v7  }
0x196: {  	[tilespmem:v4+s23+$0x2000 ss:$0x1] =	vst.idx.msk $0xffff, v8  }
0x197: {  	[tilespmem:v4+s23+$0x4000 ss:$0x1] =	vst.idx.msk $0xffff, v6  }
0x198: {  	v6 =	vld.idx.msk [tilespmem:v1+s23+$0x210 ss:$0x1], $0xffff  }
0x199: {  	v7 =	vld.idx.msk [tilespmem:v1+s23+$0x2610 ss:$0x1], $0xffff  }
0x19a: {  	v8 =	vld.idx.msk [tilespmem:v1+s23+$0x4A10 ss:$0x1], $0xffff  }
0x19b: {  	v34 =	vld.idx.msk [tilespmem:v1+s23+$0x211 ss:$0x1], $0xffff  }
0x19c: {  	v35 =	vld.idx.msk [tilespmem:v1+s23+$0x2611 ss:$0x1], $0xffff  }
0x19d: {  	v36 =	vld.idx.msk [tilespmem:v1+s23+$0x410 ss:$0x1], $0xffff  }
0x19e: {  	v37 =	vld.idx.msk [tilespmem:v1+s23+$0x2810 ss:$0x1], $0xffff  }
0x19f: {  	v38 =	vld.idx.msk [tilespmem:v1+s23+$0x4C10 ss:$0x1], $0xffff  }
0x1a0: {  	v39 =	vld.idx.msk [tilespmem:v1+s23+$0x4A11 ss:$0x1], $0xffff;
	_ =	sdelay $0x1  }
0x1a1: {  	v40 =	vld.idx.msk [tilespmem:v1+s23+$0x2811 ss:$0x1], $0xffff  }
0x1a2: {  	v16 =	vld.idx.msk [tilespmem:v1+s23+$0x4C11 ss:$0x1], $0xffff;
	v41 =	vsub.f32 v36, v6;
	v42 =	vsub.f32 v37, v7  }
0x1a3: {  	v43 =	vld.idx.msk [tilespmem:v1+s23+$0x411 ss:$0x1], $0xffff;
	v44 =	vsub.f32 v38, v8;
	v6 =	vsub.f32 v34, v6  }
0x1a4: {  	v7 =	vsub.f32 v35, v7;
	v8 =	vsub.f32 v39, v8  }
0x1a5: {  	v11 =	vsub.f32 v36, v34;
	v12 =	vsub.f32 v37, v35  }
0x1a6: {  	v13 =	vsub.f32 v38, v39;
	v10 =	vsub.f32 v40, v35  }
0x1a7: {  	v14 =	vsub.f32 v16, v39;
	v45 =	vmul.f32 v42, v8;
	v46 =	vmul.f32 v44, v7  }
0x1a8: {  	v9 =	vsub.f32 v43, v34;
	v47 =	vmul.f32 v44, v6;
	v8 =	vmul.f32 v41, v8  }
0x1a9: {  	v48 =	vmul.f32 v14, v12;
	v49 =	vmul.f32 v10, v13  }
0x1aa: {  	v13 =	vmul.f32 v9, v13;
	v14 =	vmul.f32 v14, v11  }
0x1ab: {  	v7 =	vmul.f32 v41, v7;
	v15 =	vsub.f32 v45, v46;
	v50 =	vsub.f32 v48, v49  }
0x1ac: {  	v6 =	vmul.f32 v42, v6;
	v10 =	vmul.f32 v10, v11;
	v8 =	vsub.f32 v47, v8  }
0x1ad: {  	v9 =	vmul.f32 v9, v12;
	v13 =	vsub.f32 v13, v14;
	v51 =	vadd.f32 v50, v15  }
0x1ae: {  	v6 =	vsub.f32 v7, v6;
	[tilespmem:v2+s23+$0x687A ss:$0x1] =	vst.idx.msk $0xffff, v50  }
0x1af: {  	v7 =	vsub.f32 v10, v9;
	v52 =	vadd.f32 v13, v8;
	[tilespmem:v2+s23+$0xCEE0 ss:$0x1] =	vst.idx.msk $0xffff, v51  }
0x1b0: {  	[tilespmem:v5+s23+$0x8888 ss:$0x1] =	vst.idx.msk $0xffff, v13  }
0x1b1: {  	v53 =	vadd.f32 v7, v6;
	[tilespmem:v2+s23+$0xF102 ss:$0x1] =	vst.idx.msk $0xffff, v52  }
0x1b2: {  	[tilespmem:v2+s23+$0xACBE ss:$0x1] =	vst.idx.msk $0xffff, v7  }
0x1b3: {  	[tilespmem:v5+s23+$0x11110 ss:$0x1] =	vst.idx.msk $0xffff, v53  }
0x1b4: {  	v7 =	vld.idx.msk [tilespmem:v2+s23+$0xCCDE ss:$0x1], $0xffff  }
0x1b5: {  	v9 =	vld.idx.msk [tilespmem:v2+s23+$0xCEDF ss:$0x1], $0xffff  }
0x1b6: {  	v54 =	vld.idx.msk [tilespmem:v2+s23+$0x6677 ss:$0x1], $0xffff  }
0x1b7: {  	v11 =	vld.idx.msk [tilespmem:v2+s23+$0xEF00 ss:$0x1], $0xffff  }
0x1b8: {  	v13 =	vld.idx.msk [tilespmem:v2+s23+$0x11122 ss:$0x1], $0xffff  }
0x1b9: {  	v55 =	vld.idx.msk [tilespmem:v2+s23+$0xF101 ss:$0x1], $0xffff  }
0x1ba: {  	v57 =	vld.idx.msk [tilespmem:v2+s23+$0x11323 ss:$0x1], $0xffff  }
0x1bb: {  	v56 =	vld.idx.msk [tilespmem:v2+s23+$0x8899 ss:$0x1], $0xffff  }
0x1bc: {  	v7 =	vadd.f32 v7, v15;
	v8 =	vadd.f32 v11, v8  }
0x1bd: {  	v58 =	vld.idx.msk [tilespmem:v2+s23+$0xAABB ss:$0x1], $0xffff;
	v6 =	vadd.f32 v13, v6  }
0x1be: {  	v7 =	vadd.f32 v9, v7;
	v8 =	vadd.f32 v55, v8  }
0x1bf: {  	v6 =	vadd.f32 v57, v6  }
0x1c0: {  	v7 =	vadd.f32 v54, v7;
	v8 =	vadd.f32 v56, v8;
	_ =	sdelay $0x1  }
0x1c1: {  	v6 =	vadd.f32 v58, v6;
	v59 =	vmul.f32 v7, v7;
	v60 =	vmul.f32 v8, v8;
	_ =	sdelay $0x1  }
0x1c2: {  	v61 =	vmul.f32 v6, v6;
	v9 =	vadd.f32 v60, v59;
	_ =	sdelay $0x1  }
0x1c3: {  	v9 =	vadd.f32 v61, v9;
	_ =	sdelay $0x1  }
0x1c4: {  	v9 =	vmax.f32 v9, $1.000000020e-24  }
0x1c5: {  	v62 =	vshrl.u32 v9, $0x1;
	v9 =	vmul.f32 $5.000000000e-01, v9  }
0x1c6: {  	v10 =	vsub.s32 $0x5F3759DF, v62  }
0x1c7: {  	v63 =	vmul.f32 v10, v9;
	_ =	sdelay $0x1  }
0x1c8: {  	v11 =	vmul.f32 v10, v63;
	_ =	sdelay $0x1  }
0x1c9: {  	v11 =	vsub.f32 $1.500000000e+00, v11;
	_ =	sdelay $0x1  }
0x1ca: {  	v10 =	vmul.f32 v10, v11;
	_ =	sdelay $0x1  }
0x1cb: {  	v11 =	vmul.f32 v10, v9;
	_ =	sdelay $0x1  }
0x1cc: {  	v11 =	vmul.f32 v11, v10;
	_ =	sdelay $0x1  }
0x1cd: {  	v11 =	vsub.f32 $1.500000000e+00, v11;
	_ =	sdelay $0x1  }
0x1ce: {  	v10 =	vmul.f32 v11, v10;
	_ =	sdelay $0x1  }
0x1cf: {  	v9 =	vmul.f32 v10, v9;
	_ =	sdelay $0x1  }
0x1d0: {  	v9 =	vmul.f32 v9, v10;
	_ =	sdelay $0x1  }
0x1d1: {  	v9 =	vsub.f32 $1.500000000e+00, v9;
	_ =	sdelay $0x1  }
0x1d2: {  	v9 =	vmul.f32 v9, v10  }
0x1d3: {  	p3 =	sne.s32 s22, $0x700  }
.Ltmp7:
0x1d4: {  	v7 =	vmul.f32 v9, v7;
	(pc) =	sbr.rel @p3 .LBB2_13-.Ltmp7, $4  }
0x1d5: {  	v8 =	vmul.f32 v9, v8  }
0x1d6: {  	v6 =	vmul.f32 v9, v6;
	[tilespmem:v4+s23+$0x10 ss:$0x1] =	vst.idx.msk $0xffff, v7  }
0x1d7: {  	[tilespmem:v4+s23+$0x2010 ss:$0x1] =	vst.idx.msk $0xffff, v8  }
0x1d8: {  	s22 =	sadd.s32 $0x80, s22;
	[tilespmem:v4+s23+$0x4010 ss:$0x1] =	vst.idx.msk $0xffff, v6  }
0x1d9: {  	s22 =	sshll.u32 s31, $0x9  }
0x1da: {  	s22 =	sand.u32 $0x3FFFFE00, s22  }
0x1db: {  	v1 =	vld [tilespmem:s22+$0x1E0]  }
0x1dc: {  	v2 =	vld [tilespmem:s22+$0x25E0]  }
0x1dd: {  	s31 =	sadd.s32 $0x1, s31;
	v3 =	vld [tilespmem:s22+$0x49E0]  }
0x1de: {  	s23 =	sshll.u32 s31, $0x9;
	v4 =	vld [tilespmem:s22+$0x1E1]  }
0x1df: {  	v5 =	vld [tilespmem:s22+$0x25E1];
	s23 =	sand.u32 $0x3FFFFE00, s23  }
0x1e0: {  	v6 =	vld [tilespmem:s23+$0x1E0]  }
0x1e1: {  	v7 =	vld [tilespmem:s23+$0x25E0]  }
0x1e2: {  	v8 =	vld [tilespmem:s23+$0x49E0]  }
0x1e3: {  	v9 =	vld [tilespmem:s22+$0x49E1];
	_ =	sdelay $0x1  }
0x1e4: {  	v10 =	vld [tilespmem:s23+$0x25E1]  }
0x1e5: {  	v11 =	vld [tilespmem:s23+$0x49E1];
	v12 =	vsub.f32 v6, v1;
	v13 =	vsub.f32 v7, v2  }
0x1e6: {  	v14 =	vld [tilespmem:s23+$0x1E1];
	v15 =	vsub.f32 v8, v3;
	v1 =	vsub.f32 v4, v1  }
0x1e7: {  	v2 =	vsub.f32 v5, v2;
	v3 =	vsub.f32 v9, v3  }
0x1e8: {  	v6 =	vsub.f32 v6, v4;
	v7 =	vsub.f32 v7, v5  }
0x1e9: {  	v8 =	vsub.f32 v8, v9;
	v5 =	vsub.f32 v10, v5  }
0x1ea: {  	v9 =	vsub.f32 v11, v9;
	v60 =	vmul.f32 v13, v3;
	v61 =	vmul.f32 v15, v2  }
0x1eb: {  	v4 =	vsub.f32 v14, v4;
	v62 =	vmul.f32 v15, v1;
	v3 =	vmul.f32 v12, v3  }
0x1ec: {  	v63 =	vmul.f32 v9, v7;
	v16 =	vmul.f32 v5, v8  }
0x1ed: {  	v8 =	vmul.f32 v4, v8;
	v9 =	vmul.f32 v9, v6  }
0x1ee: {  	v2 =	vmul.f32 v12, v2;
	v1 =	vmul.f32 v13, v1  }
0x1ef: {  	v5 =	vmul.f32 v5, v6;
	v10 =	vsub.f32 v60, v61;
	v18 =	vsub.f32 v63, v16  }
0x1f0: {  	s25 =	sand.u32 $0x1FFE, s21;
	v4 =	vmul.f32 v4, v7;
	v3 =	vsub.f32 v62, v3;
	v8 =	vsub.f32 v8, v9  }
0x1f1: {  	v1 =	vsub.f32 v2, v1;
	v19 =	vadd.f32 v18, v10;
	[tilespmem:s25+$0xD448] =	vst v18  }
0x1f2: {  	v2 =	vsub.f32 v5, v4;
	v20 =	vadd.f32 v8, v3;
	[tilespmem:s21+$0xF66A] =	vst v8  }
0x1f3: {  	[tilespmem:s21+$0x13AAE] =	vst v19  }
0x1f4: {  	v21 =	vadd.f32 v2, v1;
	[tilespmem:s25+$0x15CD0] =	vst v20  }
0x1f5: {  	[tilespmem:s21+$0x1188C] =	vst v2;
	v22 =	vld [tilespmem:s21+$0x13AAD]  }
0x1f6: {  	[tilespmem:s21+$0x17EF2] =	vst v21;
	v24 =	vld [tilespmem:s21+$0x15CCF]  }
0x1f7: {  	s25 =	sand.u32 $0x7FFFFFFE, s20;
	v2 =	vld [tilespmem:s20+$0x13AAE]  }
0x1f8: {  	v6 =	vld [tilespmem:s25+$0x15CD0]  }
0x1f9: {  	v8 =	vld [tilespmem:s20+$0x17EF2]  }
0x1fa: {  	v23 =	vld [tilespmem:s20+$0xD447]  }
0x1fb: {  	v26 =	vld [tilespmem:s21+$0x17EF1]  }
0x1fc: {  	v25 =	vld [tilespmem:s20+$0xF669]  }
0x1fd: {  	v2 =	vadd.f32 v2, v10;
	v3 =	vadd.f32 v6, v3  }
0x1fe: {  	v27 =	vld [tilespmem:s20+$0x1188B];
	v1 =	vadd.f32 v8, v1  }
0x1ff: {  	v2 =	vadd.f32 v22, v2;
	v3 =	vadd.f32 v24, v3  }
0x200: {  	v1 =	vadd.f32 v26, v1  }
0x201: {  	v2 =	vadd.f32 v23, v2;
	v3 =	vadd.f32 v25, v3;
	_ =	sdelay $0x1  }
0x202: {  	v1 =	vadd.f32 v27, v1;
	v28 =	vmul.f32 v2, v2;
	v29 =	vmul.f32 v3, v3;
	_ =	sdelay $0x1  }
0x203: {  	v30 =	vmul.f32 v1, v1;
	v4 =	vadd.f32 v29, v28;
	_ =	sdelay $0x1  }
0x204: {  	v4 =	vadd.f32 v30, v4;
	_ =	sdelay $0x1  }
0x205: {  	v4 =	vmax.f32 v4, $1.000000020e-24  }
0x206: {  	v31 =	vshrl.u32 v4, $0x1;
	v4 =	vmul.f32 $5.000000000e-01, v4  }
0x207: {  	v5 =	vsub.s32 $0x5F3759DF, v31  }
0x208: {  	v32 =	vmul.f32 v5, v4;
	_ =	sdelay $0x1  }
0x209: {  	v6 =	vmul.f32 v5, v32;
	_ =	sdelay $0x1  }
0x20a: {  	v6 =	vsub.f32 $1.500000000e+00, v6;
	_ =	sdelay $0x1  }
0x20b: {  	v5 =	vmul.f32 v5, v6;
	_ =	sdelay $0x1  }
0x20c: {  	v6 =	vmul.f32 v5, v4;
	_ =	sdelay $0x1  }
0x20d: {  	v6 =	vmul.f32 v6, v5;
	_ =	sdelay $0x1  }
0x20e: {  	v6 =	vsub.f32 $1.500000000e+00, v6;
	_ =	sdelay $0x1  }
0x20f: {  	v5 =	vmul.f32 v6, v5;
	_ =	sdelay $0x1  }
0x210: {  	v4 =	vmul.f32 v5, v4;
	_ =	sdelay $0x1  }
0x211: {  	v4 =	vmul.f32 v4, v5;
	_ =	sdelay $0x1  }
0x212: {  	v4 =	vsub.f32 $1.500000000e+00, v4;
	_ =	sdelay $0x1  }
0x213: {  	v4 =	vmul.f32 v4, v5;
	_ =	sdelay $0x1  }
0x214: {  	v2 =	vmul.f32 v4, v2  }
0x215: {  	v3 =	vmul.f32 v4, v3  }
0x216: {  	v1 =	vmul.f32 v4, v1;
	[tilespmem:s19+$0x1A128] =	vst v2  }
0x217: {  	[tilespmem:s19+$0x1C128] =	vst v3  }
0x218: {  	[tilespmem:s19+$0x1E128] =	vst v1  }
0x219: {  	v1 =	vld [tilespmem:s22+$0x1EF]  }
0x21a: {  	v2 =	vld [tilespmem:s22+$0x25EF]  }
0x21b: {  	v3 =	vld [tilespmem:s22+$0x49EF]  }
0x21c: {  	v33 =	vld [tilespmem:s22+$0x25F0]  }
0x21d: {  	v34 =	vld [tilespmem:s23+$0x1EF]  }
0x21e: {  	v35 =	vld [tilespmem:s23+$0x25EF]  }
0x21f: {  	v36 =	vld [tilespmem:s23+$0x49EF]  }
0x220: {  	v37 =	vld [tilespmem:s22+$0x49F0]  }
0x221: {  	v38 =	vld [tilespmem:s23+$0x25F0]  }
0x222: {  	v39 =	vld [tilespmem:s23+$0x49F0]  }
0x223: {  	v11 =	vld [tilespmem:s22+$0x1F0]  }
0x224: {  	v40 =	vsub.f32 v34, v1;
	v41 =	vsub.f32 v35, v2  }
0x225: {  	v43 =	vld [tilespmem:s23+$0x1F0];
	v42 =	vsub.f32 v36, v3;
	v2 =	vsub.f32 v33, v2  }
0x226: {  	v3 =	vsub.f32 v37, v3;
	v6 =	vsub.f32 v35, v33  }
0x227: {  	v7 =	vsub.f32 v36, v37;
	v4 =	vsub.f32 v38, v33  }
0x228: {  	v8 =	vsub.f32 v39, v37;
	v1 =	vsub.f32 v11, v1  }
0x229: {  	v5 =	vsub.f32 v34, v11;
	v44 =	vmul.f32 v41, v3;
	v45 =	vmul.f32 v42, v2  }
0x22a: {  	v11 =	vsub.f32 v43, v11;
	v46 =	vmul.f32 v8, v6;
	v17 =	vmul.f32 v4, v7  }
0x22b: {  	v47 =	vmul.f32 v42, v1;
	v3 =	vmul.f32 v40, v3;
	v9 =	vsub.f32 v44, v45  }
0x22c: {  	v7 =	vmul.f32 v11, v7;
	v8 =	vmul.f32 v8, v5;
	v48 =	vsub.f32 v46, v17  }
0x22d: {  	v2 =	vmul.f32 v40, v2;
	v1 =	vmul.f32 v41, v1;
	v3 =	vsub.f32 v47, v3;
	[tilespmem:s21+$0x6DF1] =	vst v9  }
0x22e: {  	v4 =	vmul.f32 v4, v5;
	v49 =	vmul.f32 v11, v6;
	v7 =	vsub.f32 v7, v8;
	[tilespmem:s21+$0xD457] =	vst v48  }
0x22f: {  	v1 =	vsub.f32 v2, v1;
	[tilespmem:s21+$0x9013] =	vst v3  }
0x230: {  	v2 =	vsub.f32 v4, v49;
	[tilespmem:s21+$0xF679] =	vst v7  }
0x231: {  	v9 =	vadd.f32 v48, v9;
	[tilespmem:s21+$0xB235] =	vst v1  }
0x232: {  	v3 =	vadd.f32 v7, v3;
	[tilespmem:s21+$0x1189B] =	vst v2  }
0x233: {  	v1 =	vadd.f32 v2, v1;
	v2 =	vld [tilespmem:s21+$0x6DF2];
	[tilespmem:s21+$0x13ABD] =	vst v9  }
0x234: {  	v51 =	vld [tilespmem:s21+$0x9014];
	[tilespmem:s21+$0x15CDF] =	vst v3  }
0x235: {  	v53 =	vld [tilespmem:s21+$0xB236];
	[tilespmem:s21+$0x17F01] =	vst v1  }
0x236: {  	v50 =	vld [tilespmem:s20+$0x13ABE]  }
0x237: {  	v52 =	vld [tilespmem:s25+$0x15CE0]  }
0x238: {  	v54 =	vld [tilespmem:s20+$0x17F02];
	_ =	sdelay $0x1  }
0x239: {  	v55 =	vld [tilespmem:s20+$0xD457]  }
0x23a: {  	v56 =	vld [tilespmem:s20+$0xF679]  }
0x23b: {  	v2 =	vadd.f32 v50, v2;
	v5 =	vadd.f32 v52, v51  }
0x23c: {  	v57 =	vld [tilespmem:s20+$0x1189B];
	v58 =	vadd.f32 v54, v53  }
0x23d: {  	v2 =	vadd.f32 v2, v9;
	v3 =	vadd.f32 v5, v3  }
0x23e: {  	v1 =	vadd.f32 v58, v1  }
0x23f: {  	v2 =	vadd.f32 v2, v55;
	v3 =	vadd.f32 v3, v56;
	_ =	sdelay $0x1  }
0x240: {  	v1 =	vadd.f32 v1, v57;
	v59 =	vmul.f32 v2, v2;
	v60 =	vmul.f32 v3, v3;
	_ =	sdelay $0x1  }
0x241: {  	v61 =	vmul.f32 v1, v1;
	v4 =	vadd.f32 v60, v59;
	_ =	sdelay $0x1  }
0x242: {  	v4 =	vadd.f32 v61, v4;
	_ =	sdelay $0x1  }
0x243: {  	v4 =	vmax.f32 v4, $1.000000020e-24  }
0x244: {  	v62 =	vshrl.u32 v4, $0x1;
	v4 =	vmul.f32 $5.000000000e-01, v4  }
0x245: {  	v5 =	vsub.s32 $0x5F3759DF, v62  }
0x246: {  	v63 =	vmul.f32 v5, v4;
	_ =	sdelay $0x1  }
0x247: {  	v6 =	vmul.f32 v5, v63;
	_ =	sdelay $0x1  }
0x248: {  	v6 =	vsub.f32 $1.500000000e+00, v6;
	_ =	sdelay $0x1  }
0x249: {  	v5 =	vmul.f32 v5, v6;
	_ =	sdelay $0x1  }
0x24a: {  	v6 =	vmul.f32 v5, v4;
	_ =	sdelay $0x1  }
0x24b: {  	v6 =	vmul.f32 v6, v5;
	_ =	sdelay $0x1  }
0x24c: {  	v6 =	vsub.f32 $1.500000000e+00, v6;
	_ =	sdelay $0x1  }
0x24d: {  	v5 =	vmul.f32 v6, v5;
	_ =	sdelay $0x1  }
0x24e: {  	v4 =	vmul.f32 v5, v4;
	_ =	sdelay $0x1  }
0x24f: {  	v4 =	vmul.f32 v4, v5;
	_ =	sdelay $0x1  }
0x250: {  	v4 =	vsub.f32 $1.500000000e+00, v4;
	_ =	sdelay $0x1  }
0x251: {  	v4 =	vmul.f32 v4, v5  }
0x252: {  	p3 =	sne.s32 s31, $0x10  }
.Ltmp8:
0x253: {  	v2 =	vmul.f32 v4, v2;
	(pc) =	sbr.rel @p3 .LBB2_12-.Ltmp8, $4  }
0x254: {  	v3 =	vmul.f32 v4, v3  }
0x255: {  	v1 =	vmul.f32 v4, v1;
	[tilespmem:s19+$0x1A138] =	vst v2  }
0x256: {  	s0 =	sadd.s32 $0x202, s0;
	s30 =	sadd.s32 $0x200, s30;
	s1 =	sadd.s32 $0x202, s1;
	[tilespmem:s19+$0x1C138] =	vst v3  }
0x257: {  	s16 =	sadd.s32 $0x1, s16;
	s17 =	sadd.s32 $0x200, s17;
	s18 =	sadd.s32 $0x202, s18;
	[tilespmem:s19+$0x1E138] =	vst v1  }
.Ltmp9:
0x258: {  	(pc) =	sbr.rel @!p2 .LBB2_16-.Ltmp9, $1  }
0x259: {  	_ =	sdelay $0x3  }
0x25a: {  	s1 =	simm.s32 $0x0  }
0x25b: {  	v1 =	vld [tilespmem:s1+$0x156EC]  }
0x25c: {  	v2 =	vld [tilespmem:s1+$0xF085]  }
0x25d: {  	v3 =	vld [tilespmem:s1+$0x1790E]  }
0x25e: {  	v4 =	vld [tilespmem:s1+$0x112A7]  }
0x25f: {  	v5 =	vld [tilespmem:s1+$0x19B30]  }
0x260: {  	v6 =	vld [tilespmem:s1+$0x134C9];
	_ =	sdelay $0x2  }
0x261: {  	v2 =	vadd.f32 v2, v1;
	v8 =	vadd.f32 v4, v3  }
0x262: {  	s0 =	simm.s32 $0x10  }
0x263: {  	v7 =	vld [tilespmem:s0+$0x1790E];
	v1 =	vadd.f32 v6, v5;
	v4 =	vmul.f32 v2, v2;
	v5 =	vmul.f32 v8, v8  }
0x264: {  	v9 =	vld [tilespmem:s0+$0x112A7]  }
0x265: {  	v3 =	vld [tilespmem:s0+$0x156EC];
	v4 =	vadd.f32 v5, v4;
	v5 =	vmul.f32 v1, v1  }
0x266: {  	v6 =	vld [tilespmem:s0+$0xF085]  }
0x267: {  	v10 =	vld [tilespmem:s0+$0x19B30];
	v4 =	vadd.f32 v5, v4  }
0x268: {  	v5 =	vld [tilespmem:s0+$0x134C9]  }
0x269: {  	v4 =	vmax.f32 v4, $1.000000020e-24  }
0x26a: {  	s16 =	simm.s32 $0x20;
	v11 =	vmul.f32 $5.000000000e-01, v4;
	v12 =	vshrl.u32 v4, $0x1  }
0x26b: {  	v14 =	vld [tilespmem:s16+$0x1790E];
	v4 =	vadd.f32 v6, v3;
	v3 =	vadd.f32 v9, v7;
	v9 =	vsub.s32 $0x5F3759DF, v12  }
0x26c: {  	v15 =	vld [tilespmem:s16+$0x112A7];
	v13 =	vmul.f32 v9, v11  }
0x26d: {  	v7 =	vld [tilespmem:s16+$0x156EC];
	v6 =	vadd.f32 v5, v10;
	v5 =	vmul.f32 v4, v4;
	v10 =	vmul.f32 v3, v3  }
0x26e: {  	v12 =	vld [tilespmem:s16+$0xF085];
	v13 =	vmul.f32 v9, v13  }
0x26f: {  	v5 =	vadd.f32 v10, v5;
	v10 =	vmul.f32 v6, v6  }
0x270: {  	v16 =	vld [tilespmem:s16+$0x19B30];
	v13 =	vsub.f32 $1.500000000e+00, v13  }
0x271: {  	v17 =	vld [tilespmem:s16+$0x134C9];
	v5 =	vadd.f32 v10, v5  }
0x272: {  	s17 =	simm.s32 $0x30;
	v10 =	vmul.f32 v9, v13  }
0x273: {  	v18 =	vld [tilespmem:s17+$0x156EC];
	v7 =	vadd.f32 v12, v7;
	v9 =	vmax.f32 v5, $1.000000020e-24;
	v5 =	vadd.f32 v15, v14  }
0x274: {  	v22 =	vld [tilespmem:s17+$0x1790E];
	v15 =	vmul.f32 $5.000000000e-01, v9;
	v9 =	vshrl.u32 v9, $0x1;
	v14 =	vmul.f32 v10, v11  }
0x275: {  	v12 =	vld [tilespmem:s17+$0x134C9];
	v19 =	vmul.f32 v7, v7;
	v20 =	vmul.f32 v5, v5;
	v21 =	vsub.s32 $0x5F3759DF, v9  }
0x276: {  	v13 =	vld [tilespmem:s17+$0x19B30];
	v9 =	vadd.f32 v17, v16;
	v17 =	vmul.f32 v21, v15;
	v14 =	vmul.f32 v14, v10  }
0x277: {  	v23 =	vld [tilespmem:s17+$0x112A7];
	v19 =	vadd.f32 v20, v19  }
0x278: {  	v16 =	vld [tilespmem:s17+$0xF085];
	v20 =	vmul.f32 v9, v9;
	v17 =	vmul.f32 v21, v17;
	v14 =	vsub.f32 $1.500000000e+00, v14;
	_ =	sdelay $0x1  }
0x279: {  	v19 =	vadd.f32 v20, v19;
	v17 =	vsub.f32 $1.500000000e+00, v17;
	v20 =	vmul.f32 v14, v10  }
0x27a: {  	v10 =	vadd.f32 v12, v13  }
0x27b: {  	s18 =	simm.s32 $0x40;
	v19 =	vmax.f32 v19, $1.000000020e-24;
	v14 =	vmul.f32 v21, v17;
	v17 =	vmul.f32 v20, v11  }
0x27c: {  	v12 =	vadd.f32 v16, v18;
	v16 =	vld [tilespmem:s18+$0x19B30];
	v13 =	vmul.f32 $5.000000000e-01, v19;
	v11 =	vadd.f32 v23, v22  }
0x27d: {  	v18 =	vld [tilespmem:s18+$0x134C9];
	v19 =	vshrl.u32 v19, $0x1;
	v21 =	vmul.f32 v14, v15;
	v22 =	vmul.f32 v17, v20  }
0x27e: {  	v23 =	vmul.f32 v12, v12;
	v24 =	vmul.f32 v11, v11;
	v17 =	vsub.s32 $0x5F3759DF, v19;
	v19 =	vld [tilespmem:s18+$0x156EC]  }
0x27f: {  	v25 =	vmul.f32 v17, v13;
	v26 =	vmul.f32 v21, v14;
	v21 =	vld [tilespmem:s18+$0xF085];
	v27 =	vsub.f32 $1.500000000e+00, v22  }
0x280: {  	v29 =	vmul.f32 v10, v10;
	v28 =	vadd.f32 v24, v23;
	v22 =	vld [tilespmem:s18+$0x1790E]  }
0x281: {  	v24 =	vld [tilespmem:s18+$0x112A7];
	v25 =	vmul.f32 v17, v25;
	v23 =	vsub.f32 $1.500000000e+00, v26;
	v20 =	vmul.f32 v27, v20  }
0x282: {  	s19 =	simm.s32 $0x140;
	v26 =	vadd.f32 v29, v28  }
.LBB2_20:
0x283: {  	p3 =	sne.s32 s19, $0x7C0;
	v25 =	vsub.f32 $1.500000000e+00, v25;
	v27 =	vmul.f32 v23, v14;
	v23 =	vmul.f32 v20, v1;
	v1 =	vmovc v6;
	v6 =	vmovc v9  }
0x284: {  	v28 =	vmul.f32 v20, v2;
	v8 =	vmul.f32 v20, v8;
	v9 =	vmovc v10;
	v10 =	vadd.f32 v18, v16  }
0x285: {  	s20 =	sshra.s32 s19, $0x2;
	v20 =	vmax.f32 v26, $1.000000020e-24;
	v2 =	vmovc v4;
	v14 =	vmul.f32 v17, v25;
	v15 =	vmul.f32 v27, v15;
	[tilespmem:s1+$0x1FD48] =	vst v23  }
0x286: {  	v21 =	vadd.f32 v21, v19;
	v4 =	vmovc v7;
	v23 =	vadd.f32 v24, v22;
	v24 =	vmul.f32 $5.000000000e-01, v20;
	v16 =	vld [tilespmem:s20+$0x19B30];
	[tilespmem:s1+$0x1BD48] =	vst v28  }
0x287: {  	v7 =	vmovc v12;
	v17 =	vshrl.u32 v20, $0x1;
	v18 =	vld [tilespmem:s20+$0x134C9];
	v20 =	vmul.f32 v14, v13;
	v31 =	vmul.f32 v15, v27;
	[tilespmem:s1+$0x1DD48] =	vst v8;
	s1 =	smov.u32 s0;
	s0 =	smov.u32 s16;
	s16 =	smov.u32 s17  }
.Ltmp10:
0x288: {  	v25 =	vmul.f32 v21, v21;
	v12 =	vmovc v21;
	v17 =	vsub.s32 $0x5F3759DF, v17;
	v26 =	vmul.f32 v23, v23;
	v8 =	vmovc v3;
	s17 =	smov.u32 s18;
	s18 =	smov.u32 s20;
	v19 =	vld [tilespmem:s20+$0x156EC];
	(pc) =	sbr.rel @p3 .LBB2_20-.Ltmp10, $4  }
0x289: {  	v28 =	vmul.f32 v17, v24;
	v3 =	vmovc v5;
	v5 =	vmovc v11;
	v21 =	vld [tilespmem:s18+$0xF085];
	v20 =	vmul.f32 v20, v14;
	v29 =	vsub.f32 $1.500000000e+00, v31  }
0x28a: {  	v30 =	vmul.f32 v10, v10;
	v11 =	vmovc v23;
	v26 =	vadd.f32 v26, v25;
	v15 =	vmovc v13;
	v13 =	vmov v24;
	v22 =	vld [tilespmem:s18+$0x1790E]  }
0x28b: {  	v25 =	vmul.f32 v17, v28;
	v24 =	vld [tilespmem:s18+$0x112A7];
	v23 =	vsub.f32 $1.500000000e+00, v20;
	v20 =	vmul.f32 v29, v27  }
0x28c: {  	s19 =	sadd.s32 $0x40, s19;
	v26 =	vadd.f32 v30, v26  }
.Ltmp11:
0x28d: {  	_ = 	snop;
	(pc) =	sbr.rel .LBB2_21-.Ltmp11, $1  }
0x28e: {  	_ =	sdelay $0x3  }
.LBB2_16:
0x28f: {  	s30 =	simm.s32 $0x0  }
0x290: {  	v1 =	vld [tilespmem:s30+$0x4611]  }
0x291: {  	v2 =	vld [tilespmem:s30+$0x4601]  }
0x292: {  	v3 =	vld [tilespmem:s30+$0x4411]  }
0x293: {  	v4 =	vld [tilespmem:s30+$0x2211]  }
0x294: {  	v5 =	vld [tilespmem:s30+$0x4610]  }
0x295: {  	v6 =	vld [tilespmem:s30+$0x2011]  }
0x296: {  	v7 =	vld [tilespmem:s30+$0x6A11]  }
0x297: {  	v8 =	vld [tilespmem:s30+$0x2210]  }
0x298: {  	v9 =	vld [tilespmem:s30+$0x6A00]  }
0x299: {  	v10 =	vld [tilespmem:s30+$0x2200]  }
0x29a: {  	v11 =	vld [tilespmem:s30+$0x6A10]  }
0x29b: {  	v12 =	vld [tilespmem:s30+$0x2000]  }
0x29c: {  	v13 =	vld [tilespmem:s30+$0x6800]  }
0x29d: {  	v14 =	vld [tilespmem:s30+$0x2001]  }
0x29e: {  	v15 =	vld [tilespmem:s30+$0x2201]  }
0x29f: {  	v16 =	vld [tilespmem:s30+$0x6801]  }
0x2a0: {  	v17 =	vld [tilespmem:s30+$0x6A01]  }
0x2a1: {  	v18 =	vld [tilespmem:s30+$0x6811];
	v4 =	vsub.f32 v4, v6  }
0x2a2: {  	v22 =	vld [tilespmem:s30+$0x4401];
	v19 =	vsub.f32 v5, v3;
	v1 =	vsub.f32 v1, v3  }
0x2a3: {  	v26 =	vld [tilespmem:s30+$0x4600];
	v21 =	vsub.f32 v10, v12;
	v23 =	vsub.f32 v9, v13  }
0x2a4: {  	v29 =	vld [tilespmem:s30+$0x4400];
	v24 =	vsub.f32 v8, v6;
	v10 =	vsub.f32 v10, v14  }
0x2a5: {  	v15 =	vsub.f32 v15, v14;
	v9 =	vsub.f32 v9, v16  }
0x2a6: {  	v27 =	vld [tilespmem:s30+$0x6810];
	v17 =	vsub.f32 v17, v16;
	v30 =	vsub.f32 v11, v18  }
0x2a7: {  	v12 =	vsub.f32 v14, v12;
	v2 =	vsub.f32 v2, v22  }
0x2a8: {  	v7 =	vsub.f32 v7, v18;
	v34 =	vsub.f32 v26, v22  }
0x2a9: {  	v32 =	vld [tilespmem:s30+$0x4410];
	v13 =	vsub.f32 v16, v13;
	v22 =	vsub.f32 v22, v29;
	v25 =	vmul.f32 v4, v19  }
0x2aa: {  	v26 =	vsub.f32 v26, v29;
	v28 =	vmul.f32 v1, v24;
	v31 =	vmul.f32 v15, v9  }
0x2ab: {  	v20 =	vld [tilespmem:s30+$0x2010];
	v29 =	vsub.f32 v11, v27;
	v33 =	vmul.f32 v23, v12;
	v1 =	vmul.f32 v1, v30  }
0x2ac: {  	v18 =	vsub.f32 v18, v27;
	v16 =	vmul.f32 v7, v19;
	v9 =	vmul.f32 v2, v9  }
0x2ad: {  	v2 =	vmul.f32 v2, v10;
	v25 =	vsub.f32 v28, v25;
	v28 =	vmul.f32 v17, v10  }
0x2ae: {  	v3 =	vsub.f32 v3, v32;
	v11 =	vmul.f32 v21, v22;
	v17 =	vmul.f32 v17, v34  }
0x2af: {  	v10 =	vmul.f32 v15, v34;
	v28 =	vsub.f32 v31, v28;
	v31 =	vmul.f32 v21, v13  }
0x2b0: {  	v14 =	vld [tilespmem:s30+$0xF085];
	v9 =	vsub.f32 v17, v9;
	v17 =	vsub.f32 v8, v20;
	v8 =	vmul.f32 v26, v13  }
0x2b1: {  	v19 =	vld [tilespmem:s30+$0x112A7];
	v2 =	vsub.f32 v2, v10;
	v10 =	vmul.f32 v23, v22;
	v13 =	vsub.f32 v33, v31  }
0x2b2: {  	v12 =	vmul.f32 v26, v12;
	v1 =	vsub.f32 v16, v1;
	v16 =	vld [tilespmem:s30+$0x156FC];
	v21 =	vsub.f32 v5, v32  }
0x2b3: {  	v15 =	vld [tilespmem:s30+$0x156EC];
	[tilespmem:s30+$0x136DC] =	vst v25;
	v10 =	vsub.f32 v8, v10;
	v8 =	vadd.f32 v28, v13  }
0x2b4: {  	v12 =	vsub.f32 v11, v12;
	v22 =	vld [tilespmem:s30+$0x19B30];
	v20 =	vsub.f32 v6, v20;
	[tilespmem:s30+$0xF288] =	vst v9  }
0x2b5: {  	v5 =	vld [tilespmem:s30+$0x19B40];
	v6 =	vadd.f32 v9, v10;
	v9 =	vmul.f32 v29, v3;
	[tilespmem:s30+$0x17B10] =	vst v8;
	v8 =	vmul.f32 v21, v18  }
0x2b6: {  	v23 =	vld [tilespmem:s30+$0x1790E];
	[tilespmem:s30+$0x136CC] =	vst v2;
	v11 =	vmul.f32 v21, v20;
	v2 =	vadd.f32 v2, v12;
	v3 =	vmul.f32 v17, v3  }
0x2b7: {  	[tilespmem:s30+$0x158EE] =	vst v6;
	v26 =	vld [tilespmem:s30+$0x17B0F];
	v21 =	vsub.f32 v8, v9  }
0x2b8: {  	[tilespmem:s30+$0x19D32] =	vst v2;
	v2 =	vld [tilespmem:s30+$0x158ED];
	v8 =	vsub.f32 v3, v11  }
0x2b9: {  	v4 =	vmul.f32 v4, v30;
	[tilespmem:s30+$0xF298] =	vst v1;
	v3 =	vmul.f32 v7, v24;
	v7 =	vld [tilespmem:s30+$0x19D31];
	v1 =	vadd.f32 v1, v21  }
0x2ba: {  	[tilespmem:s30+$0x114AA] =	vst v28;
	v11 =	vld [tilespmem:s30+$0x1791E];
	v6 =	vadd.f32 v25, v8  }
0x2bb: {  	[tilespmem:s30+$0x158FE] =	vst v1;
	v1 =	vsub.f32 v4, v3;
	v4 =	vld [tilespmem:s30+$0x134C9]  }
0x2bc: {  	[tilespmem:s30+$0x19D42] =	vst v6;
	v9 =	vld [tilespmem:s30+$0x158FD]  }
0x2bd: {  	s31 =	simm.s32 $0x20;
	v6 =	vld [tilespmem:s30+$0x19D41];
	[tilespmem:s30+$0x114BA] =	vst v1  }
0x2be: {  	v24 =	vld [tilespmem:s31+$0x4611]  }
0x2bf: {  	v25 =	vld [tilespmem:s31+$0x4601]  }
0x2c0: {  	v27 =	vld [tilespmem:s31+$0x4411]  }
0x2c1: {  	v28 =	vld [tilespmem:s31+$0x2211]  }
0x2c2: {  	v30 =	vld [tilespmem:s31+$0x4610]  }
0x2c3: {  	v31 =	vld [tilespmem:s31+$0x2011]  }
0x2c4: {  	v17 =	vmul.f32 v17, v18;
	v3 =	vmul.f32 v29, v20;
	v55 =	vld [tilespmem:s31+$0x6A11]  }
0x2c5: {  	v10 =	vadd.f32 v15, v10;
	v13 =	vadd.f32 v23, v13;
	v56 =	vld [tilespmem:s31+$0x2210]  }
0x2c6: {  	v12 =	vadd.f32 v22, v12;
	v17 =	vsub.f32 v3, v17;
	v57 =	vld [tilespmem:s31+$0x6A00]  }
0x2c7: {  	v2 =	vadd.f32 v2, v10;
	v3 =	vadd.f32 v26, v13;
	v35 =	vld [tilespmem:s31+$0x2010]  }
0x2c8: {  	v16 =	vadd.f32 v16, v21;
	v18 =	vld [tilespmem:s31+$0x2200];
	v13 =	vadd.f32 v1, v17  }
0x2c9: {  	v15 =	vld [tilespmem:s31+$0x6A10];
	v3 =	vadd.f32 v19, v3;
	v1 =	vadd.f32 v14, v2  }
0x2ca: {  	v5 =	vadd.f32 v5, v8;
	v10 =	vld [tilespmem:s31+$0x2000];
	v2 =	vadd.f32 v7, v12  }
0x2cb: {  	v22 =	vld [tilespmem:s31+$0x6811];
	v11 =	vadd.f32 v11, v17;
	v7 =	vmul.f32 v1, v1;
	v12 =	vmul.f32 v3, v3  }
0x2cc: {  	v20 =	vld [tilespmem:s31+$0x6810];
	v2 =	vadd.f32 v4, v2;
	v9 =	vadd.f32 v9, v16  }
0x2cd: {  	v14 =	vld [tilespmem:s31+$0x6800];
	[tilespmem:s30+$0x17B20] =	vst v13;
	v5 =	vadd.f32 v6, v5;
	v4 =	vadd.f32 v12, v7  }
0x2ce: {  	v13 =	vld [tilespmem:s31+$0x2001];
	v23 =	vsub.f32 v28, v31;
	v12 =	vsub.f32 v30, v27  }
0x2cf: {  	v19 =	vld [tilespmem:s31+$0x2201];
	v24 =	vsub.f32 v24, v27;
	v29 =	vsub.f32 v56, v31  }
0x2d0: {  	v26 =	vld [tilespmem:s31+$0x4401];
	v40 =	vsub.f32 v18, v10;
	v43 =	vsub.f32 v15, v22  }
0x2d1: {  	v36 =	vld [tilespmem:s31+$0x6A01];
	v32 =	vsub.f32 v55, v22;
	v33 =	vsub.f32 v56, v35  }
0x2d2: {  	v21 =	vld [tilespmem:s31+$0x4600];
	v28 =	vmul.f32 v2, v2;
	v61 =	vsub.f32 v15, v20;
	v20 =	vsub.f32 v22, v20  }
0x2d3: {  	v38 =	vld [tilespmem:s31+$0x4400];
	v31 =	vsub.f32 v31, v35;
	v34 =	vsub.f32 v57, v14  }
0x2d4: {  	v7 =	vld [tilespmem:s31+$0x6801];
	v28 =	vadd.f32 v28, v4;
	v37 =	vmul.f32 v23, v12;
	v39 =	vmul.f32 v24, v29  }
0x2d5: {  	v42 =	vld [tilespmem:s31+$0x4410];
	v24 =	vmul.f32 v24, v43;
	v18 =	vsub.f32 v18, v13;
	v19 =	vsub.f32 v19, v13  }
0x2d6: {  	v12 =	vmul.f32 v32, v12;
	v37 =	vsub.f32 v39, v37;
	v25 =	vsub.f32 v25, v26  }
0x2d7: {  	v13 =	vsub.f32 v13, v10;
	v48 =	vsub.f32 v21, v26  }
0x2d8: {  	v21 =	vsub.f32 v21, v38;
	v24 =	vsub.f32 v12, v24  }
0x2d9: {  	v28 =	vmax.f32 v28, $1.000000020e-24;
	v58 =	vsub.f32 v57, v7;
	v36 =	vsub.f32 v36, v7  }
0x2da: {  	v22 =	vsub.f32 v30, v42;
	v7 =	vsub.f32 v7, v14;
	v14 =	vmul.f32 v25, v18  }
0x2db: {  	v27 =	vsub.f32 v27, v42;
	v44 =	vmul.f32 v19, v58;
	v45 =	vmul.f32 v36, v18  }
0x2dc: {  	v41 =	vld [tilespmem:s30+$0x17B1F];
	v30 =	vshrl.u32 v28, $0x1;
	v39 =	vmul.f32 v25, v58;
	v18 =	vmul.f32 v19, v48  }
0x2dd: {  	v60 =	vld [tilespmem:s31+$0x156FC];
	v19 =	vmul.f32 v36, v48;
	v25 =	vsub.f32 v26, v38;
	v26 =	vmul.f32 v34, v13  }
0x2de: {  	v62 =	vld [tilespmem:s31+$0x19B40];
	v13 =	vmul.f32 v21, v13;
	v14 =	vsub.f32 v14, v18;
	v18 =	vmul.f32 v40, v7  }
0x2df: {  	v63 =	vld [tilespmem:s31+$0x1790E];
	[tilespmem:s31+$0x136DC] =	vst v37;
	v30 =	vsub.s32 $0x5F3759DF, v30;
	v7 =	vmul.f32 v21, v7;
	v15 =	vmul.f32 v34, v25  }
0x2e0: {  	v59 =	vld [tilespmem:s30+$0x134D9];
	v44 =	vsub.f32 v44, v45;
	v26 =	vsub.f32 v26, v18;
	v18 =	vmul.f32 v40, v25  }
0x2e1: {  	v4 =	vld [tilespmem:s31+$0xF085];
	v19 =	vsub.f32 v19, v39;
	v15 =	vsub.f32 v7, v15;
	v7 =	vmul.f32 $5.000000000e-01, v28  }
0x2e2: {  	v46 =	vld [tilespmem:s30+$0x112B7];
	v21 =	vadd.f32 v44, v26;
	v28 =	vsub.f32 v18, v13;
	v18 =	vmul.f32 v22, v20  }
0x2e3: {  	v47 =	vld [tilespmem:s30+$0xF095];
	[tilespmem:s31+$0xF288] =	vst v19;
	v13 =	vadd.f32 v19, v15;
	v19 =	vmul.f32 v61, v27;
	v8 =	vmul.f32 v30, v7  }
0x2e4: {  	v6 =	vadd.f32 v41, v11;
	v25 =	vld [tilespmem:s31+$0x19B30];
	[tilespmem:s31+$0x17B10] =	vst v21;
	v21 =	vmul.f32 v22, v31;
	v22 =	vmul.f32 v33, v27  }
0x2e5: {  	v17 =	vmul.f32 v32, v29;
	v10 =	vld [tilespmem:s31+$0x112A7];
	v5 =	vadd.f32 v59, v5;
	[tilespmem:s31+$0x158EE] =	vst v13;
	v13 =	vsub.f32 v18, v19  }
0x2e6: {  	v12 =	vld [tilespmem:s31+$0x156EC];
	[tilespmem:s31+$0x136CC] =	vst v14;
	v14 =	vadd.f32 v14, v28;
	v8 =	vmul.f32 v30, v8;
	v27 =	vsub.f32 v22, v21  }
0x2e7: {  	[tilespmem:s31+$0xF298] =	vst v24;
	v6 =	vadd.f32 v46, v6;
	v18 =	vmul.f32 v23, v43;
	v23 =	vld [tilespmem:s31+$0x134C9];
	v16 =	vadd.f32 v24, v13  }
0x2e8: {  	v19 =	vld [tilespmem:s31+$0x17B0F];
	[tilespmem:s31+$0x19D32] =	vst v14;
	v8 =	vsub.f32 $1.500000000e+00, v8;
	v22 =	vadd.f32 v37, v27  }
0x2e9: {  	v25 =	vadd.f32 v25, v28;
	v28 =	vmul.f32 v6, v6;
	v18 =	vsub.f32 v18, v17;
	v21 =	vld [tilespmem:s31+$0x19D31];
	[tilespmem:s31+$0x158FE] =	vst v16  }
0x2ea: {  	v17 =	vmul.f32 v33, v20;
	v24 =	vmul.f32 v30, v8;
	v8 =	vadd.f32 v47, v9;
	[tilespmem:s31+$0x19D42] =	vst v22;
	v22 =	vld [tilespmem:s31+$0x158FD]  }
0x2eb: {  	[tilespmem:s31+$0x114AA] =	vst v44;
	v14 =	vld [tilespmem:s31+$0x158ED];
	v20 =	vadd.f32 v60, v13;
	v16 =	vmul.f32 v61, v31;
	v9 =	vadd.f32 v63, v26  }
0x2ec: {  	s0 =	simm.s32 $0x100;
	[tilespmem:s31+$0x114BA] =	vst v18;
	v11 =	vadd.f32 v62, v27;
	v26 =	vmul.f32 v5, v5;
	v27 =	vmul.f32 v8, v8;
	v13 =	vld [tilespmem:s31+$0x19D41]  }
.LBB2_17:
0x2ed: {  	s1 =	sshra.s32 s0, $0x2;
	p3 =	sne.s32 s0, $0x700;
	s0 =	sadd.s32 $0x80, s0;
	v12 =	vadd.f32 v12, v15;
	v9 =	vadd.f32 v19, v9;
	v19 =	vld [tilespmem:s31+$0x1791E];
	v15 =	vmul.f32 v24, v7  }
0x2ee: {  	v29 =	vld [tilespmem:s1+$0x4611];
	v21 =	vadd.f32 v21, v25;
	v25 =	vadd.f32 v28, v27  }
0x2ef: {  	v27 =	vld [tilespmem:s1+$0x4601];
	v28 =	vadd.f32 v10, v9;
	v9 =	vadd.f32 v22, v20;
	v15 =	vmul.f32 v15, v24  }
0x2f0: {  	v12 =	vadd.f32 v14, v12;
	v10 =	vld [tilespmem:s1+$0x4411];
	v14 =	vadd.f32 v26, v25  }
0x2f1: {  	v20 =	vld [tilespmem:s1+$0x2211];
	v21 =	vadd.f32 v23, v21;
	v22 =	vsub.f32 $1.500000000e+00, v15  }
0x2f2: {  	v11 =	vadd.f32 v13, v11;
	v4 =	vadd.f32 v4, v12;
	v15 =	vld [tilespmem:s1+$0x4610];
	v13 =	vmax.f32 v14, $1.000000020e-24  }
0x2f3: {  	v12 =	vld [tilespmem:s1+$0x2011];
	v22 =	vmul.f32 v22, v24;
	v14 =	vshrl.u32 v13, $0x1;
	v23 =	vmul.f32 $5.000000000e-01, v13  }
0x2f4: {  	v25 =	vmul.f32 v28, v28;
	v13 =	vmul.f32 v4, v4;
	v24 =	vld [tilespmem:s1+$0x6A11];
	v26 =	vsub.s32 $0x5F3759DF, v14  }
0x2f5: {  	v30 =	vld [tilespmem:s1+$0x2210];
	v7 =	vmul.f32 v22, v7;
	v14 =	vmul.f32 v26, v23  }
0x2f6: {  	v13 =	vadd.f32 v25, v13;
	v25 =	vmul.f32 v21, v21;
	v31 =	vld [tilespmem:s1+$0x6A00]  }
0x2f7: {  	v32 =	vld [tilespmem:s1+$0x2010];
	v33 =	vmul.f32 v7, v22;
	v7 =	vmul.f32 v26, v14  }
0x2f8: {  	v16 =	vsub.f32 v16, v17;
	v13 =	vadd.f32 v25, v13;
	v34 =	vld [tilespmem:s1+$0x2200]  }
0x2f9: {  	v14 =	vsub.f32 v20, v12;
	v25 =	vld [tilespmem:s1+$0x6A10];
	v17 =	vsub.f32 $1.500000000e+00, v7  }
0x2fa: {  	v35 =	vadd.f32 v18, v16;
	v16 =	vadd.f32 v19, v16;
	v7 =	vmax.f32 v13, $1.000000020e-24;
	v20 =	vld [tilespmem:s1+$0x6810]  }
0x2fb: {  	v13 =	vshrl.u32 v7, $0x1;
	v7 =	vmul.f32 $5.000000000e-01, v7;
	v19 =	vld [tilespmem:s1+$0x2000];
	v26 =	vmul.f32 v26, v17  }
0x2fc: {  	v33 =	vsub.f32 $1.500000000e+00, v33;
	v13 =	vsub.s32 $0x5F3759DF, v13;
	v36 =	vld [tilespmem:s1+$0x6811]  }
0x2fd: {  	v17 =	vsub.f32 v30, v32;
	v18 =	vmul.f32 v13, v7;
	v37 =	vld [tilespmem:s1+$0x6800];
	[tilespmem:s31+$0x17B20] =	vst v35;
	v35 =	vmul.f32 v26, v23  }
0x2fe: {  	v39 =	vsub.f32 v15, v10;
	v22 =	vmul.f32 v33, v22;
	v38 =	vld [tilespmem:s1+$0x2001]  }
0x2ff: {  	v29 =	vsub.f32 v29, v10;
	v33 =	vld [tilespmem:s1+$0x2201];
	v40 =	vsub.f32 v25, v20;
	v35 =	vmul.f32 v35, v26  }
0x300: {  	v43 =	vmul.f32 v14, v39;
	v44 =	vmul.f32 v22, v2;
	v2 =	vmovc v21;
	v41 =	vld [tilespmem:s1+$0x6801];
	v42 =	vsub.f32 v34, v19  }
0x301: {  	v45 =	vmul.f32 v22, v1;
	v1 =	vmovc v4;
	v21 =	vld [tilespmem:s1+$0x4401];
	v20 =	vsub.f32 v36, v20;
	v35 =	vsub.f32 $1.500000000e+00, v35  }
0x302: {  	v30 =	vsub.f32 v30, v12;
	v4 =	vmul.f32 v22, v3;
	v46 =	vld [tilespmem:s1+$0x4600];
	v47 =	vsub.f32 v31, v37;
	[tilespmem:s30+$0x1FD48] =	vst v44  }
0x303: {  	v25 =	vsub.f32 v25, v36;
	v22 =	vld [tilespmem:s1+$0x4400];
	v34 =	vsub.f32 v34, v38;
	[tilespmem:s30+$0x1BD48] =	vst v45;
	v26 =	vmul.f32 v35, v26  }
0x304: {  	v19 =	vsub.f32 v38, v19;
	v35 =	vld [tilespmem:s1+$0x6A01];
	v33 =	vsub.f32 v33, v38;
	v38 =	vmul.f32 v29, v30;
	[tilespmem:s30+$0x1DD48] =	vst v4  }
0x305: {  	v3 =	vmovc v28;
	v37 =	vsub.f32 v41, v37;
	v31 =	vsub.f32 v31, v41;
	v44 =	vld [tilespmem:s31+$0x17B1F];
	v23 =	vmul.f32 v26, v23  }
0x306: {  	v29 =	vmul.f32 v29, v25;
	v28 =	vmul.f32 v47, v19;
	v27 =	vsub.f32 v27, v21;
	v4 =	vld [tilespmem:s1+$0xF085]  }
0x307: {  	v45 =	vsub.f32 v46, v21;
	v48 =	vmul.f32 v42, v37;
	v23 =	vmul.f32 v23, v26  }
0x308: {  	v21 =	vsub.f32 v21, v22;
	v49 =	vmul.f32 v27, v31;
	v27 =	vmul.f32 v27, v34;
	v50 =	vld [tilespmem:s1+$0x4410]  }
0x309: {  	v35 =	vsub.f32 v35, v41;
	v41 =	vmul.f32 v33, v45;
	v23 =	vsub.f32 $1.500000000e+00, v23  }
0x30a: {  	v24 =	vsub.f32 v24, v36;
	v42 =	vmul.f32 v42, v21;
	v36 =	vadd.f32 v44, v16  }
0x30b: {  	v16 =	vsub.f32 v46, v22;
	v22 =	vmul.f32 v33, v31;
	v23 =	vmul.f32 v23, v26  }
0x30c: {  	v31 =	vmul.f32 v24, v39;
	v33 =	vsub.f32 v38, v43;
	v26 =	vmul.f32 v35, v45  }
0x30d: {  	v37 =	vmul.f32 v16, v37;
	v15 =	vsub.f32 v15, v50;
	v8 =	vmul.f32 v23, v8  }
0x30e: {  	v34 =	vmul.f32 v35, v34;
	v27 =	vsub.f32 v27, v41;
	v5 =	vmul.f32 v23, v5;
	[tilespmem:s1+$0x136DC] =	vst v33;
	v35 =	vld [tilespmem:s31+$0x112B7]  }
0x30f: {  	v32 =	vsub.f32 v12, v32;
	v6 =	vmul.f32 v23, v6;
	v38 =	vmul.f32 v15, v20;
	v39 =	vld [tilespmem:s31+$0xF095];
	[tilespmem:s30+$0x1BD58] =	vst v8  }
0x310: {  	v8 =	vmul.f32 v47, v21;
	v21 =	vsub.f32 v22, v34;
	v22 =	vsub.f32 v10, v50;
	v23 =	vld [tilespmem:s31+$0x134D9];
	[tilespmem:s30+$0x1FD58] =	vst v5  }
0x311: {  	v29 =	vsub.f32 v31, v29;
	v5 =	vmul.f32 v16, v19;
	v19 =	vmul.f32 v15, v32;
	v10 =	vld [tilespmem:s1+$0x112A7];
	[tilespmem:s30+$0x1DD58] =	vst v6;
	s30 =	smov.u32 s31;
	s31 =	smov.u32 s1  }
0x312: {  	v28 =	vsub.f32 v28, v48;
	v6 =	vsub.f32 v26, v49;
	v16 =	vmul.f32 v40, v22;
	[tilespmem:s31+$0x114AA] =	vst v21;
	v26 =	vld [tilespmem:s31+$0x156FC]  }
0x313: {  	v15 =	vsub.f32 v37, v8;
	v31 =	vsub.f32 v42, v5;
	v5 =	vmul.f32 v17, v22;
	v12 =	vld [tilespmem:s31+$0x156EC];
	[tilespmem:s31+$0xF298] =	vst v29  }
0x314: {  	v8 =	vadd.f32 v21, v28;
	v21 =	vsub.f32 v38, v16;
	v16 =	vmul.f32 v40, v32;
	[tilespmem:s31+$0xF288] =	vst v6;
	v34 =	vld [tilespmem:s31+$0x19B30]  }
0x315: {  	v18 =	vmul.f32 v13, v18;
	v6 =	vadd.f32 v6, v15;
	v22 =	vadd.f32 v27, v31;
	[tilespmem:s31+$0x136CC] =	vst v27;
	v27 =	vld [tilespmem:s31+$0x19B40]  }
0x316: {  	v17 =	vmul.f32 v17, v20;
	v37 =	vsub.f32 v5, v19;
	v5 =	vmul.f32 v24, v30;
	[tilespmem:s31+$0x17B10] =	vst v8;
	v32 =	vld [tilespmem:s31+$0x1790E]  }
0x317: {  	v8 =	vadd.f32 v29, v21;
	[tilespmem:s31+$0x158EE] =	vst v6;
	v19 =	vld [tilespmem:s31+$0x17B0F];
	v6 =	vmul.f32 v14, v25;
	v20 =	vadd.f32 v26, v21  }
.Ltmp12:
0x318: {  	v24 =	vsub.f32 $1.500000000e+00, v18;
	[tilespmem:s31+$0x19D32] =	vst v22;
	v14 =	vld [tilespmem:s31+$0x158ED];
	v22 =	vadd.f32 v33, v37;
	(pc) =	sbr.rel @p3 .LBB2_17-.Ltmp12, $4  }
0x319: {  	v21 =	vld [tilespmem:s31+$0x19D31];
	v18 =	vsub.f32 v6, v5;
	[tilespmem:s31+$0x158FE] =	vst v8;
	v5 =	vadd.f32 v23, v11  }
0x31a: {  	v24 =	vmul.f32 v13, v24;
	v8 =	vadd.f32 v39, v9;
	v6 =	vadd.f32 v35, v36;
	[tilespmem:s31+$0x19D42] =	vst v22;
	v22 =	vld [tilespmem:s31+$0x158FD]  }
0x31b: {  	v11 =	vadd.f32 v27, v37;
	v9 =	vadd.f32 v32, v28;
	[tilespmem:s31+$0x114BA] =	vst v18;
	v13 =	vld [tilespmem:s31+$0x19D41];
	v26 =	vmul.f32 v5, v5  }
0x31c: {  	v25 =	vadd.f32 v34, v31;
	v27 =	vmul.f32 v8, v8;
	v28 =	vmul.f32 v6, v6;
	v23 =	vld [tilespmem:s31+$0x134C9]  }
0x31d: {  	_ = 	snop  }
0x31e: {  	v27 =	vadd.f32 v28, v27;
	_ =	sdelay $0x1  }
0x31f: {  	v26 =	vadd.f32 v26, v27;
	_ =	sdelay $0x1  }
0x320: {  	v26 =	vmax.f32 v26, $1.000000020e-24  }
0x321: {  	v45 =	vshrl.u32 v26, $0x1;
	v26 =	vmul.f32 $5.000000000e-01, v26  }
0x322: {  	v27 =	vsub.s32 $0x5F3759DF, v45  }
0x323: {  	v46 =	vmul.f32 v27, v26;
	_ =	sdelay $0x1  }
0x324: {  	v29 =	vmul.f32 v24, v7;
	v28 =	vmul.f32 v27, v46;
	_ =	sdelay $0x1  }
0x325: {  	v29 =	vmul.f32 v29, v24;
	v28 =	vsub.f32 $1.500000000e+00, v28;
	_ =	sdelay $0x1  }
0x326: {  	v47 =	vsub.f32 $1.500000000e+00, v29;
	v27 =	vmul.f32 v27, v28;
	_ =	sdelay $0x1  }
0x327: {  	v48 =	vmul.f32 v47, v24;
	v49 =	vmul.f32 v27, v26;
	_ =	sdelay $0x1  }
0x328: {  	v50 =	vmul.f32 v48, v7;
	v28 =	vmul.f32 v49, v27;
	_ =	sdelay $0x1  }
0x329: {  	v7 =	vmul.f32 v50, v48;
	v28 =	vsub.f32 $1.500000000e+00, v28;
	_ =	sdelay $0x1  }
0x32a: {  	v7 =	vsub.f32 $1.500000000e+00, v7;
	v27 =	vmul.f32 v28, v27  }
0x32b: {  	v16 =	vsub.f32 v16, v17  }
0x32c: {  	v7 =	vmul.f32 v7, v48;
	v51 =	vmul.f32 v27, v26  }
0x32d: {  	v18 =	vadd.f32 v18, v16  }
0x32e: {  	v2 =	vmul.f32 v7, v2;
	v17 =	vmul.f32 v51, v27  }
0x32f: {  	[tilespmem:s31+$0x17B20] =	vst v18;
	v1 =	vmul.f32 v7, v1  }
0x330: {  	v52 =	vld [tilespmem:s31+$0x1791E];
	v3 =	vmul.f32 v7, v3;
	[tilespmem:s30+$0x1FD48] =	vst v2;
	v2 =	vsub.f32 $1.500000000e+00, v17  }
0x331: {  	[tilespmem:s30+$0x1BD48] =	vst v1  }
0x332: {  	[tilespmem:s30+$0x1DD48] =	vst v3;
	v1 =	vmul.f32 v2, v27  }
0x333: {  	v3 =	vld [tilespmem:s31+$0x17B1F];
	v2 =	vadd.f32 v12, v15  }
0x334: {  	v53 =	vadd.f32 v19, v9;
	v54 =	vld [tilespmem:s31+$0x112B7];
	v8 =	vmul.f32 v1, v8  }
0x335: {  	v55 =	vadd.f32 v21, v25;
	v56 =	vld [tilespmem:s31+$0xF095];
	v2 =	vadd.f32 v14, v2  }
0x336: {  	v58 =	vadd.f32 v22, v20;
	v57 =	vadd.f32 v52, v16;
	[tilespmem:s30+$0x1BD58] =	vst v8  }
0x337: {  	v7 =	vadd.f32 v10, v53;
	v2 =	vadd.f32 v4, v2;
	v59 =	vld [tilespmem:s31+$0x134D9]  }
0x338: {  	v60 =	vadd.f32 v13, v11;
	v3 =	vadd.f32 v3, v57  }
0x339: {  	v62 =	vmul.f32 v7, v7;
	v12 =	vadd.f32 v23, v55;
	v61 =	vmul.f32 v2, v2  }
0x33a: {  	v3 =	vadd.f32 v54, v3;
	v8 =	vadd.f32 v56, v58  }
0x33b: {  	v16 =	vmul.f32 v12, v12;
	v63 =	vadd.f32 v62, v61  }
0x33c: {  	v18 =	vmul.f32 v3, v3;
	v17 =	vmul.f32 v8, v8;
	v4 =	vadd.f32 v59, v60  }
0x33d: {  	v9 =	vadd.f32 v16, v63  }
0x33e: {  	v10 =	vadd.f32 v18, v17;
	v19 =	vmul.f32 v4, v4  }
0x33f: {  	v9 =	vmax.f32 v9, $1.000000020e-24  }
0x340: {  	v20 =	vshrl.u32 v9, $0x1;
	v9 =	vmul.f32 $5.000000000e-01, v9;
	v10 =	vadd.f32 v19, v10  }
0x341: {  	v21 =	vsub.s32 $0x5F3759DF, v20  }
0x342: {  	v13 =	vmul.f32 v21, v9;
	v10 =	vmax.f32 v10, $1.000000020e-24  }
0x343: {  	v22 =	vshrl.u32 v10, $0x1;
	v10 =	vmul.f32 $5.000000000e-01, v10  }
0x344: {  	v13 =	vmul.f32 v21, v13;
	v14 =	vsub.s32 $0x5F3759DF, v22  }
0x345: {  	v23 =	vmul.f32 v14, v10  }
0x346: {  	v13 =	vsub.f32 $1.500000000e+00, v13  }
0x347: {  	v15 =	vmul.f32 v14, v23  }
0x348: {  	v11 =	vmul.f32 v21, v13  }
0x349: {  	v24 =	vsub.f32 $1.500000000e+00, v15  }
0x34a: {  	v25 =	vmul.f32 v11, v9  }
0x34b: {  	v13 =	vmul.f32 v14, v24  }
0x34c: {  	v26 =	vmul.f32 v25, v11  }
0x34d: {  	v27 =	vmul.f32 v13, v10  }
0x34e: {  	v14 =	vsub.f32 $1.500000000e+00, v26  }
0x34f: {  	v15 =	vmul.f32 v27, v13  }
0x350: {  	v11 =	vmul.f32 v14, v11  }
0x351: {  	v28 =	vsub.f32 $1.500000000e+00, v15  }
0x352: {  	v9 =	vmul.f32 v11, v9  }
0x353: {  	v13 =	vmul.f32 v28, v13  }
0x354: {  	v9 =	vmul.f32 v9, v11  }
0x355: {  	v10 =	vmul.f32 v13, v10  }
0x356: {  	v9 =	vsub.f32 $1.500000000e+00, v9  }
0x357: {  	v10 =	vmul.f32 v10, v13  }
0x358: {  	v5 =	vmul.f32 v1, v5;
	v9 =	vmul.f32 v9, v11  }
0x359: {  	v1 =	vmul.f32 v1, v6;
	v29 =	vsub.f32 $1.500000000e+00, v10  }
0x35a: {  	[tilespmem:s30+$0x1FD58] =	vst v5;
	v30 =	vmul.f32 v9, v12  }
0x35b: {  	[tilespmem:s30+$0x1DD58] =	vst v1;
	v1 =	vmul.f32 v9, v2;
	v2 =	vmul.f32 v29, v13  }
0x35c: {  	v31 =	vmul.f32 v9, v7;
	[tilespmem:s31+$0x1FD48] =	vst v30  }
0x35d: {  	[tilespmem:s31+$0x1BD48] =	vst v1;
	v1 =	vmul.f32 v2, v8  }
0x35e: {  	[tilespmem:s31+$0x1DD48] =	vst v31;
	v4 =	vmul.f32 v2, v4  }
0x35f: {  	[tilespmem:s31+$0x1BD58] =	vst v1;
	v1 =	vmul.f32 v2, v3  }
0x360: {  	[tilespmem:s31+$0x1FD58] =	vst v4  }
0x361: {  	[tilespmem:s31+$0x1DD58] =	vst v1  }
0x362: {  	v1 =	vld [tilespmem:$0x21E0]  }
0x363: {  	v2 =	vld [tilespmem:$0x45E0]  }
0x364: {  	v3 =	vld [tilespmem:$0x69E0]  }
0x365: {  	v4 =	vld [tilespmem:$0x45E1]  }
0x366: {  	v5 =	vld [tilespmem:$0x23E0]  }
0x367: {  	v6 =	vld [tilespmem:$0x47E0]  }
0x368: {  	v32 =	vld [tilespmem:$0x6BE0]  }
0x369: {  	v33 =	vld [tilespmem:$0x69E1]  }
0x36a: {  	v34 =	vld [tilespmem:$0x47E1]  }
0x36b: {  	v35 =	vld [tilespmem:$0x6BE1]  }
0x36c: {  	v36 =	vld [tilespmem:$0x21E1]  }
0x36d: {  	v40 =	vld [tilespmem:$0x23E1]  }
0x36e: {  	v56 =	vld [tilespmem:$0x21EF]  }
0x36f: {  	v57 =	vld [tilespmem:$0x45EF];
	v37 =	vsub.f32 v5, v1  }
0x370: {  	v58 =	vld [tilespmem:$0x69EF];
	v38 =	vsub.f32 v6, v2;
	v39 =	vsub.f32 v32, v3  }
0x371: {  	v59 =	vld [tilespmem:$0x47EF];
	v2 =	vsub.f32 v4, v2;
	v3 =	vsub.f32 v33, v3  }
0x372: {  	v60 =	vld [tilespmem:$0x6BEF];
	v6 =	vsub.f32 v6, v4;
	v7 =	vsub.f32 v32, v33  }
0x373: {  	v18 =	vld [tilespmem:$0x45F0];
	v4 =	vsub.f32 v34, v4;
	v8 =	vsub.f32 v35, v33  }
0x374: {  	v61 =	vld [tilespmem:$0x69F0];
	v41 =	vsub.f32 v36, v1;
	v5 =	vsub.f32 v5, v36  }
0x375: {  	v63 =	vld [tilespmem:$0x21F0];
	v11 =	vsub.f32 v40, v36;
	v1 =	vmul.f32 v38, v3;
	v42 =	vmul.f32 v39, v2  }
0x376: {  	v62 =	vld [tilespmem:$0x23EF];
	v25 =	vsub.f32 v59, v57;
	v43 =	vmul.f32 v8, v6;
	v44 =	vmul.f32 v4, v7  }
0x377: {  	v26 =	vsub.f32 v60, v58;
	v14 =	vmul.f32 v39, v41;
	v3 =	vmul.f32 v37, v3  }
0x378: {  	v47 =	vld [tilespmem:$0x158CC];
	v16 =	vsub.f32 v18, v57;
	v7 =	vmul.f32 v11, v7;
	v8 =	vmul.f32 v8, v5  }
0x379: {  	v49 =	vld [tilespmem:$0xF265];
	v17 =	vsub.f32 v61, v58;
	v12 =	vmul.f32 v37, v2;
	v9 =	vmul.f32 v38, v41  }
0x37a: {  	v50 =	vld [tilespmem:$0x17AEE];
	v15 =	vsub.f32 v63, v56;
	v4 =	vmul.f32 v4, v5;
	v46 =	vmul.f32 v11, v6  }
0x37b: {  	v27 =	vld [tilespmem:$0x47F0];
	v28 =	vsub.f32 v62, v56;
	v30 =	vmul.f32 v25, v17;
	v31 =	vmul.f32 v26, v16  }
0x37c: {  	v29 =	vld [tilespmem:$0x6BF0];
	v19 =	vmul.f32 v26, v15;
	v10 =	vsub.f32 v1, v42;
	v1 =	vsub.f32 v43, v44  }
0x37d: {  	v53 =	vld [tilespmem:$0x11487];
	v17 =	vmul.f32 v28, v17;
	v3 =	vsub.f32 v14, v3;
	v2 =	vsub.f32 v7, v8  }
0x37e: {  	v54 =	vld [tilespmem:$0x19D10];
	v9 =	vsub.f32 v12, v9;
	v22 =	vsub.f32 v30, v31  }
0x37f: {  	v38 =	vld [tilespmem:$0x158DC];
	v4 =	vsub.f32 v4, v46;
	v17 =	vsub.f32 v19, v17  }
0x380: {  	v14 =	vsub.f32 v27, v18;
	v42 =	vld [tilespmem:$0x17AFE];
	v45 =	vadd.f32 v1, v10;
	[tilespmem:$0x8E11] =	vst v22  }
0x381: {  	v8 =	vsub.f32 v29, v61;
	v7 =	vadd.f32 v2, v3;
	[tilespmem:$0xB033] =	vst v17;
	v35 =	vld [tilespmem:$0x8E12]  }
0x382: {  	v51 =	vadd.f32 v4, v9;
	v6 =	vadd.f32 v47, v10;
	v41 =	vld [tilespmem:$0xB034];
	[tilespmem:$0x15ACE] =	vst v45  }
0x383: {  	v10 =	vsub.f32 v59, v18;
	[tilespmem:$0x17CF0] =	vst v7;
	v7 =	vsub.f32 v60, v61;
	v48 =	vld [tilespmem:$0x15ACD]  }
0x384: {  	v16 =	vmul.f32 v28, v16;
	v13 =	vmul.f32 v25, v15;
	v52 =	vld [tilespmem:$0x17CEF]  }
0x385: {  	v32 =	vld [tilespmem:$0x23F0];
	v12 =	vsub.f32 v62, v63;
	[tilespmem:$0x19F12] =	vst v51;
	v39 =	vmul.f32 v8, v10;
	v40 =	vmul.f32 v14, v7  }
0x386: {  	v37 =	vsub.f32 v16, v13;
	v3 =	vadd.f32 v50, v3;
	v55 =	vld [tilespmem:$0x19F11]  }
0x387: {  	v9 =	vadd.f32 v54, v9;
	v45 =	vsub.f32 v39, v40  }
0x388: {  	v24 =	vld [tilespmem:$0x136A9];
	v13 =	vadd.f32 v38, v35;
	v6 =	vadd.f32 v48, v6  }
0x389: {  	v50 =	vadd.f32 v42, v41;
	v3 =	vadd.f32 v52, v3  }
0x38a: {  	v46 =	vld [tilespmem:$0x19D20];
	[tilespmem:$0xD255] =	vst v37;
	v8 =	vmul.f32 v8, v12;
	v5 =	vadd.f32 v49, v6;
	v6 =	vsub.f32 v32, v63  }
0x38b: {  	v43 =	vld [tilespmem:$0xD256];
	v12 =	vmul.f32 v14, v12;
	v9 =	vadd.f32 v55, v9;
	v3 =	vadd.f32 v53, v3  }
0x38c: {  	v48 =	vadd.f32 v45, v22;
	v33 =	vmul.f32 v5, v5;
	v7 =	vmul.f32 v6, v7  }
0x38d: {  	v9 =	vadd.f32 v24, v9;
	v34 =	vmul.f32 v3, v3;
	v6 =	vmul.f32 v6, v10  }
0x38e: {  	v47 =	vld [tilespmem:$0xF275];
	v13 =	vadd.f32 v13, v48;
	v7 =	vsub.f32 v7, v8  }
0x38f: {  	v49 =	vld [tilespmem:$0x11497];
	v36 =	vmul.f32 v9, v9;
	v15 =	vadd.f32 v34, v33;
	v6 =	vsub.f32 v12, v6  }
0x390: {  	v10 =	vadd.f32 v46, v43;
	v17 =	vadd.f32 v7, v17  }
0x391: {  	v51 =	vld [tilespmem:$0x136B9];
	v44 =	vadd.f32 v36, v15;
	v11 =	vadd.f32 v6, v37  }
0x392: {  	v19 =	vadd.f32 v50, v17  }
0x393: {  	v8 =	vadd.f32 v13, v47;
	v14 =	vmax.f32 v44, $1.000000020e-24;
	v10 =	vadd.f32 v10, v11  }
0x394: {  	v52 =	vshrl.u32 v14, $0x1;
	v14 =	vmul.f32 $5.000000000e-01, v14;
	v54 =	vadd.f32 v19, v49  }
0x395: {  	v56 =	vmul.f32 v8, v8;
	v53 =	vsub.s32 $0x5F3759DF, v52  }
0x396: {  	v10 =	vadd.f32 v10, v51;
	v55 =	vmul.f32 v53, v14;
	v57 =	vmul.f32 v54, v54;
	_ =	sdelay $0x1  }
0x397: {  	v58 =	vmul.f32 v10, v10;
	v18 =	vmul.f32 v53, v55;
	v19 =	vadd.f32 v57, v56;
	_ =	sdelay $0x1  }
0x398: {  	v18 =	vsub.f32 $1.500000000e+00, v18;
	v19 =	vadd.f32 v58, v19;
	_ =	sdelay $0x1  }
0x399: {  	v13 =	vmul.f32 v53, v18;
	v59 =	vmax.f32 v19, $1.000000020e-24  }
0x39a: {  	v19 =	vshrl.u32 v59, $0x1;
	v18 =	vmul.f32 $5.000000000e-01, v59  }
0x39b: {  	v60 =	vmul.f32 v13, v14;
	v19 =	vsub.s32 $0x5F3759DF, v19  }
0x39c: {  	v61 =	vmul.f32 v19, v18  }
0x39d: {  	v20 =	vmul.f32 v60, v13  }
0x39e: {  	v21 =	vmul.f32 v19, v61  }
0x39f: {  	v20 =	vsub.f32 $1.500000000e+00, v20  }
0x3a0: {  	v21 =	vsub.f32 $1.500000000e+00, v21  }
0x3a1: {  	v13 =	vmul.f32 v20, v13  }
0x3a2: {  	v19 =	vmul.f32 v19, v21  }
0x3a3: {  	v14 =	vmul.f32 v13, v14  }
0x3a4: {  	v62 =	vmul.f32 v19, v18  }
0x3a5: {  	v14 =	vmul.f32 v14, v13  }
0x3a6: {  	v20 =	vmul.f32 v62, v19  }
0x3a7: {  	v14 =	vsub.f32 $1.500000000e+00, v14  }
0x3a8: {  	v20 =	vsub.f32 $1.500000000e+00, v20  }
0x3a9: {  	v13 =	vmul.f32 v14, v13  }
0x3aa: {  	[tilespmem:$0xF468] =	vst v1;
	v1 =	vmul.f32 v20, v19  }
0x3ab: {  	[tilespmem:$0x1168A] =	vst v2;
	v2 =	vmul.f32 v13, v5  }
0x3ac: {  	[tilespmem:$0x138AC] =	vst v4;
	v3 =	vmul.f32 v13, v3;
	v63 =	vmul.f32 v1, v18  }
0x3ad: {  	[tilespmem:$0x1BF28] =	vst v2  }
0x3ae: {  	v2 =	vmul.f32 v13, v9;
	[tilespmem:$0x1DF28] =	vst v3;
	v3 =	vmul.f32 v63, v1  }
0x3af: {  	[tilespmem:$0xF477] =	vst v45  }
0x3b0: {  	[tilespmem:$0x1FF28] =	vst v2;
	v2 =	vsub.f32 $1.500000000e+00, v3  }
0x3b1: {  	[tilespmem:$0x15ADD] =	vst v48  }
0x3b2: {  	[tilespmem:$0x11699] =	vst v7;
	v1 =	vmul.f32 v2, v1  }
0x3b3: {  	[tilespmem:$0x138BB] =	vst v6  }
.Ltmp13:
0x3b4: {  	[tilespmem:$0x17CFF] =	vst v17;
	v2 =	vmul.f32 v1, v8;
	(pc) =	sbr.rel .LBB2_22-.Ltmp13, $4  }
0x3b5: {  	[tilespmem:$0x19F21] =	vst v11;
	v3 =	vmul.f32 v1, v54  }
0x3b6: {  	v1 =	vmul.f32 v1, v10;
	[tilespmem:$0x1BF38] =	vst v2  }
0x3b7: {  	[tilespmem:$0x1DF38] =	vst v3  }
0x3b8: {  	[tilespmem:$0x1FF38] =	vst v1  }
.LBB2_23:
0x3b9: {  	_ =	sfence.sel $0x180000  }
0x3ba: {  	[bflag:$0x0] =	sbarrier.arrive $0xFFFF  }
0x3bb: {  	_ =	strace $0x90000047  }
0x3bc: {  	s0 =	stileid.u32;
	[bflag:$0x2] =	sbarrier.arrive $0xFFFF  }
0x3bd: {  	p0 =	sne.s32 s0, $0x0;
	s0 =	rddreg [dreg:$0x2]  }
0x3be: {  	s0 =	sadd.s32 @!p0 $0x100000, s0  }
0x3bf: {  	[sflag:s0] =	ssyncadd.tile.s32 @!p0 $0x1;
	_ =	shalt  }
.Lfunc_end2:
_tile_overlayer_lowered:
.L_overlay_start_2:
0x3c0: {  	(tag) =	ssettag $0x2  }
0x3c1: {  	s0 =	rddreg [dreg:$0x0];
	s2 =	stileid.u32  }
0x3c2: {  	s1 =	rddreg [dreg:$0x1];
	p0 =	sne.s32 s2, $0x0  }
0x3c3: {  	s3 =	rddreg [dreg:$0x2];
	[bflag:$0x3] =	sbarrier.arrive $0xFFFF;
	s2 =	simm.s32 @!p0 $0x1C02  }
0x3c4: {  	[timem:s3], [sflag:s2] =	dma.local @!p0 [hbm:s0], s1  }
0x3c5: {  	s0 =	simm.s32 @!p0 $0x2  }
0x3c6: {  	_ =	swait.ge @!p0 [sflag:s0], s1  }
0x3c7: {  	s1 =	ssub.s32 @!p0 $0x0, s1;
	[sflag:s0] =	ssyncset.done @!p0 $0x0  }
0x3c8: {  	[sflag:s0] =	ssyncadd.s32 @!p0 s1  }
0x3c9: {  	[bflag:$0x3] =	sbarrier.arrive $0xFFFF  }
0x3ca: {  	_ =	shalt  }

</sc_bundles>
